<compile_context>
chip_gen: v7x
topology: tpu7x:2x2x1
jax: 0.10.2.dev20260603
libtpu: 0.0.44.dev20260713+nightly
codegen_flags: <defaults>
</compile_context>

<pallas_src>
import jax
import jax.numpy as jnp
from jax import lax
from jax.experimental import pallas as pl
from jax.experimental.pallas import tpu as pltpu
from jax.experimental.pallas import tpu_sc as plsc

_N = 8192
_BS, _C, _D, _H, _W = 2, 2, 32, 512, 512
_SZ, _SY, _SX = 7, 15, 15
_SCALE = 10000.0

_NC = 2
_NS = 16
_L = 16

_ROUND_Z = 2
_NROUNDS = _D // _ROUND_Z
_SLAB_WORDS = _C * _ROUND_Z * _H * _W
_TEC_WB = _SLAB_WORDS // _NS
_DHW = _D * _H * _W
_HW = _H * _W
_CHUNK = _N // _NS
_NBUF_ROWS = 60
_DUMP = _SLAB_WORDS
_ZERO_W = 16384
_ACC_EXTRA = 7424


def _body(lb, lc, lz, ly, lx, xo, yo, zo, it, pad, cf,
          out,
          acc,
          pad_v, lb_v, lc_v, lz_v, ly_v, lx_v,
          xo_v, yo_v, zo_v, it_v, cf_v,
          zero_v, val_a, idx_a, val_b, idx_b, sem):
    cid = lax.axis_index("c")
    sid = lax.axis_index("s")
    base_e = sid * _CHUNK

    def sload(ref, i):
        return ref[pl.ds(i, _L)][0]

    pltpu.sync_copy(pad, pad_v)
    pltpu.sync_copy(cf, cf_v)
    pltpu.sync_copy(lb.at[pl.ds(base_e, _CHUNK)], lb_v.at[pl.ds(0, _CHUNK)])
    pltpu.sync_copy(lc.at[pl.ds(base_e, _CHUNK)], lc_v.at[pl.ds(0, _CHUNK)])
    pltpu.sync_copy(lz.at[pl.ds(base_e, _CHUNK)], lz_v.at[pl.ds(0, _CHUNK)])
    pltpu.sync_copy(ly.at[pl.ds(base_e, _CHUNK)], ly_v.at[pl.ds(0, _CHUNK)])
    pltpu.sync_copy(lx.at[pl.ds(base_e, _CHUNK)], lx_v.at[pl.ds(0, _CHUNK)])
    pltpu.sync_copy(xo.at[pl.ds(base_e, _CHUNK)], xo_v.at[pl.ds(0, _CHUNK)])
    pltpu.sync_copy(yo.at[pl.ds(base_e, _CHUNK)], yo_v.at[pl.ds(0, _CHUNK)])
    pltpu.sync_copy(zo.at[pl.ds(base_e, _CHUNK)], zo_v.at[pl.ds(0, _CHUNK)])
    pltpu.sync_copy(it.at[pl.ds(base_e, _CHUNK)], it_v.at[pl.ds(0, _CHUNK)])

    ii = lax.iota(jnp.int32, _L)
    zvec = jnp.zeros((_L,), jnp.float32)

    def zb(j, _):
        zero_v[pl.ds(j * _L, _L)] = zvec
        return 0
    lax.fori_loop(0, _ZERO_W // _L, zb, 0)

    dump_idx = _DUMP + ii

    def round_body(r, _):
        z0 = r * _ROUND_Z

        def zr(j, _):
            pltpu.sync_copy(
                zero_v, acc.at[pl.ds(sid * _TEC_WB + j * _ZERO_W, _ZERO_W)])
            return 0
        lax.fori_loop(0, _TEC_WB // _ZERO_W, zr, 0)
        plsc.subcore_barrier()

        def emitter_body(i, carry):
            elz = sload(lz_v, i)
            elb = sload(lb_v, i)
            zlo = jnp.maximum(z0, elz - (_SZ // 2))
            zhi = jnp.minimum(z0 + _ROUND_Z - 1, elz + (_SZ // 2))
            zub = jnp.where(elb == cid, zhi + 1, zlo)

            def z_body(zz, carry):
                rowcnt, fcnt = carry
                elc = sload(lc_v, i)
                ely = sload(ly_v, i)
                elx = sload(lx_v, i)
                dz = sload(zo_v, i) - 0.5
                dy = sload(yo_v, i) - 0.5
                dx = sload(xo_v, i) - 0.5
                fzi = jnp.where(dz < 0.0, -1, 0)
                fyi = jnp.where(dy < 0.0, -1, 0)
                fxi = jnp.where(dx < 0.0, -1, 0)
                wz1 = dz - fzi.astype(jnp.float32)
                wy1 = dy - fyi.astype(jnp.float32)
                wx1 = dx - fxi.astype(jnp.float32)
                wz0 = 1.0 - wz1
                wy0 = 1.0 - wy1
                wx0 = 1.0 - wx1
                cfv = cf_v[...]
                fac = sload(it_v, i) * _SCALE * jnp.where(elc == 0, cfv[0], cfv[1])
                wzf0 = wz0 * fac
                wzf1 = wz1 * fac

                k = zz - elz + (_SZ // 2)
                jz0 = k + 1 + fzi
                jz1 = jz0 + 1
                x0 = 1 + fxi
                x1 = x0 + 1
                sbase_z = (elc * _ROUND_Z + (zz - z0)) * _HW
                xbase = elx - (_SX // 2)
                xv = xbase + ii
                xok = (xv >= 0) & (xv < _W) & (ii < _SX)

                dylo = jnp.maximum(0, (_SY // 2) - ely)
                dyhi = jnp.minimum(_SY - 1, (_H - 1) - ely + (_SY // 2))

                bv = []
                for t in range(_SY + 1):
                    jy = t + 1 + fyi
                    xb0 = (pad_v[jz0, jy, pl.ds(x0, _L)] * wx0 +
                           pad_v[jz0, jy, pl.ds(x1, _L)] * wx1)
                    xb1 = (pad_v[jz1, jy, pl.ds(x0, _L)] * wx0 +
                           pad_v[jz1, jy, pl.ds(x1, _L)] * wx1)
                    bv.append(xb0 * wzf0 + xb1 * wzf1)

                y0 = ely - (_SY // 2)
                idx0 = jnp.where(xok, sbase_z + y0 * _W + xv, dump_idx)
                p = fcnt & 1
                base_pos = rowcnt * _L
                rows = []
                for t in range(_SY):
                    row = bv[t] * wy0 + bv[t + 1] * wy1
                    yok = (t >= dylo) & (t <= dyhi)
                    ridx = jnp.where(yok, idx0 + t * _W, dump_idx)
                    rows.append((row, ridx))

                def stage(val_r, idx_r):
                    for t, (row, ridx) in enumerate(rows):
                        val_r[pl.ds(base_pos + t * _L, _L)] = row
                        idx_r[pl.ds(base_pos + t * _L, _L)] = ridx

                @pl.when(p == 0)
                def _():
                    stage(val_a, idx_a)

                @pl.when(p == 1)
                def _():
                    stage(val_b, idx_b)

                rowcnt = rowcnt + _SY
                full = rowcnt == _NBUF_ROWS

                @pl.when(full & (p == 0))
                def _():
                    pltpu.async_copy(val_a, acc.at[idx_a], sem.at[0],
                                     add=True)

                    @pl.when(fcnt >= 1)
                    def _():
                        pltpu.make_async_copy(val_b, acc.at[idx_b],
                                              sem.at[1]).wait()

                @pl.when(full & (p == 1))
                def _():
                    pltpu.async_copy(val_b, acc.at[idx_b], sem.at[1],
                                     add=True)
                    pltpu.make_async_copy(val_a, acc.at[idx_a],
                                          sem.at[0]).wait()
                return (jnp.where(full, 0, rowcnt),
                        jnp.where(full, fcnt + 1, fcnt))

            return lax.fori_loop(zlo, zub, z_body, carry)

        rowcnt, fcnt = lax.fori_loop(0, _CHUNK, emitter_body, (0, 0))

        pf = fcnt & 1

        @pl.when(pf == 0)
        def _():
            def pad_body(j, _):
                pos = j * _L
                val_a[pl.ds(pos, _L)] = zvec
                idx_a[pl.ds(pos, _L)] = dump_idx
                return 0
            lax.fori_loop(rowcnt, _NBUF_ROWS, pad_body, 0)
            pltpu.sync_copy(val_a, acc.at[idx_a], add=True)

            @pl.when(fcnt >= 1)
            def _():
                pltpu.make_async_copy(val_b, acc.at[idx_b], sem.at[1]).wait()

        @pl.when(pf == 1)
        def _():
            def pad_body(j, _):
                pos = j * _L
                val_b[pl.ds(pos, _L)] = zvec
                idx_b[pl.ds(pos, _L)] = dump_idx
                return 0
            lax.fori_loop(rowcnt, _NBUF_ROWS, pad_body, 0)
            pltpu.sync_copy(val_b, acc.at[idx_b], add=True)
            pltpu.make_async_copy(val_a, acc.at[idx_a], sem.at[0]).wait()

        plsc.subcore_barrier()

        bcl = sid // 8
        zof = (sid // 4) % 2
        yq = sid % 4
        hbm_off = ((2 * cid + bcl) * _DHW + (z0 + zof) * _HW
                   + yq * (_H // 4) * _W)
        pltpu.sync_copy(acc.at[pl.ds(sid * _TEC_WB, _TEC_WB)],
                        out.at[pl.ds(hbm_off, _TEC_WB)])
        return 0

    lax.fori_loop(0, _NROUNDS, round_body, 0)


@jax.jit
def _sc_place(lb, lc, lz, ly, lx, xo, yo, zo, it, pad, cf):
    mesh = plsc.VectorSubcoreMesh(core_axis_name="c", subcore_axis_name="s",
                                  num_cores=_NC, num_subcores=_NS)
    f = pl.kernel(
        _body,
        out_type=jax.ShapeDtypeStruct((_BS * _C * _D * _H * _W,), jnp.float32),
        mesh=mesh,
        scratch_types=[
            pltpu.VMEM_SHARED((_SLAB_WORDS + _ACC_EXTRA,), jnp.float32),
            pltpu.VMEM((_SZ + 2, _SY + 2, 24), jnp.float32),
            pltpu.VMEM((_CHUNK + _L,), jnp.int32),
            pltpu.VMEM((_CHUNK + _L,), jnp.int32),
            pltpu.VMEM((_CHUNK + _L,), jnp.int32),
            pltpu.VMEM((_CHUNK + _L,), jnp.int32),
            pltpu.VMEM((_CHUNK + _L,), jnp.int32),
            pltpu.VMEM((_CHUNK + _L,), jnp.float32),
            pltpu.VMEM((_CHUNK + _L,), jnp.float32),
            pltpu.VMEM((_CHUNK + _L,), jnp.float32),
            pltpu.VMEM((_CHUNK + _L,), jnp.float32),
            pltpu.VMEM((_L,), jnp.float32),
            pltpu.VMEM((_ZERO_W,), jnp.float32),
            pltpu.VMEM((_NBUF_ROWS * _L,), jnp.float32),
            pltpu.VMEM((_NBUF_ROWS * _L,), jnp.int32),
            pltpu.VMEM((_NBUF_ROWS * _L,), jnp.float32),
            pltpu.VMEM((_NBUF_ROWS * _L,), jnp.int32),
            pltpu.SemaphoreType.DMA((2,)),
        ],
    )
    return f(lb, lc, lz, ly, lx, xo, yo, zo, it, pad, cf)


def kernel(loc_b, loc_c, loc_z, loc_y, loc_x, x_os, y_os, z_os, ints,
           psf_volume, channel_facs):
    psfc = jnp.maximum(psf_volume.astype(jnp.float32), 0.0)
    pad = jnp.pad(psfc, ((1, 1), (1, 1), (1, 24 - _SX - 1)))
    cf = jnp.zeros((_L,), jnp.float32).at[:_C].set(
        channel_facs.astype(jnp.float32))
    out = _sc_place(
        loc_b.astype(jnp.int32), loc_c.astype(jnp.int32),
        loc_z.astype(jnp.int32), loc_y.astype(jnp.int32),
        loc_x.astype(jnp.int32),
        x_os.astype(jnp.float32), y_os.astype(jnp.float32),
        z_os.astype(jnp.float32), ints.astype(jnp.float32),
        pad, cf)
    return out.reshape(_BS, _C, _D, _H, _W)

# --- scband reference (transcript-rebuilt; emitter-appended) ---
"""Pipeline reference for scband-microscope-8083128451457 (READ-ONLY COPY).

The authoritative reference and input builder live on the scoring server;
editing this copy changes nothing except your own understanding.
"""

import jax, jax.numpy as jnp
import numpy as np

N = 8192
BS, C, D, H, W = 2, 2, 32, 512, 512
SZ, SY, SX = 7, 15, 15
SCALE = 10000.0


def setup_inputs(seed: int = 0) -> dict:
    key = jax.random.key(seed)
    ks = jax.random.split(key, 12)
    inp = {}
    inp["loc_b"] = jax.random.randint(ks[0], (N,), 0, BS)
    inp["loc_c"] = jax.random.randint(ks[1], (N,), 0, C)
    inp["loc_z"] = jax.random.randint(ks[2], (N,), 0, D)
    inp["loc_y"] = jax.random.randint(ks[3], (N,), 0, H)
    inp["loc_x"] = jax.random.randint(ks[4], (N,), 0, W)
    inp["x_os"] = jax.random.uniform(ks[5], (N,), dtype=jnp.float32)
    inp["y_os"] = jax.random.uniform(ks[6], (N,), dtype=jnp.float32)
    inp["z_os"] = jax.random.uniform(ks[7], (N,), dtype=jnp.float32)
    inp["ints"] = jax.random.uniform(ks[8], (N,), dtype=jnp.float32)
    inp["psf_volume"] = jax.random.uniform(ks[9], (SZ, SY, SX), dtype=jnp.float32)
    inp["channel_facs"] = jnp.ones((C,), dtype=jnp.float32)
    return inp


def _shift_psf(psf_volume, x_os, y_os, z_os):
    # step 2/3: continuous sub-voxel shift of the (clamped) PSF via trilinear interpolation
    pad = jnp.pad(jnp.maximum(psf_volume, 0.0), 1)
    dz = z_os - 0.5
    dy = y_os - 0.5
    dx = x_os - 0.5
    fz = jnp.floor(dz); wz = dz - fz
    fy = jnp.floor(dy); wy = dy - fy
    fx = jnp.floor(dx); wx = dx - fx
    iz0 = (jnp.arange(SZ)[None, :] + 1 + fz[:, None]).astype(jnp.int32)
    iy0 = (jnp.arange(SY)[None, :] + 1 + fy[:, None]).astype(jnp.int32)
    ix0 = (jnp.arange(SX)[None, :] + 1 + fx[:, None]).astype(jnp.int32)
    out = jnp.zeros((x_os.shape[0], SZ, SY, SX), dtype=psf_volume.dtype)
    for a in (0, 1):
        for b in (0, 1):
            for c in (0, 1):
                wzc = (wz if a else 1.0 - wz)[:, None, None, None]
                wyc = (wy if b else 1.0 - wy)[:, None, None, None]
                wxc = (wx if c else 1.0 - wx)[:, None, None, None]
                g = pad[(iz0 + a)[:, :, None, None], (iy0 + b)[:, None, :, None], (ix0 + c)[:, None, None, :]]
                out = out + wzc * wyc * wxc * g
    return out


def reference(loc_b, loc_c, loc_z, loc_y, loc_x, x_os, y_os, z_os, ints, psf_volume, channel_facs):
    # 1-4: select/shift/clamp PSF; 5: scale by intensities
    psf_n = jnp.maximum(_shift_psf(psf_volume, x_os, y_os, z_os), 0.0) * ints[:, None, None, None]
    # 6: place_psf -> scatter-add PSF stamps centered at voxel locations
    zz = loc_z[:, None, None, None] - SZ // 2 + jnp.arange(SZ)[None, :, None, None]
    yy = loc_y[:, None, None, None] - SY // 2 + jnp.arange(SY)[None, None, :, None]
    xx = loc_x[:, None, None, None] - SX // 2 + jnp.arange(SX)[None, None, None, :]
    mask = (zz >= 0) & (zz < D) & (yy >= 0) & (yy < H) & (xx >= 0) & (xx < W)
    zzc = jnp.clip(zz, 0, D - 1)
    yyc = jnp.clip(yy, 0, H - 1)
    xxc = jnp.clip(xx, 0, W - 1)
    base = (loc_b * C + loc_c)[:, None, None, None]
    flat = ((base * D + zzc) * H + yyc) * W + xxc
    vals = jnp.where(mask, psf_n, 0.0)
    placed = jnp.zeros((BS * C * D * H * W,), dtype=psf_n.dtype).at[flat.reshape(-1)].add(vals.reshape(-1))
    placed = placed.reshape(BS, C, D, H, W)
    # 7: multiply by scale and per-channel factors (get_ch_mult with ch_scale = 1.0)
    xsim = placed * SCALE * channel_facs[None, :, None, None, None]
    return xsim

if __name__ == "__main__":
    import jax
    _d = setup_inputs()
    print(jax.jit(kernel)(*tuple(_d.values())))

</pallas_src>

<mosaic_0001>
#map = affine_map<(d0, d1) -> (0)>
#map1 = affine_map<(d0, d1) -> (0, 0, 0)>
module attributes {stable_mosaic.version = 14 : i64} {
  func.func @_body(%arg0: i32, %arg1: i32, %arg2: memref<8192xi32, #tpu.memory_space<hbm>>, %arg3: memref<8192xi32, #tpu.memory_space<hbm>>, %arg4: memref<8192xi32, #tpu.memory_space<hbm>>, %arg5: memref<8192xi32, #tpu.memory_space<hbm>>, %arg6: memref<8192xi32, #tpu.memory_space<hbm>>, %arg7: memref<8192xf32, #tpu.memory_space<hbm>>, %arg8: memref<8192xf32, #tpu.memory_space<hbm>>, %arg9: memref<8192xf32, #tpu.memory_space<hbm>>, %arg10: memref<8192xf32, #tpu.memory_space<hbm>>, %arg11: memref<9x17x24xf32, #tpu.memory_space<hbm>>, %arg12: memref<16xf32, #tpu.memory_space<hbm>>, %arg13: memref<33554432xf32, #tpu.memory_space<hbm>>, %arg14: memref<1056000xf32, #tpu.memory_space<vmem_shared>>, %arg15: memref<9x17x24xf32, #tpu.memory_space<vmem>>, %arg16: memref<528xi32, #tpu.memory_space<vmem>>, %arg17: memref<528xi32, #tpu.memory_space<vmem>>, %arg18: memref<528xi32, #tpu.memory_space<vmem>>, %arg19: memref<528xi32, #tpu.memory_space<vmem>>, %arg20: memref<528xi32, #tpu.memory_space<vmem>>, %arg21: memref<528xf32, #tpu.memory_space<vmem>>, %arg22: memref<528xf32, #tpu.memory_space<vmem>>, %arg23: memref<528xf32, #tpu.memory_space<vmem>>, %arg24: memref<528xf32, #tpu.memory_space<vmem>>, %arg25: memref<16xf32, #tpu.memory_space<vmem>>, %arg26: memref<16384xf32, #tpu.memory_space<vmem>>, %arg27: memref<960xf32, #tpu.memory_space<vmem>>, %arg28: memref<960xi32, #tpu.memory_space<vmem>>, %arg29: memref<960xf32, #tpu.memory_space<vmem>>, %arg30: memref<960xi32, #tpu.memory_space<vmem>>, %arg31: memref<2x!tpu.dma_semaphore, #tpu.memory_space<semaphore_mem>>) attributes {dimension_semantics = [#tpu.dimension_semantics<core_parallel>, #tpu.dimension_semantics<subcore_parallel>], iteration_bounds = array<i64: 2, 16>, scalar_prefetch = 0 : i64, scratch_operands = 18 : i64, tpu.core_type = #tpu.core_type<sc_vector_subcore>, window_params = [{transform_indices = #map}, {transform_indices = #map}, {transform_indices = #map}, {transform_indices = #map}, {transform_indices = #map}, {transform_indices = #map}, {transform_indices = #map}, {transform_indices = #map}, {transform_indices = #map}, {transform_indices = #map1}, {transform_indices = #map}, {transform_indices = #map}]} {
    %mul3A = arith.constant 512 : i32
    %mul3A_0 = arith.muli %arg1, %mul3A : i32
    "tpu.region"() ({
      %run_scoped3A = tpu.sem_alloc : memref<!tpu.dma_semaphore, #tpu.memory_space<semaphore_mem>>
      tpu.enqueue_dma source(%arg11 : memref<9x17x24xf32, #tpu.memory_space<hbm>>) target(%arg15 : memref<9x17x24xf32, #tpu.memory_space<vmem>>) target_semaphore(%run_scoped3A : memref<!tpu.dma_semaphore, #tpu.memory_space<semaphore_mem>>)
      tpu.wait_dma2 semaphore(%run_scoped3A : memref<!tpu.dma_semaphore, #tpu.memory_space<semaphore_mem>>) src(%arg11 : memref<9x17x24xf32, #tpu.memory_space<hbm>>) dst(%arg15 : memref<9x17x24xf32, #tpu.memory_space<vmem>>)
      tpu.yield
    }) : () -> ()
    "tpu.region"() ({
      %run_scoped3A = tpu.sem_alloc : memref<!tpu.dma_semaphore, #tpu.memory_space<semaphore_mem>>
      tpu.enqueue_dma source(%arg12 : memref<16xf32, #tpu.memory_space<hbm>>) target(%arg25 : memref<16xf32, #tpu.memory_space<vmem>>) target_semaphore(%run_scoped3A : memref<!tpu.dma_semaphore, #tpu.memory_space<semaphore_mem>>)
      tpu.wait_dma2 semaphore(%run_scoped3A : memref<!tpu.dma_semaphore, #tpu.memory_space<semaphore_mem>>) src(%arg12 : memref<16xf32, #tpu.memory_space<hbm>>) dst(%arg25 : memref<16xf32, #tpu.memory_space<vmem>>)
      tpu.yield
    }) : () -> ()
    "tpu.region"() ({
      %run_scoped3A = tpu.sem_alloc : memref<!tpu.dma_semaphore, #tpu.memory_space<semaphore_mem>>
      %dma_start3A = arith.constant 0 : i32
      %dma_start3A_17 = tpu.memref_slice %arg16[%dma_start3A] : memref<528xi32, #tpu.memory_space<vmem>> -> memref<512xi32, #tpu.memory_space<vmem>>
      %dma_start3A_18 = tpu.memref_slice %arg2[%mul3A_0] : memref<8192xi32, #tpu.memory_space<hbm>> -> memref<512xi32, #tpu.memory_space<hbm>>
      %dma_start3A_19 = arith.constant 0 : i32
      %dma_start3A_20 = tpu.memref_slice %arg16[%dma_start3A_19] : memref<528xi32, #tpu.memory_space<vmem>> -> memref<512xi32, #tpu.memory_space<vmem>>
      %dma_start3A_21 = tpu.memref_slice %arg2[%mul3A_0] : memref<8192xi32, #tpu.memory_space<hbm>> -> memref<512xi32, #tpu.memory_space<hbm>>
      tpu.enqueue_dma source(%dma_start3A_21 : memref<512xi32, #tpu.memory_space<hbm>>) target(%dma_start3A_20 : memref<512xi32, #tpu.memory_space<vmem>>) target_semaphore(%run_scoped3A : memref<!tpu.dma_semaphore, #tpu.memory_space<semaphore_mem>>)
      %dma_wait3A = arith.constant 0 : i32
      %dma_wait3A_22 = tpu.memref_slice %arg16[%dma_wait3A] : memref<528xi32, #tpu.memory_space<vmem>> -> memref<512xi32, #tpu.memory_space<vmem>>
      %dma_wait3A_23 = tpu.memref_slice %arg2[%mul3A_0] : memref<8192xi32, #tpu.memory_space<hbm>> -> memref<512xi32, #tpu.memory_space<hbm>>
      %dma_wait3A_24 = arith.constant 0 : i32
      %dma_wait3A_25 = tpu.memref_slice %arg16[%dma_wait3A_24] : memref<528xi32, #tpu.memory_space<vmem>> -> memref<512xi32, #tpu.memory_space<vmem>>
      %dma_wait3A_26 = tpu.memref_slice %arg2[%mul3A_0] : memref<8192xi32, #tpu.memory_space<hbm>> -> memref<512xi32, #tpu.memory_space<hbm>>
      tpu.wait_dma2 semaphore(%run_scoped3A : memref<!tpu.dma_semaphore, #tpu.memory_space<semaphore_mem>>) src(%dma_wait3A_26 : memref<512xi32, #tpu.memory_space<hbm>>) dst(%dma_wait3A_25 : memref<512xi32, #tpu.memory_space<vmem>>)
      tpu.yield
    }) : () -> ()
    "tpu.region"() ({
      %run_scoped3A = tpu.sem_alloc : memref<!tpu.dma_semaphore, #tpu.memory_space<semaphore_mem>>
      %dma_start3A = arith.constant 0 : i32
      %dma_start3A_17 = tpu.memref_slice %arg17[%dma_start3A] : memref<528xi32, #tpu.memory_space<vmem>> -> memref<512xi32, #tpu.memory_space<vmem>>
      %dma_start3A_18 = tpu.memref_slice %arg3[%mul3A_0] : memref<8192xi32, #tpu.memory_space<hbm>> -> memref<512xi32, #tpu.memory_space<hbm>>
      %dma_start3A_19 = arith.constant 0 : i32
      %dma_start3A_20 = tpu.memref_slice %arg17[%dma_start3A_19] : memref<528xi32, #tpu.memory_space<vmem>> -> memref<512xi32, #tpu.memory_space<vmem>>
      %dma_start3A_21 = tpu.memref_slice %arg3[%mul3A_0] : memref<8192xi32, #tpu.memory_space<hbm>> -> memref<512xi32, #tpu.memory_space<hbm>>
      tpu.enqueue_dma source(%dma_start3A_21 : memref<512xi32, #tpu.memory_space<hbm>>) target(%dma_start3A_20 : memref<512xi32, #tpu.memory_space<vmem>>) target_semaphore(%run_scoped3A : memref<!tpu.dma_semaphore, #tpu.memory_space<semaphore_mem>>)
      %dma_wait3A = arith.constant 0 : i32
      %dma_wait3A_22 = tpu.memref_slice %arg17[%dma_wait3A] : memref<528xi32, #tpu.memory_space<vmem>> -> memref<512xi32, #tpu.memory_space<vmem>>
      %dma_wait3A_23 = tpu.memref_slice %arg3[%mul3A_0] : memref<8192xi32, #tpu.memory_space<hbm>> -> memref<512xi32, #tpu.memory_space<hbm>>
      %dma_wait3A_24 = arith.constant 0 : i32
      %dma_wait3A_25 = tpu.memref_slice %arg17[%dma_wait3A_24] : memref<528xi32, #tpu.memory_space<vmem>> -> memref<512xi32, #tpu.memory_space<vmem>>
      %dma_wait3A_26 = tpu.memref_slice %arg3[%mul3A_0] : memref<8192xi32, #tpu.memory_space<hbm>> -> memref<512xi32, #tpu.memory_space<hbm>>
      tpu.wait_dma2 semaphore(%run_scoped3A : memref<!tpu.dma_semaphore, #tpu.memory_space<semaphore_mem>>) src(%dma_wait3A_26 : memref<512xi32, #tpu.memory_space<hbm>>) dst(%dma_wait3A_25 : memref<512xi32, #tpu.memory_space<vmem>>)
      tpu.yield
    }) : () -> ()
    "tpu.region"() ({
      %run_scoped3A = tpu.sem_alloc : memref<!tpu.dma_semaphore, #tpu.memory_space<semaphore_mem>>
      %dma_start3A = arith.constant 0 : i32
      %dma_start3A_17 = tpu.memref_slice %arg18[%dma_start3A] : memref<528xi32, #tpu.memory_space<vmem>> -> memref<512xi32, #tpu.memory_space<vmem>>
      %dma_start3A_18 = tpu.memref_slice %arg4[%mul3A_0] : memref<8192xi32, #tpu.memory_space<hbm>> -> memref<512xi32, #tpu.memory_space<hbm>>
      %dma_start3A_19 = arith.constant 0 : i32
      %dma_start3A_20 = tpu.memref_slice %arg18[%dma_start3A_19] : memref<528xi32, #tpu.memory_space<vmem>> -> memref<512xi32, #tpu.memory_space<vmem>>
      %dma_start3A_21 = tpu.memref_slice %arg4[%mul3A_0] : memref<8192xi32, #tpu.memory_space<hbm>> -> memref<512xi32, #tpu.memory_space<hbm>>
      tpu.enqueue_dma source(%dma_start3A_21 : memref<512xi32, #tpu.memory_space<hbm>>) target(%dma_start3A_20 : memref<512xi32, #tpu.memory_space<vmem>>) target_semaphore(%run_scoped3A : memref<!tpu.dma_semaphore, #tpu.memory_space<semaphore_mem>>)
      %dma_wait3A = arith.constant 0 : i32
      %dma_wait3A_22 = tpu.memref_slice %arg18[%dma_wait3A] : memref<528xi32, #tpu.memory_space<vmem>> -> memref<512xi32, #tpu.memory_space<vmem>>
      %dma_wait3A_23 = tpu.memref_slice %arg4[%mul3A_0] : memref<8192xi32, #tpu.memory_space<hbm>> -> memref<512xi32, #tpu.memory_space<hbm>>
      %dma_wait3A_24 = arith.constant 0 : i32
      %dma_wait3A_25 = tpu.memref_slice %arg18[%dma_wait3A_24] : memref<528xi32, #tpu.memory_space<vmem>> -> memref<512xi32, #tpu.memory_space<vmem>>
      %dma_wait3A_26 = tpu.memref_slice %arg4[%mul3A_0] : memref<8192xi32, #tpu.memory_space<hbm>> -> memref<512xi32, #tpu.memory_space<hbm>>
      tpu.wait_dma2 semaphore(%run_scoped3A : memref<!tpu.dma_semaphore, #tpu.memory_space<semaphore_mem>>) src(%dma_wait3A_26 : memref<512xi32, #tpu.memory_space<hbm>>) dst(%dma_wait3A_25 : memref<512xi32, #tpu.memory_space<vmem>>)
      tpu.yield
    }) : () -> ()
    "tpu.region"() ({
      %run_scoped3A = tpu.sem_alloc : memref<!tpu.dma_semaphore, #tpu.memory_space<semaphore_mem>>
      %dma_start3A = arith.constant 0 : i32
      %dma_start3A_17 = tpu.memref_slice %arg19[%dma_start3A] : memref<528xi32, #tpu.memory_space<vmem>> -> memref<512xi32, #tpu.memory_space<vmem>>
      %dma_start3A_18 = tpu.memref_slice %arg5[%mul3A_0] : memref<8192xi32, #tpu.memory_space<hbm>> -> memref<512xi32, #tpu.memory_space<hbm>>
      %dma_start3A_19 = arith.constant 0 : i32
      %dma_start3A_20 = tpu.memref_slice %arg19[%dma_start3A_19] : memref<528xi32, #tpu.memory_space<vmem>> -> memref<512xi32, #tpu.memory_space<vmem>>
      %dma_start3A_21 = tpu.memref_slice %arg5[%mul3A_0] : memref<8192xi32, #tpu.memory_space<hbm>> -> memref<512xi32, #tpu.memory_space<hbm>>
      tpu.enqueue_dma source(%dma_start3A_21 : memref<512xi32, #tpu.memory_space<hbm>>) target(%dma_start3A_20 : memref<512xi32, #tpu.memory_space<vmem>>) target_semaphore(%run_scoped3A : memref<!tpu.dma_semaphore, #tpu.memory_space<semaphore_mem>>)
      %dma_wait3A = arith.constant 0 : i32
      %dma_wait3A_22 = tpu.memref_slice %arg19[%dma_wait3A] : memref<528xi32, #tpu.memory_space<vmem>> -> memref<512xi32, #tpu.memory_space<vmem>>
      %dma_wait3A_23 = tpu.memref_slice %arg5[%mul3A_0] : memref<8192xi32, #tpu.memory_space<hbm>> -> memref<512xi32, #tpu.memory_space<hbm>>
      %dma_wait3A_24 = arith.constant 0 : i32
      %dma_wait3A_25 = tpu.memref_slice %arg19[%dma_wait3A_24] : memref<528xi32, #tpu.memory_space<vmem>> -> memref<512xi32, #tpu.memory_space<vmem>>
      %dma_wait3A_26 = tpu.memref_slice %arg5[%mul3A_0] : memref<8192xi32, #tpu.memory_space<hbm>> -> memref<512xi32, #tpu.memory_space<hbm>>
      tpu.wait_dma2 semaphore(%run_scoped3A : memref<!tpu.dma_semaphore, #tpu.memory_space<semaphore_mem>>) src(%dma_wait3A_26 : memref<512xi32, #tpu.memory_space<hbm>>) dst(%dma_wait3A_25 : memref<512xi32, #tpu.memory_space<vmem>>)
      tpu.yield
    }) : () -> ()
    "tpu.region"() ({
      %run_scoped3A = tpu.sem_alloc : memref<!tpu.dma_semaphore, #tpu.memory_space<semaphore_mem>>
      %dma_start3A = arith.constant 0 : i32
      %dma_start3A_17 = tpu.memref_slice %arg20[%dma_start3A] : memref<528xi32, #tpu.memory_space<vmem>> -> memref<512xi32, #tpu.memory_space<vmem>>
      %dma_start3A_18 = tpu.memref_slice %arg6[%mul3A_0] : memref<8192xi32, #tpu.memory_space<hbm>> -> memref<512xi32, #tpu.memory_space<hbm>>
      %dma_start3A_19 = arith.constant 0 : i32
      %dma_start3A_20 = tpu.memref_slice %arg20[%dma_start3A_19] : memref<528xi32, #tpu.memory_space<vmem>> -> memref<512xi32, #tpu.memory_space<vmem>>
      %dma_start3A_21 = tpu.memref_slice %arg6[%mul3A_0] : memref<8192xi32, #tpu.memory_space<hbm>> -> memref<512xi32, #tpu.memory_space<hbm>>
      tpu.enqueue_dma source(%dma_start3A_21 : memref<512xi32, #tpu.memory_space<hbm>>) target(%dma_start3A_20 : memref<512xi32, #tpu.memory_space<vmem>>) target_semaphore(%run_scoped3A : memref<!tpu.dma_semaphore, #tpu.memory_space<semaphore_mem>>)
      %dma_wait3A = arith.constant 0 : i32
      %dma_wait3A_22 = tpu.memref_slice %arg20[%dma_wait3A] : memref<528xi32, #tpu.memory_space<vmem>> -> memref<512xi32, #tpu.memory_space<vmem>>
      %dma_wait3A_23 = tpu.memref_slice %arg6[%mul3A_0] : memref<8192xi32, #tpu.memory_space<hbm>> -> memref<512xi32, #tpu.memory_space<hbm>>
      %dma_wait3A_24 = arith.constant 0 : i32
      %dma_wait3A_25 = tpu.memref_slice %arg20[%dma_wait3A_24] : memref<528xi32, #tpu.memory_space<vmem>> -> memref<512xi32, #tpu.memory_space<vmem>>
      %dma_wait3A_26 = tpu.memref_slice %arg6[%mul3A_0] : memref<8192xi32, #tpu.memory_space<hbm>> -> memref<512xi32, #tpu.memory_space<hbm>>
      tpu.wait_dma2 semaphore(%run_scoped3A : memref<!tpu.dma_semaphore, #tpu.memory_space<semaphore_mem>>) src(%dma_wait3A_26 : memref<512xi32, #tpu.memory_space<hbm>>) dst(%dma_wait3A_25 : memref<512xi32, #tpu.memory_space<vmem>>)
      tpu.yield
    }) : () -> ()
    "tpu.region"() ({
      %run_scoped3A = tpu.sem_alloc : memref<!tpu.dma_semaphore, #tpu.memory_space<semaphore_mem>>
      %dma_start3A = arith.constant 0 : i32
      %dma_start3A_17 = tpu.memref_slice %arg21[%dma_start3A] : memref<528xf32, #tpu.memory_space<vmem>> -> memref<512xf32, #tpu.memory_space<vmem>>
      %dma_start3A_18 = tpu.memref_slice %arg7[%mul3A_0] : memref<8192xf32, #tpu.memory_space<hbm>> -> memref<512xf32, #tpu.memory_space<hbm>>
      %dma_start3A_19 = arith.constant 0 : i32
      %dma_start3A_20 = tpu.memref_slice %arg21[%dma_start3A_19] : memref<528xf32, #tpu.memory_space<vmem>> -> memref<512xf32, #tpu.memory_space<vmem>>
      %dma_start3A_21 = tpu.memref_slice %arg7[%mul3A_0] : memref<8192xf32, #tpu.memory_space<hbm>> -> memref<512xf32, #tpu.memory_space<hbm>>
      tpu.enqueue_dma source(%dma_start3A_21 : memref<512xf32, #tpu.memory_space<hbm>>) target(%dma_start3A_20 : memref<512xf32, #tpu.memory_space<vmem>>) target_semaphore(%run_scoped3A : memref<!tpu.dma_semaphore, #tpu.memory_space<semaphore_mem>>)
      %dma_wait3A = arith.constant 0 : i32
      %dma_wait3A_22 = tpu.memref_slice %arg21[%dma_wait3A] : memref<528xf32, #tpu.memory_space<vmem>> -> memref<512xf32, #tpu.memory_space<vmem>>
      %dma_wait3A_23 = tpu.memref_slice %arg7[%mul3A_0] : memref<8192xf32, #tpu.memory_space<hbm>> -> memref<512xf32, #tpu.memory_space<hbm>>
      %dma_wait3A_24 = arith.constant 0 : i32
      %dma_wait3A_25 = tpu.memref_slice %arg21[%dma_wait3A_24] : memref<528xf32, #tpu.memory_space<vmem>> -> memref<512xf32, #tpu.memory_space<vmem>>
      %dma_wait3A_26 = tpu.memref_slice %arg7[%mul3A_0] : memref<8192xf32, #tpu.memory_space<hbm>> -> memref<512xf32, #tpu.memory_space<hbm>>
      tpu.wait_dma2 semaphore(%run_scoped3A : memref<!tpu.dma_semaphore, #tpu.memory_space<semaphore_mem>>) src(%dma_wait3A_26 : memref<512xf32, #tpu.memory_space<hbm>>) dst(%dma_wait3A_25 : memref<512xf32, #tpu.memory_space<vmem>>)
      tpu.yield
    }) : () -> ()
    "tpu.region"() ({
      %run_scoped3A = tpu.sem_alloc : memref<!tpu.dma_semaphore, #tpu.memory_space<semaphore_mem>>
      %dma_start3A = arith.constant 0 : i32
      %dma_start3A_17 = tpu.memref_slice %arg22[%dma_start3A] : memref<528xf32, #tpu.memory_space<vmem>> -> memref<512xf32, #tpu.memory_space<vmem>>
      %dma_start3A_18 = tpu.memref_slice %arg8[%mul3A_0] : memref<8192xf32, #tpu.memory_space<hbm>> -> memref<512xf32, #tpu.memory_space<hbm>>
      %dma_start3A_19 = arith.constant 0 : i32
      %dma_start3A_20 = tpu.memref_slice %arg22[%dma_start3A_19] : memref<528xf32, #tpu.memory_space<vmem>> -> memref<512xf32, #tpu.memory_space<vmem>>
      %dma_start3A_21 = tpu.memref_slice %arg8[%mul3A_0] : memref<8192xf32, #tpu.memory_space<hbm>> -> memref<512xf32, #tpu.memory_space<hbm>>
      tpu.enqueue_dma source(%dma_start3A_21 : memref<512xf32, #tpu.memory_space<hbm>>) target(%dma_start3A_20 : memref<512xf32, #tpu.memory_space<vmem>>) target_semaphore(%run_scoped3A : memref<!tpu.dma_semaphore, #tpu.memory_space<semaphore_mem>>)
      %dma_wait3A = arith.constant 0 : i32
      %dma_wait3A_22 = tpu.memref_slice %arg22[%dma_wait3A] : memref<528xf32, #tpu.memory_space<vmem>> -> memref<512xf32, #tpu.memory_space<vmem>>
      %dma_wait3A_23 = tpu.memref_slice %arg8[%mul3A_0] : memref<8192xf32, #tpu.memory_space<hbm>> -> memref<512xf32, #tpu.memory_space<hbm>>
      %dma_wait3A_24 = arith.constant 0 : i32
      %dma_wait3A_25 = tpu.memref_slice %arg22[%dma_wait3A_24] : memref<528xf32, #tpu.memory_space<vmem>> -> memref<512xf32, #tpu.memory_space<vmem>>
      %dma_wait3A_26 = tpu.memref_slice %arg8[%mul3A_0] : memref<8192xf32, #tpu.memory_space<hbm>> -> memref<512xf32, #tpu.memory_space<hbm>>
      tpu.wait_dma2 semaphore(%run_scoped3A : memref<!tpu.dma_semaphore, #tpu.memory_space<semaphore_mem>>) src(%dma_wait3A_26 : memref<512xf32, #tpu.memory_space<hbm>>) dst(%dma_wait3A_25 : memref<512xf32, #tpu.memory_space<vmem>>)
      tpu.yield
    }) : () -> ()
    "tpu.region"() ({
      %run_scoped3A = tpu.sem_alloc : memref<!tpu.dma_semaphore, #tpu.memory_space<semaphore_mem>>
      %dma_start3A = arith.constant 0 : i32
      %dma_start3A_17 = tpu.memref_slice %arg23[%dma_start3A] : memref<528xf32, #tpu.memory_space<vmem>> -> memref<512xf32, #tpu.memory_space<vmem>>
      %dma_start3A_18 = tpu.memref_slice %arg9[%mul3A_0] : memref<8192xf32, #tpu.memory_space<hbm>> -> memref<512xf32, #tpu.memory_space<hbm>>
      %dma_start3A_19 = arith.constant 0 : i32
      %dma_start3A_20 = tpu.memref_slice %arg23[%dma_start3A_19] : memref<528xf32, #tpu.memory_space<vmem>> -> memref<512xf32, #tpu.memory_space<vmem>>
      %dma_start3A_21 = tpu.memref_slice %arg9[%mul3A_0] : memref<8192xf32, #tpu.memory_space<hbm>> -> memref<512xf32, #tpu.memory_space<hbm>>
      tpu.enqueue_dma source(%dma_start3A_21 : memref<512xf32, #tpu.memory_space<hbm>>) target(%dma_start3A_20 : memref<512xf32, #tpu.memory_space<vmem>>) target_semaphore(%run_scoped3A : memref<!tpu.dma_semaphore, #tpu.memory_space<semaphore_mem>>)
      %dma_wait3A = arith.constant 0 : i32
      %dma_wait3A_22 = tpu.memref_slice %arg23[%dma_wait3A] : memref<528xf32, #tpu.memory_space<vmem>> -> memref<512xf32, #tpu.memory_space<vmem>>
      %dma_wait3A_23 = tpu.memref_slice %arg9[%mul3A_0] : memref<8192xf32, #tpu.memory_space<hbm>> -> memref<512xf32, #tpu.memory_space<hbm>>
      %dma_wait3A_24 = arith.constant 0 : i32
      %dma_wait3A_25 = tpu.memref_slice %arg23[%dma_wait3A_24] : memref<528xf32, #tpu.memory_space<vmem>> -> memref<512xf32, #tpu.memory_space<vmem>>
      %dma_wait3A_26 = tpu.memref_slice %arg9[%mul3A_0] : memref<8192xf32, #tpu.memory_space<hbm>> -> memref<512xf32, #tpu.memory_space<hbm>>
      tpu.wait_dma2 semaphore(%run_scoped3A : memref<!tpu.dma_semaphore, #tpu.memory_space<semaphore_mem>>) src(%dma_wait3A_26 : memref<512xf32, #tpu.memory_space<hbm>>) dst(%dma_wait3A_25 : memref<512xf32, #tpu.memory_space<vmem>>)
      tpu.yield
    }) : () -> ()
    "tpu.region"() ({
      %run_scoped3A = tpu.sem_alloc : memref<!tpu.dma_semaphore, #tpu.memory_space<semaphore_mem>>
      %dma_start3A = arith.constant 0 : i32
      %dma_start3A_17 = tpu.memref_slice %arg24[%dma_start3A] : memref<528xf32, #tpu.memory_space<vmem>> -> memref<512xf32, #tpu.memory_space<vmem>>
      %dma_start3A_18 = tpu.memref_slice %arg10[%mul3A_0] : memref<8192xf32, #tpu.memory_space<hbm>> -> memref<512xf32, #tpu.memory_space<hbm>>
      %dma_start3A_19 = arith.constant 0 : i32
      %dma_start3A_20 = tpu.memref_slice %arg24[%dma_start3A_19] : memref<528xf32, #tpu.memory_space<vmem>> -> memref<512xf32, #tpu.memory_space<vmem>>
      %dma_start3A_21 = tpu.memref_slice %arg10[%mul3A_0] : memref<8192xf32, #tpu.memory_space<hbm>> -> memref<512xf32, #tpu.memory_space<hbm>>
      tpu.enqueue_dma source(%dma_start3A_21 : memref<512xf32, #tpu.memory_space<hbm>>) target(%dma_start3A_20 : memref<512xf32, #tpu.memory_space<vmem>>) target_semaphore(%run_scoped3A : memref<!tpu.dma_semaphore, #tpu.memory_space<semaphore_mem>>)
      %dma_wait3A = arith.constant 0 : i32
      %dma_wait3A_22 = tpu.memref_slice %arg24[%dma_wait3A] : memref<528xf32, #tpu.memory_space<vmem>> -> memref<512xf32, #tpu.memory_space<vmem>>
      %dma_wait3A_23 = tpu.memref_slice %arg10[%mul3A_0] : memref<8192xf32, #tpu.memory_space<hbm>> -> memref<512xf32, #tpu.memory_space<hbm>>
      %dma_wait3A_24 = arith.constant 0 : i32
      %dma_wait3A_25 = tpu.memref_slice %arg24[%dma_wait3A_24] : memref<528xf32, #tpu.memory_space<vmem>> -> memref<512xf32, #tpu.memory_space<vmem>>
      %dma_wait3A_26 = tpu.memref_slice %arg10[%mul3A_0] : memref<8192xf32, #tpu.memory_space<hbm>> -> memref<512xf32, #tpu.memory_space<hbm>>
      tpu.wait_dma2 semaphore(%run_scoped3A : memref<!tpu.dma_semaphore, #tpu.memory_space<semaphore_mem>>) src(%dma_wait3A_26 : memref<512xf32, #tpu.memory_space<hbm>>) dst(%dma_wait3A_25 : memref<512xf32, #tpu.memory_space<vmem>>)
      tpu.yield
    }) : () -> ()
    %iota3A = tpu.iota {dimensions = array<i32: 0>} : vector<16xi32>
    %broadcast_in_dim3A = arith.constant 0.000000e+00 : f32
    %broadcast_in_dim3A_1 = vector.broadcast %broadcast_in_dim3A : f32 to vector<16xf32>
    %scan3A = arith.constant 0 : i32
    %scan3A_2 = arith.constant 0 : i32
    %scan3A_3 = arith.constant 1024 : i32
    %scan3A_4 = arith.addi %scan3A_2, %scan3A_3 : i32
    %scan3A_5 = arith.constant 1 : i32
    %scan3A_6 = scf.for %scan3A_17 = %scan3A_2 to %scan3A_4 step %scan3A_5 iter_args(%scan3A_18 = %scan3A) -> (i32)  : i32 {
      %mul3A_19 = arith.constant 16 : i32
      %mul3A_20 = arith.muli %scan3A_17, %mul3A_19 : i32
      %swap3A = arith.index_cast %mul3A_20 : i32 to index
      %swap3A_21 = tpu.vector_load %arg26[%swap3A] {strides = array<i32>} : memref<16384xf32, #tpu.memory_space<vmem>>, vector<16xf32>,
      %swap3A_22 = vector.shape_cast %swap3A_21 : vector<16xf32> to vector<16xf32>
      %swap3A_23 = vector.shape_cast %broadcast_in_dim3A_1 : vector<16xf32> to vector<16xf32>
      tpu.vector_store %arg26[%swap3A], %swap3A_23 {strides = array<i32>} : memref<16384xf32, #tpu.memory_space<vmem>>, vector<16xf32>,
      %scan3A_24 = arith.constant 0 : i32
      scf.yield %scan3A_24 : i32
    }
    %scan3A_7 = arith.constant 1024 : i32
    %add3A = arith.constant 1048576 : i32
    %add3A_8 = vector.broadcast %add3A : i32 to vector<16xi32>
    %add3A_9 = arith.addi %add3A_8, %iota3A : vector<16xi32>
    %scan3A_10 = arith.constant 0 : i32
    %scan3A_11 = arith.constant 0 : i32
    %scan3A_12 = arith.constant 16 : i32
    %scan3A_13 = arith.addi %scan3A_11, %scan3A_12 : i32
    %scan3A_14 = arith.constant 1 : i32
    %scan3A_15 = scf.for %scan3A_17 = %scan3A_11 to %scan3A_13 step %scan3A_14 iter_args(%scan3A_18 = %scan3A_10) -> (i32)  : i32 {
      %mul3A_19 = arith.constant 2 : i32
      %mul3A_20 = arith.muli %scan3A_17, %mul3A_19 : i32
      %scan3A_21 = arith.constant 0 : i32
      %scan3A_22 = arith.constant 0 : i32
      %scan3A_23 = arith.constant 4 : i32
      %scan3A_24 = arith.addi %scan3A_22, %scan3A_23 : i32
      %scan3A_25 = arith.constant 1 : i32
      %scan3A_26 = scf.for %scan3A_134 = %scan3A_22 to %scan3A_24 step %scan3A_25 iter_args(%scan3A_135 = %scan3A_21) -> (i32)  : i32 {
        %mul3A_136 = arith.constant 65536 : i32
        %mul3A_137 = arith.muli %arg1, %mul3A_136 : i32
        %mul3A_138 = arith.constant 16384 : i32
        %mul3A_139 = arith.muli %scan3A_134, %mul3A_138 : i32
        %add3A_140 = arith.addi %mul3A_137, %mul3A_139 : i32
        "tpu.region"() ({
          %run_scoped3A = tpu.sem_alloc : memref<!tpu.dma_semaphore, #tpu.memory_space<semaphore_mem>>
          %dma_start3A = tpu.memref_slice %arg14[%add3A_140] : memref<1056000xf32, #tpu.memory_space<vmem_shared>> -> memref<16384xf32, #tpu.memory_space<vmem_shared>>
          %dma_start3A_142 = tpu.memref_slice %arg14[%add3A_140] : memref<1056000xf32, #tpu.memory_space<vmem_shared>> -> memref<16384xf32, #tpu.memory_space<vmem_shared>>
          tpu.enqueue_dma source(%arg26 : memref<16384xf32, #tpu.memory_space<vmem>>) target(%dma_start3A_142 : memref<16384xf32, #tpu.memory_space<vmem_shared>>) target_semaphore(%run_scoped3A : memref<!tpu.dma_semaphore, #tpu.memory_space<semaphore_mem>>)
          %dma_wait3A = tpu.memref_slice %arg14[%add3A_140] : memref<1056000xf32, #tpu.memory_space<vmem_shared>> -> memref<16384xf32, #tpu.memory_space<vmem_shared>>
          %dma_wait3A_143 = tpu.memref_slice %arg14[%add3A_140] : memref<1056000xf32, #tpu.memory_space<vmem_shared>> -> memref<16384xf32, #tpu.memory_space<vmem_shared>>
          tpu.wait_dma2 semaphore(%run_scoped3A : memref<!tpu.dma_semaphore, #tpu.memory_space<semaphore_mem>>) src(%arg26 : memref<16384xf32, #tpu.memory_space<vmem>>) dst(%dma_wait3A_143 : memref<16384xf32, #tpu.memory_space<vmem_shared>>)
          tpu.yield
        }) : () -> ()
        %scan3A_141 = arith.constant 0 : i32
        scf.yield %scan3A_141 : i32
      }
      %scan3A_27 = arith.constant 4 : i32
      %barrier3A = arith.constant 0 : index
      tpu.barrier barrier_id(%barrier3A)
      %scan3A_28 = arith.constant 0 : i32
      %scan3A_29 = arith.constant 0 : i32
      %scan3A_30 = arith.constant 0 : i32
      %scan3A_31 = arith.constant 512 : i32
      %scan3A_32 = arith.addi %scan3A_30, %scan3A_31 : i32
      %scan3A_33 = arith.constant 1 : i32
      %scan3A_34:2 = scf.for %scan3A_134 = %scan3A_30 to %scan3A_32 step %scan3A_33 iter_args(%scan3A_135 = %scan3A_28, %scan3A_136 = %scan3A_29) -> (i32, i32)  : i32 {
        %get3A = arith.index_cast %scan3A_134 : i32 to index
        %get3A_137 = tpu.vector_load %arg18[%get3A] {strides = array<i32>} : memref<528xi32, #tpu.memory_space<vmem>>, vector<16xi32>,
        %get3A_138 = vector.shape_cast %get3A_137 : vector<16xi32> to vector<16xi32>
        %slice3A = vector.extract_strided_slice %get3A_138 {offsets = [0], sizes = [1], strides = [1]} : vector<16xi32> to vector<1xi32>
        %squeeze3A = vector.extract %slice3A[0] : i32 from vector<1xi32>
        %get3A_139 = arith.index_cast %scan3A_134 : i32 to index
        %get3A_140 = tpu.vector_load %arg16[%get3A_139] {strides = array<i32>} : memref<528xi32, #tpu.memory_space<vmem>>, vector<16xi32>,
        %get3A_141 = vector.shape_cast %get3A_140 : vector<16xi32> to vector<16xi32>
        %slice3A_142 = vector.extract_strided_slice %get3A_141 {offsets = [0], sizes = [1], strides = [1]} : vector<16xi32> to vector<1xi32>
        %squeeze3A_143 = vector.extract %slice3A_142[0] : i32 from vector<1xi32>
        %sub3A_144 = arith.constant 3 : i32
        %sub3A_145 = arith.subi %squeeze3A, %sub3A_144 : i32
        %max3A = arith.maxsi %mul3A_20, %sub3A_145 : i32
        %add3A_146 = arith.constant 2 : i32
        %add3A_147 = arith.addi %mul3A_20, %add3A_146 : i32
        %sub3A_148 = arith.constant 1 : i32
        %sub3A_149 = arith.subi %add3A_147, %sub3A_148 : i32
        %add3A_150 = arith.constant 3 : i32
        %add3A_151 = arith.addi %squeeze3A, %add3A_150 : i32
        %min3A = arith.minsi %sub3A_149, %add3A_151 : i32
        %eq3A_152 = arith.cmpi eq, %squeeze3A_143, %arg0 : i32
        %add3A_153 = arith.constant 1 : i32
        %add3A_154 = arith.addi %min3A, %add3A_153 : i32
        %select_n3A_155 = arith.select %eq3A_152, %add3A_154, %max3A : i32
        %while3A = arith.subi %select_n3A_155, %max3A : i32
        %while3A_156 = arith.addi %max3A, %while3A : i32
        %while3A_157 = arith.constant 1 : i32
        %while3A_158 = arith.divsi %while3A, %while3A_157 : i32
        %while3A_159 = arith.muli %while3A_158, %while3A_157 : i32
        %while3A_160 = arith.addi %max3A, %while3A_159 : i32
        %while3A_161 = arith.constant 1 : i32
        %while3A_162:2 = scf.for %while3A_165 = %max3A to %while3A_160 step %while3A_161 iter_args(%while3A_166 = %scan3A_135, %while3A_167 = %scan3A_136) -> (i32, i32)  : i32 {
          %get3A_168 = arith.index_cast %scan3A_134 : i32 to index
          %get3A_169 = tpu.vector_load %arg17[%get3A_168] {strides = array<i32>} : memref<528xi32, #tpu.memory_space<vmem>>, vector<16xi32>,
          %get3A_170 = vector.shape_cast %get3A_169 : vector<16xi32> to vector<16xi32>
          %slice3A_171 = vector.extract_strided_slice %get3A_170 {offsets = [0], sizes = [1], strides = [1]} : vector<16xi32> to vector<1xi32>
          %squeeze3A_172 = vector.extract %slice3A_171[0] : i32 from vector<1xi32>
          %get3A_173 = arith.index_cast %scan3A_134 : i32 to index
          %get3A_174 = tpu.vector_load %arg19[%get3A_173] {strides = array<i32>} : memref<528xi32, #tpu.memory_space<vmem>>, vector<16xi32>,
          %get3A_175 = vector.shape_cast %get3A_174 : vector<16xi32> to vector<16xi32>
          %slice3A_176 = vector.extract_strided_slice %get3A_175 {offsets = [0], sizes = [1], strides = [1]} : vector<16xi32> to vector<1xi32>
          %squeeze3A_177 = vector.extract %slice3A_176[0] : i32 from vector<1xi32>
          %get3A_178 = arith.index_cast %scan3A_134 : i32 to index
          %get3A_179 = tpu.vector_load %arg20[%get3A_178] {strides = array<i32>} : memref<528xi32, #tpu.memory_space<vmem>>, vector<16xi32>,
          %get3A_180 = vector.shape_cast %get3A_179 : vector<16xi32> to vector<16xi32>
          %slice3A_181 = vector.extract_strided_slice %get3A_180 {offsets = [0], sizes = [1], strides = [1]} : vector<16xi32> to vector<1xi32>
          %squeeze3A_182 = vector.extract %slice3A_181[0] : i32 from vector<1xi32>
          %get3A_183 = arith.index_cast %scan3A_134 : i32 to index
          %get3A_184 = tpu.vector_load %arg23[%get3A_183] {strides = array<i32>} : memref<528xf32, #tpu.memory_space<vmem>>, vector<16xf32>,
          %get3A_185 = vector.shape_cast %get3A_184 : vector<16xf32> to vector<16xf32>
          %slice3A_186 = vector.extract_strided_slice %get3A_185 {offsets = [0], sizes = [1], strides = [1]} : vector<16xf32> to vector<1xf32>
          %squeeze3A_187 = vector.extract %slice3A_186[0] : f32 from vector<1xf32>
          %sub3A_188 = arith.constant 5.000000e-01 : f32
          %sub3A_189 = arith.subf %squeeze3A_187, %sub3A_188 : f32
          %get3A_190 = arith.index_cast %scan3A_134 : i32 to index
          %get3A_191 = tpu.vector_load %arg22[%get3A_190] {strides = array<i32>} : memref<528xf32, #tpu.memory_space<vmem>>, vector<16xf32>,
          %get3A_192 = vector.shape_cast %get3A_191 : vector<16xf32> to vector<16xf32>
          %slice3A_193 = vector.extract_strided_slice %get3A_192 {offsets = [0], sizes = [1], strides = [1]} : vector<16xf32> to vector<1xf32>
          %squeeze3A_194 = vector.extract %slice3A_193[0] : f32 from vector<1xf32>
          %sub3A_195 = arith.constant 5.000000e-01 : f32
          %sub3A_196 = arith.subf %squeeze3A_194, %sub3A_195 : f32
          %get3A_197 = arith.index_cast %scan3A_134 : i32 to index
          %get3A_198 = tpu.vector_load %arg21[%get3A_197] {strides = array<i32>} : memref<528xf32, #tpu.memory_space<vmem>>, vector<16xf32>,
          %get3A_199 = vector.shape_cast %get3A_198 : vector<16xf32> to vector<16xf32>
          %slice3A_200 = vector.extract_strided_slice %get3A_199 {offsets = [0], sizes = [1], strides = [1]} : vector<16xf32> to vector<1xf32>
          %squeeze3A_201 = vector.extract %slice3A_200[0] : f32 from vector<1xf32>
          %sub3A_202 = arith.constant 5.000000e-01 : f32
          %sub3A_203 = arith.subf %squeeze3A_201, %sub3A_202 : f32
          %lt3A_204 = arith.constant 0.000000e+00 : f32
          %lt3A_205 = arith.cmpf olt, %sub3A_189, %lt3A_204 : f32
          %jit3A_206 = arith.constant -1 : i32
          %jit3A_207 = arith.constant 0 : i32
          %select_n3A_208 = arith.select %lt3A_205, %jit3A_206, %jit3A_207 : i32
          %lt3A_209 = arith.constant 0.000000e+00 : f32
          %lt3A_210 = arith.cmpf olt, %sub3A_196, %lt3A_209 : f32
          %jit3A_211 = arith.constant -1 : i32
          %jit3A_212 = arith.constant 0 : i32
          %select_n3A_213 = arith.select %lt3A_210, %jit3A_211, %jit3A_212 : i32
          %lt3A_214 = arith.constant 0.000000e+00 : f32
          %lt3A_215 = arith.cmpf olt, %sub3A_203, %lt3A_214 : f32
          %jit3A_216 = arith.constant -1 : i32
          %jit3A_217 = arith.constant 0 : i32
          %select_n3A_218 = arith.select %lt3A_215, %jit3A_216, %jit3A_217 : i32
          %convert_element_type3A_219 = arith.sitofp %select_n3A_208 : i32 to f32
          %sub3A_220 = arith.subf %sub3A_189, %convert_element_type3A_219 : f32
          %convert_element_type3A_221 = arith.sitofp %select_n3A_213 : i32 to f32
          %sub3A_222 = arith.subf %sub3A_196, %convert_element_type3A_221 : f32
          %convert_element_type3A_223 = arith.sitofp %select_n3A_218 : i32 to f32
          %sub3A_224 = arith.subf %sub3A_203, %convert_element_type3A_223 : f32
          %sub3A_225 = arith.constant 1.000000e+00 : f32
          %sub3A_226 = arith.subf %sub3A_225, %sub3A_220 : f32
          %sub3A_227 = arith.constant 1.000000e+00 : f32
          %sub3A_228 = arith.subf %sub3A_227, %sub3A_222 : f32
          %sub3A_229 = arith.constant 1.000000e+00 : f32
          %sub3A_230 = arith.subf %sub3A_229, %sub3A_224 : f32
          %get3A_231 = arith.constant 0 : index
          %get3A_232 = tpu.vector_load %arg25[%get3A_231] {strides = array<i32>} : memref<16xf32, #tpu.memory_space<vmem>>, vector<16xf32>,
          %get3A_233 = vector.shape_cast %get3A_232 : vector<16xf32> to vector<16xf32>
          %get3A_234 = arith.index_cast %scan3A_134 : i32 to index
          %get3A_235 = tpu.vector_load %arg24[%get3A_234] {strides = array<i32>} : memref<528xf32, #tpu.memory_space<vmem>>, vector<16xf32>,
          %get3A_236 = vector.shape_cast %get3A_235 : vector<16xf32> to vector<16xf32>
          %slice3A_237 = vector.extract_strided_slice %get3A_236 {offsets = [0], sizes = [1], strides = [1]} : vector<16xf32> to vector<1xf32>
          %squeeze3A_238 = vector.extract %slice3A_237[0] : f32 from vector<1xf32>
          %mul3A_239 = arith.constant 1.000000e+04 : f32
          %mul3A_240 = arith.mulf %squeeze3A_238, %mul3A_239 : f32
          %eq3A_241 = arith.constant 0 : i32
          %eq3A_242 = arith.cmpi eq, %squeeze3A_172, %eq3A_241 : i32
          %slice3A_243 = vector.extract_strided_slice %get3A_233 {offsets = [0], sizes = [1], strides = [1]} : vector<16xf32> to vector<1xf32>
          %squeeze3A_244 = vector.extract %slice3A_243[0] : f32 from vector<1xf32>
          %slice3A_245 = vector.extract_strided_slice %get3A_233 {offsets = [1], sizes = [1], strides = [1]} : vector<16xf32> to vector<1xf32>
          %squeeze3A_246 = vector.extract %slice3A_245[0] : f32 from vector<1xf32>
          %select_n3A_247 = arith.select %eq3A_242, %squeeze3A_244, %squeeze3A_246 : f32
          %mul3A_248 = arith.mulf %mul3A_240, %select_n3A_247 : f32
          %mul3A_249 = arith.mulf %sub3A_226, %mul3A_248 : f32
          %mul3A_250 = arith.mulf %sub3A_220, %mul3A_248 : f32
          %sub3A_251 = arith.subi %while3A_165, %squeeze3A : i32
          %add3A_252 = arith.constant 3 : i32
          %add3A_253 = arith.addi %sub3A_251, %add3A_252 : i32
          %add3A_254 = arith.constant 1 : i32
          %add3A_255 = arith.addi %add3A_253, %add3A_254 : i32
          %add3A_256 = arith.addi %add3A_255, %select_n3A_208 : i32
          %add3A_257 = arith.constant 1 : i32
          %add3A_258 = arith.addi %add3A_256, %add3A_257 : i32
          %add3A_259 = arith.constant 1 : i32
          %add3A_260 = arith.addi %add3A_259, %select_n3A_218 : i32
          %add3A_261 = arith.constant 1 : i32
          %add3A_262 = arith.addi %add3A_260, %add3A_261 : i32
          %mul3A_263 = arith.constant 2 : i32
          %mul3A_264 = arith.muli %squeeze3A_172, %mul3A_263 : i32
          %sub3A_265 = arith.subi %while3A_165, %mul3A_20 : i32
          %add3A_266 = arith.addi %mul3A_264, %sub3A_265 : i32
          %mul3A_267 = arith.constant 262144 : i32
          %mul3A_268 = arith.muli %add3A_266, %mul3A_267 : i32
          %sub3A_269 = arith.constant 7 : i32
          %sub3A_270 = arith.subi %squeeze3A_182, %sub3A_269 : i32
          %add3A_271 = vector.broadcast %sub3A_270 : i32 to vector<16xi32>
          %add3A_272 = arith.addi %add3A_271, %iota3A : vector<16xi32>
          %ge3A = arith.constant 0 : i32
          %ge3A_273 = vector.broadcast %ge3A : i32 to vector<16xi32>
          %ge3A_274 = arith.cmpi sge, %add3A_272, %ge3A_273 : vector<16xi32>
          %lt3A_275 = arith.constant 512 : i32
          %lt3A_276 = vector.broadcast %lt3A_275 : i32 to vector<16xi32>
          %lt3A_277 = arith.cmpi slt, %add3A_272, %lt3A_276 : vector<16xi32>
          %and3A_278 = arith.andi %ge3A_274, %lt3A_277 : vector<16xi1>
          %lt3A_279 = arith.constant 15 : i32
          %lt3A_280 = vector.broadcast %lt3A_279 : i32 to vector<16xi32>
          %lt3A_281 = arith.cmpi slt, %iota3A, %lt3A_280 : vector<16xi32>
          %and3A_282 = arith.andi %and3A_278, %lt3A_281 : vector<16xi1>
          %sub3A_283 = arith.constant 7 : i32
          %sub3A_284 = arith.subi %sub3A_283, %squeeze3A_177 : i32
          %max3A_285 = arith.constant 0 : i32
          %max3A_286 = arith.maxsi %max3A_285, %sub3A_284 : i32
          %sub3A_287 = arith.constant 511 : i32
          %sub3A_288 = arith.subi %sub3A_287, %squeeze3A_177 : i32
          %add3A_289 = arith.constant 7 : i32
          %add3A_290 = arith.addi %sub3A_288, %add3A_289 : i32
          %min3A_291 = arith.constant 14 : i32
          %min3A_292 = arith.minsi %min3A_291, %add3A_290 : i32
          %add3A_293 = arith.constant 1 : i32
          %add3A_294 = arith.addi %add3A_293, %select_n3A_213 : i32
          %get3A_295 = arith.index_cast %add3A_256 : i32 to index
          %get3A_296 = arith.index_cast %add3A_294 : i32 to index
          %get3A_297 = arith.index_cast %add3A_260 : i32 to index
          %get3A_298 = tpu.vector_load %arg15[%get3A_295, %get3A_296, %get3A_297] {strides = array<i32>} : memref<9x17x24xf32, #tpu.memory_space<vmem>>, vector<1x1x16xf32>,
          %get3A_299 = vector.shape_cast %get3A_298 : vector<1x1x16xf32> to vector<16xf32>
          %mul3A_300 = vector.broadcast %sub3A_230 : f32 to vector<16xf32>
          %mul3A_301 = arith.mulf %get3A_299, %mul3A_300 : vector<16xf32>
          %get3A_302 = arith.index_cast %add3A_256 : i32 to index
          %get3A_303 = arith.index_cast %add3A_294 : i32 to index
          %get3A_304 = arith.index_cast %add3A_262 : i32 to index
          %get3A_305 = tpu.vector_load %arg15[%get3A_302, %get3A_303, %get3A_304] {strides = array<i32>} : memref<9x17x24xf32, #tpu.memory_space<vmem>>, vector<1x1x16xf32>,
          %get3A_306 = vector.shape_cast %get3A_305 : vector<1x1x16xf32> to vector<16xf32>
          %mul3A_307 = vector.broadcast %sub3A_224 : f32 to vector<16xf32>
          %mul3A_308 = arith.mulf %get3A_306, %mul3A_307 : vector<16xf32>
          %add3A_309 = arith.addf %mul3A_301, %mul3A_308 : vector<16xf32>
          %get3A_310 = arith.index_cast %add3A_258 : i32 to index
          %get3A_311 = arith.index_cast %add3A_294 : i32 to index
          %get3A_312 = arith.index_cast %add3A_260 : i32 to index
          %get3A_313 = tpu.vector_load %arg15[%get3A_310, %get3A_311, %get3A_312] {strides = array<i32>} : memref<9x17x24xf32, #tpu.memory_space<vmem>>, vector<1x1x16xf32>,
          %get3A_314 = vector.shape_cast %get3A_313 : vector<1x1x16xf32> to vector<16xf32>
          %mul3A_315 = vector.broadcast %sub3A_230 : f32 to vector<16xf32>
          %mul3A_316 = arith.mulf %get3A_314, %mul3A_315 : vector<16xf32>
          %get3A_317 = arith.index_cast %add3A_258 : i32 to index
          %get3A_318 = arith.index_cast %add3A_294 : i32 to index
          %get3A_319 = arith.index_cast %add3A_262 : i32 to index
          %get3A_320 = tpu.vector_load %arg15[%get3A_317, %get3A_318, %get3A_319] {strides = array<i32>} : memref<9x17x24xf32, #tpu.memory_space<vmem>>, vector<1x1x16xf32>,
          %get3A_321 = vector.shape_cast %get3A_320 : vector<1x1x16xf32> to vector<16xf32>
          %mul3A_322 = vector.broadcast %sub3A_224 : f32 to vector<16xf32>
          %mul3A_323 = arith.mulf %get3A_321, %mul3A_322 : vector<16xf32>
          %add3A_324 = arith.addf %mul3A_316, %mul3A_323 : vector<16xf32>
          %mul3A_325 = vector.broadcast %mul3A_249 : f32 to vector<16xf32>
          %mul3A_326 = arith.mulf %add3A_309, %mul3A_325 : vector<16xf32>
          %mul3A_327 = vector.broadcast %mul3A_250 : f32 to vector<16xf32>
          %mul3A_328 = arith.mulf %add3A_324, %mul3A_327 : vector<16xf32>
          %add3A_329 = arith.addf %mul3A_326, %mul3A_328 : vector<16xf32>
          %add3A_330 = arith.constant 2 : i32
          %add3A_331 = arith.addi %add3A_330, %select_n3A_213 : i32
          %get3A_332 = arith.index_cast %add3A_256 : i32 to index
          %get3A_333 = arith.index_cast %add3A_331 : i32 to index
          %get3A_334 = arith.index_cast %add3A_260 : i32 to index
          %get3A_335 = tpu.vector_load %arg15[%get3A_332, %get3A_333, %get3A_334] {strides = array<i32>} : memref<9x17x24xf32, #tpu.memory_space<vmem>>, vector<1x1x16xf32>,
          %get3A_336 = vector.shape_cast %get3A_335 : vector<1x1x16xf32> to vector<16xf32>
          %mul3A_337 = vector.broadcast %sub3A_230 : f32 to vector<16xf32>
          %mul3A_338 = arith.mulf %get3A_336, %mul3A_337 : vector<16xf32>
          %get3A_339 = arith.index_cast %add3A_256 : i32 to index
          %get3A_340 = arith.index_cast %add3A_331 : i32 to index
          %get3A_341 = arith.index_cast %add3A_262 : i32 to index
          %get3A_342 = tpu.vector_load %arg15[%get3A_339, %get3A_340, %get3A_341] {strides = array<i32>} : memref<9x17x24xf32, #tpu.memory_space<vmem>>, vector<1x1x16xf32>,
          %get3A_343 = vector.shape_cast %get3A_342 : vector<1x1x16xf32> to vector<16xf32>
          %mul3A_344 = vector.broadcast %sub3A_224 : f32 to vector<16xf32>
          %mul3A_345 = arith.mulf %get3A_343, %mul3A_344 : vector<16xf32>
          %add3A_346 = arith.addf %mul3A_338, %mul3A_345 : vector<16xf32>
          %get3A_347 = arith.index_cast %add3A_258 : i32 to index
          %get3A_348 = arith.index_cast %add3A_331 : i32 to index
          %get3A_349 = arith.index_cast %add3A_260 : i32 to index
          %get3A_350 = tpu.vector_load %arg15[%get3A_347, %get3A_348, %get3A_349] {strides = array<i32>} : memref<9x17x24xf32, #tpu.memory_space<vmem>>, vector<1x1x16xf32>,
          %get3A_351 = vector.shape_cast %get3A_350 : vector<1x1x16xf32> to vector<16xf32>
          %mul3A_352 = vector.broadcast %sub3A_230 : f32 to vector<16xf32>
          %mul3A_353 = arith.mulf %get3A_351, %mul3A_352 : vector<16xf32>
          %get3A_354 = arith.index_cast %add3A_258 : i32 to index
          %get3A_355 = arith.index_cast %add3A_331 : i32 to index
          %get3A_356 = arith.index_cast %add3A_262 : i32 to index
          %get3A_357 = tpu.vector_load %arg15[%get3A_354, %get3A_355, %get3A_356] {strides = array<i32>} : memref<9x17x24xf32, #tpu.memory_space<vmem>>, vector<1x1x16xf32>,
          %get3A_358 = vector.shape_cast %get3A_357 : vector<1x1x16xf32> to vector<16xf32>
          %mul3A_359 = vector.broadcast %sub3A_224 : f32 to vector<16xf32>
          %mul3A_360 = arith.mulf %get3A_358, %mul3A_359 : vector<16xf32>
          %add3A_361 = arith.addf %mul3A_353, %mul3A_360 : vector<16xf32>
          %mul3A_362 = vector.broadcast %mul3A_249 : f32 to vector<16xf32>
          %mul3A_363 = arith.mulf %add3A_346, %mul3A_362 : vector<16xf32>
          %mul3A_364 = vector.broadcast %mul3A_250 : f32 to vector<16xf32>
          %mul3A_365 = arith.mulf %add3A_361, %mul3A_364 : vector<16xf32>
          %add3A_366 = arith.addf %mul3A_363, %mul3A_365 : vector<16xf32>
          %add3A_367 = arith.constant 3 : i32
          %add3A_368 = arith.addi %add3A_367, %select_n3A_213 : i32
          %get3A_369 = arith.index_cast %add3A_256 : i32 to index
          %get3A_370 = arith.index_cast %add3A_368 : i32 to index
          %get3A_371 = arith.index_cast %add3A_260 : i32 to index
          %get3A_372 = tpu.vector_load %arg15[%get3A_369, %get3A_370, %get3A_371] {strides = array<i32>} : memref<9x17x24xf32, #tpu.memory_space<vmem>>, vector<1x1x16xf32>,
          %get3A_373 = vector.shape_cast %get3A_372 : vector<1x1x16xf32> to vector<16xf32>
          %mul3A_374 = vector.broadcast %sub3A_230 : f32 to vector<16xf32>
          %mul3A_375 = arith.mulf %get3A_373, %mul3A_374 : vector<16xf32>
          %get3A_376 = arith.index_cast %add3A_256 : i32 to index
          %get3A_377 = arith.index_cast %add3A_368 : i32 to index
          %get3A_378 = arith.index_cast %add3A_262 : i32 to index
          %get3A_379 = tpu.vector_load %arg15[%get3A_376, %get3A_377, %get3A_378] {strides = array<i32>} : memref<9x17x24xf32, #tpu.memory_space<vmem>>, vector<1x1x16xf32>,
          %get3A_380 = vector.shape_cast %get3A_379 : vector<1x1x16xf32> to vector<16xf32>
          %mul3A_381 = vector.broadcast %sub3A_224 : f32 to vector<16xf32>
          %mul3A_382 = arith.mulf %get3A_380, %mul3A_381 : vector<16xf32>
          %add3A_383 = arith.addf %mul3A_375, %mul3A_382 : vector<16xf32>
          %get3A_384 = arith.index_cast %add3A_258 : i32 to index
          %get3A_385 = arith.index_cast %add3A_368 : i32 to index
          %get3A_386 = arith.index_cast %add3A_260 : i32 to index
          %get3A_387 = tpu.vector_load %arg15[%get3A_384, %get3A_385, %get3A_386] {strides = array<i32>} : memref<9x17x24xf32, #tpu.memory_space<vmem>>, vector<1x1x16xf32>,
          %get3A_388 = vector.shape_cast %get3A_387 : vector<1x1x16xf32> to vector<16xf32>
          %mul3A_389 = vector.broadcast %sub3A_230 : f32 to vector<16xf32>
          %mul3A_390 = arith.mulf %get3A_388, %mul3A_389 : vector<16xf32>
          %get3A_391 = arith.index_cast %add3A_258 : i32 to index
          %get3A_392 = arith.index_cast %add3A_368 : i32 to index
          %get3A_393 = arith.index_cast %add3A_262 : i32 to index
          %get3A_394 = tpu.vector_load %arg15[%get3A_391, %get3A_392, %get3A_393] {strides = array<i32>} : memref<9x17x24xf32, #tpu.memory_space<vmem>>, vector<1x1x16xf32>,
          %get3A_395 = vector.shape_cast %get3A_394 : vector<1x1x16xf32> to vector<16xf32>
          %mul3A_396 = vector.broadcast %sub3A_224 : f32 to vector<16xf32>
          %mul3A_397 = arith.mulf %get3A_395, %mul3A_396 : vector<16xf32>
          %add3A_398 = arith.addf %mul3A_390, %mul3A_397 : vector<16xf32>
          %mul3A_399 = vector.broadcast %mul3A_249 : f32 to vector<16xf32>
          %mul3A_400 = arith.mulf %add3A_383, %mul3A_399 : vector<16xf32>
          %mul3A_401 = vector.broadcast %mul3A_250 : f32 to vector<16xf32>
          %mul3A_402 = arith.mulf %add3A_398, %mul3A_401 : vector<16xf32>
          %add3A_403 = arith.addf %mul3A_400, %mul3A_402 : vector<16xf32>
          %add3A_404 = arith.constant 4 : i32
          %add3A_405 = arith.addi %add3A_404, %select_n3A_213 : i32
          %get3A_406 = arith.index_cast %add3A_256 : i32 to index
          %get3A_407 = arith.index_cast %add3A_405 : i32 to index
          %get3A_408 = arith.index_cast %add3A_260 : i32 to index
          %get3A_409 = tpu.vector_load %arg15[%get3A_406, %get3A_407, %get3A_408] {strides = array<i32>} : memref<9x17x24xf32, #tpu.memory_space<vmem>>, vector<1x1x16xf32>,
          %get3A_410 = vector.shape_cast %get3A_409 : vector<1x1x16xf32> to vector<16xf32>
          %mul3A_411 = vector.broadcast %sub3A_230 : f32 to vector<16xf32>
          %mul3A_412 = arith.mulf %get3A_410, %mul3A_411 : vector<16xf32>
          %get3A_413 = arith.index_cast %add3A_256 : i32 to index
          %get3A_414 = arith.index_cast %add3A_405 : i32 to index
          %get3A_415 = arith.index_cast %add3A_262 : i32 to index
          %get3A_416 = tpu.vector_load %arg15[%get3A_413, %get3A_414, %get3A_415] {strides = array<i32>} : memref<9x17x24xf32, #tpu.memory_space<vmem>>, vector<1x1x16xf32>,
          %get3A_417 = vector.shape_cast %get3A_416 : vector<1x1x16xf32> to vector<16xf32>
          %mul3A_418 = vector.broadcast %sub3A_224 : f32 to vector<16xf32>
          %mul3A_419 = arith.mulf %get3A_417, %mul3A_418 : vector<16xf32>
          %add3A_420 = arith.addf %mul3A_412, %mul3A_419 : vector<16xf32>
          %get3A_421 = arith.index_cast %add3A_258 : i32 to index
          %get3A_422 = arith.index_cast %add3A_405 : i32 to index
          %get3A_423 = arith.index_cast %add3A_260 : i32 to index
          %get3A_424 = tpu.vector_load %arg15[%get3A_421, %get3A_422, %get3A_423] {strides = array<i32>} : memref<9x17x24xf32, #tpu.memory_space<vmem>>, vector<1x1x16xf32>,
          %get3A_425 = vector.shape_cast %get3A_424 : vector<1x1x16xf32> to vector<16xf32>
          %mul3A_426 = vector.broadcast %sub3A_230 : f32 to vector<16xf32>
          %mul3A_427 = arith.mulf %get3A_425, %mul3A_426 : vector<16xf32>
          %get3A_428 = arith.index_cast %add3A_258 : i32 to index
          %get3A_429 = arith.index_cast %add3A_405 : i32 to index
          %get3A_430 = arith.index_cast %add3A_262 : i32 to index
          %get3A_431 = tpu.vector_load %arg15[%get3A_428, %get3A_429, %get3A_430] {strides = array<i32>} : memref<9x17x24xf32, #tpu.memory_space<vmem>>, vector<1x1x16xf32>,
          %get3A_432 = vector.shape_cast %get3A_431 : vector<1x1x16xf32> to vector<16xf32>
          %mul3A_433 = vector.broadcast %sub3A_224 : f32 to vector<16xf32>
          %mul3A_434 = arith.mulf %get3A_432, %mul3A_433 : vector<16xf32>
          %add3A_435 = arith.addf %mul3A_427, %mul3A_434 : vector<16xf32>
          %mul3A_436 = vector.broadcast %mul3A_249 : f32 to vector<16xf32>
          %mul3A_437 = arith.mulf %add3A_420, %mul3A_436 : vector<16xf32>
          %mul3A_438 = vector.broadcast %mul3A_250 : f32 to vector<16xf32>
          %mul3A_439 = arith.mulf %add3A_435, %mul3A_438 : vector<16xf32>
          %add3A_440 = arith.addf %mul3A_437, %mul3A_439 : vector<16xf32>
          %add3A_441 = arith.constant 5 : i32
          %add3A_442 = arith.addi %add3A_441, %select_n3A_213 : i32
          %get3A_443 = arith.index_cast %add3A_256 : i32 to index
          %get3A_444 = arith.index_cast %add3A_442 : i32 to index
          %get3A_445 = arith.index_cast %add3A_260 : i32 to index
          %get3A_446 = tpu.vector_load %arg15[%get3A_443, %get3A_444, %get3A_445] {strides = array<i32>} : memref<9x17x24xf32, #tpu.memory_space<vmem>>, vector<1x1x16xf32>,
          %get3A_447 = vector.shape_cast %get3A_446 : vector<1x1x16xf32> to vector<16xf32>
          %mul3A_448 = vector.broadcast %sub3A_230 : f32 to vector<16xf32>
          %mul3A_449 = arith.mulf %get3A_447, %mul3A_448 : vector<16xf32>
          %get3A_450 = arith.index_cast %add3A_256 : i32 to index
          %get3A_451 = arith.index_cast %add3A_442 : i32 to index
          %get3A_452 = arith.index_cast %add3A_262 : i32 to index
          %get3A_453 = tpu.vector_load %arg15[%get3A_450, %get3A_451, %get3A_452] {strides = array<i32>} : memref<9x17x24xf32, #tpu.memory_space<vmem>>, vector<1x1x16xf32>,
          %get3A_454 = vector.shape_cast %get3A_453 : vector<1x1x16xf32> to vector<16xf32>
          %mul3A_455 = vector.broadcast %sub3A_224 : f32 to vector<16xf32>
          %mul3A_456 = arith.mulf %get3A_454, %mul3A_455 : vector<16xf32>
          %add3A_457 = arith.addf %mul3A_449, %mul3A_456 : vector<16xf32>
          %get3A_458 = arith.index_cast %add3A_258 : i32 to index
          %get3A_459 = arith.index_cast %add3A_442 : i32 to index
          %get3A_460 = arith.index_cast %add3A_260 : i32 to index
          %get3A_461 = tpu.vector_load %arg15[%get3A_458, %get3A_459, %get3A_460] {strides = array<i32>} : memref<9x17x24xf32, #tpu.memory_space<vmem>>, vector<1x1x16xf32>,
          %get3A_462 = vector.shape_cast %get3A_461 : vector<1x1x16xf32> to vector<16xf32>
          %mul3A_463 = vector.broadcast %sub3A_230 : f32 to vector<16xf32>
          %mul3A_464 = arith.mulf %get3A_462, %mul3A_463 : vector<16xf32>
          %get3A_465 = arith.index_cast %add3A_258 : i32 to index
          %get3A_466 = arith.index_cast %add3A_442 : i32 to index
          %get3A_467 = arith.index_cast %add3A_262 : i32 to index
          %get3A_468 = tpu.vector_load %arg15[%get3A_465, %get3A_466, %get3A_467] {strides = array<i32>} : memref<9x17x24xf32, #tpu.memory_space<vmem>>, vector<1x1x16xf32>,
          %get3A_469 = vector.shape_cast %get3A_468 : vector<1x1x16xf32> to vector<16xf32>
          %mul3A_470 = vector.broadcast %sub3A_224 : f32 to vector<16xf32>
          %mul3A_471 = arith.mulf %get3A_469, %mul3A_470 : vector<16xf32>
          %add3A_472 = arith.addf %mul3A_464, %mul3A_471 : vector<16xf32>
          %mul3A_473 = vector.broadcast %mul3A_249 : f32 to vector<16xf32>
          %mul3A_474 = arith.mulf %add3A_457, %mul3A_473 : vector<16xf32>
          %mul3A_475 = vector.broadcast %mul3A_250 : f32 to vector<16xf32>
          %mul3A_476 = arith.mulf %add3A_472, %mul3A_475 : vector<16xf32>
          %add3A_477 = arith.addf %mul3A_474, %mul3A_476 : vector<16xf32>
          %add3A_478 = arith.constant 6 : i32
          %add3A_479 = arith.addi %add3A_478, %select_n3A_213 : i32
          %get3A_480 = arith.index_cast %add3A_256 : i32 to index
          %get3A_481 = arith.index_cast %add3A_479 : i32 to index
          %get3A_482 = arith.index_cast %add3A_260 : i32 to index
          %get3A_483 = tpu.vector_load %arg15[%get3A_480, %get3A_481, %get3A_482] {strides = array<i32>} : memref<9x17x24xf32, #tpu.memory_space<vmem>>, vector<1x1x16xf32>,
          %get3A_484 = vector.shape_cast %get3A_483 : vector<1x1x16xf32> to vector<16xf32>
          %mul3A_485 = vector.broadcast %sub3A_230 : f32 to vector<16xf32>
          %mul3A_486 = arith.mulf %get3A_484, %mul3A_485 : vector<16xf32>
          %get3A_487 = arith.index_cast %add3A_256 : i32 to index
          %get3A_488 = arith.index_cast %add3A_479 : i32 to index
          %get3A_489 = arith.index_cast %add3A_262 : i32 to index
          %get3A_490 = tpu.vector_load %arg15[%get3A_487, %get3A_488, %get3A_489] {strides = array<i32>} : memref<9x17x24xf32, #tpu.memory_space<vmem>>, vector<1x1x16xf32>,
          %get3A_491 = vector.shape_cast %get3A_490 : vector<1x1x16xf32> to vector<16xf32>
          %mul3A_492 = vector.broadcast %sub3A_224 : f32 to vector<16xf32>
          %mul3A_493 = arith.mulf %get3A_491, %mul3A_492 : vector<16xf32>
          %add3A_494 = arith.addf %mul3A_486, %mul3A_493 : vector<16xf32>
          %get3A_495 = arith.index_cast %add3A_258 : i32 to index
          %get3A_496 = arith.index_cast %add3A_479 : i32 to index
          %get3A_497 = arith.index_cast %add3A_260 : i32 to index
          %get3A_498 = tpu.vector_load %arg15[%get3A_495, %get3A_496, %get3A_497] {strides = array<i32>} : memref<9x17x24xf32, #tpu.memory_space<vmem>>, vector<1x1x16xf32>,
          %get3A_499 = vector.shape_cast %get3A_498 : vector<1x1x16xf32> to vector<16xf32>
          %mul3A_500 = vector.broadcast %sub3A_230 : f32 to vector<16xf32>
          %mul3A_501 = arith.mulf %get3A_499, %mul3A_500 : vector<16xf32>
          %get3A_502 = arith.index_cast %add3A_258 : i32 to index
          %get3A_503 = arith.index_cast %add3A_479 : i32 to index
          %get3A_504 = arith.index_cast %add3A_262 : i32 to index
          %get3A_505 = tpu.vector_load %arg15[%get3A_502, %get3A_503, %get3A_504] {strides = array<i32>} : memref<9x17x24xf32, #tpu.memory_space<vmem>>, vector<1x1x16xf32>,
          %get3A_506 = vector.shape_cast %get3A_505 : vector<1x1x16xf32> to vector<16xf32>
          %mul3A_507 = vector.broadcast %sub3A_224 : f32 to vector<16xf32>
          %mul3A_508 = arith.mulf %get3A_506, %mul3A_507 : vector<16xf32>
          %add3A_509 = arith.addf %mul3A_501, %mul3A_508 : vector<16xf32>
          %mul3A_510 = vector.broadcast %mul3A_249 : f32 to vector<16xf32>
          %mul3A_511 = arith.mulf %add3A_494, %mul3A_510 : vector<16xf32>
          %mul3A_512 = vector.broadcast %mul3A_250 : f32 to vector<16xf32>
          %mul3A_513 = arith.mulf %add3A_509, %mul3A_512 : vector<16xf32>
          %add3A_514 = arith.addf %mul3A_511, %mul3A_513 : vector<16xf32>
          %add3A_515 = arith.constant 7 : i32
          %add3A_516 = arith.addi %add3A_515, %select_n3A_213 : i32
          %get3A_517 = arith.index_cast %add3A_256 : i32 to index
          %get3A_518 = arith.index_cast %add3A_516 : i32 to index
          %get3A_519 = arith.index_cast %add3A_260 : i32 to index
          %get3A_520 = tpu.vector_load %arg15[%get3A_517, %get3A_518, %get3A_519] {strides = array<i32>} : memref<9x17x24xf32, #tpu.memory_space<vmem>>, vector<1x1x16xf32>,
          %get3A_521 = vector.shape_cast %get3A_520 : vector<1x1x16xf32> to vector<16xf32>
          %mul3A_522 = vector.broadcast %sub3A_230 : f32 to vector<16xf32>
          %mul3A_523 = arith.mulf %get3A_521, %mul3A_522 : vector<16xf32>
          %get3A_524 = arith.index_cast %add3A_256 : i32 to index
          %get3A_525 = arith.index_cast %add3A_516 : i32 to index
          %get3A_526 = arith.index_cast %add3A_262 : i32 to index
          %get3A_527 = tpu.vector_load %arg15[%get3A_524, %get3A_525, %get3A_526] {strides = array<i32>} : memref<9x17x24xf32, #tpu.memory_space<vmem>>, vector<1x1x16xf32>,
          %get3A_528 = vector.shape_cast %get3A_527 : vector<1x1x16xf32> to vector<16xf32>
          %mul3A_529 = vector.broadcast %sub3A_224 : f32 to vector<16xf32>
          %mul3A_530 = arith.mulf %get3A_528, %mul3A_529 : vector<16xf32>
          %add3A_531 = arith.addf %mul3A_523, %mul3A_530 : vector<16xf32>
          %get3A_532 = arith.index_cast %add3A_258 : i32 to index
          %get3A_533 = arith.index_cast %add3A_516 : i32 to index
          %get3A_534 = arith.index_cast %add3A_260 : i32 to index
          %get3A_535 = tpu.vector_load %arg15[%get3A_532, %get3A_533, %get3A_534] {strides = array<i32>} : memref<9x17x24xf32, #tpu.memory_space<vmem>>, vector<1x1x16xf32>,
          %get3A_536 = vector.shape_cast %get3A_535 : vector<1x1x16xf32> to vector<16xf32>
          %mul3A_537 = vector.broadcast %sub3A_230 : f32 to vector<16xf32>
          %mul3A_538 = arith.mulf %get3A_536, %mul3A_537 : vector<16xf32>
          %get3A_539 = arith.index_cast %add3A_258 : i32 to index
          %get3A_540 = arith.index_cast %add3A_516 : i32 to index
          %get3A_541 = arith.index_cast %add3A_262 : i32 to index
          %get3A_542 = tpu.vector_load %arg15[%get3A_539, %get3A_540, %get3A_541] {strides = array<i32>} : memref<9x17x24xf32, #tpu.memory_space<vmem>>, vector<1x1x16xf32>,
          %get3A_543 = vector.shape_cast %get3A_542 : vector<1x1x16xf32> to vector<16xf32>
          %mul3A_544 = vector.broadcast %sub3A_224 : f32 to vector<16xf32>
          %mul3A_545 = arith.mulf %get3A_543, %mul3A_544 : vector<16xf32>
          %add3A_546 = arith.addf %mul3A_538, %mul3A_545 : vector<16xf32>
          %mul3A_547 = vector.broadcast %mul3A_249 : f32 to vector<16xf32>
          %mul3A_548 = arith.mulf %add3A_531, %mul3A_547 : vector<16xf32>
          %mul3A_549 = vector.broadcast %mul3A_250 : f32 to vector<16xf32>
          %mul3A_550 = arith.mulf %add3A_546, %mul3A_549 : vector<16xf32>
          %add3A_551 = arith.addf %mul3A_548, %mul3A_550 : vector<16xf32>
          %add3A_552 = arith.constant 8 : i32
          %add3A_553 = arith.addi %add3A_552, %select_n3A_213 : i32
          %get3A_554 = arith.index_cast %add3A_256 : i32 to index
          %get3A_555 = arith.index_cast %add3A_553 : i32 to index
          %get3A_556 = arith.index_cast %add3A_260 : i32 to index
          %get3A_557 = tpu.vector_load %arg15[%get3A_554, %get3A_555, %get3A_556] {strides = array<i32>} : memref<9x17x24xf32, #tpu.memory_space<vmem>>, vector<1x1x16xf32>,
          %get3A_558 = vector.shape_cast %get3A_557 : vector<1x1x16xf32> to vector<16xf32>
          %mul3A_559 = vector.broadcast %sub3A_230 : f32 to vector<16xf32>
          %mul3A_560 = arith.mulf %get3A_558, %mul3A_559 : vector<16xf32>
          %get3A_561 = arith.index_cast %add3A_256 : i32 to index
          %get3A_562 = arith.index_cast %add3A_553 : i32 to index
          %get3A_563 = arith.index_cast %add3A_262 : i32 to index
          %get3A_564 = tpu.vector_load %arg15[%get3A_561, %get3A_562, %get3A_563] {strides = array<i32>} : memref<9x17x24xf32, #tpu.memory_space<vmem>>, vector<1x1x16xf32>,
          %get3A_565 = vector.shape_cast %get3A_564 : vector<1x1x16xf32> to vector<16xf32>
          %mul3A_566 = vector.broadcast %sub3A_224 : f32 to vector<16xf32>
          %mul3A_567 = arith.mulf %get3A_565, %mul3A_566 : vector<16xf32>
          %add3A_568 = arith.addf %mul3A_560, %mul3A_567 : vector<16xf32>
          %get3A_569 = arith.index_cast %add3A_258 : i32 to index
          %get3A_570 = arith.index_cast %add3A_553 : i32 to index
          %get3A_571 = arith.index_cast %add3A_260 : i32 to index
          %get3A_572 = tpu.vector_load %arg15[%get3A_569, %get3A_570, %get3A_571] {strides = array<i32>} : memref<9x17x24xf32, #tpu.memory_space<vmem>>, vector<1x1x16xf32>,
          %get3A_573 = vector.shape_cast %get3A_572 : vector<1x1x16xf32> to vector<16xf32>
          %mul3A_574 = vector.broadcast %sub3A_230 : f32 to vector<16xf32>
          %mul3A_575 = arith.mulf %get3A_573, %mul3A_574 : vector<16xf32>
          %get3A_576 = arith.index_cast %add3A_258 : i32 to index
          %get3A_577 = arith.index_cast %add3A_553 : i32 to index
          %get3A_578 = arith.index_cast %add3A_262 : i32 to index
          %get3A_579 = tpu.vector_load %arg15[%get3A_576, %get3A_577, %get3A_578] {strides = array<i32>} : memref<9x17x24xf32, #tpu.memory_space<vmem>>, vector<1x1x16xf32>,
          %get3A_580 = vector.shape_cast %get3A_579 : vector<1x1x16xf32> to vector<16xf32>
          %mul3A_581 = vector.broadcast %sub3A_224 : f32 to vector<16xf32>
          %mul3A_582 = arith.mulf %get3A_580, %mul3A_581 : vector<16xf32>
          %add3A_583 = arith.addf %mul3A_575, %mul3A_582 : vector<16xf32>
          %mul3A_584 = vector.broadcast %mul3A_249 : f32 to vector<16xf32>
          %mul3A_585 = arith.mulf %add3A_568, %mul3A_584 : vector<16xf32>
          %mul3A_586 = vector.broadcast %mul3A_250 : f32 to vector<16xf32>
          %mul3A_587 = arith.mulf %add3A_583, %mul3A_586 : vector<16xf32>
          %add3A_588 = arith.addf %mul3A_585, %mul3A_587 : vector<16xf32>
          %add3A_589 = arith.constant 9 : i32
          %add3A_590 = arith.addi %add3A_589, %select_n3A_213 : i32
          %get3A_591 = arith.index_cast %add3A_256 : i32 to index
          %get3A_592 = arith.index_cast %add3A_590 : i32 to index
          %get3A_593 = arith.index_cast %add3A_260 : i32 to index
          %get3A_594 = tpu.vector_load %arg15[%get3A_591, %get3A_592, %get3A_593] {strides = array<i32>} : memref<9x17x24xf32, #tpu.memory_space<vmem>>, vector<1x1x16xf32>,
          %get3A_595 = vector.shape_cast %get3A_594 : vector<1x1x16xf32> to vector<16xf32>
          %mul3A_596 = vector.broadcast %sub3A_230 : f32 to vector<16xf32>
          %mul3A_597 = arith.mulf %get3A_595, %mul3A_596 : vector<16xf32>
          %get3A_598 = arith.index_cast %add3A_256 : i32 to index
          %get3A_599 = arith.index_cast %add3A_590 : i32 to index
          %get3A_600 = arith.index_cast %add3A_262 : i32 to index
          %get3A_601 = tpu.vector_load %arg15[%get3A_598, %get3A_599, %get3A_600] {strides = array<i32>} : memref<9x17x24xf32, #tpu.memory_space<vmem>>, vector<1x1x16xf32>,
          %get3A_602 = vector.shape_cast %get3A_601 : vector<1x1x16xf32> to vector<16xf32>
          %mul3A_603 = vector.broadcast %sub3A_224 : f32 to vector<16xf32>
          %mul3A_604 = arith.mulf %get3A_602, %mul3A_603 : vector<16xf32>
          %add3A_605 = arith.addf %mul3A_597, %mul3A_604 : vector<16xf32>
          %get3A_606 = arith.index_cast %add3A_258 : i32 to index
          %get3A_607 = arith.index_cast %add3A_590 : i32 to index
          %get3A_608 = arith.index_cast %add3A_260 : i32 to index
          %get3A_609 = tpu.vector_load %arg15[%get3A_606, %get3A_607, %get3A_608] {strides = array<i32>} : memref<9x17x24xf32, #tpu.memory_space<vmem>>, vector<1x1x16xf32>,
          %get3A_610 = vector.shape_cast %get3A_609 : vector<1x1x16xf32> to vector<16xf32>
          %mul3A_611 = vector.broadcast %sub3A_230 : f32 to vector<16xf32>
          %mul3A_612 = arith.mulf %get3A_610, %mul3A_611 : vector<16xf32>
          %get3A_613 = arith.index_cast %add3A_258 : i32 to index
          %get3A_614 = arith.index_cast %add3A_590 : i32 to index
          %get3A_615 = arith.index_cast %add3A_262 : i32 to index
          %get3A_616 = tpu.vector_load %arg15[%get3A_613, %get3A_614, %get3A_615] {strides = array<i32>} : memref<9x17x24xf32, #tpu.memory_space<vmem>>, vector<1x1x16xf32>,
          %get3A_617 = vector.shape_cast %get3A_616 : vector<1x1x16xf32> to vector<16xf32>
          %mul3A_618 = vector.broadcast %sub3A_224 : f32 to vector<16xf32>
          %mul3A_619 = arith.mulf %get3A_617, %mul3A_618 : vector<16xf32>
          %add3A_620 = arith.addf %mul3A_612, %mul3A_619 : vector<16xf32>
          %mul3A_621 = vector.broadcast %mul3A_249 : f32 to vector<16xf32>
          %mul3A_622 = arith.mulf %add3A_605, %mul3A_621 : vector<16xf32>
          %mul3A_623 = vector.broadcast %mul3A_250 : f32 to vector<16xf32>
          %mul3A_624 = arith.mulf %add3A_620, %mul3A_623 : vector<16xf32>
          %add3A_625 = arith.addf %mul3A_622, %mul3A_624 : vector<16xf32>
          %add3A_626 = arith.constant 10 : i32
          %add3A_627 = arith.addi %add3A_626, %select_n3A_213 : i32
          %get3A_628 = arith.index_cast %add3A_256 : i32 to index
          %get3A_629 = arith.index_cast %add3A_627 : i32 to index
          %get3A_630 = arith.index_cast %add3A_260 : i32 to index
          %get3A_631 = tpu.vector_load %arg15[%get3A_628, %get3A_629, %get3A_630] {strides = array<i32>} : memref<9x17x24xf32, #tpu.memory_space<vmem>>, vector<1x1x16xf32>,
          %get3A_632 = vector.shape_cast %get3A_631 : vector<1x1x16xf32> to vector<16xf32>
          %mul3A_633 = vector.broadcast %sub3A_230 : f32 to vector<16xf32>
          %mul3A_634 = arith.mulf %get3A_632, %mul3A_633 : vector<16xf32>
          %get3A_635 = arith.index_cast %add3A_256 : i32 to index
          %get3A_636 = arith.index_cast %add3A_627 : i32 to index
          %get3A_637 = arith.index_cast %add3A_262 : i32 to index
          %get3A_638 = tpu.vector_load %arg15[%get3A_635, %get3A_636, %get3A_637] {strides = array<i32>} : memref<9x17x24xf32, #tpu.memory_space<vmem>>, vector<1x1x16xf32>,
          %get3A_639 = vector.shape_cast %get3A_638 : vector<1x1x16xf32> to vector<16xf32>
          %mul3A_640 = vector.broadcast %sub3A_224 : f32 to vector<16xf32>
          %mul3A_641 = arith.mulf %get3A_639, %mul3A_640 : vector<16xf32>
          %add3A_642 = arith.addf %mul3A_634, %mul3A_641 : vector<16xf32>
          %get3A_643 = arith.index_cast %add3A_258 : i32 to index
          %get3A_644 = arith.index_cast %add3A_627 : i32 to index
          %get3A_645 = arith.index_cast %add3A_260 : i32 to index
          %get3A_646 = tpu.vector_load %arg15[%get3A_643, %get3A_644, %get3A_645] {strides = array<i32>} : memref<9x17x24xf32, #tpu.memory_space<vmem>>, vector<1x1x16xf32>,
          %get3A_647 = vector.shape_cast %get3A_646 : vector<1x1x16xf32> to vector<16xf32>
          %mul3A_648 = vector.broadcast %sub3A_230 : f32 to vector<16xf32>
          %mul3A_649 = arith.mulf %get3A_647, %mul3A_648 : vector<16xf32>
          %get3A_650 = arith.index_cast %add3A_258 : i32 to index
          %get3A_651 = arith.index_cast %add3A_627 : i32 to index
          %get3A_652 = arith.index_cast %add3A_262 : i32 to index
          %get3A_653 = tpu.vector_load %arg15[%get3A_650, %get3A_651, %get3A_652] {strides = array<i32>} : memref<9x17x24xf32, #tpu.memory_space<vmem>>, vector<1x1x16xf32>,
          %get3A_654 = vector.shape_cast %get3A_653 : vector<1x1x16xf32> to vector<16xf32>
          %mul3A_655 = vector.broadcast %sub3A_224 : f32 to vector<16xf32>
          %mul3A_656 = arith.mulf %get3A_654, %mul3A_655 : vector<16xf32>
          %add3A_657 = arith.addf %mul3A_649, %mul3A_656 : vector<16xf32>
          %mul3A_658 = vector.broadcast %mul3A_249 : f32 to vector<16xf32>
          %mul3A_659 = arith.mulf %add3A_642, %mul3A_658 : vector<16xf32>
          %mul3A_660 = vector.broadcast %mul3A_250 : f32 to vector<16xf32>
          %mul3A_661 = arith.mulf %add3A_657, %mul3A_660 : vector<16xf32>
          %add3A_662 = arith.addf %mul3A_659, %mul3A_661 : vector<16xf32>
          %add3A_663 = arith.constant 11 : i32
          %add3A_664 = arith.addi %add3A_663, %select_n3A_213 : i32
          %get3A_665 = arith.index_cast %add3A_256 : i32 to index
          %get3A_666 = arith.index_cast %add3A_664 : i32 to index
          %get3A_667 = arith.index_cast %add3A_260 : i32 to index
          %get3A_668 = tpu.vector_load %arg15[%get3A_665, %get3A_666, %get3A_667] {strides = array<i32>} : memref<9x17x24xf32, #tpu.memory_space<vmem>>, vector<1x1x16xf32>,
          %get3A_669 = vector.shape_cast %get3A_668 : vector<1x1x16xf32> to vector<16xf32>
          %mul3A_670 = vector.broadcast %sub3A_230 : f32 to vector<16xf32>
          %mul3A_671 = arith.mulf %get3A_669, %mul3A_670 : vector<16xf32>
          %get3A_672 = arith.index_cast %add3A_256 : i32 to index
          %get3A_673 = arith.index_cast %add3A_664 : i32 to index
          %get3A_674 = arith.index_cast %add3A_262 : i32 to index
          %get3A_675 = tpu.vector_load %arg15[%get3A_672, %get3A_673, %get3A_674] {strides = array<i32>} : memref<9x17x24xf32, #tpu.memory_space<vmem>>, vector<1x1x16xf32>,
          %get3A_676 = vector.shape_cast %get3A_675 : vector<1x1x16xf32> to vector<16xf32>
          %mul3A_677 = vector.broadcast %sub3A_224 : f32 to vector<16xf32>
          %mul3A_678 = arith.mulf %get3A_676, %mul3A_677 : vector<16xf32>
          %add3A_679 = arith.addf %mul3A_671, %mul3A_678 : vector<16xf32>
          %get3A_680 = arith.index_cast %add3A_258 : i32 to index
          %get3A_681 = arith.index_cast %add3A_664 : i32 to index
          %get3A_682 = arith.index_cast %add3A_260 : i32 to index
          %get3A_683 = tpu.vector_load %arg15[%get3A_680, %get3A_681, %get3A_682] {strides = array<i32>} : memref<9x17x24xf32, #tpu.memory_space<vmem>>, vector<1x1x16xf32>,
          %get3A_684 = vector.shape_cast %get3A_683 : vector<1x1x16xf32> to vector<16xf32>
          %mul3A_685 = vector.broadcast %sub3A_230 : f32 to vector<16xf32>
          %mul3A_686 = arith.mulf %get3A_684, %mul3A_685 : vector<16xf32>
          %get3A_687 = arith.index_cast %add3A_258 : i32 to index
          %get3A_688 = arith.index_cast %add3A_664 : i32 to index
          %get3A_689 = arith.index_cast %add3A_262 : i32 to index
          %get3A_690 = tpu.vector_load %arg15[%get3A_687, %get3A_688, %get3A_689] {strides = array<i32>} : memref<9x17x24xf32, #tpu.memory_space<vmem>>, vector<1x1x16xf32>,
          %get3A_691 = vector.shape_cast %get3A_690 : vector<1x1x16xf32> to vector<16xf32>
          %mul3A_692 = vector.broadcast %sub3A_224 : f32 to vector<16xf32>
          %mul3A_693 = arith.mulf %get3A_691, %mul3A_692 : vector<16xf32>
          %add3A_694 = arith.addf %mul3A_686, %mul3A_693 : vector<16xf32>
          %mul3A_695 = vector.broadcast %mul3A_249 : f32 to vector<16xf32>
          %mul3A_696 = arith.mulf %add3A_679, %mul3A_695 : vector<16xf32>
          %mul3A_697 = vector.broadcast %mul3A_250 : f32 to vector<16xf32>
          %mul3A_698 = arith.mulf %add3A_694, %mul3A_697 : vector<16xf32>
          %add3A_699 = arith.addf %mul3A_696, %mul3A_698 : vector<16xf32>
          %add3A_700 = arith.constant 12 : i32
          %add3A_701 = arith.addi %add3A_700, %select_n3A_213 : i32
          %get3A_702 = arith.index_cast %add3A_256 : i32 to index
          %get3A_703 = arith.index_cast %add3A_701 : i32 to index
          %get3A_704 = arith.index_cast %add3A_260 : i32 to index
          %get3A_705 = tpu.vector_load %arg15[%get3A_702, %get3A_703, %get3A_704] {strides = array<i32>} : memref<9x17x24xf32, #tpu.memory_space<vmem>>, vector<1x1x16xf32>,
          %get3A_706 = vector.shape_cast %get3A_705 : vector<1x1x16xf32> to vector<16xf32>
          %mul3A_707 = vector.broadcast %sub3A_230 : f32 to vector<16xf32>
          %mul3A_708 = arith.mulf %get3A_706, %mul3A_707 : vector<16xf32>
          %get3A_709 = arith.index_cast %add3A_256 : i32 to index
          %get3A_710 = arith.index_cast %add3A_701 : i32 to index
          %get3A_711 = arith.index_cast %add3A_262 : i32 to index
          %get3A_712 = tpu.vector_load %arg15[%get3A_709, %get3A_710, %get3A_711] {strides = array<i32>} : memref<9x17x24xf32, #tpu.memory_space<vmem>>, vector<1x1x16xf32>,
          %get3A_713 = vector.shape_cast %get3A_712 : vector<1x1x16xf32> to vector<16xf32>
          %mul3A_714 = vector.broadcast %sub3A_224 : f32 to vector<16xf32>
          %mul3A_715 = arith.mulf %get3A_713, %mul3A_714 : vector<16xf32>
          %add3A_716 = arith.addf %mul3A_708, %mul3A_715 : vector<16xf32>
          %get3A_717 = arith.index_cast %add3A_258 : i32 to index
          %get3A_718 = arith.index_cast %add3A_701 : i32 to index
          %get3A_719 = arith.index_cast %add3A_260 : i32 to index
          %get3A_720 = tpu.vector_load %arg15[%get3A_717, %get3A_718, %get3A_719] {strides = array<i32>} : memref<9x17x24xf32, #tpu.memory_space<vmem>>, vector<1x1x16xf32>,
          %get3A_721 = vector.shape_cast %get3A_720 : vector<1x1x16xf32> to vector<16xf32>
          %mul3A_722 = vector.broadcast %sub3A_230 : f32 to vector<16xf32>
          %mul3A_723 = arith.mulf %get3A_721, %mul3A_722 : vector<16xf32>
          %get3A_724 = arith.index_cast %add3A_258 : i32 to index
          %get3A_725 = arith.index_cast %add3A_701 : i32 to index
          %get3A_726 = arith.index_cast %add3A_262 : i32 to index
          %get3A_727 = tpu.vector_load %arg15[%get3A_724, %get3A_725, %get3A_726] {strides = array<i32>} : memref<9x17x24xf32, #tpu.memory_space<vmem>>, vector<1x1x16xf32>,
          %get3A_728 = vector.shape_cast %get3A_727 : vector<1x1x16xf32> to vector<16xf32>
          %mul3A_729 = vector.broadcast %sub3A_224 : f32 to vector<16xf32>
          %mul3A_730 = arith.mulf %get3A_728, %mul3A_729 : vector<16xf32>
          %add3A_731 = arith.addf %mul3A_723, %mul3A_730 : vector<16xf32>
          %mul3A_732 = vector.broadcast %mul3A_249 : f32 to vector<16xf32>
          %mul3A_733 = arith.mulf %add3A_716, %mul3A_732 : vector<16xf32>
          %mul3A_734 = vector.broadcast %mul3A_250 : f32 to vector<16xf32>
          %mul3A_735 = arith.mulf %add3A_731, %mul3A_734 : vector<16xf32>
          %add3A_736 = arith.addf %mul3A_733, %mul3A_735 : vector<16xf32>
          %add3A_737 = arith.constant 13 : i32
          %add3A_738 = arith.addi %add3A_737, %select_n3A_213 : i32
          %get3A_739 = arith.index_cast %add3A_256 : i32 to index
          %get3A_740 = arith.index_cast %add3A_738 : i32 to index
          %get3A_741 = arith.index_cast %add3A_260 : i32 to index
          %get3A_742 = tpu.vector_load %arg15[%get3A_739, %get3A_740, %get3A_741] {strides = array<i32>} : memref<9x17x24xf32, #tpu.memory_space<vmem>>, vector<1x1x16xf32>,
          %get3A_743 = vector.shape_cast %get3A_742 : vector<1x1x16xf32> to vector<16xf32>
          %mul3A_744 = vector.broadcast %sub3A_230 : f32 to vector<16xf32>
          %mul3A_745 = arith.mulf %get3A_743, %mul3A_744 : vector<16xf32>
          %get3A_746 = arith.index_cast %add3A_256 : i32 to index
          %get3A_747 = arith.index_cast %add3A_738 : i32 to index
          %get3A_748 = arith.index_cast %add3A_262 : i32 to index
          %get3A_749 = tpu.vector_load %arg15[%get3A_746, %get3A_747, %get3A_748] {strides = array<i32>} : memref<9x17x24xf32, #tpu.memory_space<vmem>>, vector<1x1x16xf32>,
          %get3A_750 = vector.shape_cast %get3A_749 : vector<1x1x16xf32> to vector<16xf32>
          %mul3A_751 = vector.broadcast %sub3A_224 : f32 to vector<16xf32>
          %mul3A_752 = arith.mulf %get3A_750, %mul3A_751 : vector<16xf32>
          %add3A_753 = arith.addf %mul3A_745, %mul3A_752 : vector<16xf32>
          %get3A_754 = arith.index_cast %add3A_258 : i32 to index
          %get3A_755 = arith.index_cast %add3A_738 : i32 to index
          %get3A_756 = arith.index_cast %add3A_260 : i32 to index
          %get3A_757 = tpu.vector_load %arg15[%get3A_754, %get3A_755, %get3A_756] {strides = array<i32>} : memref<9x17x24xf32, #tpu.memory_space<vmem>>, vector<1x1x16xf32>,
          %get3A_758 = vector.shape_cast %get3A_757 : vector<1x1x16xf32> to vector<16xf32>
          %mul3A_759 = vector.broadcast %sub3A_230 : f32 to vector<16xf32>
          %mul3A_760 = arith.mulf %get3A_758, %mul3A_759 : vector<16xf32>
          %get3A_761 = arith.index_cast %add3A_258 : i32 to index
          %get3A_762 = arith.index_cast %add3A_738 : i32 to index
          %get3A_763 = arith.index_cast %add3A_262 : i32 to index
          %get3A_764 = tpu.vector_load %arg15[%get3A_761, %get3A_762, %get3A_763] {strides = array<i32>} : memref<9x17x24xf32, #tpu.memory_space<vmem>>, vector<1x1x16xf32>,
          %get3A_765 = vector.shape_cast %get3A_764 : vector<1x1x16xf32> to vector<16xf32>
          %mul3A_766 = vector.broadcast %sub3A_224 : f32 to vector<16xf32>
          %mul3A_767 = arith.mulf %get3A_765, %mul3A_766 : vector<16xf32>
          %add3A_768 = arith.addf %mul3A_760, %mul3A_767 : vector<16xf32>
          %mul3A_769 = vector.broadcast %mul3A_249 : f32 to vector<16xf32>
          %mul3A_770 = arith.mulf %add3A_753, %mul3A_769 : vector<16xf32>
          %mul3A_771 = vector.broadcast %mul3A_250 : f32 to vector<16xf32>
          %mul3A_772 = arith.mulf %add3A_768, %mul3A_771 : vector<16xf32>
          %add3A_773 = arith.addf %mul3A_770, %mul3A_772 : vector<16xf32>
          %add3A_774 = arith.constant 14 : i32
          %add3A_775 = arith.addi %add3A_774, %select_n3A_213 : i32
          %get3A_776 = arith.index_cast %add3A_256 : i32 to index
          %get3A_777 = arith.index_cast %add3A_775 : i32 to index
          %get3A_778 = arith.index_cast %add3A_260 : i32 to index
          %get3A_779 = tpu.vector_load %arg15[%get3A_776, %get3A_777, %get3A_778] {strides = array<i32>} : memref<9x17x24xf32, #tpu.memory_space<vmem>>, vector<1x1x16xf32>,
          %get3A_780 = vector.shape_cast %get3A_779 : vector<1x1x16xf32> to vector<16xf32>
          %mul3A_781 = vector.broadcast %sub3A_230 : f32 to vector<16xf32>
          %mul3A_782 = arith.mulf %get3A_780, %mul3A_781 : vector<16xf32>
          %get3A_783 = arith.index_cast %add3A_256 : i32 to index
          %get3A_784 = arith.index_cast %add3A_775 : i32 to index
          %get3A_785 = arith.index_cast %add3A_262 : i32 to index
          %get3A_786 = tpu.vector_load %arg15[%get3A_783, %get3A_784, %get3A_785] {strides = array<i32>} : memref<9x17x24xf32, #tpu.memory_space<vmem>>, vector<1x1x16xf32>,
          %get3A_787 = vector.shape_cast %get3A_786 : vector<1x1x16xf32> to vector<16xf32>
          %mul3A_788 = vector.broadcast %sub3A_224 : f32 to vector<16xf32>
          %mul3A_789 = arith.mulf %get3A_787, %mul3A_788 : vector<16xf32>
          %add3A_790 = arith.addf %mul3A_782, %mul3A_789 : vector<16xf32>
          %get3A_791 = arith.index_cast %add3A_258 : i32 to index
          %get3A_792 = arith.index_cast %add3A_775 : i32 to index
          %get3A_793 = arith.index_cast %add3A_260 : i32 to index
          %get3A_794 = tpu.vector_load %arg15[%get3A_791, %get3A_792, %get3A_793] {strides = array<i32>} : memref<9x17x24xf32, #tpu.memory_space<vmem>>, vector<1x1x16xf32>,
          %get3A_795 = vector.shape_cast %get3A_794 : vector<1x1x16xf32> to vector<16xf32>
          %mul3A_796 = vector.broadcast %sub3A_230 : f32 to vector<16xf32>
          %mul3A_797 = arith.mulf %get3A_795, %mul3A_796 : vector<16xf32>
          %get3A_798 = arith.index_cast %add3A_258 : i32 to index
          %get3A_799 = arith.index_cast %add3A_775 : i32 to index
          %get3A_800 = arith.index_cast %add3A_262 : i32 to index
          %get3A_801 = tpu.vector_load %arg15[%get3A_798, %get3A_799, %get3A_800] {strides = array<i32>} : memref<9x17x24xf32, #tpu.memory_space<vmem>>, vector<1x1x16xf32>,
          %get3A_802 = vector.shape_cast %get3A_801 : vector<1x1x16xf32> to vector<16xf32>
          %mul3A_803 = vector.broadcast %sub3A_224 : f32 to vector<16xf32>
          %mul3A_804 = arith.mulf %get3A_802, %mul3A_803 : vector<16xf32>
          %add3A_805 = arith.addf %mul3A_797, %mul3A_804 : vector<16xf32>
          %mul3A_806 = vector.broadcast %mul3A_249 : f32 to vector<16xf32>
          %mul3A_807 = arith.mulf %add3A_790, %mul3A_806 : vector<16xf32>
          %mul3A_808 = vector.broadcast %mul3A_250 : f32 to vector<16xf32>
          %mul3A_809 = arith.mulf %add3A_805, %mul3A_808 : vector<16xf32>
          %add3A_810 = arith.addf %mul3A_807, %mul3A_809 : vector<16xf32>
          %add3A_811 = arith.constant 15 : i32
          %add3A_812 = arith.addi %add3A_811, %select_n3A_213 : i32
          %get3A_813 = arith.index_cast %add3A_256 : i32 to index
          %get3A_814 = arith.index_cast %add3A_812 : i32 to index
          %get3A_815 = arith.index_cast %add3A_260 : i32 to index
          %get3A_816 = tpu.vector_load %arg15[%get3A_813, %get3A_814, %get3A_815] {strides = array<i32>} : memref<9x17x24xf32, #tpu.memory_space<vmem>>, vector<1x1x16xf32>,
          %get3A_817 = vector.shape_cast %get3A_816 : vector<1x1x16xf32> to vector<16xf32>
          %mul3A_818 = vector.broadcast %sub3A_230 : f32 to vector<16xf32>
          %mul3A_819 = arith.mulf %get3A_817, %mul3A_818 : vector<16xf32>
          %get3A_820 = arith.index_cast %add3A_256 : i32 to index
          %get3A_821 = arith.index_cast %add3A_812 : i32 to index
          %get3A_822 = arith.index_cast %add3A_262 : i32 to index
          %get3A_823 = tpu.vector_load %arg15[%get3A_820, %get3A_821, %get3A_822] {strides = array<i32>} : memref<9x17x24xf32, #tpu.memory_space<vmem>>, vector<1x1x16xf32>,
          %get3A_824 = vector.shape_cast %get3A_823 : vector<1x1x16xf32> to vector<16xf32>
          %mul3A_825 = vector.broadcast %sub3A_224 : f32 to vector<16xf32>
          %mul3A_826 = arith.mulf %get3A_824, %mul3A_825 : vector<16xf32>
          %add3A_827 = arith.addf %mul3A_819, %mul3A_826 : vector<16xf32>
          %get3A_828 = arith.index_cast %add3A_258 : i32 to index
          %get3A_829 = arith.index_cast %add3A_812 : i32 to index
          %get3A_830 = arith.index_cast %add3A_260 : i32 to index
          %get3A_831 = tpu.vector_load %arg15[%get3A_828, %get3A_829, %get3A_830] {strides = array<i32>} : memref<9x17x24xf32, #tpu.memory_space<vmem>>, vector<1x1x16xf32>,
          %get3A_832 = vector.shape_cast %get3A_831 : vector<1x1x16xf32> to vector<16xf32>
          %mul3A_833 = vector.broadcast %sub3A_230 : f32 to vector<16xf32>
          %mul3A_834 = arith.mulf %get3A_832, %mul3A_833 : vector<16xf32>
          %get3A_835 = arith.index_cast %add3A_258 : i32 to index
          %get3A_836 = arith.index_cast %add3A_812 : i32 to index
          %get3A_837 = arith.index_cast %add3A_262 : i32 to index
          %get3A_838 = tpu.vector_load %arg15[%get3A_835, %get3A_836, %get3A_837] {strides = array<i32>} : memref<9x17x24xf32, #tpu.memory_space<vmem>>, vector<1x1x16xf32>,
          %get3A_839 = vector.shape_cast %get3A_838 : vector<1x1x16xf32> to vector<16xf32>
          %mul3A_840 = vector.broadcast %sub3A_224 : f32 to vector<16xf32>
          %mul3A_841 = arith.mulf %get3A_839, %mul3A_840 : vector<16xf32>
          %add3A_842 = arith.addf %mul3A_834, %mul3A_841 : vector<16xf32>
          %mul3A_843 = vector.broadcast %mul3A_249 : f32 to vector<16xf32>
          %mul3A_844 = arith.mulf %add3A_827, %mul3A_843 : vector<16xf32>
          %mul3A_845 = vector.broadcast %mul3A_250 : f32 to vector<16xf32>
          %mul3A_846 = arith.mulf %add3A_842, %mul3A_845 : vector<16xf32>
          %add3A_847 = arith.addf %mul3A_844, %mul3A_846 : vector<16xf32>
          %add3A_848 = arith.constant 16 : i32
          %add3A_849 = arith.addi %add3A_848, %select_n3A_213 : i32
          %get3A_850 = arith.index_cast %add3A_256 : i32 to index
          %get3A_851 = arith.index_cast %add3A_849 : i32 to index
          %get3A_852 = arith.index_cast %add3A_260 : i32 to index
          %get3A_853 = tpu.vector_load %arg15[%get3A_850, %get3A_851, %get3A_852] {strides = array<i32>} : memref<9x17x24xf32, #tpu.memory_space<vmem>>, vector<1x1x16xf32>,
          %get3A_854 = vector.shape_cast %get3A_853 : vector<1x1x16xf32> to vector<16xf32>
          %mul3A_855 = vector.broadcast %sub3A_230 : f32 to vector<16xf32>
          %mul3A_856 = arith.mulf %get3A_854, %mul3A_855 : vector<16xf32>
          %get3A_857 = arith.index_cast %add3A_256 : i32 to index
          %get3A_858 = arith.index_cast %add3A_849 : i32 to index
          %get3A_859 = arith.index_cast %add3A_262 : i32 to index
          %get3A_860 = tpu.vector_load %arg15[%get3A_857, %get3A_858, %get3A_859] {strides = array<i32>} : memref<9x17x24xf32, #tpu.memory_space<vmem>>, vector<1x1x16xf32>,
          %get3A_861 = vector.shape_cast %get3A_860 : vector<1x1x16xf32> to vector<16xf32>
          %mul3A_862 = vector.broadcast %sub3A_224 : f32 to vector<16xf32>
          %mul3A_863 = arith.mulf %get3A_861, %mul3A_862 : vector<16xf32>
          %add3A_864 = arith.addf %mul3A_856, %mul3A_863 : vector<16xf32>
          %get3A_865 = arith.index_cast %add3A_258 : i32 to index
          %get3A_866 = arith.index_cast %add3A_849 : i32 to index
          %get3A_867 = arith.index_cast %add3A_260 : i32 to index
          %get3A_868 = tpu.vector_load %arg15[%get3A_865, %get3A_866, %get3A_867] {strides = array<i32>} : memref<9x17x24xf32, #tpu.memory_space<vmem>>, vector<1x1x16xf32>,
          %get3A_869 = vector.shape_cast %get3A_868 : vector<1x1x16xf32> to vector<16xf32>
          %mul3A_870 = vector.broadcast %sub3A_230 : f32 to vector<16xf32>
          %mul3A_871 = arith.mulf %get3A_869, %mul3A_870 : vector<16xf32>
          %get3A_872 = arith.index_cast %add3A_258 : i32 to index
          %get3A_873 = arith.index_cast %add3A_849 : i32 to index
          %get3A_874 = arith.index_cast %add3A_262 : i32 to index
          %get3A_875 = tpu.vector_load %arg15[%get3A_872, %get3A_873, %get3A_874] {strides = array<i32>} : memref<9x17x24xf32, #tpu.memory_space<vmem>>, vector<1x1x16xf32>,
          %get3A_876 = vector.shape_cast %get3A_875 : vector<1x1x16xf32> to vector<16xf32>
          %mul3A_877 = vector.broadcast %sub3A_224 : f32 to vector<16xf32>
          %mul3A_878 = arith.mulf %get3A_876, %mul3A_877 : vector<16xf32>
          %add3A_879 = arith.addf %mul3A_871, %mul3A_878 : vector<16xf32>
          %mul3A_880 = vector.broadcast %mul3A_249 : f32 to vector<16xf32>
          %mul3A_881 = arith.mulf %add3A_864, %mul3A_880 : vector<16xf32>
          %mul3A_882 = vector.broadcast %mul3A_250 : f32 to vector<16xf32>
          %mul3A_883 = arith.mulf %add3A_879, %mul3A_882 : vector<16xf32>
          %add3A_884 = arith.addf %mul3A_881, %mul3A_883 : vector<16xf32>
          %sub3A_885 = arith.constant 7 : i32
          %sub3A_886 = arith.subi %squeeze3A_177, %sub3A_885 : i32
          %mul3A_887 = arith.constant 512 : i32
          %mul3A_888 = arith.muli %sub3A_886, %mul3A_887 : i32
          %add3A_889 = arith.addi %mul3A_268, %mul3A_888 : i32
          %add3A_890 = vector.broadcast %add3A_889 : i32 to vector<16xi32>
          %add3A_891 = arith.addi %add3A_890, %add3A_272 : vector<16xi32>
          %select_n3A_892 = arith.select %and3A_282, %add3A_891, %add3A_9 : vector<16xi1>, vector<16xi32>
          %and3A_893 = arith.constant 1 : i32
          %and3A_894 = arith.andi %while3A_167, %and3A_893 : i32
          %mul3A_895 = arith.constant 16 : i32
          %mul3A_896 = arith.muli %while3A_166, %mul3A_895 : i32
          %mul3A_897 = vector.broadcast %sub3A_228 : f32 to vector<16xf32>
          %mul3A_898 = arith.mulf %add3A_329, %mul3A_897 : vector<16xf32>
          %mul3A_899 = vector.broadcast %sub3A_222 : f32 to vector<16xf32>
          %mul3A_900 = arith.mulf %add3A_366, %mul3A_899 : vector<16xf32>
          %add3A_901 = arith.addf %mul3A_898, %mul3A_900 : vector<16xf32>
          %le3A = arith.constant 0 : i32
          %le3A_902 = arith.cmpi sle, %max3A_286, %le3A : i32
          %ge3A_903 = arith.constant 0 : i32
          %ge3A_904 = arith.cmpi sge, %min3A_292, %ge3A_903 : i32
          %and3A_905 = arith.andi %le3A_902, %ge3A_904 : i1
          %add3A_906 = arith.constant 0 : i32
          %add3A_907 = vector.broadcast %add3A_906 : i32 to vector<16xi32>
          %add3A_908 = arith.addi %select_n3A_892, %add3A_907 : vector<16xi32>
          %select_n3A_909 = arith.select %and3A_905, %add3A_908, %add3A_9 : vector<16xi32>
          %mul3A_910 = vector.broadcast %sub3A_228 : f32 to vector<16xf32>
          %mul3A_911 = arith.mulf %add3A_366, %mul3A_910 : vector<16xf32>
          %mul3A_912 = vector.broadcast %sub3A_222 : f32 to vector<16xf32>
          %mul3A_913 = arith.mulf %add3A_403, %mul3A_912 : vector<16xf32>
          %add3A_914 = arith.addf %mul3A_911, %mul3A_913 : vector<16xf32>
          %le3A_915 = arith.constant 1 : i32
          %le3A_916 = arith.cmpi sle, %max3A_286, %le3A_915 : i32
          %ge3A_917 = arith.constant 1 : i32
          %ge3A_918 = arith.cmpi sge, %min3A_292, %ge3A_917 : i32
          %and3A_919 = arith.andi %le3A_916, %ge3A_918 : i1
          %add3A_920 = arith.constant 512 : i32
          %add3A_921 = vector.broadcast %add3A_920 : i32 to vector<16xi32>
          %add3A_922 = arith.addi %select_n3A_892, %add3A_921 : vector<16xi32>
          %select_n3A_923 = arith.select %and3A_919, %add3A_922, %add3A_9 : vector<16xi32>
          %mul3A_924 = vector.broadcast %sub3A_228 : f32 to vector<16xf32>
          %mul3A_925 = arith.mulf %add3A_403, %mul3A_924 : vector<16xf32>
          %mul3A_926 = vector.broadcast %sub3A_222 : f32 to vector<16xf32>
          %mul3A_927 = arith.mulf %add3A_440, %mul3A_926 : vector<16xf32>
          %add3A_928 = arith.addf %mul3A_925, %mul3A_927 : vector<16xf32>
          %le3A_929 = arith.constant 2 : i32
          %le3A_930 = arith.cmpi sle, %max3A_286, %le3A_929 : i32
          %ge3A_931 = arith.constant 2 : i32
          %ge3A_932 = arith.cmpi sge, %min3A_292, %ge3A_931 : i32
          %and3A_933 = arith.andi %le3A_930, %ge3A_932 : i1
          %add3A_934 = arith.constant 1024 : i32
          %add3A_935 = vector.broadcast %add3A_934 : i32 to vector<16xi32>
          %add3A_936 = arith.addi %select_n3A_892, %add3A_935 : vector<16xi32>
          %select_n3A_937 = arith.select %and3A_933, %add3A_936, %add3A_9 : vector<16xi32>
          %mul3A_938 = vector.broadcast %sub3A_228 : f32 to vector<16xf32>
          %mul3A_939 = arith.mulf %add3A_440, %mul3A_938 : vector<16xf32>
          %mul3A_940 = vector.broadcast %sub3A_222 : f32 to vector<16xf32>
          %mul3A_941 = arith.mulf %add3A_477, %mul3A_940 : vector<16xf32>
          %add3A_942 = arith.addf %mul3A_939, %mul3A_941 : vector<16xf32>
          %le3A_943 = arith.constant 3 : i32
          %le3A_944 = arith.cmpi sle, %max3A_286, %le3A_943 : i32
          %ge3A_945 = arith.constant 3 : i32
          %ge3A_946 = arith.cmpi sge, %min3A_292, %ge3A_945 : i32
          %and3A_947 = arith.andi %le3A_944, %ge3A_946 : i1
          %add3A_948 = arith.constant 1536 : i32
          %add3A_949 = vector.broadcast %add3A_948 : i32 to vector<16xi32>
          %add3A_950 = arith.addi %select_n3A_892, %add3A_949 : vector<16xi32>
          %select_n3A_951 = arith.select %and3A_947, %add3A_950, %add3A_9 : vector<16xi32>
          %mul3A_952 = vector.broadcast %sub3A_228 : f32 to vector<16xf32>
          %mul3A_953 = arith.mulf %add3A_477, %mul3A_952 : vector<16xf32>
          %mul3A_954 = vector.broadcast %sub3A_222 : f32 to vector<16xf32>
          %mul3A_955 = arith.mulf %add3A_514, %mul3A_954 : vector<16xf32>
          %add3A_956 = arith.addf %mul3A_953, %mul3A_955 : vector<16xf32>
          %le3A_957 = arith.constant 4 : i32
          %le3A_958 = arith.cmpi sle, %max3A_286, %le3A_957 : i32
          %ge3A_959 = arith.constant 4 : i32
          %ge3A_960 = arith.cmpi sge, %min3A_292, %ge3A_959 : i32
          %and3A_961 = arith.andi %le3A_958, %ge3A_960 : i1
          %add3A_962 = arith.constant 2048 : i32
          %add3A_963 = vector.broadcast %add3A_962 : i32 to vector<16xi32>
          %add3A_964 = arith.addi %select_n3A_892, %add3A_963 : vector<16xi32>
          %select_n3A_965 = arith.select %and3A_961, %add3A_964, %add3A_9 : vector<16xi32>
          %mul3A_966 = vector.broadcast %sub3A_228 : f32 to vector<16xf32>
          %mul3A_967 = arith.mulf %add3A_514, %mul3A_966 : vector<16xf32>
          %mul3A_968 = vector.broadcast %sub3A_222 : f32 to vector<16xf32>
          %mul3A_969 = arith.mulf %add3A_551, %mul3A_968 : vector<16xf32>
          %add3A_970 = arith.addf %mul3A_967, %mul3A_969 : vector<16xf32>
          %le3A_971 = arith.constant 5 : i32
          %le3A_972 = arith.cmpi sle, %max3A_286, %le3A_971 : i32
          %ge3A_973 = arith.constant 5 : i32
          %ge3A_974 = arith.cmpi sge, %min3A_292, %ge3A_973 : i32
          %and3A_975 = arith.andi %le3A_972, %ge3A_974 : i1
          %add3A_976 = arith.constant 2560 : i32
          %add3A_977 = vector.broadcast %add3A_976 : i32 to vector<16xi32>
          %add3A_978 = arith.addi %select_n3A_892, %add3A_977 : vector<16xi32>
          %select_n3A_979 = arith.select %and3A_975, %add3A_978, %add3A_9 : vector<16xi32>
          %mul3A_980 = vector.broadcast %sub3A_228 : f32 to vector<16xf32>
          %mul3A_981 = arith.mulf %add3A_551, %mul3A_980 : vector<16xf32>
          %mul3A_982 = vector.broadcast %sub3A_222 : f32 to vector<16xf32>
          %mul3A_983 = arith.mulf %add3A_588, %mul3A_982 : vector<16xf32>
          %add3A_984 = arith.addf %mul3A_981, %mul3A_983 : vector<16xf32>
          %le3A_985 = arith.constant 6 : i32
          %le3A_986 = arith.cmpi sle, %max3A_286, %le3A_985 : i32
          %ge3A_987 = arith.constant 6 : i32
          %ge3A_988 = arith.cmpi sge, %min3A_292, %ge3A_987 : i32
          %and3A_989 = arith.andi %le3A_986, %ge3A_988 : i1
          %add3A_990 = arith.constant 3072 : i32
          %add3A_991 = vector.broadcast %add3A_990 : i32 to vector<16xi32>
          %add3A_992 = arith.addi %select_n3A_892, %add3A_991 : vector<16xi32>
          %select_n3A_993 = arith.select %and3A_989, %add3A_992, %add3A_9 : vector<16xi32>
          %mul3A_994 = vector.broadcast %sub3A_228 : f32 to vector<16xf32>
          %mul3A_995 = arith.mulf %add3A_588, %mul3A_994 : vector<16xf32>
          %mul3A_996 = vector.broadcast %sub3A_222 : f32 to vector<16xf32>
          %mul3A_997 = arith.mulf %add3A_625, %mul3A_996 : vector<16xf32>
          %add3A_998 = arith.addf %mul3A_995, %mul3A_997 : vector<16xf32>
          %le3A_999 = arith.constant 7 : i32
          %le3A_1000 = arith.cmpi sle, %max3A_286, %le3A_999 : i32
          %ge3A_1001 = arith.constant 7 : i32
          %ge3A_1002 = arith.cmpi sge, %min3A_292, %ge3A_1001 : i32
          %and3A_1003 = arith.andi %le3A_1000, %ge3A_1002 : i1
          %add3A_1004 = arith.constant 3584 : i32
          %add3A_1005 = vector.broadcast %add3A_1004 : i32 to vector<16xi32>
          %add3A_1006 = arith.addi %select_n3A_892, %add3A_1005 : vector<16xi32>
          %select_n3A_1007 = arith.select %and3A_1003, %add3A_1006, %add3A_9 : vector<16xi32>
          %mul3A_1008 = vector.broadcast %sub3A_228 : f32 to vector<16xf32>
          %mul3A_1009 = arith.mulf %add3A_625, %mul3A_1008 : vector<16xf32>
          %mul3A_1010 = vector.broadcast %sub3A_222 : f32 to vector<16xf32>
          %mul3A_1011 = arith.mulf %add3A_662, %mul3A_1010 : vector<16xf32>
          %add3A_1012 = arith.addf %mul3A_1009, %mul3A_1011 : vector<16xf32>
          %le3A_1013 = arith.constant 8 : i32
          %le3A_1014 = arith.cmpi sle, %max3A_286, %le3A_1013 : i32
          %ge3A_1015 = arith.constant 8 : i32
          %ge3A_1016 = arith.cmpi sge, %min3A_292, %ge3A_1015 : i32
          %and3A_1017 = arith.andi %le3A_1014, %ge3A_1016 : i1
          %add3A_1018 = arith.constant 4096 : i32
          %add3A_1019 = vector.broadcast %add3A_1018 : i32 to vector<16xi32>
          %add3A_1020 = arith.addi %select_n3A_892, %add3A_1019 : vector<16xi32>
          %select_n3A_1021 = arith.select %and3A_1017, %add3A_1020, %add3A_9 : vector<16xi32>
          %mul3A_1022 = vector.broadcast %sub3A_228 : f32 to vector<16xf32>
          %mul3A_1023 = arith.mulf %add3A_662, %mul3A_1022 : vector<16xf32>
          %mul3A_1024 = vector.broadcast %sub3A_222 : f32 to vector<16xf32>
          %mul3A_1025 = arith.mulf %add3A_699, %mul3A_1024 : vector<16xf32>
          %add3A_1026 = arith.addf %mul3A_1023, %mul3A_1025 : vector<16xf32>
          %le3A_1027 = arith.constant 9 : i32
          %le3A_1028 = arith.cmpi sle, %max3A_286, %le3A_1027 : i32
          %ge3A_1029 = arith.constant 9 : i32
          %ge3A_1030 = arith.cmpi sge, %min3A_292, %ge3A_1029 : i32
          %and3A_1031 = arith.andi %le3A_1028, %ge3A_1030 : i1
          %add3A_1032 = arith.constant 4608 : i32
          %add3A_1033 = vector.broadcast %add3A_1032 : i32 to vector<16xi32>
          %add3A_1034 = arith.addi %select_n3A_892, %add3A_1033 : vector<16xi32>
          %select_n3A_1035 = arith.select %and3A_1031, %add3A_1034, %add3A_9 : vector<16xi32>
          %mul3A_1036 = vector.broadcast %sub3A_228 : f32 to vector<16xf32>
          %mul3A_1037 = arith.mulf %add3A_699, %mul3A_1036 : vector<16xf32>
          %mul3A_1038 = vector.broadcast %sub3A_222 : f32 to vector<16xf32>
          %mul3A_1039 = arith.mulf %add3A_736, %mul3A_1038 : vector<16xf32>
          %add3A_1040 = arith.addf %mul3A_1037, %mul3A_1039 : vector<16xf32>
          %le3A_1041 = arith.constant 10 : i32
          %le3A_1042 = arith.cmpi sle, %max3A_286, %le3A_1041 : i32
          %ge3A_1043 = arith.constant 10 : i32
          %ge3A_1044 = arith.cmpi sge, %min3A_292, %ge3A_1043 : i32
          %and3A_1045 = arith.andi %le3A_1042, %ge3A_1044 : i1
          %add3A_1046 = arith.constant 5120 : i32
          %add3A_1047 = vector.broadcast %add3A_1046 : i32 to vector<16xi32>
          %add3A_1048 = arith.addi %select_n3A_892, %add3A_1047 : vector<16xi32>
          %select_n3A_1049 = arith.select %and3A_1045, %add3A_1048, %add3A_9 : vector<16xi32>
          %mul3A_1050 = vector.broadcast %sub3A_228 : f32 to vector<16xf32>
          %mul3A_1051 = arith.mulf %add3A_736, %mul3A_1050 : vector<16xf32>
          %mul3A_1052 = vector.broadcast %sub3A_222 : f32 to vector<16xf32>
          %mul3A_1053 = arith.mulf %add3A_773, %mul3A_1052 : vector<16xf32>
          %add3A_1054 = arith.addf %mul3A_1051, %mul3A_1053 : vector<16xf32>
          %le3A_1055 = arith.constant 11 : i32
          %le3A_1056 = arith.cmpi sle, %max3A_286, %le3A_1055 : i32
          %ge3A_1057 = arith.constant 11 : i32
          %ge3A_1058 = arith.cmpi sge, %min3A_292, %ge3A_1057 : i32
          %and3A_1059 = arith.andi %le3A_1056, %ge3A_1058 : i1
          %add3A_1060 = arith.constant 5632 : i32
          %add3A_1061 = vector.broadcast %add3A_1060 : i32 to vector<16xi32>
          %add3A_1062 = arith.addi %select_n3A_892, %add3A_1061 : vector<16xi32>
          %select_n3A_1063 = arith.select %and3A_1059, %add3A_1062, %add3A_9 : vector<16xi32>
          %mul3A_1064 = vector.broadcast %sub3A_228 : f32 to vector<16xf32>
          %mul3A_1065 = arith.mulf %add3A_773, %mul3A_1064 : vector<16xf32>
          %mul3A_1066 = vector.broadcast %sub3A_222 : f32 to vector<16xf32>
          %mul3A_1067 = arith.mulf %add3A_810, %mul3A_1066 : vector<16xf32>
          %add3A_1068 = arith.addf %mul3A_1065, %mul3A_1067 : vector<16xf32>
          %le3A_1069 = arith.constant 12 : i32
          %le3A_1070 = arith.cmpi sle, %max3A_286, %le3A_1069 : i32
          %ge3A_1071 = arith.constant 12 : i32
          %ge3A_1072 = arith.cmpi sge, %min3A_292, %ge3A_1071 : i32
          %and3A_1073 = arith.andi %le3A_1070, %ge3A_1072 : i1
          %add3A_1074 = arith.constant 6144 : i32
          %add3A_1075 = vector.broadcast %add3A_1074 : i32 to vector<16xi32>
          %add3A_1076 = arith.addi %select_n3A_892, %add3A_1075 : vector<16xi32>
          %select_n3A_1077 = arith.select %and3A_1073, %add3A_1076, %add3A_9 : vector<16xi32>
          %mul3A_1078 = vector.broadcast %sub3A_228 : f32 to vector<16xf32>
          %mul3A_1079 = arith.mulf %add3A_810, %mul3A_1078 : vector<16xf32>
          %mul3A_1080 = vector.broadcast %sub3A_222 : f32 to vector<16xf32>
          %mul3A_1081 = arith.mulf %add3A_847, %mul3A_1080 : vector<16xf32>
          %add3A_1082 = arith.addf %mul3A_1079, %mul3A_1081 : vector<16xf32>
          %le3A_1083 = arith.constant 13 : i32
          %le3A_1084 = arith.cmpi sle, %max3A_286, %le3A_1083 : i32
          %ge3A_1085 = arith.constant 13 : i32
          %ge3A_1086 = arith.cmpi sge, %min3A_292, %ge3A_1085 : i32
          %and3A_1087 = arith.andi %le3A_1084, %ge3A_1086 : i1
          %add3A_1088 = arith.constant 6656 : i32
          %add3A_1089 = vector.broadcast %add3A_1088 : i32 to vector<16xi32>
          %add3A_1090 = arith.addi %select_n3A_892, %add3A_1089 : vector<16xi32>
          %select_n3A_1091 = arith.select %and3A_1087, %add3A_1090, %add3A_9 : vector<16xi32>
          %mul3A_1092 = vector.broadcast %sub3A_228 : f32 to vector<16xf32>
          %mul3A_1093 = arith.mulf %add3A_847, %mul3A_1092 : vector<16xf32>
          %mul3A_1094 = vector.broadcast %sub3A_222 : f32 to vector<16xf32>
          %mul3A_1095 = arith.mulf %add3A_884, %mul3A_1094 : vector<16xf32>
          %add3A_1096 = arith.addf %mul3A_1093, %mul3A_1095 : vector<16xf32>
          %le3A_1097 = arith.constant 14 : i32
          %le3A_1098 = arith.cmpi sle, %max3A_286, %le3A_1097 : i32
          %ge3A_1099 = arith.constant 14 : i32
          %ge3A_1100 = arith.cmpi sge, %min3A_292, %ge3A_1099 : i32
          %and3A_1101 = arith.andi %le3A_1098, %ge3A_1100 : i1
          %add3A_1102 = arith.constant 7168 : i32
          %add3A_1103 = vector.broadcast %add3A_1102 : i32 to vector<16xi32>
          %add3A_1104 = arith.addi %select_n3A_892, %add3A_1103 : vector<16xi32>
          %select_n3A_1105 = arith.select %and3A_1101, %add3A_1104, %add3A_9 : vector<16xi32>
          %eq3A_1106 = arith.constant 0 : i32
          %eq3A_1107 = arith.cmpi eq, %and3A_894, %eq3A_1106 : i32
          %convert_element_type3A_1108 = arith.extui %eq3A_1107 : i1 to i32
          %cond3A_1109 = arith.constant 0 : i32
          %cond3A_1110 = arith.cmpi ne, %convert_element_type3A_1108, %cond3A_1109 : i32
          scf.if %cond3A_1110 {
            %add3A_1137 = arith.constant 0 : i32
            %add3A_1138 = arith.addi %mul3A_896, %add3A_1137 : i32
            %swap3A = arith.index_cast %add3A_1138 : i32 to index
            %swap3A_1139 = tpu.vector_load %arg27[%swap3A] {strides = array<i32>} : memref<960xf32, #tpu.memory_space<vmem>>, vector<16xf32>,
            %swap3A_1140 = vector.shape_cast %swap3A_1139 : vector<16xf32> to vector<16xf32>
            %swap3A_1141 = vector.shape_cast %add3A_901 : vector<16xf32> to vector<16xf32>
            tpu.vector_store %arg27[%swap3A], %swap3A_1141 {strides = array<i32>} : memref<960xf32, #tpu.memory_space<vmem>>, vector<16xf32>,
            %add3A_1142 = arith.constant 0 : i32
            %add3A_1143 = arith.addi %mul3A_896, %add3A_1142 : i32
            %swap3A_1144 = arith.index_cast %add3A_1143 : i32 to index
            %swap3A_1145 = tpu.vector_load %arg28[%swap3A_1144] {strides = array<i32>} : memref<960xi32, #tpu.memory_space<vmem>>, vector<16xi32>,
            %swap3A_1146 = vector.shape_cast %swap3A_1145 : vector<16xi32> to vector<16xi32>
            %swap3A_1147 = vector.shape_cast %select_n3A_909 : vector<16xi32> to vector<16xi32>
            tpu.vector_store %arg28[%swap3A_1144], %swap3A_1147 {strides = array<i32>} : memref<960xi32, #tpu.memory_space<vmem>>, vector<16xi32>,
            %add3A_1148 = arith.constant 16 : i32
            %add3A_1149 = arith.addi %mul3A_896, %add3A_1148 : i32
            %swap3A_1150 = arith.index_cast %add3A_1149 : i32 to index
            %swap3A_1151 = tpu.vector_load %arg27[%swap3A_1150] {strides = array<i32>} : memref<960xf32, #tpu.memory_space<vmem>>, vector<16xf32>,
            %swap3A_1152 = vector.shape_cast %swap3A_1151 : vector<16xf32> to vector<16xf32>
            %swap3A_1153 = vector.shape_cast %add3A_914 : vector<16xf32> to vector<16xf32>
            tpu.vector_store %arg27[%swap3A_1150], %swap3A_1153 {strides = array<i32>} : memref<960xf32, #tpu.memory_space<vmem>>, vector<16xf32>,
            %add3A_1154 = arith.constant 16 : i32
            %add3A_1155 = arith.addi %mul3A_896, %add3A_1154 : i32
            %swap3A_1156 = arith.index_cast %add3A_1155 : i32 to index
            %swap3A_1157 = tpu.vector_load %arg28[%swap3A_1156] {strides = array<i32>} : memref<960xi32, #tpu.memory_space<vmem>>, vector<16xi32>,
            %swap3A_1158 = vector.shape_cast %swap3A_1157 : vector<16xi32> to vector<16xi32>
            %swap3A_1159 = vector.shape_cast %select_n3A_923 : vector<16xi32> to vector<16xi32>
            tpu.vector_store %arg28[%swap3A_1156], %swap3A_1159 {strides = array<i32>} : memref<960xi32, #tpu.memory_space<vmem>>, vector<16xi32>,
            %add3A_1160 = arith.constant 32 : i32
            %add3A_1161 = arith.addi %mul3A_896, %add3A_1160 : i32
            %swap3A_1162 = arith.index_cast %add3A_1161 : i32 to index
            %swap3A_1163 = tpu.vector_load %arg27[%swap3A_1162] {strides = array<i32>} : memref<960xf32, #tpu.memory_space<vmem>>, vector<16xf32>,
            %swap3A_1164 = vector.shape_cast %swap3A_1163 : vector<16xf32> to vector<16xf32>
            %swap3A_1165 = vector.shape_cast %add3A_928 : vector<16xf32> to vector<16xf32>
            tpu.vector_store %arg27[%swap3A_1162], %swap3A_1165 {strides = array<i32>} : memref<960xf32, #tpu.memory_space<vmem>>, vector<16xf32>,
            %add3A_1166 = arith.constant 32 : i32
            %add3A_1167 = arith.addi %mul3A_896, %add3A_1166 : i32
            %swap3A_1168 = arith.index_cast %add3A_1167 : i32 to index
            %swap3A_1169 = tpu.vector_load %arg28[%swap3A_1168] {strides = array<i32>} : memref<960xi32, #tpu.memory_space<vmem>>, vector<16xi32>,
            %swap3A_1170 = vector.shape_cast %swap3A_1169 : vector<16xi32> to vector<16xi32>
            %swap3A_1171 = vector.shape_cast %select_n3A_937 : vector<16xi32> to vector<16xi32>
            tpu.vector_store %arg28[%swap3A_1168], %swap3A_1171 {strides = array<i32>} : memref<960xi32, #tpu.memory_space<vmem>>, vector<16xi32>,
            %add3A_1172 = arith.constant 48 : i32
            %add3A_1173 = arith.addi %mul3A_896, %add3A_1172 : i32
            %swap3A_1174 = arith.index_cast %add3A_1173 : i32 to index
            %swap3A_1175 = tpu.vector_load %arg27[%swap3A_1174] {strides = array<i32>} : memref<960xf32, #tpu.memory_space<vmem>>, vector<16xf32>,
            %swap3A_1176 = vector.shape_cast %swap3A_1175 : vector<16xf32> to vector<16xf32>
            %swap3A_1177 = vector.shape_cast %add3A_942 : vector<16xf32> to vector<16xf32>
            tpu.vector_store %arg27[%swap3A_1174], %swap3A_1177 {strides = array<i32>} : memref<960xf32, #tpu.memory_space<vmem>>, vector<16xf32>,
            %add3A_1178 = arith.constant 48 : i32
            %add3A_1179 = arith.addi %mul3A_896, %add3A_1178 : i32
            %swap3A_1180 = arith.index_cast %add3A_1179 : i32 to index
            %swap3A_1181 = tpu.vector_load %arg28[%swap3A_1180] {strides = array<i32>} : memref<960xi32, #tpu.memory_space<vmem>>, vector<16xi32>,
            %swap3A_1182 = vector.shape_cast %swap3A_1181 : vector<16xi32> to vector<16xi32>
            %swap3A_1183 = vector.shape_cast %select_n3A_951 : vector<16xi32> to vector<16xi32>
            tpu.vector_store %arg28[%swap3A_1180], %swap3A_1183 {strides = array<i32>} : memref<960xi32, #tpu.memory_space<vmem>>, vector<16xi32>,
            %add3A_1184 = arith.constant 64 : i32
            %add3A_1185 = arith.addi %mul3A_896, %add3A_1184 : i32
            %swap3A_1186 = arith.index_cast %add3A_1185 : i32 to index
            %swap3A_1187 = tpu.vector_load %arg27[%swap3A_1186] {strides = array<i32>} : memref<960xf32, #tpu.memory_space<vmem>>, vector<16xf32>,
            %swap3A_1188 = vector.shape_cast %swap3A_1187 : vector<16xf32> to vector<16xf32>
            %swap3A_1189 = vector.shape_cast %add3A_956 : vector<16xf32> to vector<16xf32>
            tpu.vector_store %arg27[%swap3A_1186], %swap3A_1189 {strides = array<i32>} : memref<960xf32, #tpu.memory_space<vmem>>, vector<16xf32>,
            %add3A_1190 = arith.constant 64 : i32
            %add3A_1191 = arith.addi %mul3A_896, %add3A_1190 : i32
            %swap3A_1192 = arith.index_cast %add3A_1191 : i32 to index
            %swap3A_1193 = tpu.vector_load %arg28[%swap3A_1192] {strides = array<i32>} : memref<960xi32, #tpu.memory_space<vmem>>, vector<16xi32>,
            %swap3A_1194 = vector.shape_cast %swap3A_1193 : vector<16xi32> to vector<16xi32>
            %swap3A_1195 = vector.shape_cast %select_n3A_965 : vector<16xi32> to vector<16xi32>
            tpu.vector_store %arg28[%swap3A_1192], %swap3A_1195 {strides = array<i32>} : memref<960xi32, #tpu.memory_space<vmem>>, vector<16xi32>,
            %add3A_1196 = arith.constant 80 : i32
            %add3A_1197 = arith.addi %mul3A_896, %add3A_1196 : i32
            %swap3A_1198 = arith.index_cast %add3A_1197 : i32 to index
            %swap3A_1199 = tpu.vector_load %arg27[%swap3A_1198] {strides = array<i32>} : memref<960xf32, #tpu.memory_space<vmem>>, vector<16xf32>,
            %swap3A_1200 = vector.shape_cast %swap3A_1199 : vector<16xf32> to vector<16xf32>
            %swap3A_1201 = vector.shape_cast %add3A_970 : vector<16xf32> to vector<16xf32>
            tpu.vector_store %arg27[%swap3A_1198], %swap3A_1201 {strides = array<i32>} : memref<960xf32, #tpu.memory_space<vmem>>, vector<16xf32>,
            %add3A_1202 = arith.constant 80 : i32
            %add3A_1203 = arith.addi %mul3A_896, %add3A_1202 : i32
            %swap3A_1204 = arith.index_cast %add3A_1203 : i32 to index
            %swap3A_1205 = tpu.vector_load %arg28[%swap3A_1204] {strides = array<i32>} : memref<960xi32, #tpu.memory_space<vmem>>, vector<16xi32>,
            %swap3A_1206 = vector.shape_cast %swap3A_1205 : vector<16xi32> to vector<16xi32>
            %swap3A_1207 = vector.shape_cast %select_n3A_979 : vector<16xi32> to vector<16xi32>
            tpu.vector_store %arg28[%swap3A_1204], %swap3A_1207 {strides = array<i32>} : memref<960xi32, #tpu.memory_space<vmem>>, vector<16xi32>,
            %add3A_1208 = arith.constant 96 : i32
            %add3A_1209 = arith.addi %mul3A_896, %add3A_1208 : i32
            %swap3A_1210 = arith.index_cast %add3A_1209 : i32 to index
            %swap3A_1211 = tpu.vector_load %arg27[%swap3A_1210] {strides = array<i32>} : memref<960xf32, #tpu.memory_space<vmem>>, vector<16xf32>,
            %swap3A_1212 = vector.shape_cast %swap3A_1211 : vector<16xf32> to vector<16xf32>
            %swap3A_1213 = vector.shape_cast %add3A_984 : vector<16xf32> to vector<16xf32>
            tpu.vector_store %arg27[%swap3A_1210], %swap3A_1213 {strides = array<i32>} : memref<960xf32, #tpu.memory_space<vmem>>, vector<16xf32>,
            %add3A_1214 = arith.constant 96 : i32
            %add3A_1215 = arith.addi %mul3A_896, %add3A_1214 : i32
            %swap3A_1216 = arith.index_cast %add3A_1215 : i32 to index
            %swap3A_1217 = tpu.vector_load %arg28[%swap3A_1216] {strides = array<i32>} : memref<960xi32, #tpu.memory_space<vmem>>, vector<16xi32>,
            %swap3A_1218 = vector.shape_cast %swap3A_1217 : vector<16xi32> to vector<16xi32>
            %swap3A_1219 = vector.shape_cast %select_n3A_993 : vector<16xi32> to vector<16xi32>
            tpu.vector_store %arg28[%swap3A_1216], %swap3A_1219 {strides = array<i32>} : memref<960xi32, #tpu.memory_space<vmem>>, vector<16xi32>,
            %add3A_1220 = arith.constant 112 : i32
            %add3A_1221 = arith.addi %mul3A_896, %add3A_1220 : i32
            %swap3A_1222 = arith.index_cast %add3A_1221 : i32 to index
            %swap3A_1223 = tpu.vector_load %arg27[%swap3A_1222] {strides = array<i32>} : memref<960xf32, #tpu.memory_space<vmem>>, vector<16xf32>,
            %swap3A_1224 = vector.shape_cast %swap3A_1223 : vector<16xf32> to vector<16xf32>
            %swap3A_1225 = vector.shape_cast %add3A_998 : vector<16xf32> to vector<16xf32>
            tpu.vector_store %arg27[%swap3A_1222], %swap3A_1225 {strides = array<i32>} : memref<960xf32, #tpu.memory_space<vmem>>, vector<16xf32>,
            %add3A_1226 = arith.constant 112 : i32
            %add3A_1227 = arith.addi %mul3A_896, %add3A_1226 : i32
            %swap3A_1228 = arith.index_cast %add3A_1227 : i32 to index
            %swap3A_1229 = tpu.vector_load %arg28[%swap3A_1228] {strides = array<i32>} : memref<960xi32, #tpu.memory_space<vmem>>, vector<16xi32>,
            %swap3A_1230 = vector.shape_cast %swap3A_1229 : vector<16xi32> to vector<16xi32>
            %swap3A_1231 = vector.shape_cast %select_n3A_1007 : vector<16xi32> to vector<16xi32>
            tpu.vector_store %arg28[%swap3A_1228], %swap3A_1231 {strides = array<i32>} : memref<960xi32, #tpu.memory_space<vmem>>, vector<16xi32>,
            %add3A_1232 = arith.constant 128 : i32
            %add3A_1233 = arith.addi %mul3A_896, %add3A_1232 : i32
            %swap3A_1234 = arith.index_cast %add3A_1233 : i32 to index
            %swap3A_1235 = tpu.vector_load %arg27[%swap3A_1234] {strides = array<i32>} : memref<960xf32, #tpu.memory_space<vmem>>, vector<16xf32>,
            %swap3A_1236 = vector.shape_cast %swap3A_1235 : vector<16xf32> to vector<16xf32>
            %swap3A_1237 = vector.shape_cast %add3A_1012 : vector<16xf32> to vector<16xf32>
            tpu.vector_store %arg27[%swap3A_1234], %swap3A_1237 {strides = array<i32>} : memref<960xf32, #tpu.memory_space<vmem>>, vector<16xf32>,
            %add3A_1238 = arith.constant 128 : i32
            %add3A_1239 = arith.addi %mul3A_896, %add3A_1238 : i32
            %swap3A_1240 = arith.index_cast %add3A_1239 : i32 to index
            %swap3A_1241 = tpu.vector_load %arg28[%swap3A_1240] {strides = array<i32>} : memref<960xi32, #tpu.memory_space<vmem>>, vector<16xi32>,
            %swap3A_1242 = vector.shape_cast %swap3A_1241 : vector<16xi32> to vector<16xi32>
            %swap3A_1243 = vector.shape_cast %select_n3A_1021 : vector<16xi32> to vector<16xi32>
            tpu.vector_store %arg28[%swap3A_1240], %swap3A_1243 {strides = array<i32>} : memref<960xi32, #tpu.memory_space<vmem>>, vector<16xi32>,
            %add3A_1244 = arith.constant 144 : i32
            %add3A_1245 = arith.addi %mul3A_896, %add3A_1244 : i32
            %swap3A_1246 = arith.index_cast %add3A_1245 : i32 to index
            %swap3A_1247 = tpu.vector_load %arg27[%swap3A_1246] {strides = array<i32>} : memref<960xf32, #tpu.memory_space<vmem>>, vector<16xf32>,
            %swap3A_1248 = vector.shape_cast %swap3A_1247 : vector<16xf32> to vector<16xf32>
            %swap3A_1249 = vector.shape_cast %add3A_1026 : vector<16xf32> to vector<16xf32>
            tpu.vector_store %arg27[%swap3A_1246], %swap3A_1249 {strides = array<i32>} : memref<960xf32, #tpu.memory_space<vmem>>, vector<16xf32>,
            %add3A_1250 = arith.constant 144 : i32
            %add3A_1251 = arith.addi %mul3A_896, %add3A_1250 : i32
            %swap3A_1252 = arith.index_cast %add3A_1251 : i32 to index
            %swap3A_1253 = tpu.vector_load %arg28[%swap3A_1252] {strides = array<i32>} : memref<960xi32, #tpu.memory_space<vmem>>, vector<16xi32>,
            %swap3A_1254 = vector.shape_cast %swap3A_1253 : vector<16xi32> to vector<16xi32>
            %swap3A_1255 = vector.shape_cast %select_n3A_1035 : vector<16xi32> to vector<16xi32>
            tpu.vector_store %arg28[%swap3A_1252], %swap3A_1255 {strides = array<i32>} : memref<960xi32, #tpu.memory_space<vmem>>, vector<16xi32>,
            %add3A_1256 = arith.constant 160 : i32
            %add3A_1257 = arith.addi %mul3A_896, %add3A_1256 : i32
            %swap3A_1258 = arith.index_cast %add3A_1257 : i32 to index
            %swap3A_1259 = tpu.vector_load %arg27[%swap3A_1258] {strides = array<i32>} : memref<960xf32, #tpu.memory_space<vmem>>, vector<16xf32>,
            %swap3A_1260 = vector.shape_cast %swap3A_1259 : vector<16xf32> to vector<16xf32>
            %swap3A_1261 = vector.shape_cast %add3A_1040 : vector<16xf32> to vector<16xf32>
            tpu.vector_store %arg27[%swap3A_1258], %swap3A_1261 {strides = array<i32>} : memref<960xf32, #tpu.memory_space<vmem>>, vector<16xf32>,
            %add3A_1262 = arith.constant 160 : i32
            %add3A_1263 = arith.addi %mul3A_896, %add3A_1262 : i32
            %swap3A_1264 = arith.index_cast %add3A_1263 : i32 to index
            %swap3A_1265 = tpu.vector_load %arg28[%swap3A_1264] {strides = array<i32>} : memref<960xi32, #tpu.memory_space<vmem>>, vector<16xi32>,
            %swap3A_1266 = vector.shape_cast %swap3A_1265 : vector<16xi32> to vector<16xi32>
            %swap3A_1267 = vector.shape_cast %select_n3A_1049 : vector<16xi32> to vector<16xi32>
            tpu.vector_store %arg28[%swap3A_1264], %swap3A_1267 {strides = array<i32>} : memref<960xi32, #tpu.memory_space<vmem>>, vector<16xi32>,
            %add3A_1268 = arith.constant 176 : i32
            %add3A_1269 = arith.addi %mul3A_896, %add3A_1268 : i32
            %swap3A_1270 = arith.index_cast %add3A_1269 : i32 to index
            %swap3A_1271 = tpu.vector_load %arg27[%swap3A_1270] {strides = array<i32>} : memref<960xf32, #tpu.memory_space<vmem>>, vector<16xf32>,
            %swap3A_1272 = vector.shape_cast %swap3A_1271 : vector<16xf32> to vector<16xf32>
            %swap3A_1273 = vector.shape_cast %add3A_1054 : vector<16xf32> to vector<16xf32>
            tpu.vector_store %arg27[%swap3A_1270], %swap3A_1273 {strides = array<i32>} : memref<960xf32, #tpu.memory_space<vmem>>, vector<16xf32>,
            %add3A_1274 = arith.constant 176 : i32
            %add3A_1275 = arith.addi %mul3A_896, %add3A_1274 : i32
            %swap3A_1276 = arith.index_cast %add3A_1275 : i32 to index
            %swap3A_1277 = tpu.vector_load %arg28[%swap3A_1276] {strides = array<i32>} : memref<960xi32, #tpu.memory_space<vmem>>, vector<16xi32>,
            %swap3A_1278 = vector.shape_cast %swap3A_1277 : vector<16xi32> to vector<16xi32>
            %swap3A_1279 = vector.shape_cast %select_n3A_1063 : vector<16xi32> to vector<16xi32>
            tpu.vector_store %arg28[%swap3A_1276], %swap3A_1279 {strides = array<i32>} : memref<960xi32, #tpu.memory_space<vmem>>, vector<16xi32>,
            %add3A_1280 = arith.constant 192 : i32
            %add3A_1281 = arith.addi %mul3A_896, %add3A_1280 : i32
            %swap3A_1282 = arith.index_cast %add3A_1281 : i32 to index
            %swap3A_1283 = tpu.vector_load %arg27[%swap3A_1282] {strides = array<i32>} : memref<960xf32, #tpu.memory_space<vmem>>, vector<16xf32>,
            %swap3A_1284 = vector.shape_cast %swap3A_1283 : vector<16xf32> to vector<16xf32>
            %swap3A_1285 = vector.shape_cast %add3A_1068 : vector<16xf32> to vector<16xf32>
            tpu.vector_store %arg27[%swap3A_1282], %swap3A_1285 {strides = array<i32>} : memref<960xf32, #tpu.memory_space<vmem>>, vector<16xf32>,
            %add3A_1286 = arith.constant 192 : i32
            %add3A_1287 = arith.addi %mul3A_896, %add3A_1286 : i32
            %swap3A_1288 = arith.index_cast %add3A_1287 : i32 to index
            %swap3A_1289 = tpu.vector_load %arg28[%swap3A_1288] {strides = array<i32>} : memref<960xi32, #tpu.memory_space<vmem>>, vector<16xi32>,
            %swap3A_1290 = vector.shape_cast %swap3A_1289 : vector<16xi32> to vector<16xi32>
            %swap3A_1291 = vector.shape_cast %select_n3A_1077 : vector<16xi32> to vector<16xi32>
            tpu.vector_store %arg28[%swap3A_1288], %swap3A_1291 {strides = array<i32>} : memref<960xi32, #tpu.memory_space<vmem>>, vector<16xi32>,
            %add3A_1292 = arith.constant 208 : i32
            %add3A_1293 = arith.addi %mul3A_896, %add3A_1292 : i32
            %swap3A_1294 = arith.index_cast %add3A_1293 : i32 to index
            %swap3A_1295 = tpu.vector_load %arg27[%swap3A_1294] {strides = array<i32>} : memref<960xf32, #tpu.memory_space<vmem>>, vector<16xf32>,
            %swap3A_1296 = vector.shape_cast %swap3A_1295 : vector<16xf32> to vector<16xf32>
            %swap3A_1297 = vector.shape_cast %add3A_1082 : vector<16xf32> to vector<16xf32>
            tpu.vector_store %arg27[%swap3A_1294], %swap3A_1297 {strides = array<i32>} : memref<960xf32, #tpu.memory_space<vmem>>, vector<16xf32>,
            %add3A_1298 = arith.constant 208 : i32
            %add3A_1299 = arith.addi %mul3A_896, %add3A_1298 : i32
            %swap3A_1300 = arith.index_cast %add3A_1299 : i32 to index
            %swap3A_1301 = tpu.vector_load %arg28[%swap3A_1300] {strides = array<i32>} : memref<960xi32, #tpu.memory_space<vmem>>, vector<16xi32>,
            %swap3A_1302 = vector.shape_cast %swap3A_1301 : vector<16xi32> to vector<16xi32>
            %swap3A_1303 = vector.shape_cast %select_n3A_1091 : vector<16xi32> to vector<16xi32>
            tpu.vector_store %arg28[%swap3A_1300], %swap3A_1303 {strides = array<i32>} : memref<960xi32, #tpu.memory_space<vmem>>, vector<16xi32>,
            %add3A_1304 = arith.constant 224 : i32
            %add3A_1305 = arith.addi %mul3A_896, %add3A_1304 : i32
            %swap3A_1306 = arith.index_cast %add3A_1305 : i32 to index
            %swap3A_1307 = tpu.vector_load %arg27[%swap3A_1306] {strides = array<i32>} : memref<960xf32, #tpu.memory_space<vmem>>, vector<16xf32>,
            %swap3A_1308 = vector.shape_cast %swap3A_1307 : vector<16xf32> to vector<16xf32>
            %swap3A_1309 = vector.shape_cast %add3A_1096 : vector<16xf32> to vector<16xf32>
            tpu.vector_store %arg27[%swap3A_1306], %swap3A_1309 {strides = array<i32>} : memref<960xf32, #tpu.memory_space<vmem>>, vector<16xf32>,
            %add3A_1310 = arith.constant 224 : i32
            %add3A_1311 = arith.addi %mul3A_896, %add3A_1310 : i32
            %swap3A_1312 = arith.index_cast %add3A_1311 : i32 to index
            %swap3A_1313 = tpu.vector_load %arg28[%swap3A_1312] {strides = array<i32>} : memref<960xi32, #tpu.memory_space<vmem>>, vector<16xi32>,
            %swap3A_1314 = vector.shape_cast %swap3A_1313 : vector<16xi32> to vector<16xi32>
            %swap3A_1315 = vector.shape_cast %select_n3A_1105 : vector<16xi32> to vector<16xi32>
            tpu.vector_store %arg28[%swap3A_1312], %swap3A_1315 {strides = array<i32>} : memref<960xi32, #tpu.memory_space<vmem>>, vector<16xi32>,
          } else {
          }
          %eq3A_1111 = arith.constant 1 : i32
          %eq3A_1112 = arith.cmpi eq, %and3A_894, %eq3A_1111 : i32
          %convert_element_type3A_1113 = arith.extui %eq3A_1112 : i1 to i32
          %cond3A_1114 = arith.constant 0 : i32
          %cond3A_1115 = arith.cmpi ne, %convert_element_type3A_1113, %cond3A_1114 : i32
          scf.if %cond3A_1115 {
            %add3A_1137 = arith.constant 0 : i32
            %add3A_1138 = arith.addi %mul3A_896, %add3A_1137 : i32
            %swap3A = arith.index_cast %add3A_1138 : i32 to index
            %swap3A_1139 = tpu.vector_load %arg29[%swap3A] {strides = array<i32>} : memref<960xf32, #tpu.memory_space<vmem>>, vector<16xf32>,
            %swap3A_1140 = vector.shape_cast %swap3A_1139 : vector<16xf32> to vector<16xf32>
            %swap3A_1141 = vector.shape_cast %add3A_901 : vector<16xf32> to vector<16xf32>
            tpu.vector_store %arg29[%swap3A], %swap3A_1141 {strides = array<i32>} : memref<960xf32, #tpu.memory_space<vmem>>, vector<16xf32>,
            %add3A_1142 = arith.constant 0 : i32
            %add3A_1143 = arith.addi %mul3A_896, %add3A_1142 : i32
            %swap3A_1144 = arith.index_cast %add3A_1143 : i32 to index
            %swap3A_1145 = tpu.vector_load %arg30[%swap3A_1144] {strides = array<i32>} : memref<960xi32, #tpu.memory_space<vmem>>, vector<16xi32>,
            %swap3A_1146 = vector.shape_cast %swap3A_1145 : vector<16xi32> to vector<16xi32>
            %swap3A_1147 = vector.shape_cast %select_n3A_909 : vector<16xi32> to vector<16xi32>
            tpu.vector_store %arg30[%swap3A_1144], %swap3A_1147 {strides = array<i32>} : memref<960xi32, #tpu.memory_space<vmem>>, vector<16xi32>,
            %add3A_1148 = arith.constant 16 : i32
            %add3A_1149 = arith.addi %mul3A_896, %add3A_1148 : i32
            %swap3A_1150 = arith.index_cast %add3A_1149 : i32 to index
            %swap3A_1151 = tpu.vector_load %arg29[%swap3A_1150] {strides = array<i32>} : memref<960xf32, #tpu.memory_space<vmem>>, vector<16xf32>,
            %swap3A_1152 = vector.shape_cast %swap3A_1151 : vector<16xf32> to vector<16xf32>
            %swap3A_1153 = vector.shape_cast %add3A_914 : vector<16xf32> to vector<16xf32>
            tpu.vector_store %arg29[%swap3A_1150], %swap3A_1153 {strides = array<i32>} : memref<960xf32, #tpu.memory_space<vmem>>, vector<16xf32>,
            %add3A_1154 = arith.constant 16 : i32
            %add3A_1155 = arith.addi %mul3A_896, %add3A_1154 : i32
            %swap3A_1156 = arith.index_cast %add3A_1155 : i32 to index
            %swap3A_1157 = tpu.vector_load %arg30[%swap3A_1156] {strides = array<i32>} : memref<960xi32, #tpu.memory_space<vmem>>, vector<16xi32>,
            %swap3A_1158 = vector.shape_cast %swap3A_1157 : vector<16xi32> to vector<16xi32>
            %swap3A_1159 = vector.shape_cast %select_n3A_923 : vector<16xi32> to vector<16xi32>
            tpu.vector_store %arg30[%swap3A_1156], %swap3A_1159 {strides = array<i32>} : memref<960xi32, #tpu.memory_space<vmem>>, vector<16xi32>,
            %add3A_1160 = arith.constant 32 : i32
            %add3A_1161 = arith.addi %mul3A_896, %add3A_1160 : i32
            %swap3A_1162 = arith.index_cast %add3A_1161 : i32 to index
            %swap3A_1163 = tpu.vector_load %arg29[%swap3A_1162] {strides = array<i32>} : memref<960xf32, #tpu.memory_space<vmem>>, vector<16xf32>,
            %swap3A_1164 = vector.shape_cast %swap3A_1163 : vector<16xf32> to vector<16xf32>
            %swap3A_1165 = vector.shape_cast %add3A_928 : vector<16xf32> to vector<16xf32>
            tpu.vector_store %arg29[%swap3A_1162], %swap3A_1165 {strides = array<i32>} : memref<960xf32, #tpu.memory_space<vmem>>, vector<16xf32>,
            %add3A_1166 = arith.constant 32 : i32
            %add3A_1167 = arith.addi %mul3A_896, %add3A_1166 : i32
            %swap3A_1168 = arith.index_cast %add3A_1167 : i32 to index
            %swap3A_1169 = tpu.vector_load %arg30[%swap3A_1168] {strides = array<i32>} : memref<960xi32, #tpu.memory_space<vmem>>, vector<16xi32>,
            %swap3A_1170 = vector.shape_cast %swap3A_1169 : vector<16xi32> to vector<16xi32>
            %swap3A_1171 = vector.shape_cast %select_n3A_937 : vector<16xi32> to vector<16xi32>
            tpu.vector_store %arg30[%swap3A_1168], %swap3A_1171 {strides = array<i32>} : memref<960xi32, #tpu.memory_space<vmem>>, vector<16xi32>,
            %add3A_1172 = arith.constant 48 : i32
            %add3A_1173 = arith.addi %mul3A_896, %add3A_1172 : i32
            %swap3A_1174 = arith.index_cast %add3A_1173 : i32 to index
            %swap3A_1175 = tpu.vector_load %arg29[%swap3A_1174] {strides = array<i32>} : memref<960xf32, #tpu.memory_space<vmem>>, vector<16xf32>,
            %swap3A_1176 = vector.shape_cast %swap3A_1175 : vector<16xf32> to vector<16xf32>
            %swap3A_1177 = vector.shape_cast %add3A_942 : vector<16xf32> to vector<16xf32>
            tpu.vector_store %arg29[%swap3A_1174], %swap3A_1177 {strides = array<i32>} : memref<960xf32, #tpu.memory_space<vmem>>, vector<16xf32>,
            %add3A_1178 = arith.constant 48 : i32
            %add3A_1179 = arith.addi %mul3A_896, %add3A_1178 : i32
            %swap3A_1180 = arith.index_cast %add3A_1179 : i32 to index
            %swap3A_1181 = tpu.vector_load %arg30[%swap3A_1180] {strides = array<i32>} : memref<960xi32, #tpu.memory_space<vmem>>, vector<16xi32>,
            %swap3A_1182 = vector.shape_cast %swap3A_1181 : vector<16xi32> to vector<16xi32>
            %swap3A_1183 = vector.shape_cast %select_n3A_951 : vector<16xi32> to vector<16xi32>
            tpu.vector_store %arg30[%swap3A_1180], %swap3A_1183 {strides = array<i32>} : memref<960xi32, #tpu.memory_space<vmem>>, vector<16xi32>,
            %add3A_1184 = arith.constant 64 : i32
            %add3A_1185 = arith.addi %mul3A_896, %add3A_1184 : i32
            %swap3A_1186 = arith.index_cast %add3A_1185 : i32 to index
            %swap3A_1187 = tpu.vector_load %arg29[%swap3A_1186] {strides = array<i32>} : memref<960xf32, #tpu.memory_space<vmem>>, vector<16xf32>,
            %swap3A_1188 = vector.shape_cast %swap3A_1187 : vector<16xf32> to vector<16xf32>
            %swap3A_1189 = vector.shape_cast %add3A_956 : vector<16xf32> to vector<16xf32>
            tpu.vector_store %arg29[%swap3A_1186], %swap3A_1189 {strides = array<i32>} : memref<960xf32, #tpu.memory_space<vmem>>, vector<16xf32>,
            %add3A_1190 = arith.constant 64 : i32
            %add3A_1191 = arith.addi %mul3A_896, %add3A_1190 : i32
            %swap3A_1192 = arith.index_cast %add3A_1191 : i32 to index
            %swap3A_1193 = tpu.vector_load %arg30[%swap3A_1192] {strides = array<i32>} : memref<960xi32, #tpu.memory_space<vmem>>, vector<16xi32>,
            %swap3A_1194 = vector.shape_cast %swap3A_1193 : vector<16xi32> to vector<16xi32>
            %swap3A_1195 = vector.shape_cast %select_n3A_965 : vector<16xi32> to vector<16xi32>
            tpu.vector_store %arg30[%swap3A_1192], %swap3A_1195 {strides = array<i32>} : memref<960xi32, #tpu.memory_space<vmem>>, vector<16xi32>,
            %add3A_1196 = arith.constant 80 : i32
            %add3A_1197 = arith.addi %mul3A_896, %add3A_1196 : i32
            %swap3A_1198 = arith.index_cast %add3A_1197 : i32 to index
            %swap3A_1199 = tpu.vector_load %arg29[%swap3A_1198] {strides = array<i32>} : memref<960xf32, #tpu.memory_space<vmem>>, vector<16xf32>,
            %swap3A_1200 = vector.shape_cast %swap3A_1199 : vector<16xf32> to vector<16xf32>
            %swap3A_1201 = vector.shape_cast %add3A_970 : vector<16xf32> to vector<16xf32>
            tpu.vector_store %arg29[%swap3A_1198], %swap3A_1201 {strides = array<i32>} : memref<960xf32, #tpu.memory_space<vmem>>, vector<16xf32>,
            %add3A_1202 = arith.constant 80 : i32
            %add3A_1203 = arith.addi %mul3A_896, %add3A_1202 : i32
            %swap3A_1204 = arith.index_cast %add3A_1203 : i32 to index
            %swap3A_1205 = tpu.vector_load %arg30[%swap3A_1204] {strides = array<i32>} : memref<960xi32, #tpu.memory_space<vmem>>, vector<16xi32>,
            %swap3A_1206 = vector.shape_cast %swap3A_1205 : vector<16xi32> to vector<16xi32>
            %swap3A_1207 = vector.shape_cast %select_n3A_979 : vector<16xi32> to vector<16xi32>
            tpu.vector_store %arg30[%swap3A_1204], %swap3A_1207 {strides = array<i32>} : memref<960xi32, #tpu.memory_space<vmem>>, vector<16xi32>,
            %add3A_1208 = arith.constant 96 : i32
            %add3A_1209 = arith.addi %mul3A_896, %add3A_1208 : i32
            %swap3A_1210 = arith.index_cast %add3A_1209 : i32 to index
            %swap3A_1211 = tpu.vector_load %arg29[%swap3A_1210] {strides = array<i32>} : memref<960xf32, #tpu.memory_space<vmem>>, vector<16xf32>,
            %swap3A_1212 = vector.shape_cast %swap3A_1211 : vector<16xf32> to vector<16xf32>
            %swap3A_1213 = vector.shape_cast %add3A_984 : vector<16xf32> to vector<16xf32>
            tpu.vector_store %arg29[%swap3A_1210], %swap3A_1213 {strides = array<i32>} : memref<960xf32, #tpu.memory_space<vmem>>, vector<16xf32>,
            %add3A_1214 = arith.constant 96 : i32
            %add3A_1215 = arith.addi %mul3A_896, %add3A_1214 : i32
            %swap3A_1216 = arith.index_cast %add3A_1215 : i32 to index
            %swap3A_1217 = tpu.vector_load %arg30[%swap3A_1216] {strides = array<i32>} : memref<960xi32, #tpu.memory_space<vmem>>, vector<16xi32>,
            %swap3A_1218 = vector.shape_cast %swap3A_1217 : vector<16xi32> to vector<16xi32>
            %swap3A_1219 = vector.shape_cast %select_n3A_993 : vector<16xi32> to vector<16xi32>
            tpu.vector_store %arg30[%swap3A_1216], %swap3A_1219 {strides = array<i32>} : memref<960xi32, #tpu.memory_space<vmem>>, vector<16xi32>,
            %add3A_1220 = arith.constant 112 : i32
            %add3A_1221 = arith.addi %mul3A_896, %add3A_1220 : i32
            %swap3A_1222 = arith.index_cast %add3A_1221 : i32 to index
            %swap3A_1223 = tpu.vector_load %arg29[%swap3A_1222] {strides = array<i32>} : memref<960xf32, #tpu.memory_space<vmem>>, vector<16xf32>,
            %swap3A_1224 = vector.shape_cast %swap3A_1223 : vector<16xf32> to vector<16xf32>
            %swap3A_1225 = vector.shape_cast %add3A_998 : vector<16xf32> to vector<16xf32>
            tpu.vector_store %arg29[%swap3A_1222], %swap3A_1225 {strides = array<i32>} : memref<960xf32, #tpu.memory_space<vmem>>, vector<16xf32>,
            %add3A_1226 = arith.constant 112 : i32
            %add3A_1227 = arith.addi %mul3A_896, %add3A_1226 : i32
            %swap3A_1228 = arith.index_cast %add3A_1227 : i32 to index
            %swap3A_1229 = tpu.vector_load %arg30[%swap3A_1228] {strides = array<i32>} : memref<960xi32, #tpu.memory_space<vmem>>, vector<16xi32>,
            %swap3A_1230 = vector.shape_cast %swap3A_1229 : vector<16xi32> to vector<16xi32>
            %swap3A_1231 = vector.shape_cast %select_n3A_1007 : vector<16xi32> to vector<16xi32>
            tpu.vector_store %arg30[%swap3A_1228], %swap3A_1231 {strides = array<i32>} : memref<960xi32, #tpu.memory_space<vmem>>, vector<16xi32>,
            %add3A_1232 = arith.constant 128 : i32
            %add3A_1233 = arith.addi %mul3A_896, %add3A_1232 : i32
            %swap3A_1234 = arith.index_cast %add3A_1233 : i32 to index
            %swap3A_1235 = tpu.vector_load %arg29[%swap3A_1234] {strides = array<i32>} : memref<960xf32, #tpu.memory_space<vmem>>, vector<16xf32>,
            %swap3A_1236 = vector.shape_cast %swap3A_1235 : vector<16xf32> to vector<16xf32>
            %swap3A_1237 = vector.shape_cast %add3A_1012 : vector<16xf32> to vector<16xf32>
            tpu.vector_store %arg29[%swap3A_1234], %swap3A_1237 {strides = array<i32>} : memref<960xf32, #tpu.memory_space<vmem>>, vector<16xf32>,
            %add3A_1238 = arith.constant 128 : i32
            %add3A_1239 = arith.addi %mul3A_896, %add3A_1238 : i32
            %swap3A_1240 = arith.index_cast %add3A_1239 : i32 to index
            %swap3A_1241 = tpu.vector_load %arg30[%swap3A_1240] {strides = array<i32>} : memref<960xi32, #tpu.memory_space<vmem>>, vector<16xi32>,
            %swap3A_1242 = vector.shape_cast %swap3A_1241 : vector<16xi32> to vector<16xi32>
            %swap3A_1243 = vector.shape_cast %select_n3A_1021 : vector<16xi32> to vector<16xi32>
            tpu.vector_store %arg30[%swap3A_1240], %swap3A_1243 {strides = array<i32>} : memref<960xi32, #tpu.memory_space<vmem>>, vector<16xi32>,
            %add3A_1244 = arith.constant 144 : i32
            %add3A_1245 = arith.addi %mul3A_896, %add3A_1244 : i32
            %swap3A_1246 = arith.index_cast %add3A_1245 : i32 to index
            %swap3A_1247 = tpu.vector_load %arg29[%swap3A_1246] {strides = array<i32>} : memref<960xf32, #tpu.memory_space<vmem>>, vector<16xf32>,
            %swap3A_1248 = vector.shape_cast %swap3A_1247 : vector<16xf32> to vector<16xf32>
            %swap3A_1249 = vector.shape_cast %add3A_1026 : vector<16xf32> to vector<16xf32>
            tpu.vector_store %arg29[%swap3A_1246], %swap3A_1249 {strides = array<i32>} : memref<960xf32, #tpu.memory_space<vmem>>, vector<16xf32>,
            %add3A_1250 = arith.constant 144 : i32
            %add3A_1251 = arith.addi %mul3A_896, %add3A_1250 : i32
            %swap3A_1252 = arith.index_cast %add3A_1251 : i32 to index
            %swap3A_1253 = tpu.vector_load %arg30[%swap3A_1252] {strides = array<i32>} : memref<960xi32, #tpu.memory_space<vmem>>, vector<16xi32>,
            %swap3A_1254 = vector.shape_cast %swap3A_1253 : vector<16xi32> to vector<16xi32>
            %swap3A_1255 = vector.shape_cast %select_n3A_1035 : vector<16xi32> to vector<16xi32>
            tpu.vector_store %arg30[%swap3A_1252], %swap3A_1255 {strides = array<i32>} : memref<960xi32, #tpu.memory_space<vmem>>, vector<16xi32>,
            %add3A_1256 = arith.constant 160 : i32
            %add3A_1257 = arith.addi %mul3A_896, %add3A_1256 : i32
            %swap3A_1258 = arith.index_cast %add3A_1257 : i32 to index
            %swap3A_1259 = tpu.vector_load %arg29[%swap3A_1258] {strides = array<i32>} : memref<960xf32, #tpu.memory_space<vmem>>, vector<16xf32>,
            %swap3A_1260 = vector.shape_cast %swap3A_1259 : vector<16xf32> to vector<16xf32>
            %swap3A_1261 = vector.shape_cast %add3A_1040 : vector<16xf32> to vector<16xf32>
            tpu.vector_store %arg29[%swap3A_1258], %swap3A_1261 {strides = array<i32>} : memref<960xf32, #tpu.memory_space<vmem>>, vector<16xf32>,
            %add3A_1262 = arith.constant 160 : i32
            %add3A_1263 = arith.addi %mul3A_896, %add3A_1262 : i32
            %swap3A_1264 = arith.index_cast %add3A_1263 : i32 to index
            %swap3A_1265 = tpu.vector_load %arg30[%swap3A_1264] {strides = array<i32>} : memref<960xi32, #tpu.memory_space<vmem>>, vector<16xi32>,
            %swap3A_1266 = vector.shape_cast %swap3A_1265 : vector<16xi32> to vector<16xi32>
            %swap3A_1267 = vector.shape_cast %select_n3A_1049 : vector<16xi32> to vector<16xi32>
            tpu.vector_store %arg30[%swap3A_1264], %swap3A_1267 {strides = array<i32>} : memref<960xi32, #tpu.memory_space<vmem>>, vector<16xi32>,
            %add3A_1268 = arith.constant 176 : i32
            %add3A_1269 = arith.addi %mul3A_896, %add3A_1268 : i32
            %swap3A_1270 = arith.index_cast %add3A_1269 : i32 to index
            %swap3A_1271 = tpu.vector_load %arg29[%swap3A_1270] {strides = array<i32>} : memref<960xf32, #tpu.memory_space<vmem>>, vector<16xf32>,
            %swap3A_1272 = vector.shape_cast %swap3A_1271 : vector<16xf32> to vector<16xf32>
            %swap3A_1273 = vector.shape_cast %add3A_1054 : vector<16xf32> to vector<16xf32>
            tpu.vector_store %arg29[%swap3A_1270], %swap3A_1273 {strides = array<i32>} : memref<960xf32, #tpu.memory_space<vmem>>, vector<16xf32>,
            %add3A_1274 = arith.constant 176 : i32
            %add3A_1275 = arith.addi %mul3A_896, %add3A_1274 : i32
            %swap3A_1276 = arith.index_cast %add3A_1275 : i32 to index
            %swap3A_1277 = tpu.vector_load %arg30[%swap3A_1276] {strides = array<i32>} : memref<960xi32, #tpu.memory_space<vmem>>, vector<16xi32>,
            %swap3A_1278 = vector.shape_cast %swap3A_1277 : vector<16xi32> to vector<16xi32>
            %swap3A_1279 = vector.shape_cast %select_n3A_1063 : vector<16xi32> to vector<16xi32>
            tpu.vector_store %arg30[%swap3A_1276], %swap3A_1279 {strides = array<i32>} : memref<960xi32, #tpu.memory_space<vmem>>, vector<16xi32>,
            %add3A_1280 = arith.constant 192 : i32
            %add3A_1281 = arith.addi %mul3A_896, %add3A_1280 : i32
            %swap3A_1282 = arith.index_cast %add3A_1281 : i32 to index
            %swap3A_1283 = tpu.vector_load %arg29[%swap3A_1282] {strides = array<i32>} : memref<960xf32, #tpu.memory_space<vmem>>, vector<16xf32>,
            %swap3A_1284 = vector.shape_cast %swap3A_1283 : vector<16xf32> to vector<16xf32>
            %swap3A_1285 = vector.shape_cast %add3A_1068 : vector<16xf32> to vector<16xf32>
            tpu.vector_store %arg29[%swap3A_1282], %swap3A_1285 {strides = array<i32>} : memref<960xf32, #tpu.memory_space<vmem>>, vector<16xf32>,
            %add3A_1286 = arith.constant 192 : i32
            %add3A_1287 = arith.addi %mul3A_896, %add3A_1286 : i32
            %swap3A_1288 = arith.index_cast %add3A_1287 : i32 to index
            %swap3A_1289 = tpu.vector_load %arg30[%swap3A_1288] {strides = array<i32>} : memref<960xi32, #tpu.memory_space<vmem>>, vector<16xi32>,
            %swap3A_1290 = vector.shape_cast %swap3A_1289 : vector<16xi32> to vector<16xi32>
            %swap3A_1291 = vector.shape_cast %select_n3A_1077 : vector<16xi32> to vector<16xi32>
            tpu.vector_store %arg30[%swap3A_1288], %swap3A_1291 {strides = array<i32>} : memref<960xi32, #tpu.memory_space<vmem>>, vector<16xi32>,
            %add3A_1292 = arith.constant 208 : i32
            %add3A_1293 = arith.addi %mul3A_896, %add3A_1292 : i32
            %swap3A_1294 = arith.index_cast %add3A_1293 : i32 to index
            %swap3A_1295 = tpu.vector_load %arg29[%swap3A_1294] {strides = array<i32>} : memref<960xf32, #tpu.memory_space<vmem>>, vector<16xf32>,
            %swap3A_1296 = vector.shape_cast %swap3A_1295 : vector<16xf32> to vector<16xf32>
            %swap3A_1297 = vector.shape_cast %add3A_1082 : vector<16xf32> to vector<16xf32>
            tpu.vector_store %arg29[%swap3A_1294], %swap3A_1297 {strides = array<i32>} : memref<960xf32, #tpu.memory_space<vmem>>, vector<16xf32>,
            %add3A_1298 = arith.constant 208 : i32
            %add3A_1299 = arith.addi %mul3A_896, %add3A_1298 : i32
            %swap3A_1300 = arith.index_cast %add3A_1299 : i32 to index
            %swap3A_1301 = tpu.vector_load %arg30[%swap3A_1300] {strides = array<i32>} : memref<960xi32, #tpu.memory_space<vmem>>, vector<16xi32>,
            %swap3A_1302 = vector.shape_cast %swap3A_1301 : vector<16xi32> to vector<16xi32>
            %swap3A_1303 = vector.shape_cast %select_n3A_1091 : vector<16xi32> to vector<16xi32>
            tpu.vector_store %arg30[%swap3A_1300], %swap3A_1303 {strides = array<i32>} : memref<960xi32, #tpu.memory_space<vmem>>, vector<16xi32>,
            %add3A_1304 = arith.constant 224 : i32
            %add3A_1305 = arith.addi %mul3A_896, %add3A_1304 : i32
            %swap3A_1306 = arith.index_cast %add3A_1305 : i32 to index
            %swap3A_1307 = tpu.vector_load %arg29[%swap3A_1306] {strides = array<i32>} : memref<960xf32, #tpu.memory_space<vmem>>, vector<16xf32>,
            %swap3A_1308 = vector.shape_cast %swap3A_1307 : vector<16xf32> to vector<16xf32>
            %swap3A_1309 = vector.shape_cast %add3A_1096 : vector<16xf32> to vector<16xf32>
            tpu.vector_store %arg29[%swap3A_1306], %swap3A_1309 {strides = array<i32>} : memref<960xf32, #tpu.memory_space<vmem>>, vector<16xf32>,
            %add3A_1310 = arith.constant 224 : i32
            %add3A_1311 = arith.addi %mul3A_896, %add3A_1310 : i32
            %swap3A_1312 = arith.index_cast %add3A_1311 : i32 to index
            %swap3A_1313 = tpu.vector_load %arg30[%swap3A_1312] {strides = array<i32>} : memref<960xi32, #tpu.memory_space<vmem>>, vector<16xi32>,
            %swap3A_1314 = vector.shape_cast %swap3A_1313 : vector<16xi32> to vector<16xi32>
            %swap3A_1315 = vector.shape_cast %select_n3A_1105 : vector<16xi32> to vector<16xi32>
            tpu.vector_store %arg30[%swap3A_1312], %swap3A_1315 {strides = array<i32>} : memref<960xi32, #tpu.memory_space<vmem>>, vector<16xi32>,
          } else {
          }
          %add3A_1116 = arith.constant 15 : i32
          %add3A_1117 = arith.addi %while3A_166, %add3A_1116 : i32
          %eq3A_1118 = arith.constant 60 : i32
          %eq3A_1119 = arith.cmpi eq, %add3A_1117, %eq3A_1118 : i32
          %eq3A_1120 = arith.constant 0 : i32
          %eq3A_1121 = arith.cmpi eq, %and3A_894, %eq3A_1120 : i32
          %and3A_1122 = arith.andi %eq3A_1119, %eq3A_1121 : i1
          %convert_element_type3A_1123 = arith.extui %and3A_1122 : i1 to i32
          %cond3A_1124 = arith.constant 0 : i32
          %cond3A_1125 = arith.cmpi ne, %convert_element_type3A_1123, %cond3A_1124 : i32
          scf.if %cond3A_1125 {
            %dma_start3A = arith.constant 0 : i32
            %dma_start3A_1137 = arith.constant 0 : i32
            %dma_start3A_1138 = tpu.memref_slice %arg14[%dma_start3A_1137] : memref<1056000xf32, #tpu.memory_space<vmem_shared>> -> memref<1056000xf32, #tpu.memory_space<vmem_shared>>
            %dma_start3A_1139 = tpu.memref_slice %arg31[%dma_start3A] : memref<2x!tpu.dma_semaphore, #tpu.memory_space<semaphore_mem>> -> memref<1x!tpu.dma_semaphore, #tpu.memory_space<semaphore_mem>>
            %dma_start3A_1140 = tpu.memref_squeeze %dma_start3A_1139 : memref<1x!tpu.dma_semaphore, #tpu.memory_space<semaphore_mem>> -> memref<!tpu.dma_semaphore, #tpu.memory_space<semaphore_mem>>
            tpu.enqueue_indirect_dma source(%arg27 : memref<960xf32, #tpu.memory_space<vmem>>) target(%dma_start3A_1138 : memref<1056000xf32, #tpu.memory_space<vmem_shared>>) offsets(%arg28 : memref<960xi32, #tpu.memory_space<vmem>>) semaphore(%dma_start3A_1140 : memref<!tpu.dma_semaphore, #tpu.memory_space<semaphore_mem>>) {add = true}
            %ge3A_1141 = arith.constant 1 : i32
            %ge3A_1142 = arith.cmpi sge, %while3A_167, %ge3A_1141 : i32
            %convert_element_type3A_1143 = arith.extui %ge3A_1142 : i1 to i32
            %cond3A_1144 = arith.constant 0 : i32
            %cond3A_1145 = arith.cmpi ne, %convert_element_type3A_1143, %cond3A_1144 : i32
            scf.if %cond3A_1145 {
              %dma_wait3A = arith.constant 1 : i32
              %dma_wait3A_1146 = arith.constant 0 : i32
              %dma_wait3A_1147 = tpu.memref_slice %arg14[%dma_wait3A_1146] : memref<1056000xf32, #tpu.memory_space<vmem_shared>> -> memref<1056000xf32, #tpu.memory_space<vmem_shared>>
              %dma_wait3A_1148 = tpu.memref_slice %arg31[%dma_wait3A] : memref<2x!tpu.dma_semaphore, #tpu.memory_space<semaphore_mem>> -> memref<1x!tpu.dma_semaphore, #tpu.memory_space<semaphore_mem>>
              %dma_wait3A_1149 = tpu.memref_squeeze %dma_wait3A_1148 : memref<1x!tpu.dma_semaphore, #tpu.memory_space<semaphore_mem>> -> memref<!tpu.dma_semaphore, #tpu.memory_space<semaphore_mem>>
              tpu.wait_indirect_dma semaphore(%dma_wait3A_1149 : memref<!tpu.dma_semaphore, #tpu.memory_space<semaphore_mem>>) src(%arg29 : memref<960xf32, #tpu.memory_space<vmem>>) dst(%dma_wait3A_1147 : memref<1056000xf32, #tpu.memory_space<vmem_shared>>)
            } else {
            }
          } else {
          }
          %eq3A_1126 = arith.constant 1 : i32
          %eq3A_1127 = arith.cmpi eq, %and3A_894, %eq3A_1126 : i32
          %and3A_1128 = arith.andi %eq3A_1119, %eq3A_1127 : i1
          %convert_element_type3A_1129 = arith.extui %and3A_1128 : i1 to i32
          %cond3A_1130 = arith.constant 0 : i32
          %cond3A_1131 = arith.cmpi ne, %convert_element_type3A_1129, %cond3A_1130 : i32
          scf.if %cond3A_1131 {
            %dma_start3A = arith.constant 1 : i32
            %dma_start3A_1137 = arith.constant 0 : i32
            %dma_start3A_1138 = tpu.memref_slice %arg14[%dma_start3A_1137] : memref<1056000xf32, #tpu.memory_space<vmem_shared>> -> memref<1056000xf32, #tpu.memory_space<vmem_shared>>
            %dma_start3A_1139 = tpu.memref_slice %arg31[%dma_start3A] : memref<2x!tpu.dma_semaphore, #tpu.memory_space<semaphore_mem>> -> memref<1x!tpu.dma_semaphore, #tpu.memory_space<semaphore_mem>>
            %dma_start3A_1140 = tpu.memref_squeeze %dma_start3A_1139 : memref<1x!tpu.dma_semaphore, #tpu.memory_space<semaphore_mem>> -> memref<!tpu.dma_semaphore, #tpu.memory_space<semaphore_mem>>
            tpu.enqueue_indirect_dma source(%arg29 : memref<960xf32, #tpu.memory_space<vmem>>) target(%dma_start3A_1138 : memref<1056000xf32, #tpu.memory_space<vmem_shared>>) offsets(%arg30 : memref<960xi32, #tpu.memory_space<vmem>>) semaphore(%dma_start3A_1140 : memref<!tpu.dma_semaphore, #tpu.memory_space<semaphore_mem>>) {add = true}
            %dma_wait3A = arith.constant 0 : i32
            %dma_wait3A_1141 = arith.constant 0 : i32
            %dma_wait3A_1142 = tpu.memref_slice %arg14[%dma_wait3A_1141] : memref<1056000xf32, #tpu.memory_space<vmem_shared>> -> memref<1056000xf32, #tpu.memory_space<vmem_shared>>
            %dma_wait3A_1143 = tpu.memref_slice %arg31[%dma_wait3A] : memref<2x!tpu.dma_semaphore, #tpu.memory_space<semaphore_mem>> -> memref<1x!tpu.dma_semaphore, #tpu.memory_space<semaphore_mem>>
            %dma_wait3A_1144 = tpu.memref_squeeze %dma_wait3A_1143 : memref<1x!tpu.dma_semaphore, #tpu.memory_space<semaphore_mem>> -> memref<!tpu.dma_semaphore, #tpu.memory_space<semaphore_mem>>
            tpu.wait_indirect_dma semaphore(%dma_wait3A_1144 : memref<!tpu.dma_semaphore, #tpu.memory_space<semaphore_mem>>) src(%arg27 : memref<960xf32, #tpu.memory_space<vmem>>) dst(%dma_wait3A_1142 : memref<1056000xf32, #tpu.memory_space<vmem_shared>>)
          } else {
          }
          %jit3A_1132 = arith.constant 0 : i32
          %select_n3A_1133 = arith.select %eq3A_1119, %jit3A_1132, %add3A_1117 : i32
          %add3A_1134 = arith.constant 1 : i32
          %add3A_1135 = arith.addi %while3A_167, %add3A_1134 : i32
          %select_n3A_1136 = arith.select %eq3A_1119, %add3A_1135, %while3A_167 : i32
          scf.yield %select_n3A_1133, %select_n3A_1136 : i32, i32
        }
        %while3A_163 = arith.constant 1 : i32
        %while3A_164:2 = scf.for %while3A_165 = %while3A_160 to %while3A_156 step %while3A_163 iter_args(%while3A_166 = %while3A_162#0, %while3A_167 = %while3A_162#1) -> (i32, i32)  : i32 {
          %get3A_168 = arith.index_cast %scan3A_134 : i32 to index
          %get3A_169 = tpu.vector_load %arg17[%get3A_168] {strides = array<i32>} : memref<528xi32, #tpu.memory_space<vmem>>, vector<16xi32>,
          %get3A_170 = vector.shape_cast %get3A_169 : vector<16xi32> to vector<16xi32>
          %slice3A_171 = vector.extract_strided_slice %get3A_170 {offsets = [0], sizes = [1], strides = [1]} : vector<16xi32> to vector<1xi32>
          %squeeze3A_172 = vector.extract %slice3A_171[0] : i32 from vector<1xi32>
          %get3A_173 = arith.index_cast %scan3A_134 : i32 to index
          %get3A_174 = tpu.vector_load %arg19[%get3A_173] {strides = array<i32>} : memref<528xi32, #tpu.memory_space<vmem>>, vector<16xi32>,
          %get3A_175 = vector.shape_cast %get3A_174 : vector<16xi32> to vector<16xi32>
          %slice3A_176 = vector.extract_strided_slice %get3A_175 {offsets = [0], sizes = [1], strides = [1]} : vector<16xi32> to vector<1xi32>
          %squeeze3A_177 = vector.extract %slice3A_176[0] : i32 from vector<1xi32>
          %get3A_178 = arith.index_cast %scan3A_134 : i32 to index
          %get3A_179 = tpu.vector_load %arg20[%get3A_178] {strides = array<i32>} : memref<528xi32, #tpu.memory_space<vmem>>, vector<16xi32>,
          %get3A_180 = vector.shape_cast %get3A_179 : vector<16xi32> to vector<16xi32>
          %slice3A_181 = vector.extract_strided_slice %get3A_180 {offsets = [0], sizes = [1], strides = [1]} : vector<16xi32> to vector<1xi32>
          %squeeze3A_182 = vector.extract %slice3A_181[0] : i32 from vector<1xi32>
          %get3A_183 = arith.index_cast %scan3A_134 : i32 to index
          %get3A_184 = tpu.vector_load %arg23[%get3A_183] {strides = array<i32>} : memref<528xf32, #tpu.memory_space<vmem>>, vector<16xf32>,
          %get3A_185 = vector.shape_cast %get3A_184 : vector<16xf32> to vector<16xf32>
          %slice3A_186 = vector.extract_strided_slice %get3A_185 {offsets = [0], sizes = [1], strides = [1]} : vector<16xf32> to vector<1xf32>
          %squeeze3A_187 = vector.extract %slice3A_186[0] : f32 from vector<1xf32>
          %sub3A_188 = arith.constant 5.000000e-01 : f32
          %sub3A_189 = arith.subf %squeeze3A_187, %sub3A_188 : f32
          %get3A_190 = arith.index_cast %scan3A_134 : i32 to index
          %get3A_191 = tpu.vector_load %arg22[%get3A_190] {strides = array<i32>} : memref<528xf32, #tpu.memory_space<vmem>>, vector<16xf32>,
          %get3A_192 = vector.shape_cast %get3A_191 : vector<16xf32> to vector<16xf32>
          %slice3A_193 = vector.extract_strided_slice %get3A_192 {offsets = [0], sizes = [1], strides = [1]} : vector<16xf32> to vector<1xf32>
          %squeeze3A_194 = vector.extract %slice3A_193[0] : f32 from vector<1xf32>
          %sub3A_195 = arith.constant 5.000000e-01 : f32
          %sub3A_196 = arith.subf %squeeze3A_194, %sub3A_195 : f32
          %get3A_197 = arith.index_cast %scan3A_134 : i32 to index
          %get3A_198 = tpu.vector_load %arg21[%get3A_197] {strides = array<i32>} : memref<528xf32, #tpu.memory_space<vmem>>, vector<16xf32>,
          %get3A_199 = vector.shape_cast %get3A_198 : vector<16xf32> to vector<16xf32>
          %slice3A_200 = vector.extract_strided_slice %get3A_199 {offsets = [0], sizes = [1], strides = [1]} : vector<16xf32> to vector<1xf32>
          %squeeze3A_201 = vector.extract %slice3A_200[0] : f32 from vector<1xf32>
          %sub3A_202 = arith.constant 5.000000e-01 : f32
          %sub3A_203 = arith.subf %squeeze3A_201, %sub3A_202 : f32
          %lt3A_204 = arith.constant 0.000000e+00 : f32
          %lt3A_205 = arith.cmpf olt, %sub3A_189, %lt3A_204 : f32
          %jit3A_206 = arith.constant -1 : i32
          %jit3A_207 = arith.constant 0 : i32
          %select_n3A_208 = arith.select %lt3A_205, %jit3A_206, %jit3A_207 : i32
          %lt3A_209 = arith.constant 0.000000e+00 : f32
          %lt3A_210 = arith.cmpf olt, %sub3A_196, %lt3A_209 : f32
          %jit3A_211 = arith.constant -1 : i32
          %jit3A_212 = arith.constant 0 : i32
          %select_n3A_213 = arith.select %lt3A_210, %jit3A_211, %jit3A_212 : i32
          %lt3A_214 = arith.constant 0.000000e+00 : f32
          %lt3A_215 = arith.cmpf olt, %sub3A_203, %lt3A_214 : f32
          %jit3A_216 = arith.constant -1 : i32
          %jit3A_217 = arith.constant 0 : i32
          %select_n3A_218 = arith.select %lt3A_215, %jit3A_216, %jit3A_217 : i32
          %convert_element_type3A_219 = arith.sitofp %select_n3A_208 : i32 to f32
          %sub3A_220 = arith.subf %sub3A_189, %convert_element_type3A_219 : f32
          %convert_element_type3A_221 = arith.sitofp %select_n3A_213 : i32 to f32
          %sub3A_222 = arith.subf %sub3A_196, %convert_element_type3A_221 : f32
          %convert_element_type3A_223 = arith.sitofp %select_n3A_218 : i32 to f32
          %sub3A_224 = arith.subf %sub3A_203, %convert_element_type3A_223 : f32
          %sub3A_225 = arith.constant 1.000000e+00 : f32
          %sub3A_226 = arith.subf %sub3A_225, %sub3A_220 : f32
          %sub3A_227 = arith.constant 1.000000e+00 : f32
          %sub3A_228 = arith.subf %sub3A_227, %sub3A_222 : f32
          %sub3A_229 = arith.constant 1.000000e+00 : f32
          %sub3A_230 = arith.subf %sub3A_229, %sub3A_224 : f32
          %get3A_231 = arith.constant 0 : index
          %get3A_232 = tpu.vector_load %arg25[%get3A_231] {strides = array<i32>} : memref<16xf32, #tpu.memory_space<vmem>>, vector<16xf32>,
          %get3A_233 = vector.shape_cast %get3A_232 : vector<16xf32> to vector<16xf32>
          %get3A_234 = arith.index_cast %scan3A_134 : i32 to index
          %get3A_235 = tpu.vector_load %arg24[%get3A_234] {strides = array<i32>} : memref<528xf32, #tpu.memory_space<vmem>>, vector<16xf32>,
          %get3A_236 = vector.shape_cast %get3A_235 : vector<16xf32> to vector<16xf32>
          %slice3A_237 = vector.extract_strided_slice %get3A_236 {offsets = [0], sizes = [1], strides = [1]} : vector<16xf32> to vector<1xf32>
          %squeeze3A_238 = vector.extract %slice3A_237[0] : f32 from vector<1xf32>
          %mul3A_239 = arith.constant 1.000000e+04 : f32
          %mul3A_240 = arith.mulf %squeeze3A_238, %mul3A_239 : f32
          %eq3A_241 = arith.constant 0 : i32
          %eq3A_242 = arith.cmpi eq, %squeeze3A_172, %eq3A_241 : i32
          %slice3A_243 = vector.extract_strided_slice %get3A_233 {offsets = [0], sizes = [1], strides = [1]} : vector<16xf32> to vector<1xf32>
          %squeeze3A_244 = vector.extract %slice3A_243[0] : f32 from vector<1xf32>
          %slice3A_245 = vector.extract_strided_slice %get3A_233 {offsets = [1], sizes = [1], strides = [1]} : vector<16xf32> to vector<1xf32>
          %squeeze3A_246 = vector.extract %slice3A_245[0] : f32 from vector<1xf32>
          %select_n3A_247 = arith.select %eq3A_242, %squeeze3A_244, %squeeze3A_246 : f32
          %mul3A_248 = arith.mulf %mul3A_240, %select_n3A_247 : f32
          %mul3A_249 = arith.mulf %sub3A_226, %mul3A_248 : f32
          %mul3A_250 = arith.mulf %sub3A_220, %mul3A_248 : f32
          %sub3A_251 = arith.subi %while3A_165, %squeeze3A : i32
          %add3A_252 = arith.constant 3 : i32
          %add3A_253 = arith.addi %sub3A_251, %add3A_252 : i32
          %add3A_254 = arith.constant 1 : i32
          %add3A_255 = arith.addi %add3A_253, %add3A_254 : i32
          %add3A_256 = arith.addi %add3A_255, %select_n3A_208 : i32
          %add3A_257 = arith.constant 1 : i32
          %add3A_258 = arith.addi %add3A_256, %add3A_257 : i32
          %add3A_259 = arith.constant 1 : i32
          %add3A_260 = arith.addi %add3A_259, %select_n3A_218 : i32
          %add3A_261 = arith.constant 1 : i32
          %add3A_262 = arith.addi %add3A_260, %add3A_261 : i32
          %mul3A_263 = arith.constant 2 : i32
          %mul3A_264 = arith.muli %squeeze3A_172, %mul3A_263 : i32
          %sub3A_265 = arith.subi %while3A_165, %mul3A_20 : i32
          %add3A_266 = arith.addi %mul3A_264, %sub3A_265 : i32
          %mul3A_267 = arith.constant 262144 : i32
          %mul3A_268 = arith.muli %add3A_266, %mul3A_267 : i32
          %sub3A_269 = arith.constant 7 : i32
          %sub3A_270 = arith.subi %squeeze3A_182, %sub3A_269 : i32
          %add3A_271 = vector.broadcast %sub3A_270 : i32 to vector<16xi32>
          %add3A_272 = arith.addi %add3A_271, %iota3A : vector<16xi32>
          %ge3A = arith.constant 0 : i32
          %ge3A_273 = vector.broadcast %ge3A : i32 to vector<16xi32>
          %ge3A_274 = arith.cmpi sge, %add3A_272, %ge3A_273 : vector<16xi32>
          %lt3A_275 = arith.constant 512 : i32
          %lt3A_276 = vector.broadcast %lt3A_275 : i32 to vector<16xi32>
          %lt3A_277 = arith.cmpi slt, %add3A_272, %lt3A_276 : vector<16xi32>
          %and3A_278 = arith.andi %ge3A_274, %lt3A_277 : vector<16xi1>
          %lt3A_279 = arith.constant 15 : i32
          %lt3A_280 = vector.broadcast %lt3A_279 : i32 to vector<16xi32>
          %lt3A_281 = arith.cmpi slt, %iota3A, %lt3A_280 : vector<16xi32>
          %and3A_282 = arith.andi %and3A_278, %lt3A_281 : vector<16xi1>
          %sub3A_283 = arith.constant 7 : i32
          %sub3A_284 = arith.subi %sub3A_283, %squeeze3A_177 : i32
          %max3A_285 = arith.constant 0 : i32
          %max3A_286 = arith.maxsi %max3A_285, %sub3A_284 : i32
          %sub3A_287 = arith.constant 511 : i32
          %sub3A_288 = arith.subi %sub3A_287, %squeeze3A_177 : i32
          %add3A_289 = arith.constant 7 : i32
          %add3A_290 = arith.addi %sub3A_288, %add3A_289 : i32
          %min3A_291 = arith.constant 14 : i32
          %min3A_292 = arith.minsi %min3A_291, %add3A_290 : i32
          %add3A_293 = arith.constant 1 : i32
          %add3A_294 = arith.addi %add3A_293, %select_n3A_213 : i32
          %get3A_295 = arith.index_cast %add3A_256 : i32 to index
          %get3A_296 = arith.index_cast %add3A_294 : i32 to index
          %get3A_297 = arith.index_cast %add3A_260 : i32 to index
          %get3A_298 = tpu.vector_load %arg15[%get3A_295, %get3A_296, %get3A_297] {strides = array<i32>} : memref<9x17x24xf32, #tpu.memory_space<vmem>>, vector<1x1x16xf32>,
          %get3A_299 = vector.shape_cast %get3A_298 : vector<1x1x16xf32> to vector<16xf32>
          %mul3A_300 = vector.broadcast %sub3A_230 : f32 to vector<16xf32>
          %mul3A_301 = arith.mulf %get3A_299, %mul3A_300 : vector<16xf32>
          %get3A_302 = arith.index_cast %add3A_256 : i32 to index
          %get3A_303 = arith.index_cast %add3A_294 : i32 to index
          %get3A_304 = arith.index_cast %add3A_262 : i32 to index
          %get3A_305 = tpu.vector_load %arg15[%get3A_302, %get3A_303, %get3A_304] {strides = array<i32>} : memref<9x17x24xf32, #tpu.memory_space<vmem>>, vector<1x1x16xf32>,
          %get3A_306 = vector.shape_cast %get3A_305 : vector<1x1x16xf32> to vector<16xf32>
          %mul3A_307 = vector.broadcast %sub3A_224 : f32 to vector<16xf32>
          %mul3A_308 = arith.mulf %get3A_306, %mul3A_307 : vector<16xf32>
          %add3A_309 = arith.addf %mul3A_301, %mul3A_308 : vector<16xf32>
          %get3A_310 = arith.index_cast %add3A_258 : i32 to index
          %get3A_311 = arith.index_cast %add3A_294 : i32 to index
          %get3A_312 = arith.index_cast %add3A_260 : i32 to index
          %get3A_313 = tpu.vector_load %arg15[%get3A_310, %get3A_311, %get3A_312] {strides = array<i32>} : memref<9x17x24xf32, #tpu.memory_space<vmem>>, vector<1x1x16xf32>,
          %get3A_314 = vector.shape_cast %get3A_313 : vector<1x1x16xf32> to vector<16xf32>
          %mul3A_315 = vector.broadcast %sub3A_230 : f32 to vector<16xf32>
          %mul3A_316 = arith.mulf %get3A_314, %mul3A_315 : vector<16xf32>
          %get3A_317 = arith.index_cast %add3A_258 : i32 to index
          %get3A_318 = arith.index_cast %add3A_294 : i32 to index
          %get3A_319 = arith.index_cast %add3A_262 : i32 to index
          %get3A_320 = tpu.vector_load %arg15[%get3A_317, %get3A_318, %get3A_319] {strides = array<i32>} : memref<9x17x24xf32, #tpu.memory_space<vmem>>, vector<1x1x16xf32>,
          %get3A_321 = vector.shape_cast %get3A_320 : vector<1x1x16xf32> to vector<16xf32>
          %mul3A_322 = vector.broadcast %sub3A_224 : f32 to vector<16xf32>
          %mul3A_323 = arith.mulf %get3A_321, %mul3A_322 : vector<16xf32>
          %add3A_324 = arith.addf %mul3A_316, %mul3A_323 : vector<16xf32>
          %mul3A_325 = vector.broadcast %mul3A_249 : f32 to vector<16xf32>
          %mul3A_326 = arith.mulf %add3A_309, %mul3A_325 : vector<16xf32>
          %mul3A_327 = vector.broadcast %mul3A_250 : f32 to vector<16xf32>
          %mul3A_328 = arith.mulf %add3A_324, %mul3A_327 : vector<16xf32>
          %add3A_329 = arith.addf %mul3A_326, %mul3A_328 : vector<16xf32>
          %add3A_330 = arith.constant 2 : i32
          %add3A_331 = arith.addi %add3A_330, %select_n3A_213 : i32
          %get3A_332 = arith.index_cast %add3A_256 : i32 to index
          %get3A_333 = arith.index_cast %add3A_331 : i32 to index
          %get3A_334 = arith.index_cast %add3A_260 : i32 to index
          %get3A_335 = tpu.vector_load %arg15[%get3A_332, %get3A_333, %get3A_334] {strides = array<i32>} : memref<9x17x24xf32, #tpu.memory_space<vmem>>, vector<1x1x16xf32>,
          %get3A_336 = vector.shape_cast %get3A_335 : vector<1x1x16xf32> to vector<16xf32>
          %mul3A_337 = vector.broadcast %sub3A_230 : f32 to vector<16xf32>
          %mul3A_338 = arith.mulf %get3A_336, %mul3A_337 : vector<16xf32>
          %get3A_339 = arith.index_cast %add3A_256 : i32 to index
          %get3A_340 = arith.index_cast %add3A_331 : i32 to index
          %get3A_341 = arith.index_cast %add3A_262 : i32 to index
          %get3A_342 = tpu.vector_load %arg15[%get3A_339, %get3A_340, %get3A_341] {strides = array<i32>} : memref<9x17x24xf32, #tpu.memory_space<vmem>>, vector<1x1x16xf32>,
          %get3A_343 = vector.shape_cast %get3A_342 : vector<1x1x16xf32> to vector<16xf32>
          %mul3A_344 = vector.broadcast %sub3A_224 : f32 to vector<16xf32>
          %mul3A_345 = arith.mulf %get3A_343, %mul3A_344 : vector<16xf32>
          %add3A_346 = arith.addf %mul3A_338, %mul3A_345 : vector<16xf32>
          %get3A_347 = arith.index_cast %add3A_258 : i32 to index
          %get3A_348 = arith.index_cast %add3A_331 : i32 to index
          %get3A_349 = arith.index_cast %add3A_260 : i32 to index
          %get3A_350 = tpu.vector_load %arg15[%get3A_347, %get3A_348, %get3A_349] {strides = array<i32>} : memref<9x17x24xf32, #tpu.memory_space<vmem>>, vector<1x1x16xf32>,
          %get3A_351 = vector.shape_cast %get3A_350 : vector<1x1x16xf32> to vector<16xf32>
          %mul3A_352 = vector.broadcast %sub3A_230 : f32 to vector<16xf32>
          %mul3A_353 = arith.mulf %get3A_351, %mul3A_352 : vector<16xf32>
          %get3A_354 = arith.index_cast %add3A_258 : i32 to index
          %get3A_355 = arith.index_cast %add3A_331 : i32 to index
          %get3A_356 = arith.index_cast %add3A_262 : i32 to index
          %get3A_357 = tpu.vector_load %arg15[%get3A_354, %get3A_355, %get3A_356] {strides = array<i32>} : memref<9x17x24xf32, #tpu.memory_space<vmem>>, vector<1x1x16xf32>,
          %get3A_358 = vector.shape_cast %get3A_357 : vector<1x1x16xf32> to vector<16xf32>
          %mul3A_359 = vector.broadcast %sub3A_224 : f32 to vector<16xf32>
          %mul3A_360 = arith.mulf %get3A_358, %mul3A_359 : vector<16xf32>
          %add3A_361 = arith.addf %mul3A_353, %mul3A_360 : vector<16xf32>
          %mul3A_362 = vector.broadcast %mul3A_249 : f32 to vector<16xf32>
          %mul3A_363 = arith.mulf %add3A_346, %mul3A_362 : vector<16xf32>
          %mul3A_364 = vector.broadcast %mul3A_250 : f32 to vector<16xf32>
          %mul3A_365 = arith.mulf %add3A_361, %mul3A_364 : vector<16xf32>
          %add3A_366 = arith.addf %mul3A_363, %mul3A_365 : vector<16xf32>
          %add3A_367 = arith.constant 3 : i32
          %add3A_368 = arith.addi %add3A_367, %select_n3A_213 : i32
          %get3A_369 = arith.index_cast %add3A_256 : i32 to index
          %get3A_370 = arith.index_cast %add3A_368 : i32 to index
          %get3A_371 = arith.index_cast %add3A_260 : i32 to index
          %get3A_372 = tpu.vector_load %arg15[%get3A_369, %get3A_370, %get3A_371] {strides = array<i32>} : memref<9x17x24xf32, #tpu.memory_space<vmem>>, vector<1x1x16xf32>,
          %get3A_373 = vector.shape_cast %get3A_372 : vector<1x1x16xf32> to vector<16xf32>
          %mul3A_374 = vector.broadcast %sub3A_230 : f32 to vector<16xf32>
          %mul3A_375 = arith.mulf %get3A_373, %mul3A_374 : vector<16xf32>
          %get3A_376 = arith.index_cast %add3A_256 : i32 to index
          %get3A_377 = arith.index_cast %add3A_368 : i32 to index
          %get3A_378 = arith.index_cast %add3A_262 : i32 to index
          %get3A_379 = tpu.vector_load %arg15[%get3A_376, %get3A_377, %get3A_378] {strides = array<i32>} : memref<9x17x24xf32, #tpu.memory_space<vmem>>, vector<1x1x16xf32>,
          %get3A_380 = vector.shape_cast %get3A_379 : vector<1x1x16xf32> to vector<16xf32>
          %mul3A_381 = vector.broadcast %sub3A_224 : f32 to vector<16xf32>
          %mul3A_382 = arith.mulf %get3A_380, %mul3A_381 : vector<16xf32>
          %add3A_383 = arith.addf %mul3A_375, %mul3A_382 : vector<16xf32>
          %get3A_384 = arith.index_cast %add3A_258 : i32 to index
          %get3A_385 = arith.index_cast %add3A_368 : i32 to index
          %get3A_386 = arith.index_cast %add3A_260 : i32 to index
          %get3A_387 = tpu.vector_load %arg15[%get3A_384, %get3A_385, %get3A_386] {strides = array<i32>} : memref<9x17x24xf32, #tpu.memory_space<vmem>>, vector<1x1x16xf32>,
          %get3A_388 = vector.shape_cast %get3A_387 : vector<1x1x16xf32> to vector<16xf32>
          %mul3A_389 = vector.broadcast %sub3A_230 : f32 to vector<16xf32>
          %mul3A_390 = arith.mulf %get3A_388, %mul3A_389 : vector<16xf32>
          %get3A_391 = arith.index_cast %add3A_258 : i32 to index
          %get3A_392 = arith.index_cast %add3A_368 : i32 to index
          %get3A_393 = arith.index_cast %add3A_262 : i32 to index
          %get3A_394 = tpu.vector_load %arg15[%get3A_391, %get3A_392, %get3A_393] {strides = array<i32>} : memref<9x17x24xf32, #tpu.memory_space<vmem>>, vector<1x1x16xf32>,
          %get3A_395 = vector.shape_cast %get3A_394 : vector<1x1x16xf32> to vector<16xf32>
          %mul3A_396 = vector.broadcast %sub3A_224 : f32 to vector<16xf32>
          %mul3A_397 = arith.mulf %get3A_395, %mul3A_396 : vector<16xf32>
          %add3A_398 = arith.addf %mul3A_390, %mul3A_397 : vector<16xf32>
          %mul3A_399 = vector.broadcast %mul3A_249 : f32 to vector<16xf32>
          %mul3A_400 = arith.mulf %add3A_383, %mul3A_399 : vector<16xf32>
          %mul3A_401 = vector.broadcast %mul3A_250 : f32 to vector<16xf32>
          %mul3A_402 = arith.mulf %add3A_398, %mul3A_401 : vector<16xf32>
          %add3A_403 = arith.addf %mul3A_400, %mul3A_402 : vector<16xf32>
          %add3A_404 = arith.constant 4 : i32
          %add3A_405 = arith.addi %add3A_404, %select_n3A_213 : i32
          %get3A_406 = arith.index_cast %add3A_256 : i32 to index
          %get3A_407 = arith.index_cast %add3A_405 : i32 to index
          %get3A_408 = arith.index_cast %add3A_260 : i32 to index
          %get3A_409 = tpu.vector_load %arg15[%get3A_406, %get3A_407, %get3A_408] {strides = array<i32>} : memref<9x17x24xf32, #tpu.memory_space<vmem>>, vector<1x1x16xf32>,
          %get3A_410 = vector.shape_cast %get3A_409 : vector<1x1x16xf32> to vector<16xf32>
          %mul3A_411 = vector.broadcast %sub3A_230 : f32 to vector<16xf32>
          %mul3A_412 = arith.mulf %get3A_410, %mul3A_411 : vector<16xf32>
          %get3A_413 = arith.index_cast %add3A_256 : i32 to index
          %get3A_414 = arith.index_cast %add3A_405 : i32 to index
          %get3A_415 = arith.index_cast %add3A_262 : i32 to index
          %get3A_416 = tpu.vector_load %arg15[%get3A_413, %get3A_414, %get3A_415] {strides = array<i32>} : memref<9x17x24xf32, #tpu.memory_space<vmem>>, vector<1x1x16xf32>,
          %get3A_417 = vector.shape_cast %get3A_416 : vector<1x1x16xf32> to vector<16xf32>
          %mul3A_418 = vector.broadcast %sub3A_224 : f32 to vector<16xf32>
          %mul3A_419 = arith.mulf %get3A_417, %mul3A_418 : vector<16xf32>
          %add3A_420 = arith.addf %mul3A_412, %mul3A_419 : vector<16xf32>
          %get3A_421 = arith.index_cast %add3A_258 : i32 to index
          %get3A_422 = arith.index_cast %add3A_405 : i32 to index
          %get3A_423 = arith.index_cast %add3A_260 : i32 to index
          %get3A_424 = tpu.vector_load %arg15[%get3A_421, %get3A_422, %get3A_423] {strides = array<i32>} : memref<9x17x24xf32, #tpu.memory_space<vmem>>, vector<1x1x16xf32>,
          %get3A_425 = vector.shape_cast %get3A_424 : vector<1x1x16xf32> to vector<16xf32>
          %mul3A_426 = vector.broadcast %sub3A_230 : f32 to vector<16xf32>
          %mul3A_427 = arith.mulf %get3A_425, %mul3A_426 : vector<16xf32>
          %get3A_428 = arith.index_cast %add3A_258 : i32 to index
          %get3A_429 = arith.index_cast %add3A_405 : i32 to index
          %get3A_430 = arith.index_cast %add3A_262 : i32 to index
          %get3A_431 = tpu.vector_load %arg15[%get3A_428, %get3A_429, %get3A_430] {strides = array<i32>} : memref<9x17x24xf32, #tpu.memory_space<vmem>>, vector<1x1x16xf32>,
          %get3A_432 = vector.shape_cast %get3A_431 : vector<1x1x16xf32> to vector<16xf32>
          %mul3A_433 = vector.broadcast %sub3A_224 : f32 to vector<16xf32>
          %mul3A_434 = arith.mulf %get3A_432, %mul3A_433 : vector<16xf32>
          %add3A_435 = arith.addf %mul3A_427, %mul3A_434 : vector<16xf32>
          %mul3A_436 = vector.broadcast %mul3A_249 : f32 to vector<16xf32>
          %mul3A_437 = arith.mulf %add3A_420, %mul3A_436 : vector<16xf32>
          %mul3A_438 = vector.broadcast %mul3A_250 : f32 to vector<16xf32>
          %mul3A_439 = arith.mulf %add3A_435, %mul3A_438 : vector<16xf32>
          %add3A_440 = arith.addf %mul3A_437, %mul3A_439 : vector<16xf32>
          %add3A_441 = arith.constant 5 : i32
          %add3A_442 = arith.addi %add3A_441, %select_n3A_213 : i32
          %get3A_443 = arith.index_cast %add3A_256 : i32 to index
          %get3A_444 = arith.index_cast %add3A_442 : i32 to index
          %get3A_445 = arith.index_cast %add3A_260 : i32 to index
          %get3A_446 = tpu.vector_load %arg15[%get3A_443, %get3A_444, %get3A_445] {strides = array<i32>} : memref<9x17x24xf32, #tpu.memory_space<vmem>>, vector<1x1x16xf32>,
          %get3A_447 = vector.shape_cast %get3A_446 : vector<1x1x16xf32> to vector<16xf32>
          %mul3A_448 = vector.broadcast %sub3A_230 : f32 to vector<16xf32>
          %mul3A_449 = arith.mulf %get3A_447, %mul3A_448 : vector<16xf32>
          %get3A_450 = arith.index_cast %add3A_256 : i32 to index
          %get3A_451 = arith.index_cast %add3A_442 : i32 to index
          %get3A_452 = arith.index_cast %add3A_262 : i32 to index
          %get3A_453 = tpu.vector_load %arg15[%get3A_450, %get3A_451, %get3A_452] {strides = array<i32>} : memref<9x17x24xf32, #tpu.memory_space<vmem>>, vector<1x1x16xf32>,
          %get3A_454 = vector.shape_cast %get3A_453 : vector<1x1x16xf32> to vector<16xf32>
          %mul3A_455 = vector.broadcast %sub3A_224 : f32 to vector<16xf32>
          %mul3A_456 = arith.mulf %get3A_454, %mul3A_455 : vector<16xf32>
          %add3A_457 = arith.addf %mul3A_449, %mul3A_456 : vector<16xf32>
          %get3A_458 = arith.index_cast %add3A_258 : i32 to index
          %get3A_459 = arith.index_cast %add3A_442 : i32 to index
          %get3A_460 = arith.index_cast %add3A_260 : i32 to index
          %get3A_461 = tpu.vector_load %arg15[%get3A_458, %get3A_459, %get3A_460] {strides = array<i32>} : memref<9x17x24xf32, #tpu.memory_space<vmem>>, vector<1x1x16xf32>,
          %get3A_462 = vector.shape_cast %get3A_461 : vector<1x1x16xf32> to vector<16xf32>
          %mul3A_463 = vector.broadcast %sub3A_230 : f32 to vector<16xf32>
          %mul3A_464 = arith.mulf %get3A_462, %mul3A_463 : vector<16xf32>
          %get3A_465 = arith.index_cast %add3A_258 : i32 to index
          %get3A_466 = arith.index_cast %add3A_442 : i32 to index
          %get3A_467 = arith.index_cast %add3A_262 : i32 to index
          %get3A_468 = tpu.vector_load %arg15[%get3A_465, %get3A_466, %get3A_467] {strides = array<i32>} : memref<9x17x24xf32, #tpu.memory_space<vmem>>, vector<1x1x16xf32>,
          %get3A_469 = vector.shape_cast %get3A_468 : vector<1x1x16xf32> to vector<16xf32>
          %mul3A_470 = vector.broadcast %sub3A_224 : f32 to vector<16xf32>
          %mul3A_471 = arith.mulf %get3A_469, %mul3A_470 : vector<16xf32>
          %add3A_472 = arith.addf %mul3A_464, %mul3A_471 : vector<16xf32>
          %mul3A_473 = vector.broadcast %mul3A_249 : f32 to vector<16xf32>
          %mul3A_474 = arith.mulf %add3A_457, %mul3A_473 : vector<16xf32>
          %mul3A_475 = vector.broadcast %mul3A_250 : f32 to vector<16xf32>
          %mul3A_476 = arith.mulf %add3A_472, %mul3A_475 : vector<16xf32>
          %add3A_477 = arith.addf %mul3A_474, %mul3A_476 : vector<16xf32>
          %add3A_478 = arith.constant 6 : i32
          %add3A_479 = arith.addi %add3A_478, %select_n3A_213 : i32
          %get3A_480 = arith.index_cast %add3A_256 : i32 to index
          %get3A_481 = arith.index_cast %add3A_479 : i32 to index
          %get3A_482 = arith.index_cast %add3A_260 : i32 to index
          %get3A_483 = tpu.vector_load %arg15[%get3A_480, %get3A_481, %get3A_482] {strides = array<i32>} : memref<9x17x24xf32, #tpu.memory_space<vmem>>, vector<1x1x16xf32>,
          %get3A_484 = vector.shape_cast %get3A_483 : vector<1x1x16xf32> to vector<16xf32>
          %mul3A_485 = vector.broadcast %sub3A_230 : f32 to vector<16xf32>
          %mul3A_486 = arith.mulf %get3A_484, %mul3A_485 : vector<16xf32>
          %get3A_487 = arith.index_cast %add3A_256 : i32 to index
          %get3A_488 = arith.index_cast %add3A_479 : i32 to index
          %get3A_489 = arith.index_cast %add3A_262 : i32 to index
          %get3A_490 = tpu.vector_load %arg15[%get3A_487, %get3A_488, %get3A_489] {strides = array<i32>} : memref<9x17x24xf32, #tpu.memory_space<vmem>>, vector<1x1x16xf32>,
          %get3A_491 = vector.shape_cast %get3A_490 : vector<1x1x16xf32> to vector<16xf32>
          %mul3A_492 = vector.broadcast %sub3A_224 : f32 to vector<16xf32>
          %mul3A_493 = arith.mulf %get3A_491, %mul3A_492 : vector<16xf32>
          %add3A_494 = arith.addf %mul3A_486, %mul3A_493 : vector<16xf32>
          %get3A_495 = arith.index_cast %add3A_258 : i32 to index
          %get3A_496 = arith.index_cast %add3A_479 : i32 to index
          %get3A_497 = arith.index_cast %add3A_260 : i32 to index
          %get3A_498 = tpu.vector_load %arg15[%get3A_495, %get3A_496, %get3A_497] {strides = array<i32>} : memref<9x17x24xf32, #tpu.memory_space<vmem>>, vector<1x1x16xf32>,
          %get3A_499 = vector.shape_cast %get3A_498 : vector<1x1x16xf32> to vector<16xf32>
          %mul3A_500 = vector.broadcast %sub3A_230 : f32 to vector<16xf32>
          %mul3A_501 = arith.mulf %get3A_499, %mul3A_500 : vector<16xf32>
          %get3A_502 = arith.index_cast %add3A_258 : i32 to index
          %get3A_503 = arith.index_cast %add3A_479 : i32 to index
          %get3A_504 = arith.index_cast %add3A_262 : i32 to index
          %get3A_505 = tpu.vector_load %arg15[%get3A_502, %get3A_503, %get3A_504] {strides = array<i32>} : memref<9x17x24xf32, #tpu.memory_space<vmem>>, vector<1x1x16xf32>,
          %get3A_506 = vector.shape_cast %get3A_505 : vector<1x1x16xf32> to vector<16xf32>
          %mul3A_507 = vector.broadcast %sub3A_224 : f32 to vector<16xf32>
          %mul3A_508 = arith.mulf %get3A_506, %mul3A_507 : vector<16xf32>
          %add3A_509 = arith.addf %mul3A_501, %mul3A_508 : vector<16xf32>
          %mul3A_510 = vector.broadcast %mul3A_249 : f32 to vector<16xf32>
          %mul3A_511 = arith.mulf %add3A_494, %mul3A_510 : vector<16xf32>
          %mul3A_512 = vector.broadcast %mul3A_250 : f32 to vector<16xf32>
          %mul3A_513 = arith.mulf %add3A_509, %mul3A_512 : vector<16xf32>
          %add3A_514 = arith.addf %mul3A_511, %mul3A_513 : vector<16xf32>
          %add3A_515 = arith.constant 7 : i32
          %add3A_516 = arith.addi %add3A_515, %select_n3A_213 : i32
          %get3A_517 = arith.index_cast %add3A_256 : i32 to index
          %get3A_518 = arith.index_cast %add3A_516 : i32 to index
          %get3A_519 = arith.index_cast %add3A_260 : i32 to index
          %get3A_520 = tpu.vector_load %arg15[%get3A_517, %get3A_518, %get3A_519] {strides = array<i32>} : memref<9x17x24xf32, #tpu.memory_space<vmem>>, vector<1x1x16xf32>,
          %get3A_521 = vector.shape_cast %get3A_520 : vector<1x1x16xf32> to vector<16xf32>
          %mul3A_522 = vector.broadcast %sub3A_230 : f32 to vector<16xf32>
          %mul3A_523 = arith.mulf %get3A_521, %mul3A_522 : vector<16xf32>
          %get3A_524 = arith.index_cast %add3A_256 : i32 to index
          %get3A_525 = arith.index_cast %add3A_516 : i32 to index
          %get3A_526 = arith.index_cast %add3A_262 : i32 to index
          %get3A_527 = tpu.vector_load %arg15[%get3A_524, %get3A_525, %get3A_526] {strides = array<i32>} : memref<9x17x24xf32, #tpu.memory_space<vmem>>, vector<1x1x16xf32>,
          %get3A_528 = vector.shape_cast %get3A_527 : vector<1x1x16xf32> to vector<16xf32>
          %mul3A_529 = vector.broadcast %sub3A_224 : f32 to vector<16xf32>
          %mul3A_530 = arith.mulf %get3A_528, %mul3A_529 : vector<16xf32>
          %add3A_531 = arith.addf %mul3A_523, %mul3A_530 : vector<16xf32>
          %get3A_532 = arith.index_cast %add3A_258 : i32 to index
          %get3A_533 = arith.index_cast %add3A_516 : i32 to index
          %get3A_534 = arith.index_cast %add3A_260 : i32 to index
          %get3A_535 = tpu.vector_load %arg15[%get3A_532, %get3A_533, %get3A_534] {strides = array<i32>} : memref<9x17x24xf32, #tpu.memory_space<vmem>>, vector<1x1x16xf32>,
          %get3A_536 = vector.shape_cast %get3A_535 : vector<1x1x16xf32> to vector<16xf32>
          %mul3A_537 = vector.broadcast %sub3A_230 : f32 to vector<16xf32>
          %mul3A_538 = arith.mulf %get3A_536, %mul3A_537 : vector<16xf32>
          %get3A_539 = arith.index_cast %add3A_258 : i32 to index
          %get3A_540 = arith.index_cast %add3A_516 : i32 to index
          %get3A_541 = arith.index_cast %add3A_262 : i32 to index
          %get3A_542 = tpu.vector_load %arg15[%get3A_539, %get3A_540, %get3A_541] {strides = array<i32>} : memref<9x17x24xf32, #tpu.memory_space<vmem>>, vector<1x1x16xf32>,
          %get3A_543 = vector.shape_cast %get3A_542 : vector<1x1x16xf32> to vector<16xf32>
          %mul3A_544 = vector.broadcast %sub3A_224 : f32 to vector<16xf32>
          %mul3A_545 = arith.mulf %get3A_543, %mul3A_544 : vector<16xf32>
          %add3A_546 = arith.addf %mul3A_538, %mul3A_545 : vector<16xf32>
          %mul3A_547 = vector.broadcast %mul3A_249 : f32 to vector<16xf32>
          %mul3A_548 = arith.mulf %add3A_531, %mul3A_547 : vector<16xf32>
          %mul3A_549 = vector.broadcast %mul3A_250 : f32 to vector<16xf32>
          %mul3A_550 = arith.mulf %add3A_546, %mul3A_549 : vector<16xf32>
          %add3A_551 = arith.addf %mul3A_548, %mul3A_550 : vector<16xf32>
          %add3A_552 = arith.constant 8 : i32
          %add3A_553 = arith.addi %add3A_552, %select_n3A_213 : i32
          %get3A_554 = arith.index_cast %add3A_256 : i32 to index
          %get3A_555 = arith.index_cast %add3A_553 : i32 to index
          %get3A_556 = arith.index_cast %add3A_260 : i32 to index
          %get3A_557 = tpu.vector_load %arg15[%get3A_554, %get3A_555, %get3A_556] {strides = array<i32>} : memref<9x17x24xf32, #tpu.memory_space<vmem>>, vector<1x1x16xf32>,
          %get3A_558 = vector.shape_cast %get3A_557 : vector<1x1x16xf32> to vector<16xf32>
          %mul3A_559 = vector.broadcast %sub3A_230 : f32 to vector<16xf32>
          %mul3A_560 = arith.mulf %get3A_558, %mul3A_559 : vector<16xf32>
          %get3A_561 = arith.index_cast %add3A_256 : i32 to index
          %get3A_562 = arith.index_cast %add3A_553 : i32 to index
          %get3A_563 = arith.index_cast %add3A_262 : i32 to index
          %get3A_564 = tpu.vector_load %arg15[%get3A_561, %get3A_562, %get3A_563] {strides = array<i32>} : memref<9x17x24xf32, #tpu.memory_space<vmem>>, vector<1x1x16xf32>,
          %get3A_565 = vector.shape_cast %get3A_564 : vector<1x1x16xf32> to vector<16xf32>
          %mul3A_566 = vector.broadcast %sub3A_224 : f32 to vector<16xf32>
          %mul3A_567 = arith.mulf %get3A_565, %mul3A_566 : vector<16xf32>
          %add3A_568 = arith.addf %mul3A_560, %mul3A_567 : vector<16xf32>
          %get3A_569 = arith.index_cast %add3A_258 : i32 to index
          %get3A_570 = arith.index_cast %add3A_553 : i32 to index
          %get3A_571 = arith.index_cast %add3A_260 : i32 to index
          %get3A_572 = tpu.vector_load %arg15[%get3A_569, %get3A_570, %get3A_571] {strides = array<i32>} : memref<9x17x24xf32, #tpu.memory_space<vmem>>, vector<1x1x16xf32>,
          %get3A_573 = vector.shape_cast %get3A_572 : vector<1x1x16xf32> to vector<16xf32>
          %mul3A_574 = vector.broadcast %sub3A_230 : f32 to vector<16xf32>
          %mul3A_575 = arith.mulf %get3A_573, %mul3A_574 : vector<16xf32>
          %get3A_576 = arith.index_cast %add3A_258 : i32 to index
          %get3A_577 = arith.index_cast %add3A_553 : i32 to index
          %get3A_578 = arith.index_cast %add3A_262 : i32 to index
          %get3A_579 = tpu.vector_load %arg15[%get3A_576, %get3A_577, %get3A_578] {strides = array<i32>} : memref<9x17x24xf32, #tpu.memory_space<vmem>>, vector<1x1x16xf32>,
          %get3A_580 = vector.shape_cast %get3A_579 : vector<1x1x16xf32> to vector<16xf32>
          %mul3A_581 = vector.broadcast %sub3A_224 : f32 to vector<16xf32>
          %mul3A_582 = arith.mulf %get3A_580, %mul3A_581 : vector<16xf32>
          %add3A_583 = arith.addf %mul3A_575, %mul3A_582 : vector<16xf32>
          %mul3A_584 = vector.broadcast %mul3A_249 : f32 to vector<16xf32>
          %mul3A_585 = arith.mulf %add3A_568, %mul3A_584 : vector<16xf32>
          %mul3A_586 = vector.broadcast %mul3A_250 : f32 to vector<16xf32>
          %mul3A_587 = arith.mulf %add3A_583, %mul3A_586 : vector<16xf32>
          %add3A_588 = arith.addf %mul3A_585, %mul3A_587 : vector<16xf32>
          %add3A_589 = arith.constant 9 : i32
          %add3A_590 = arith.addi %add3A_589, %select_n3A_213 : i32
          %get3A_591 = arith.index_cast %add3A_256 : i32 to index
          %get3A_592 = arith.index_cast %add3A_590 : i32 to index
          %get3A_593 = arith.index_cast %add3A_260 : i32 to index
          %get3A_594 = tpu.vector_load %arg15[%get3A_591, %get3A_592, %get3A_593] {strides = array<i32>} : memref<9x17x24xf32, #tpu.memory_space<vmem>>, vector<1x1x16xf32>,
          %get3A_595 = vector.shape_cast %get3A_594 : vector<1x1x16xf32> to vector<16xf32>
          %mul3A_596 = vector.broadcast %sub3A_230 : f32 to vector<16xf32>
          %mul3A_597 = arith.mulf %get3A_595, %mul3A_596 : vector<16xf32>
          %get3A_598 = arith.index_cast %add3A_256 : i32 to index
          %get3A_599 = arith.index_cast %add3A_590 : i32 to index
          %get3A_600 = arith.index_cast %add3A_262 : i32 to index
          %get3A_601 = tpu.vector_load %arg15[%get3A_598, %get3A_599, %get3A_600] {strides = array<i32>} : memref<9x17x24xf32, #tpu.memory_space<vmem>>, vector<1x1x16xf32>,
          %get3A_602 = vector.shape_cast %get3A_601 : vector<1x1x16xf32> to vector<16xf32>
          %mul3A_603 = vector.broadcast %sub3A_224 : f32 to vector<16xf32>
          %mul3A_604 = arith.mulf %get3A_602, %mul3A_603 : vector<16xf32>
          %add3A_605 = arith.addf %mul3A_597, %mul3A_604 : vector<16xf32>
          %get3A_606 = arith.index_cast %add3A_258 : i32 to index
          %get3A_607 = arith.index_cast %add3A_590 : i32 to index
          %get3A_608 = arith.index_cast %add3A_260 : i32 to index
          %get3A_609 = tpu.vector_load %arg15[%get3A_606, %get3A_607, %get3A_608] {strides = array<i32>} : memref<9x17x24xf32, #tpu.memory_space<vmem>>, vector<1x1x16xf32>,
          %get3A_610 = vector.shape_cast %get3A_609 : vector<1x1x16xf32> to vector<16xf32>
          %mul3A_611 = vector.broadcast %sub3A_230 : f32 to vector<16xf32>
          %mul3A_612 = arith.mulf %get3A_610, %mul3A_611 : vector<16xf32>
          %get3A_613 = arith.index_cast %add3A_258 : i32 to index
          %get3A_614 = arith.index_cast %add3A_590 : i32 to index
          %get3A_615 = arith.index_cast %add3A_262 : i32 to index
          %get3A_616 = tpu.vector_load %arg15[%get3A_613, %get3A_614, %get3A_615] {strides = array<i32>} : memref<9x17x24xf32, #tpu.memory_space<vmem>>, vector<1x1x16xf32>,
          %get3A_617 = vector.shape_cast %get3A_616 : vector<1x1x16xf32> to vector<16xf32>
          %mul3A_618 = vector.broadcast %sub3A_224 : f32 to vector<16xf32>
          %mul3A_619 = arith.mulf %get3A_617, %mul3A_618 : vector<16xf32>
          %add3A_620 = arith.addf %mul3A_612, %mul3A_619 : vector<16xf32>
          %mul3A_621 = vector.broadcast %mul3A_249 : f32 to vector<16xf32>
          %mul3A_622 = arith.mulf %add3A_605, %mul3A_621 : vector<16xf32>
          %mul3A_623 = vector.broadcast %mul3A_250 : f32 to vector<16xf32>
          %mul3A_624 = arith.mulf %add3A_620, %mul3A_623 : vector<16xf32>
          %add3A_625 = arith.addf %mul3A_622, %mul3A_624 : vector<16xf32>
          %add3A_626 = arith.constant 10 : i32
          %add3A_627 = arith.addi %add3A_626, %select_n3A_213 : i32
          %get3A_628 = arith.index_cast %add3A_256 : i32 to index
          %get3A_629 = arith.index_cast %add3A_627 : i32 to index
          %get3A_630 = arith.index_cast %add3A_260 : i32 to index
          %get3A_631 = tpu.vector_load %arg15[%get3A_628, %get3A_629, %get3A_630] {strides = array<i32>} : memref<9x17x24xf32, #tpu.memory_space<vmem>>, vector<1x1x16xf32>,
          %get3A_632 = vector.shape_cast %get3A_631 : vector<1x1x16xf32> to vector<16xf32>
          %mul3A_633 = vector.broadcast %sub3A_230 : f32 to vector<16xf32>
          %mul3A_634 = arith.mulf %get3A_632, %mul3A_633 : vector<16xf32>
          %get3A_635 = arith.index_cast %add3A_256 : i32 to index
          %get3A_636 = arith.index_cast %add3A_627 : i32 to index
          %get3A_637 = arith.index_cast %add3A_262 : i32 to index
          %get3A_638 = tpu.vector_load %arg15[%get3A_635, %get3A_636, %get3A_637] {strides = array<i32>} : memref<9x17x24xf32, #tpu.memory_space<vmem>>, vector<1x1x16xf32>,
          %get3A_639 = vector.shape_cast %get3A_638 : vector<1x1x16xf32> to vector<16xf32>
          %mul3A_640 = vector.broadcast %sub3A_224 : f32 to vector<16xf32>
          %mul3A_641 = arith.mulf %get3A_639, %mul3A_640 : vector<16xf32>
          %add3A_642 = arith.addf %mul3A_634, %mul3A_641 : vector<16xf32>
          %get3A_643 = arith.index_cast %add3A_258 : i32 to index
          %get3A_644 = arith.index_cast %add3A_627 : i32 to index
          %get3A_645 = arith.index_cast %add3A_260 : i32 to index
          %get3A_646 = tpu.vector_load %arg15[%get3A_643, %get3A_644, %get3A_645] {strides = array<i32>} : memref<9x17x24xf32, #tpu.memory_space<vmem>>, vector<1x1x16xf32>,
          %get3A_647 = vector.shape_cast %get3A_646 : vector<1x1x16xf32> to vector<16xf32>
          %mul3A_648 = vector.broadcast %sub3A_230 : f32 to vector<16xf32>
          %mul3A_649 = arith.mulf %get3A_647, %mul3A_648 : vector<16xf32>
          %get3A_650 = arith.index_cast %add3A_258 : i32 to index
          %get3A_651 = arith.index_cast %add3A_627 : i32 to index
          %get3A_652 = arith.index_cast %add3A_262 : i32 to index
          %get3A_653 = tpu.vector_load %arg15[%get3A_650, %get3A_651, %get3A_652] {strides = array<i32>} : memref<9x17x24xf32, #tpu.memory_space<vmem>>, vector<1x1x16xf32>,
          %get3A_654 = vector.shape_cast %get3A_653 : vector<1x1x16xf32> to vector<16xf32>
          %mul3A_655 = vector.broadcast %sub3A_224 : f32 to vector<16xf32>
          %mul3A_656 = arith.mulf %get3A_654, %mul3A_655 : vector<16xf32>
          %add3A_657 = arith.addf %mul3A_649, %mul3A_656 : vector<16xf32>
          %mul3A_658 = vector.broadcast %mul3A_249 : f32 to vector<16xf32>
          %mul3A_659 = arith.mulf %add3A_642, %mul3A_658 : vector<16xf32>
          %mul3A_660 = vector.broadcast %mul3A_250 : f32 to vector<16xf32>
          %mul3A_661 = arith.mulf %add3A_657, %mul3A_660 : vector<16xf32>
          %add3A_662 = arith.addf %mul3A_659, %mul3A_661 : vector<16xf32>
          %add3A_663 = arith.constant 11 : i32
          %add3A_664 = arith.addi %add3A_663, %select_n3A_213 : i32
          %get3A_665 = arith.index_cast %add3A_256 : i32 to index
          %get3A_666 = arith.index_cast %add3A_664 : i32 to index
          %get3A_667 = arith.index_cast %add3A_260 : i32 to index
          %get3A_668 = tpu.vector_load %arg15[%get3A_665, %get3A_666, %get3A_667] {strides = array<i32>} : memref<9x17x24xf32, #tpu.memory_space<vmem>>, vector<1x1x16xf32>,
          %get3A_669 = vector.shape_cast %get3A_668 : vector<1x1x16xf32> to vector<16xf32>
          %mul3A_670 = vector.broadcast %sub3A_230 : f32 to vector<16xf32>
          %mul3A_671 = arith.mulf %get3A_669, %mul3A_670 : vector<16xf32>
          %get3A_672 = arith.index_cast %add3A_256 : i32 to index
          %get3A_673 = arith.index_cast %add3A_664 : i32 to index
          %get3A_674 = arith.index_cast %add3A_262 : i32 to index
          %get3A_675 = tpu.vector_load %arg15[%get3A_672, %get3A_673, %get3A_674] {strides = array<i32>} : memref<9x17x24xf32, #tpu.memory_space<vmem>>, vector<1x1x16xf32>,
          %get3A_676 = vector.shape_cast %get3A_675 : vector<1x1x16xf32> to vector<16xf32>
          %mul3A_677 = vector.broadcast %sub3A_224 : f32 to vector<16xf32>
          %mul3A_678 = arith.mulf %get3A_676, %mul3A_677 : vector<16xf32>
          %add3A_679 = arith.addf %mul3A_671, %mul3A_678 : vector<16xf32>
          %get3A_680 = arith.index_cast %add3A_258 : i32 to index
          %get3A_681 = arith.index_cast %add3A_664 : i32 to index
          %get3A_682 = arith.index_cast %add3A_260 : i32 to index
          %get3A_683 = tpu.vector_load %arg15[%get3A_680, %get3A_681, %get3A_682] {strides = array<i32>} : memref<9x17x24xf32, #tpu.memory_space<vmem>>, vector<1x1x16xf32>,
          %get3A_684 = vector.shape_cast %get3A_683 : vector<1x1x16xf32> to vector<16xf32>
          %mul3A_685 = vector.broadcast %sub3A_230 : f32 to vector<16xf32>
          %mul3A_686 = arith.mulf %get3A_684, %mul3A_685 : vector<16xf32>
          %get3A_687 = arith.index_cast %add3A_258 : i32 to index
          %get3A_688 = arith.index_cast %add3A_664 : i32 to index
          %get3A_689 = arith.index_cast %add3A_262 : i32 to index
          %get3A_690 = tpu.vector_load %arg15[%get3A_687, %get3A_688, %get3A_689] {strides = array<i32>} : memref<9x17x24xf32, #tpu.memory_space<vmem>>, vector<1x1x16xf32>,
          %get3A_691 = vector.shape_cast %get3A_690 : vector<1x1x16xf32> to vector<16xf32>
          %mul3A_692 = vector.broadcast %sub3A_224 : f32 to vector<16xf32>
          %mul3A_693 = arith.mulf %get3A_691, %mul3A_692 : vector<16xf32>
          %add3A_694 = arith.addf %mul3A_686, %mul3A_693 : vector<16xf32>
          %mul3A_695 = vector.broadcast %mul3A_249 : f32 to vector<16xf32>
          %mul3A_696 = arith.mulf %add3A_679, %mul3A_695 : vector<16xf32>
          %mul3A_697 = vector.broadcast %mul3A_250 : f32 to vector<16xf32>
          %mul3A_698 = arith.mulf %add3A_694, %mul3A_697 : vector<16xf32>
          %add3A_699 = arith.addf %mul3A_696, %mul3A_698 : vector<16xf32>
          %add3A_700 = arith.constant 12 : i32
          %add3A_701 = arith.addi %add3A_700, %select_n3A_213 : i32
          %get3A_702 = arith.index_cast %add3A_256 : i32 to index
          %get3A_703 = arith.index_cast %add3A_701 : i32 to index
          %get3A_704 = arith.index_cast %add3A_260 : i32 to index
          %get3A_705 = tpu.vector_load %arg15[%get3A_702, %get3A_703, %get3A_704] {strides = array<i32>} : memref<9x17x24xf32, #tpu.memory_space<vmem>>, vector<1x1x16xf32>,
          %get3A_706 = vector.shape_cast %get3A_705 : vector<1x1x16xf32> to vector<16xf32>
          %mul3A_707 = vector.broadcast %sub3A_230 : f32 to vector<16xf32>
          %mul3A_708 = arith.mulf %get3A_706, %mul3A_707 : vector<16xf32>
          %get3A_709 = arith.index_cast %add3A_256 : i32 to index
          %get3A_710 = arith.index_cast %add3A_701 : i32 to index
          %get3A_711 = arith.index_cast %add3A_262 : i32 to index
          %get3A_712 = tpu.vector_load %arg15[%get3A_709, %get3A_710, %get3A_711] {strides = array<i32>} : memref<9x17x24xf32, #tpu.memory_space<vmem>>, vector<1x1x16xf32>,
          %get3A_713 = vector.shape_cast %get3A_712 : vector<1x1x16xf32> to vector<16xf32>
          %mul3A_714 = vector.broadcast %sub3A_224 : f32 to vector<16xf32>
          %mul3A_715 = arith.mulf %get3A_713, %mul3A_714 : vector<16xf32>
          %add3A_716 = arith.addf %mul3A_708, %mul3A_715 : vector<16xf32>
          %get3A_717 = arith.index_cast %add3A_258 : i32 to index
          %get3A_718 = arith.index_cast %add3A_701 : i32 to index
          %get3A_719 = arith.index_cast %add3A_260 : i32 to index
          %get3A_720 = tpu.vector_load %arg15[%get3A_717, %get3A_718, %get3A_719] {strides = array<i32>} : memref<9x17x24xf32, #tpu.memory_space<vmem>>, vector<1x1x16xf32>,
          %get3A_721 = vector.shape_cast %get3A_720 : vector<1x1x16xf32> to vector<16xf32>
          %mul3A_722 = vector.broadcast %sub3A_230 : f32 to vector<16xf32>
          %mul3A_723 = arith.mulf %get3A_721, %mul3A_722 : vector<16xf32>
          %get3A_724 = arith.index_cast %add3A_258 : i32 to index
          %get3A_725 = arith.index_cast %add3A_701 : i32 to index
          %get3A_726 = arith.index_cast %add3A_262 : i32 to index
          %get3A_727 = tpu.vector_load %arg15[%get3A_724, %get3A_725, %get3A_726] {strides = array<i32>} : memref<9x17x24xf32, #tpu.memory_space<vmem>>, vector<1x1x16xf32>,
          %get3A_728 = vector.shape_cast %get3A_727 : vector<1x1x16xf32> to vector<16xf32>
          %mul3A_729 = vector.broadcast %sub3A_224 : f32 to vector<16xf32>
          %mul3A_730 = arith.mulf %get3A_728, %mul3A_729 : vector<16xf32>
          %add3A_731 = arith.addf %mul3A_723, %mul3A_730 : vector<16xf32>
          %mul3A_732 = vector.broadcast %mul3A_249 : f32 to vector<16xf32>
          %mul3A_733 = arith.mulf %add3A_716, %mul3A_732 : vector<16xf32>
          %mul3A_734 = vector.broadcast %mul3A_250 : f32 to vector<16xf32>
          %mul3A_735 = arith.mulf %add3A_731, %mul3A_734 : vector<16xf32>
          %add3A_736 = arith.addf %mul3A_733, %mul3A_735 : vector<16xf32>
          %add3A_737 = arith.constant 13 : i32
          %add3A_738 = arith.addi %add3A_737, %select_n3A_213 : i32
          %get3A_739 = arith.index_cast %add3A_256 : i32 to index
          %get3A_740 = arith.index_cast %add3A_738 : i32 to index
          %get3A_741 = arith.index_cast %add3A_260 : i32 to index
          %get3A_742 = tpu.vector_load %arg15[%get3A_739, %get3A_740, %get3A_741] {strides = array<i32>} : memref<9x17x24xf32, #tpu.memory_space<vmem>>, vector<1x1x16xf32>,
          %get3A_743 = vector.shape_cast %get3A_742 : vector<1x1x16xf32> to vector<16xf32>
          %mul3A_744 = vector.broadcast %sub3A_230 : f32 to vector<16xf32>
          %mul3A_745 = arith.mulf %get3A_743, %mul3A_744 : vector<16xf32>
          %get3A_746 = arith.index_cast %add3A_256 : i32 to index
          %get3A_747 = arith.index_cast %add3A_738 : i32 to index
          %get3A_748 = arith.index_cast %add3A_262 : i32 to index
          %get3A_749 = tpu.vector_load %arg15[%get3A_746, %get3A_747, %get3A_748] {strides = array<i32>} : memref<9x17x24xf32, #tpu.memory_space<vmem>>, vector<1x1x16xf32>,
          %get3A_750 = vector.shape_cast %get3A_749 : vector<1x1x16xf32> to vector<16xf32>
          %mul3A_751 = vector.broadcast %sub3A_224 : f32 to vector<16xf32>
          %mul3A_752 = arith.mulf %get3A_750, %mul3A_751 : vector<16xf32>
          %add3A_753 = arith.addf %mul3A_745, %mul3A_752 : vector<16xf32>
          %get3A_754 = arith.index_cast %add3A_258 : i32 to index
          %get3A_755 = arith.index_cast %add3A_738 : i32 to index
          %get3A_756 = arith.index_cast %add3A_260 : i32 to index
          %get3A_757 = tpu.vector_load %arg15[%get3A_754, %get3A_755, %get3A_756] {strides = array<i32>} : memref<9x17x24xf32, #tpu.memory_space<vmem>>, vector<1x1x16xf32>,
          %get3A_758 = vector.shape_cast %get3A_757 : vector<1x1x16xf32> to vector<16xf32>
          %mul3A_759 = vector.broadcast %sub3A_230 : f32 to vector<16xf32>
          %mul3A_760 = arith.mulf %get3A_758, %mul3A_759 : vector<16xf32>
          %get3A_761 = arith.index_cast %add3A_258 : i32 to index
          %get3A_762 = arith.index_cast %add3A_738 : i32 to index
          %get3A_763 = arith.index_cast %add3A_262 : i32 to index
          %get3A_764 = tpu.vector_load %arg15[%get3A_761, %get3A_762, %get3A_763] {strides = array<i32>} : memref<9x17x24xf32, #tpu.memory_space<vmem>>, vector<1x1x16xf32>,
          %get3A_765 = vector.shape_cast %get3A_764 : vector<1x1x16xf32> to vector<16xf32>
          %mul3A_766 = vector.broadcast %sub3A_224 : f32 to vector<16xf32>
          %mul3A_767 = arith.mulf %get3A_765, %mul3A_766 : vector<16xf32>
          %add3A_768 = arith.addf %mul3A_760, %mul3A_767 : vector<16xf32>
          %mul3A_769 = vector.broadcast %mul3A_249 : f32 to vector<16xf32>
          %mul3A_770 = arith.mulf %add3A_753, %mul3A_769 : vector<16xf32>
          %mul3A_771 = vector.broadcast %mul3A_250 : f32 to vector<16xf32>
          %mul3A_772 = arith.mulf %add3A_768, %mul3A_771 : vector<16xf32>
          %add3A_773 = arith.addf %mul3A_770, %mul3A_772 : vector<16xf32>
          %add3A_774 = arith.constant 14 : i32
          %add3A_775 = arith.addi %add3A_774, %select_n3A_213 : i32
          %get3A_776 = arith.index_cast %add3A_256 : i32 to index
          %get3A_777 = arith.index_cast %add3A_775 : i32 to index
          %get3A_778 = arith.index_cast %add3A_260 : i32 to index
          %get3A_779 = tpu.vector_load %arg15[%get3A_776, %get3A_777, %get3A_778] {strides = array<i32>} : memref<9x17x24xf32, #tpu.memory_space<vmem>>, vector<1x1x16xf32>,
          %get3A_780 = vector.shape_cast %get3A_779 : vector<1x1x16xf32> to vector<16xf32>
          %mul3A_781 = vector.broadcast %sub3A_230 : f32 to vector<16xf32>
          %mul3A_782 = arith.mulf %get3A_780, %mul3A_781 : vector<16xf32>
          %get3A_783 = arith.index_cast %add3A_256 : i32 to index
          %get3A_784 = arith.index_cast %add3A_775 : i32 to index
          %get3A_785 = arith.index_cast %add3A_262 : i32 to index
          %get3A_786 = tpu.vector_load %arg15[%get3A_783, %get3A_784, %get3A_785] {strides = array<i32>} : memref<9x17x24xf32, #tpu.memory_space<vmem>>, vector<1x1x16xf32>,
          %get3A_787 = vector.shape_cast %get3A_786 : vector<1x1x16xf32> to vector<16xf32>
          %mul3A_788 = vector.broadcast %sub3A_224 : f32 to vector<16xf32>
          %mul3A_789 = arith.mulf %get3A_787, %mul3A_788 : vector<16xf32>
          %add3A_790 = arith.addf %mul3A_782, %mul3A_789 : vector<16xf32>
          %get3A_791 = arith.index_cast %add3A_258 : i32 to index
          %get3A_792 = arith.index_cast %add3A_775 : i32 to index
          %get3A_793 = arith.index_cast %add3A_260 : i32 to index
          %get3A_794 = tpu.vector_load %arg15[%get3A_791, %get3A_792, %get3A_793] {strides = array<i32>} : memref<9x17x24xf32, #tpu.memory_space<vmem>>, vector<1x1x16xf32>,
          %get3A_795 = vector.shape_cast %get3A_794 : vector<1x1x16xf32> to vector<16xf32>
          %mul3A_796 = vector.broadcast %sub3A_230 : f32 to vector<16xf32>
          %mul3A_797 = arith.mulf %get3A_795, %mul3A_796 : vector<16xf32>
          %get3A_798 = arith.index_cast %add3A_258 : i32 to index
          %get3A_799 = arith.index_cast %add3A_775 : i32 to index
          %get3A_800 = arith.index_cast %add3A_262 : i32 to index
          %get3A_801 = tpu.vector_load %arg15[%get3A_798, %get3A_799, %get3A_800] {strides = array<i32>} : memref<9x17x24xf32, #tpu.memory_space<vmem>>, vector<1x1x16xf32>,
          %get3A_802 = vector.shape_cast %get3A_801 : vector<1x1x16xf32> to vector<16xf32>
          %mul3A_803 = vector.broadcast %sub3A_224 : f32 to vector<16xf32>
          %mul3A_804 = arith.mulf %get3A_802, %mul3A_803 : vector<16xf32>
          %add3A_805 = arith.addf %mul3A_797, %mul3A_804 : vector<16xf32>
          %mul3A_806 = vector.broadcast %mul3A_249 : f32 to vector<16xf32>
          %mul3A_807 = arith.mulf %add3A_790, %mul3A_806 : vector<16xf32>
          %mul3A_808 = vector.broadcast %mul3A_250 : f32 to vector<16xf32>
          %mul3A_809 = arith.mulf %add3A_805, %mul3A_808 : vector<16xf32>
          %add3A_810 = arith.addf %mul3A_807, %mul3A_809 : vector<16xf32>
          %add3A_811 = arith.constant 15 : i32
          %add3A_812 = arith.addi %add3A_811, %select_n3A_213 : i32
          %get3A_813 = arith.index_cast %add3A_256 : i32 to index
          %get3A_814 = arith.index_cast %add3A_812 : i32 to index
          %get3A_815 = arith.index_cast %add3A_260 : i32 to index
          %get3A_816 = tpu.vector_load %arg15[%get3A_813, %get3A_814, %get3A_815] {strides = array<i32>} : memref<9x17x24xf32, #tpu.memory_space<vmem>>, vector<1x1x16xf32>,
          %get3A_817 = vector.shape_cast %get3A_816 : vector<1x1x16xf32> to vector<16xf32>
          %mul3A_818 = vector.broadcast %sub3A_230 : f32 to vector<16xf32>
          %mul3A_819 = arith.mulf %get3A_817, %mul3A_818 : vector<16xf32>
          %get3A_820 = arith.index_cast %add3A_256 : i32 to index
          %get3A_821 = arith.index_cast %add3A_812 : i32 to index
          %get3A_822 = arith.index_cast %add3A_262 : i32 to index
          %get3A_823 = tpu.vector_load %arg15[%get3A_820, %get3A_821, %get3A_822] {strides = array<i32>} : memref<9x17x24xf32, #tpu.memory_space<vmem>>, vector<1x1x16xf32>,
          %get3A_824 = vector.shape_cast %get3A_823 : vector<1x1x16xf32> to vector<16xf32>
          %mul3A_825 = vector.broadcast %sub3A_224 : f32 to vector<16xf32>
          %mul3A_826 = arith.mulf %get3A_824, %mul3A_825 : vector<16xf32>
          %add3A_827 = arith.addf %mul3A_819, %mul3A_826 : vector<16xf32>
          %get3A_828 = arith.index_cast %add3A_258 : i32 to index
          %get3A_829 = arith.index_cast %add3A_812 : i32 to index
          %get3A_830 = arith.index_cast %add3A_260 : i32 to index
          %get3A_831 = tpu.vector_load %arg15[%get3A_828, %get3A_829, %get3A_830] {strides = array<i32>} : memref<9x17x24xf32, #tpu.memory_space<vmem>>, vector<1x1x16xf32>,
          %get3A_832 = vector.shape_cast %get3A_831 : vector<1x1x16xf32> to vector<16xf32>
          %mul3A_833 = vector.broadcast %sub3A_230 : f32 to vector<16xf32>
          %mul3A_834 = arith.mulf %get3A_832, %mul3A_833 : vector<16xf32>
          %get3A_835 = arith.index_cast %add3A_258 : i32 to index
          %get3A_836 = arith.index_cast %add3A_812 : i32 to index
          %get3A_837 = arith.index_cast %add3A_262 : i32 to index
          %get3A_838 = tpu.vector_load %arg15[%get3A_835, %get3A_836, %get3A_837] {strides = array<i32>} : memref<9x17x24xf32, #tpu.memory_space<vmem>>, vector<1x1x16xf32>,
          %get3A_839 = vector.shape_cast %get3A_838 : vector<1x1x16xf32> to vector<16xf32>
          %mul3A_840 = vector.broadcast %sub3A_224 : f32 to vector<16xf32>
          %mul3A_841 = arith.mulf %get3A_839, %mul3A_840 : vector<16xf32>
          %add3A_842 = arith.addf %mul3A_834, %mul3A_841 : vector<16xf32>
          %mul3A_843 = vector.broadcast %mul3A_249 : f32 to vector<16xf32>
          %mul3A_844 = arith.mulf %add3A_827, %mul3A_843 : vector<16xf32>
          %mul3A_845 = vector.broadcast %mul3A_250 : f32 to vector<16xf32>
          %mul3A_846 = arith.mulf %add3A_842, %mul3A_845 : vector<16xf32>
          %add3A_847 = arith.addf %mul3A_844, %mul3A_846 : vector<16xf32>
          %add3A_848 = arith.constant 16 : i32
          %add3A_849 = arith.addi %add3A_848, %select_n3A_213 : i32
          %get3A_850 = arith.index_cast %add3A_256 : i32 to index
          %get3A_851 = arith.index_cast %add3A_849 : i32 to index
          %get3A_852 = arith.index_cast %add3A_260 : i32 to index
          %get3A_853 = tpu.vector_load %arg15[%get3A_850, %get3A_851, %get3A_852] {strides = array<i32>} : memref<9x17x24xf32, #tpu.memory_space<vmem>>, vector<1x1x16xf32>,
          %get3A_854 = vector.shape_cast %get3A_853 : vector<1x1x16xf32> to vector<16xf32>
          %mul3A_855 = vector.broadcast %sub3A_230 : f32 to vector<16xf32>
          %mul3A_856 = arith.mulf %get3A_854, %mul3A_855 : vector<16xf32>
          %get3A_857 = arith.index_cast %add3A_256 : i32 to index
          %get3A_858 = arith.index_cast %add3A_849 : i32 to index
          %get3A_859 = arith.index_cast %add3A_262 : i32 to index
          %get3A_860 = tpu.vector_load %arg15[%get3A_857, %get3A_858, %get3A_859] {strides = array<i32>} : memref<9x17x24xf32, #tpu.memory_space<vmem>>, vector<1x1x16xf32>,
          %get3A_861 = vector.shape_cast %get3A_860 : vector<1x1x16xf32> to vector<16xf32>
          %mul3A_862 = vector.broadcast %sub3A_224 : f32 to vector<16xf32>
          %mul3A_863 = arith.mulf %get3A_861, %mul3A_862 : vector<16xf32>
          %add3A_864 = arith.addf %mul3A_856, %mul3A_863 : vector<16xf32>
          %get3A_865 = arith.index_cast %add3A_258 : i32 to index
          %get3A_866 = arith.index_cast %add3A_849 : i32 to index
          %get3A_867 = arith.index_cast %add3A_260 : i32 to index
          %get3A_868 = tpu.vector_load %arg15[%get3A_865, %get3A_866, %get3A_867] {strides = array<i32>} : memref<9x17x24xf32, #tpu.memory_space<vmem>>, vector<1x1x16xf32>,
          %get3A_869 = vector.shape_cast %get3A_868 : vector<1x1x16xf32> to vector<16xf32>
          %mul3A_870 = vector.broadcast %sub3A_230 : f32 to vector<16xf32>
          %mul3A_871 = arith.mulf %get3A_869, %mul3A_870 : vector<16xf32>
          %get3A_872 = arith.index_cast %add3A_258 : i32 to index
          %get3A_873 = arith.index_cast %add3A_849 : i32 to index
          %get3A_874 = arith.index_cast %add3A_262 : i32 to index
          %get3A_875 = tpu.vector_load %arg15[%get3A_872, %get3A_873, %get3A_874] {strides = array<i32>} : memref<9x17x24xf32, #tpu.memory_space<vmem>>, vector<1x1x16xf32>,
          %get3A_876 = vector.shape_cast %get3A_875 : vector<1x1x16xf32> to vector<16xf32>
          %mul3A_877 = vector.broadcast %sub3A_224 : f32 to vector<16xf32>
          %mul3A_878 = arith.mulf %get3A_876, %mul3A_877 : vector<16xf32>
          %add3A_879 = arith.addf %mul3A_871, %mul3A_878 : vector<16xf32>
          %mul3A_880 = vector.broadcast %mul3A_249 : f32 to vector<16xf32>
          %mul3A_881 = arith.mulf %add3A_864, %mul3A_880 : vector<16xf32>
          %mul3A_882 = vector.broadcast %mul3A_250 : f32 to vector<16xf32>
          %mul3A_883 = arith.mulf %add3A_879, %mul3A_882 : vector<16xf32>
          %add3A_884 = arith.addf %mul3A_881, %mul3A_883 : vector<16xf32>
          %sub3A_885 = arith.constant 7 : i32
          %sub3A_886 = arith.subi %squeeze3A_177, %sub3A_885 : i32
          %mul3A_887 = arith.constant 512 : i32
          %mul3A_888 = arith.muli %sub3A_886, %mul3A_887 : i32
          %add3A_889 = arith.addi %mul3A_268, %mul3A_888 : i32
          %add3A_890 = vector.broadcast %add3A_889 : i32 to vector<16xi32>
          %add3A_891 = arith.addi %add3A_890, %add3A_272 : vector<16xi32>
          %select_n3A_892 = arith.select %and3A_282, %add3A_891, %add3A_9 : vector<16xi1>, vector<16xi32>
          %and3A_893 = arith.constant 1 : i32
          %and3A_894 = arith.andi %while3A_167, %and3A_893 : i32
          %mul3A_895 = arith.constant 16 : i32
          %mul3A_896 = arith.muli %while3A_166, %mul3A_895 : i32
          %mul3A_897 = vector.broadcast %sub3A_228 : f32 to vector<16xf32>
          %mul3A_898 = arith.mulf %add3A_329, %mul3A_897 : vector<16xf32>
          %mul3A_899 = vector.broadcast %sub3A_222 : f32 to vector<16xf32>
          %mul3A_900 = arith.mulf %add3A_366, %mul3A_899 : vector<16xf32>
          %add3A_901 = arith.addf %mul3A_898, %mul3A_900 : vector<16xf32>
          %le3A = arith.constant 0 : i32
          %le3A_902 = arith.cmpi sle, %max3A_286, %le3A : i32
          %ge3A_903 = arith.constant 0 : i32
          %ge3A_904 = arith.cmpi sge, %min3A_292, %ge3A_903 : i32
          %and3A_905 = arith.andi %le3A_902, %ge3A_904 : i1
          %add3A_906 = arith.constant 0 : i32
          %add3A_907 = vector.broadcast %add3A_906 : i32 to vector<16xi32>
          %add3A_908 = arith.addi %select_n3A_892, %add3A_907 : vector<16xi32>
          %select_n3A_909 = arith.select %and3A_905, %add3A_908, %add3A_9 : vector<16xi32>
          %mul3A_910 = vector.broadcast %sub3A_228 : f32 to vector<16xf32>
          %mul3A_911 = arith.mulf %add3A_366, %mul3A_910 : vector<16xf32>
          %mul3A_912 = vector.broadcast %sub3A_222 : f32 to vector<16xf32>
          %mul3A_913 = arith.mulf %add3A_403, %mul3A_912 : vector<16xf32>
          %add3A_914 = arith.addf %mul3A_911, %mul3A_913 : vector<16xf32>
          %le3A_915 = arith.constant 1 : i32
          %le3A_916 = arith.cmpi sle, %max3A_286, %le3A_915 : i32
          %ge3A_917 = arith.constant 1 : i32
          %ge3A_918 = arith.cmpi sge, %min3A_292, %ge3A_917 : i32
          %and3A_919 = arith.andi %le3A_916, %ge3A_918 : i1
          %add3A_920 = arith.constant 512 : i32
          %add3A_921 = vector.broadcast %add3A_920 : i32 to vector<16xi32>
          %add3A_922 = arith.addi %select_n3A_892, %add3A_921 : vector<16xi32>
          %select_n3A_923 = arith.select %and3A_919, %add3A_922, %add3A_9 : vector<16xi32>
          %mul3A_924 = vector.broadcast %sub3A_228 : f32 to vector<16xf32>
          %mul3A_925 = arith.mulf %add3A_403, %mul3A_924 : vector<16xf32>
          %mul3A_926 = vector.broadcast %sub3A_222 : f32 to vector<16xf32>
          %mul3A_927 = arith.mulf %add3A_440, %mul3A_926 : vector<16xf32>
          %add3A_928 = arith.addf %mul3A_925, %mul3A_927 : vector<16xf32>
          %le3A_929 = arith.constant 2 : i32
          %le3A_930 = arith.cmpi sle, %max3A_286, %le3A_929 : i32
          %ge3A_931 = arith.constant 2 : i32
          %ge3A_932 = arith.cmpi sge, %min3A_292, %ge3A_931 : i32
          %and3A_933 = arith.andi %le3A_930, %ge3A_932 : i1
          %add3A_934 = arith.constant 1024 : i32
          %add3A_935 = vector.broadcast %add3A_934 : i32 to vector<16xi32>
          %add3A_936 = arith.addi %select_n3A_892, %add3A_935 : vector<16xi32>
          %select_n3A_937 = arith.select %and3A_933, %add3A_936, %add3A_9 : vector<16xi32>
          %mul3A_938 = vector.broadcast %sub3A_228 : f32 to vector<16xf32>
          %mul3A_939 = arith.mulf %add3A_440, %mul3A_938 : vector<16xf32>
          %mul3A_940 = vector.broadcast %sub3A_222 : f32 to vector<16xf32>
          %mul3A_941 = arith.mulf %add3A_477, %mul3A_940 : vector<16xf32>
          %add3A_942 = arith.addf %mul3A_939, %mul3A_941 : vector<16xf32>
          %le3A_943 = arith.constant 3 : i32
          %le3A_944 = arith.cmpi sle, %max3A_286, %le3A_943 : i32
          %ge3A_945 = arith.constant 3 : i32
          %ge3A_946 = arith.cmpi sge, %min3A_292, %ge3A_945 : i32
          %and3A_947 = arith.andi %le3A_944, %ge3A_946 : i1
          %add3A_948 = arith.constant 1536 : i32
          %add3A_949 = vector.broadcast %add3A_948 : i32 to vector<16xi32>
          %add3A_950 = arith.addi %select_n3A_892, %add3A_949 : vector<16xi32>
          %select_n3A_951 = arith.select %and3A_947, %add3A_950, %add3A_9 : vector<16xi32>
          %mul3A_952 = vector.broadcast %sub3A_228 : f32 to vector<16xf32>
          %mul3A_953 = arith.mulf %add3A_477, %mul3A_952 : vector<16xf32>
          %mul3A_954 = vector.broadcast %sub3A_222 : f32 to vector<16xf32>
          %mul3A_955 = arith.mulf %add3A_514, %mul3A_954 : vector<16xf32>
          %add3A_956 = arith.addf %mul3A_953, %mul3A_955 : vector<16xf32>
          %le3A_957 = arith.constant 4 : i32
          %le3A_958 = arith.cmpi sle, %max3A_286, %le3A_957 : i32
          %ge3A_959 = arith.constant 4 : i32
          %ge3A_960 = arith.cmpi sge, %min3A_292, %ge3A_959 : i32
          %and3A_961 = arith.andi %le3A_958, %ge3A_960 : i1
          %add3A_962 = arith.constant 2048 : i32
          %add3A_963 = vector.broadcast %add3A_962 : i32 to vector<16xi32>
          %add3A_964 = arith.addi %select_n3A_892, %add3A_963 : vector<16xi32>
          %select_n3A_965 = arith.select %and3A_961, %add3A_964, %add3A_9 : vector<16xi32>
          %mul3A_966 = vector.broadcast %sub3A_228 : f32 to vector<16xf32>
          %mul3A_967 = arith.mulf %add3A_514, %mul3A_966 : vector<16xf32>
          %mul3A_968 = vector.broadcast %sub3A_222 : f32 to vector<16xf32>
          %mul3A_969 = arith.mulf %add3A_551, %mul3A_968 : vector<16xf32>
          %add3A_970 = arith.addf %mul3A_967, %mul3A_969 : vector<16xf32>
          %le3A_971 = arith.constant 5 : i32
          %le3A_972 = arith.cmpi sle, %max3A_286, %le3A_971 : i32
          %ge3A_973 = arith.constant 5 : i32
          %ge3A_974 = arith.cmpi sge, %min3A_292, %ge3A_973 : i32
          %and3A_975 = arith.andi %le3A_972, %ge3A_974 : i1
          %add3A_976 = arith.constant 2560 : i32
          %add3A_977 = vector.broadcast %add3A_976 : i32 to vector<16xi32>
          %add3A_978 = arith.addi %select_n3A_892, %add3A_977 : vector<16xi32>
          %select_n3A_979 = arith.select %and3A_975, %add3A_978, %add3A_9 : vector<16xi32>
          %mul3A_980 = vector.broadcast %sub3A_228 : f32 to vector<16xf32>
          %mul3A_981 = arith.mulf %add3A_551, %mul3A_980 : vector<16xf32>
          %mul3A_982 = vector.broadcast %sub3A_222 : f32 to vector<16xf32>
          %mul3A_983 = arith.mulf %add3A_588, %mul3A_982 : vector<16xf32>
          %add3A_984 = arith.addf %mul3A_981, %mul3A_983 : vector<16xf32>
          %le3A_985 = arith.constant 6 : i32
          %le3A_986 = arith.cmpi sle, %max3A_286, %le3A_985 : i32
          %ge3A_987 = arith.constant 6 : i32
          %ge3A_988 = arith.cmpi sge, %min3A_292, %ge3A_987 : i32
          %and3A_989 = arith.andi %le3A_986, %ge3A_988 : i1
          %add3A_990 = arith.constant 3072 : i32
          %add3A_991 = vector.broadcast %add3A_990 : i32 to vector<16xi32>
          %add3A_992 = arith.addi %select_n3A_892, %add3A_991 : vector<16xi32>
          %select_n3A_993 = arith.select %and3A_989, %add3A_992, %add3A_9 : vector<16xi32>
          %mul3A_994 = vector.broadcast %sub3A_228 : f32 to vector<16xf32>
          %mul3A_995 = arith.mulf %add3A_588, %mul3A_994 : vector<16xf32>
          %mul3A_996 = vector.broadcast %sub3A_222 : f32 to vector<16xf32>
          %mul3A_997 = arith.mulf %add3A_625, %mul3A_996 : vector<16xf32>
          %add3A_998 = arith.addf %mul3A_995, %mul3A_997 : vector<16xf32>
          %le3A_999 = arith.constant 7 : i32
          %le3A_1000 = arith.cmpi sle, %max3A_286, %le3A_999 : i32
          %ge3A_1001 = arith.constant 7 : i32
          %ge3A_1002 = arith.cmpi sge, %min3A_292, %ge3A_1001 : i32
          %and3A_1003 = arith.andi %le3A_1000, %ge3A_1002 : i1
          %add3A_1004 = arith.constant 3584 : i32
          %add3A_1005 = vector.broadcast %add3A_1004 : i32 to vector<16xi32>
          %add3A_1006 = arith.addi %select_n3A_892, %add3A_1005 : vector<16xi32>
          %select_n3A_1007 = arith.select %and3A_1003, %add3A_1006, %add3A_9 : vector<16xi32>
          %mul3A_1008 = vector.broadcast %sub3A_228 : f32 to vector<16xf32>
          %mul3A_1009 = arith.mulf %add3A_625, %mul3A_1008 : vector<16xf32>
          %mul3A_1010 = vector.broadcast %sub3A_222 : f32 to vector<16xf32>
          %mul3A_1011 = arith.mulf %add3A_662, %mul3A_1010 : vector<16xf32>
          %add3A_1012 = arith.addf %mul3A_1009, %mul3A_1011 : vector<16xf32>
          %le3A_1013 = arith.constant 8 : i32
          %le3A_1014 = arith.cmpi sle, %max3A_286, %le3A_1013 : i32
          %ge3A_1015 = arith.constant 8 : i32
          %ge3A_1016 = arith.cmpi sge, %min3A_292, %ge3A_1015 : i32
          %and3A_1017 = arith.andi %le3A_1014, %ge3A_1016 : i1
          %add3A_1018 = arith.constant 4096 : i32
          %add3A_1019 = vector.broadcast %add3A_1018 : i32 to vector<16xi32>
          %add3A_1020 = arith.addi %select_n3A_892, %add3A_1019 : vector<16xi32>
          %select_n3A_1021 = arith.select %and3A_1017, %add3A_1020, %add3A_9 : vector<16xi32>
          %mul3A_1022 = vector.broadcast %sub3A_228 : f32 to vector<16xf32>
          %mul3A_1023 = arith.mulf %add3A_662, %mul3A_1022 : vector<16xf32>
          %mul3A_1024 = vector.broadcast %sub3A_222 : f32 to vector<16xf32>
          %mul3A_1025 = arith.mulf %add3A_699, %mul3A_1024 : vector<16xf32>
          %add3A_1026 = arith.addf %mul3A_1023, %mul3A_1025 : vector<16xf32>
          %le3A_1027 = arith.constant 9 : i32
          %le3A_1028 = arith.cmpi sle, %max3A_286, %le3A_1027 : i32
          %ge3A_1029 = arith.constant 9 : i32
          %ge3A_1030 = arith.cmpi sge, %min3A_292, %ge3A_1029 : i32
          %and3A_1031 = arith.andi %le3A_1028, %ge3A_1030 : i1
          %add3A_1032 = arith.constant 4608 : i32
          %add3A_1033 = vector.broadcast %add3A_1032 : i32 to vector<16xi32>
          %add3A_1034 = arith.addi %select_n3A_892, %add3A_1033 : vector<16xi32>
          %select_n3A_1035 = arith.select %and3A_1031, %add3A_1034, %add3A_9 : vector<16xi32>
          %mul3A_1036 = vector.broadcast %sub3A_228 : f32 to vector<16xf32>
          %mul3A_1037 = arith.mulf %add3A_699, %mul3A_1036 : vector<16xf32>
          %mul3A_1038 = vector.broadcast %sub3A_222 : f32 to vector<16xf32>
          %mul3A_1039 = arith.mulf %add3A_736, %mul3A_1038 : vector<16xf32>
          %add3A_1040 = arith.addf %mul3A_1037, %mul3A_1039 : vector<16xf32>
          %le3A_1041 = arith.constant 10 : i32
          %le3A_1042 = arith.cmpi sle, %max3A_286, %le3A_1041 : i32
          %ge3A_1043 = arith.constant 10 : i32
          %ge3A_1044 = arith.cmpi sge, %min3A_292, %ge3A_1043 : i32
          %and3A_1045 = arith.andi %le3A_1042, %ge3A_1044 : i1
          %add3A_1046 = arith.constant 5120 : i32
          %add3A_1047 = vector.broadcast %add3A_1046 : i32 to vector<16xi32>
          %add3A_1048 = arith.addi %select_n3A_892, %add3A_1047 : vector<16xi32>
          %select_n3A_1049 = arith.select %and3A_1045, %add3A_1048, %add3A_9 : vector<16xi32>
          %mul3A_1050 = vector.broadcast %sub3A_228 : f32 to vector<16xf32>
          %mul3A_1051 = arith.mulf %add3A_736, %mul3A_1050 : vector<16xf32>
          %mul3A_1052 = vector.broadcast %sub3A_222 : f32 to vector<16xf32>
          %mul3A_1053 = arith.mulf %add3A_773, %mul3A_1052 : vector<16xf32>
          %add3A_1054 = arith.addf %mul3A_1051, %mul3A_1053 : vector<16xf32>
          %le3A_1055 = arith.constant 11 : i32
          %le3A_1056 = arith.cmpi sle, %max3A_286, %le3A_1055 : i32
          %ge3A_1057 = arith.constant 11 : i32
          %ge3A_1058 = arith.cmpi sge, %min3A_292, %ge3A_1057 : i32
          %and3A_1059 = arith.andi %le3A_1056, %ge3A_1058 : i1
          %add3A_1060 = arith.constant 5632 : i32
          %add3A_1061 = vector.broadcast %add3A_1060 : i32 to vector<16xi32>
          %add3A_1062 = arith.addi %select_n3A_892, %add3A_1061 : vector<16xi32>
          %select_n3A_1063 = arith.select %and3A_1059, %add3A_1062, %add3A_9 : vector<16xi32>
          %mul3A_1064 = vector.broadcast %sub3A_228 : f32 to vector<16xf32>
          %mul3A_1065 = arith.mulf %add3A_773, %mul3A_1064 : vector<16xf32>
          %mul3A_1066 = vector.broadcast %sub3A_222 : f32 to vector<16xf32>
          %mul3A_1067 = arith.mulf %add3A_810, %mul3A_1066 : vector<16xf32>
          %add3A_1068 = arith.addf %mul3A_1065, %mul3A_1067 : vector<16xf32>
          %le3A_1069 = arith.constant 12 : i32
          %le3A_1070 = arith.cmpi sle, %max3A_286, %le3A_1069 : i32
          %ge3A_1071 = arith.constant 12 : i32
          %ge3A_1072 = arith.cmpi sge, %min3A_292, %ge3A_1071 : i32
          %and3A_1073 = arith.andi %le3A_1070, %ge3A_1072 : i1
          %add3A_1074 = arith.constant 6144 : i32
          %add3A_1075 = vector.broadcast %add3A_1074 : i32 to vector<16xi32>
          %add3A_1076 = arith.addi %select_n3A_892, %add3A_1075 : vector<16xi32>
          %select_n3A_1077 = arith.select %and3A_1073, %add3A_1076, %add3A_9 : vector<16xi32>
          %mul3A_1078 = vector.broadcast %sub3A_228 : f32 to vector<16xf32>
          %mul3A_1079 = arith.mulf %add3A_810, %mul3A_1078 : vector<16xf32>
          %mul3A_1080 = vector.broadcast %sub3A_222 : f32 to vector<16xf32>
          %mul3A_1081 = arith.mulf %add3A_847, %mul3A_1080 : vector<16xf32>
          %add3A_1082 = arith.addf %mul3A_1079, %mul3A_1081 : vector<16xf32>
          %le3A_1083 = arith.constant 13 : i32
          %le3A_1084 = arith.cmpi sle, %max3A_286, %le3A_1083 : i32
          %ge3A_1085 = arith.constant 13 : i32
          %ge3A_1086 = arith.cmpi sge, %min3A_292, %ge3A_1085 : i32
          %and3A_1087 = arith.andi %le3A_1084, %ge3A_1086 : i1
          %add3A_1088 = arith.constant 6656 : i32
          %add3A_1089 = vector.broadcast %add3A_1088 : i32 to vector<16xi32>
          %add3A_1090 = arith.addi %select_n3A_892, %add3A_1089 : vector<16xi32>
          %select_n3A_1091 = arith.select %and3A_1087, %add3A_1090, %add3A_9 : vector<16xi32>
          %mul3A_1092 = vector.broadcast %sub3A_228 : f32 to vector<16xf32>
          %mul3A_1093 = arith.mulf %add3A_847, %mul3A_1092 : vector<16xf32>
          %mul3A_1094 = vector.broadcast %sub3A_222 : f32 to vector<16xf32>
          %mul3A_1095 = arith.mulf %add3A_884, %mul3A_1094 : vector<16xf32>
          %add3A_1096 = arith.addf %mul3A_1093, %mul3A_1095 : vector<16xf32>
          %le3A_1097 = arith.constant 14 : i32
          %le3A_1098 = arith.cmpi sle, %max3A_286, %le3A_1097 : i32
          %ge3A_1099 = arith.constant 14 : i32
          %ge3A_1100 = arith.cmpi sge, %min3A_292, %ge3A_1099 : i32
          %and3A_1101 = arith.andi %le3A_1098, %ge3A_1100 : i1
          %add3A_1102 = arith.constant 7168 : i32
          %add3A_1103 = vector.broadcast %add3A_1102 : i32 to vector<16xi32>
          %add3A_1104 = arith.addi %select_n3A_892, %add3A_1103 : vector<16xi32>
          %select_n3A_1105 = arith.select %and3A_1101, %add3A_1104, %add3A_9 : vector<16xi32>
          %eq3A_1106 = arith.constant 0 : i32
          %eq3A_1107 = arith.cmpi eq, %and3A_894, %eq3A_1106 : i32
          %convert_element_type3A_1108 = arith.extui %eq3A_1107 : i1 to i32
          %cond3A_1109 = arith.constant 0 : i32
          %cond3A_1110 = arith.cmpi ne, %convert_element_type3A_1108, %cond3A_1109 : i32
          scf.if %cond3A_1110 {
            %add3A_1137 = arith.constant 0 : i32
            %add3A_1138 = arith.addi %mul3A_896, %add3A_1137 : i32
            %swap3A = arith.index_cast %add3A_1138 : i32 to index
            %swap3A_1139 = tpu.vector_load %arg27[%swap3A] {strides = array<i32>} : memref<960xf32, #tpu.memory_space<vmem>>, vector<16xf32>,
            %swap3A_1140 = vector.shape_cast %swap3A_1139 : vector<16xf32> to vector<16xf32>
            %swap3A_1141 = vector.shape_cast %add3A_901 : vector<16xf32> to vector<16xf32>
            tpu.vector_store %arg27[%swap3A], %swap3A_1141 {strides = array<i32>} : memref<960xf32, #tpu.memory_space<vmem>>, vector<16xf32>,
            %add3A_1142 = arith.constant 0 : i32
            %add3A_1143 = arith.addi %mul3A_896, %add3A_1142 : i32
            %swap3A_1144 = arith.index_cast %add3A_1143 : i32 to index
            %swap3A_1145 = tpu.vector_load %arg28[%swap3A_1144] {strides = array<i32>} : memref<960xi32, #tpu.memory_space<vmem>>, vector<16xi32>,
            %swap3A_1146 = vector.shape_cast %swap3A_1145 : vector<16xi32> to vector<16xi32>
            %swap3A_1147 = vector.shape_cast %select_n3A_909 : vector<16xi32> to vector<16xi32>
            tpu.vector_store %arg28[%swap3A_1144], %swap3A_1147 {strides = array<i32>} : memref<960xi32, #tpu.memory_space<vmem>>, vector<16xi32>,
            %add3A_1148 = arith.constant 16 : i32
            %add3A_1149 = arith.addi %mul3A_896, %add3A_1148 : i32
            %swap3A_1150 = arith.index_cast %add3A_1149 : i32 to index
            %swap3A_1151 = tpu.vector_load %arg27[%swap3A_1150] {strides = array<i32>} : memref<960xf32, #tpu.memory_space<vmem>>, vector<16xf32>,
            %swap3A_1152 = vector.shape_cast %swap3A_1151 : vector<16xf32> to vector<16xf32>
            %swap3A_1153 = vector.shape_cast %add3A_914 : vector<16xf32> to vector<16xf32>
            tpu.vector_store %arg27[%swap3A_1150], %swap3A_1153 {strides = array<i32>} : memref<960xf32, #tpu.memory_space<vmem>>, vector<16xf32>,
            %add3A_1154 = arith.constant 16 : i32
            %add3A_1155 = arith.addi %mul3A_896, %add3A_1154 : i32
            %swap3A_1156 = arith.index_cast %add3A_1155 : i32 to index
            %swap3A_1157 = tpu.vector_load %arg28[%swap3A_1156] {strides = array<i32>} : memref<960xi32, #tpu.memory_space<vmem>>, vector<16xi32>,
            %swap3A_1158 = vector.shape_cast %swap3A_1157 : vector<16xi32> to vector<16xi32>
            %swap3A_1159 = vector.shape_cast %select_n3A_923 : vector<16xi32> to vector<16xi32>
            tpu.vector_store %arg28[%swap3A_1156], %swap3A_1159 {strides = array<i32>} : memref<960xi32, #tpu.memory_space<vmem>>, vector<16xi32>,
            %add3A_1160 = arith.constant 32 : i32
            %add3A_1161 = arith.addi %mul3A_896, %add3A_1160 : i32
            %swap3A_1162 = arith.index_cast %add3A_1161 : i32 to index
            %swap3A_1163 = tpu.vector_load %arg27[%swap3A_1162] {strides = array<i32>} : memref<960xf32, #tpu.memory_space<vmem>>, vector<16xf32>,
            %swap3A_1164 = vector.shape_cast %swap3A_1163 : vector<16xf32> to vector<16xf32>
            %swap3A_1165 = vector.shape_cast %add3A_928 : vector<16xf32> to vector<16xf32>
            tpu.vector_store %arg27[%swap3A_1162], %swap3A_1165 {strides = array<i32>} : memref<960xf32, #tpu.memory_space<vmem>>, vector<16xf32>,
            %add3A_1166 = arith.constant 32 : i32
            %add3A_1167 = arith.addi %mul3A_896, %add3A_1166 : i32
            %swap3A_1168 = arith.index_cast %add3A_1167 : i32 to index
            %swap3A_1169 = tpu.vector_load %arg28[%swap3A_1168] {strides = array<i32>} : memref<960xi32, #tpu.memory_space<vmem>>, vector<16xi32>,
            %swap3A_1170 = vector.shape_cast %swap3A_1169 : vector<16xi32> to vector<16xi32>
            %swap3A_1171 = vector.shape_cast %select_n3A_937 : vector<16xi32> to vector<16xi32>
            tpu.vector_store %arg28[%swap3A_1168], %swap3A_1171 {strides = array<i32>} : memref<960xi32, #tpu.memory_space<vmem>>, vector<16xi32>,
            %add3A_1172 = arith.constant 48 : i32
            %add3A_1173 = arith.addi %mul3A_896, %add3A_1172 : i32
            %swap3A_1174 = arith.index_cast %add3A_1173 : i32 to index
            %swap3A_1175 = tpu.vector_load %arg27[%swap3A_1174] {strides = array<i32>} : memref<960xf32, #tpu.memory_space<vmem>>, vector<16xf32>,
            %swap3A_1176 = vector.shape_cast %swap3A_1175 : vector<16xf32> to vector<16xf32>
            %swap3A_1177 = vector.shape_cast %add3A_942 : vector<16xf32> to vector<16xf32>
            tpu.vector_store %arg27[%swap3A_1174], %swap3A_1177 {strides = array<i32>} : memref<960xf32, #tpu.memory_space<vmem>>, vector<16xf32>,
            %add3A_1178 = arith.constant 48 : i32
            %add3A_1179 = arith.addi %mul3A_896, %add3A_1178 : i32
            %swap3A_1180 = arith.index_cast %add3A_1179 : i32 to index
            %swap3A_1181 = tpu.vector_load %arg28[%swap3A_1180] {strides = array<i32>} : memref<960xi32, #tpu.memory_space<vmem>>, vector<16xi32>,
            %swap3A_1182 = vector.shape_cast %swap3A_1181 : vector<16xi32> to vector<16xi32>
            %swap3A_1183 = vector.shape_cast %select_n3A_951 : vector<16xi32> to vector<16xi32>
            tpu.vector_store %arg28[%swap3A_1180], %swap3A_1183 {strides = array<i32>} : memref<960xi32, #tpu.memory_space<vmem>>, vector<16xi32>,
            %add3A_1184 = arith.constant 64 : i32
            %add3A_1185 = arith.addi %mul3A_896, %add3A_1184 : i32
            %swap3A_1186 = arith.index_cast %add3A_1185 : i32 to index
            %swap3A_1187 = tpu.vector_load %arg27[%swap3A_1186] {strides = array<i32>} : memref<960xf32, #tpu.memory_space<vmem>>, vector<16xf32>,
            %swap3A_1188 = vector.shape_cast %swap3A_1187 : vector<16xf32> to vector<16xf32>
            %swap3A_1189 = vector.shape_cast %add3A_956 : vector<16xf32> to vector<16xf32>
            tpu.vector_store %arg27[%swap3A_1186], %swap3A_1189 {strides = array<i32>} : memref<960xf32, #tpu.memory_space<vmem>>, vector<16xf32>,
            %add3A_1190 = arith.constant 64 : i32
            %add3A_1191 = arith.addi %mul3A_896, %add3A_1190 : i32
            %swap3A_1192 = arith.index_cast %add3A_1191 : i32 to index
            %swap3A_1193 = tpu.vector_load %arg28[%swap3A_1192] {strides = array<i32>} : memref<960xi32, #tpu.memory_space<vmem>>, vector<16xi32>,
            %swap3A_1194 = vector.shape_cast %swap3A_1193 : vector<16xi32> to vector<16xi32>
            %swap3A_1195 = vector.shape_cast %select_n3A_965 : vector<16xi32> to vector<16xi32>
            tpu.vector_store %arg28[%swap3A_1192], %swap3A_1195 {strides = array<i32>} : memref<960xi32, #tpu.memory_space<vmem>>, vector<16xi32>,
            %add3A_1196 = arith.constant 80 : i32
            %add3A_1197 = arith.addi %mul3A_896, %add3A_1196 : i32
            %swap3A_1198 = arith.index_cast %add3A_1197 : i32 to index
            %swap3A_1199 = tpu.vector_load %arg27[%swap3A_1198] {strides = array<i32>} : memref<960xf32, #tpu.memory_space<vmem>>, vector<16xf32>,
            %swap3A_1200 = vector.shape_cast %swap3A_1199 : vector<16xf32> to vector<16xf32>
            %swap3A_1201 = vector.shape_cast %add3A_970 : vector<16xf32> to vector<16xf32>
            tpu.vector_store %arg27[%swap3A_1198], %swap3A_1201 {strides = array<i32>} : memref<960xf32, #tpu.memory_space<vmem>>, vector<16xf32>,
            %add3A_1202 = arith.constant 80 : i32
            %add3A_1203 = arith.addi %mul3A_896, %add3A_1202 : i32
            %swap3A_1204 = arith.index_cast %add3A_1203 : i32 to index
            %swap3A_1205 = tpu.vector_load %arg28[%swap3A_1204] {strides = array<i32>} : memref<960xi32, #tpu.memory_space<vmem>>, vector<16xi32>,
            %swap3A_1206 = vector.shape_cast %swap3A_1205 : vector<16xi32> to vector<16xi32>
            %swap3A_1207 = vector.shape_cast %select_n3A_979 : vector<16xi32> to vector<16xi32>
            tpu.vector_store %arg28[%swap3A_1204], %swap3A_1207 {strides = array<i32>} : memref<960xi32, #tpu.memory_space<vmem>>, vector<16xi32>,
            %add3A_1208 = arith.constant 96 : i32
            %add3A_1209 = arith.addi %mul3A_896, %add3A_1208 : i32
            %swap3A_1210 = arith.index_cast %add3A_1209 : i32 to index
            %swap3A_1211 = tpu.vector_load %arg27[%swap3A_1210] {strides = array<i32>} : memref<960xf32, #tpu.memory_space<vmem>>, vector<16xf32>,
            %swap3A_1212 = vector.shape_cast %swap3A_1211 : vector<16xf32> to vector<16xf32>
            %swap3A_1213 = vector.shape_cast %add3A_984 : vector<16xf32> to vector<16xf32>
            tpu.vector_store %arg27[%swap3A_1210], %swap3A_1213 {strides = array<i32>} : memref<960xf32, #tpu.memory_space<vmem>>, vector<16xf32>,
            %add3A_1214 = arith.constant 96 : i32
            %add3A_1215 = arith.addi %mul3A_896, %add3A_1214 : i32
            %swap3A_1216 = arith.index_cast %add3A_1215 : i32 to index
            %swap3A_1217 = tpu.vector_load %arg28[%swap3A_1216] {strides = array<i32>} : memref<960xi32, #tpu.memory_space<vmem>>, vector<16xi32>,
            %swap3A_1218 = vector.shape_cast %swap3A_1217 : vector<16xi32> to vector<16xi32>
            %swap3A_1219 = vector.shape_cast %select_n3A_993 : vector<16xi32> to vector<16xi32>
            tpu.vector_store %arg28[%swap3A_1216], %swap3A_1219 {strides = array<i32>} : memref<960xi32, #tpu.memory_space<vmem>>, vector<16xi32>,
            %add3A_1220 = arith.constant 112 : i32
            %add3A_1221 = arith.addi %mul3A_896, %add3A_1220 : i32
            %swap3A_1222 = arith.index_cast %add3A_1221 : i32 to index
            %swap3A_1223 = tpu.vector_load %arg27[%swap3A_1222] {strides = array<i32>} : memref<960xf32, #tpu.memory_space<vmem>>, vector<16xf32>,
            %swap3A_1224 = vector.shape_cast %swap3A_1223 : vector<16xf32> to vector<16xf32>
            %swap3A_1225 = vector.shape_cast %add3A_998 : vector<16xf32> to vector<16xf32>
            tpu.vector_store %arg27[%swap3A_1222], %swap3A_1225 {strides = array<i32>} : memref<960xf32, #tpu.memory_space<vmem>>, vector<16xf32>,
            %add3A_1226 = arith.constant 112 : i32
            %add3A_1227 = arith.addi %mul3A_896, %add3A_1226 : i32
            %swap3A_1228 = arith.index_cast %add3A_1227 : i32 to index
            %swap3A_1229 = tpu.vector_load %arg28[%swap3A_1228] {strides = array<i32>} : memref<960xi32, #tpu.memory_space<vmem>>, vector<16xi32>,
            %swap3A_1230 = vector.shape_cast %swap3A_1229 : vector<16xi32> to vector<16xi32>
            %swap3A_1231 = vector.shape_cast %select_n3A_1007 : vector<16xi32> to vector<16xi32>
            tpu.vector_store %arg28[%swap3A_1228], %swap3A_1231 {strides = array<i32>} : memref<960xi32, #tpu.memory_space<vmem>>, vector<16xi32>,
            %add3A_1232 = arith.constant 128 : i32
            %add3A_1233 = arith.addi %mul3A_896, %add3A_1232 : i32
            %swap3A_1234 = arith.index_cast %add3A_1233 : i32 to index
            %swap3A_1235 = tpu.vector_load %arg27[%swap3A_1234] {strides = array<i32>} : memref<960xf32, #tpu.memory_space<vmem>>, vector<16xf32>,
            %swap3A_1236 = vector.shape_cast %swap3A_1235 : vector<16xf32> to vector<16xf32>
            %swap3A_1237 = vector.shape_cast %add3A_1012 : vector<16xf32> to vector<16xf32>
            tpu.vector_store %arg27[%swap3A_1234], %swap3A_1237 {strides = array<i32>} : memref<960xf32, #tpu.memory_space<vmem>>, vector<16xf32>,
            %add3A_1238 = arith.constant 128 : i32
            %add3A_1239 = arith.addi %mul3A_896, %add3A_1238 : i32
            %swap3A_1240 = arith.index_cast %add3A_1239 : i32 to index
            %swap3A_1241 = tpu.vector_load %arg28[%swap3A_1240] {strides = array<i32>} : memref<960xi32, #tpu.memory_space<vmem>>, vector<16xi32>,
            %swap3A_1242 = vector.shape_cast %swap3A_1241 : vector<16xi32> to vector<16xi32>
            %swap3A_1243 = vector.shape_cast %select_n3A_1021 : vector<16xi32> to vector<16xi32>
            tpu.vector_store %arg28[%swap3A_1240], %swap3A_1243 {strides = array<i32>} : memref<960xi32, #tpu.memory_space<vmem>>, vector<16xi32>,
            %add3A_1244 = arith.constant 144 : i32
            %add3A_1245 = arith.addi %mul3A_896, %add3A_1244 : i32
            %swap3A_1246 = arith.index_cast %add3A_1245 : i32 to index
            %swap3A_1247 = tpu.vector_load %arg27[%swap3A_1246] {strides = array<i32>} : memref<960xf32, #tpu.memory_space<vmem>>, vector<16xf32>,
            %swap3A_1248 = vector.shape_cast %swap3A_1247 : vector<16xf32> to vector<16xf32>
            %swap3A_1249 = vector.shape_cast %add3A_1026 : vector<16xf32> to vector<16xf32>
            tpu.vector_store %arg27[%swap3A_1246], %swap3A_1249 {strides = array<i32>} : memref<960xf32, #tpu.memory_space<vmem>>, vector<16xf32>,
            %add3A_1250 = arith.constant 144 : i32
            %add3A_1251 = arith.addi %mul3A_896, %add3A_1250 : i32
            %swap3A_1252 = arith.index_cast %add3A_1251 : i32 to index
            %swap3A_1253 = tpu.vector_load %arg28[%swap3A_1252] {strides = array<i32>} : memref<960xi32, #tpu.memory_space<vmem>>, vector<16xi32>,
            %swap3A_1254 = vector.shape_cast %swap3A_1253 : vector<16xi32> to vector<16xi32>
            %swap3A_1255 = vector.shape_cast %select_n3A_1035 : vector<16xi32> to vector<16xi32>
            tpu.vector_store %arg28[%swap3A_1252], %swap3A_1255 {strides = array<i32>} : memref<960xi32, #tpu.memory_space<vmem>>, vector<16xi32>,
            %add3A_1256 = arith.constant 160 : i32
            %add3A_1257 = arith.addi %mul3A_896, %add3A_1256 : i32
            %swap3A_1258 = arith.index_cast %add3A_1257 : i32 to index
            %swap3A_1259 = tpu.vector_load %arg27[%swap3A_1258] {strides = array<i32>} : memref<960xf32, #tpu.memory_space<vmem>>, vector<16xf32>,
            %swap3A_1260 = vector.shape_cast %swap3A_1259 : vector<16xf32> to vector<16xf32>
            %swap3A_1261 = vector.shape_cast %add3A_1040 : vector<16xf32> to vector<16xf32>
            tpu.vector_store %arg27[%swap3A_1258], %swap3A_1261 {strides = array<i32>} : memref<960xf32, #tpu.memory_space<vmem>>, vector<16xf32>,
            %add3A_1262 = arith.constant 160 : i32
            %add3A_1263 = arith.addi %mul3A_896, %add3A_1262 : i32
            %swap3A_1264 = arith.index_cast %add3A_1263 : i32 to index
            %swap3A_1265 = tpu.vector_load %arg28[%swap3A_1264] {strides = array<i32>} : memref<960xi32, #tpu.memory_space<vmem>>, vector<16xi32>,
            %swap3A_1266 = vector.shape_cast %swap3A_1265 : vector<16xi32> to vector<16xi32>
            %swap3A_1267 = vector.shape_cast %select_n3A_1049 : vector<16xi32> to vector<16xi32>
            tpu.vector_store %arg28[%swap3A_1264], %swap3A_1267 {strides = array<i32>} : memref<960xi32, #tpu.memory_space<vmem>>, vector<16xi32>,
            %add3A_1268 = arith.constant 176 : i32
            %add3A_1269 = arith.addi %mul3A_896, %add3A_1268 : i32
            %swap3A_1270 = arith.index_cast %add3A_1269 : i32 to index
            %swap3A_1271 = tpu.vector_load %arg27[%swap3A_1270] {strides = array<i32>} : memref<960xf32, #tpu.memory_space<vmem>>, vector<16xf32>,
            %swap3A_1272 = vector.shape_cast %swap3A_1271 : vector<16xf32> to vector<16xf32>
            %swap3A_1273 = vector.shape_cast %add3A_1054 : vector<16xf32> to vector<16xf32>
            tpu.vector_store %arg27[%swap3A_1270], %swap3A_1273 {strides = array<i32>} : memref<960xf32, #tpu.memory_space<vmem>>, vector<16xf32>,
            %add3A_1274 = arith.constant 176 : i32
            %add3A_1275 = arith.addi %mul3A_896, %add3A_1274 : i32
            %swap3A_1276 = arith.index_cast %add3A_1275 : i32 to index
            %swap3A_1277 = tpu.vector_load %arg28[%swap3A_1276] {strides = array<i32>} : memref<960xi32, #tpu.memory_space<vmem>>, vector<16xi32>,
            %swap3A_1278 = vector.shape_cast %swap3A_1277 : vector<16xi32> to vector<16xi32>
            %swap3A_1279 = vector.shape_cast %select_n3A_1063 : vector<16xi32> to vector<16xi32>
            tpu.vector_store %arg28[%swap3A_1276], %swap3A_1279 {strides = array<i32>} : memref<960xi32, #tpu.memory_space<vmem>>, vector<16xi32>,
            %add3A_1280 = arith.constant 192 : i32
            %add3A_1281 = arith.addi %mul3A_896, %add3A_1280 : i32
            %swap3A_1282 = arith.index_cast %add3A_1281 : i32 to index
            %swap3A_1283 = tpu.vector_load %arg27[%swap3A_1282] {strides = array<i32>} : memref<960xf32, #tpu.memory_space<vmem>>, vector<16xf32>,
            %swap3A_1284 = vector.shape_cast %swap3A_1283 : vector<16xf32> to vector<16xf32>
            %swap3A_1285 = vector.shape_cast %add3A_1068 : vector<16xf32> to vector<16xf32>
            tpu.vector_store %arg27[%swap3A_1282], %swap3A_1285 {strides = array<i32>} : memref<960xf32, #tpu.memory_space<vmem>>, vector<16xf32>,
            %add3A_1286 = arith.constant 192 : i32
            %add3A_1287 = arith.addi %mul3A_896, %add3A_1286 : i32
            %swap3A_1288 = arith.index_cast %add3A_1287 : i32 to index
            %swap3A_1289 = tpu.vector_load %arg28[%swap3A_1288] {strides = array<i32>} : memref<960xi32, #tpu.memory_space<vmem>>, vector<16xi32>,
            %swap3A_1290 = vector.shape_cast %swap3A_1289 : vector<16xi32> to vector<16xi32>
            %swap3A_1291 = vector.shape_cast %select_n3A_1077 : vector<16xi32> to vector<16xi32>
            tpu.vector_store %arg28[%swap3A_1288], %swap3A_1291 {strides = array<i32>} : memref<960xi32, #tpu.memory_space<vmem>>, vector<16xi32>,
            %add3A_1292 = arith.constant 208 : i32
            %add3A_1293 = arith.addi %mul3A_896, %add3A_1292 : i32
            %swap3A_1294 = arith.index_cast %add3A_1293 : i32 to index
            %swap3A_1295 = tpu.vector_load %arg27[%swap3A_1294] {strides = array<i32>} : memref<960xf32, #tpu.memory_space<vmem>>, vector<16xf32>,
            %swap3A_1296 = vector.shape_cast %swap3A_1295 : vector<16xf32> to vector<16xf32>
            %swap3A_1297 = vector.shape_cast %add3A_1082 : vector<16xf32> to vector<16xf32>
            tpu.vector_store %arg27[%swap3A_1294], %swap3A_1297 {strides = array<i32>} : memref<960xf32, #tpu.memory_space<vmem>>, vector<16xf32>,
            %add3A_1298 = arith.constant 208 : i32
            %add3A_1299 = arith.addi %mul3A_896, %add3A_1298 : i32
            %swap3A_1300 = arith.index_cast %add3A_1299 : i32 to index
            %swap3A_1301 = tpu.vector_load %arg28[%swap3A_1300] {strides = array<i32>} : memref<960xi32, #tpu.memory_space<vmem>>, vector<16xi32>,
            %swap3A_1302 = vector.shape_cast %swap3A_1301 : vector<16xi32> to vector<16xi32>
            %swap3A_1303 = vector.shape_cast %select_n3A_1091 : vector<16xi32> to vector<16xi32>
            tpu.vector_store %arg28[%swap3A_1300], %swap3A_1303 {strides = array<i32>} : memref<960xi32, #tpu.memory_space<vmem>>, vector<16xi32>,
            %add3A_1304 = arith.constant 224 : i32
            %add3A_1305 = arith.addi %mul3A_896, %add3A_1304 : i32
            %swap3A_1306 = arith.index_cast %add3A_1305 : i32 to index
            %swap3A_1307 = tpu.vector_load %arg27[%swap3A_1306] {strides = array<i32>} : memref<960xf32, #tpu.memory_space<vmem>>, vector<16xf32>,
            %swap3A_1308 = vector.shape_cast %swap3A_1307 : vector<16xf32> to vector<16xf32>
            %swap3A_1309 = vector.shape_cast %add3A_1096 : vector<16xf32> to vector<16xf32>
            tpu.vector_store %arg27[%swap3A_1306], %swap3A_1309 {strides = array<i32>} : memref<960xf32, #tpu.memory_space<vmem>>, vector<16xf32>,
            %add3A_1310 = arith.constant 224 : i32
            %add3A_1311 = arith.addi %mul3A_896, %add3A_1310 : i32
            %swap3A_1312 = arith.index_cast %add3A_1311 : i32 to index
            %swap3A_1313 = tpu.vector_load %arg28[%swap3A_1312] {strides = array<i32>} : memref<960xi32, #tpu.memory_space<vmem>>, vector<16xi32>,
            %swap3A_1314 = vector.shape_cast %swap3A_1313 : vector<16xi32> to vector<16xi32>
            %swap3A_1315 = vector.shape_cast %select_n3A_1105 : vector<16xi32> to vector<16xi32>
            tpu.vector_store %arg28[%swap3A_1312], %swap3A_1315 {strides = array<i32>} : memref<960xi32, #tpu.memory_space<vmem>>, vector<16xi32>,
          } else {
          }
          %eq3A_1111 = arith.constant 1 : i32
          %eq3A_1112 = arith.cmpi eq, %and3A_894, %eq3A_1111 : i32
          %convert_element_type3A_1113 = arith.extui %eq3A_1112 : i1 to i32
          %cond3A_1114 = arith.constant 0 : i32
          %cond3A_1115 = arith.cmpi ne, %convert_element_type3A_1113, %cond3A_1114 : i32
          scf.if %cond3A_1115 {
            %add3A_1137 = arith.constant 0 : i32
            %add3A_1138 = arith.addi %mul3A_896, %add3A_1137 : i32
            %swap3A = arith.index_cast %add3A_1138 : i32 to index
            %swap3A_1139 = tpu.vector_load %arg29[%swap3A] {strides = array<i32>} : memref<960xf32, #tpu.memory_space<vmem>>, vector<16xf32>,
            %swap3A_1140 = vector.shape_cast %swap3A_1139 : vector<16xf32> to vector<16xf32>
            %swap3A_1141 = vector.shape_cast %add3A_901 : vector<16xf32> to vector<16xf32>
            tpu.vector_store %arg29[%swap3A], %swap3A_1141 {strides = array<i32>} : memref<960xf32, #tpu.memory_space<vmem>>, vector<16xf32>,
            %add3A_1142 = arith.constant 0 : i32
            %add3A_1143 = arith.addi %mul3A_896, %add3A_1142 : i32
            %swap3A_1144 = arith.index_cast %add3A_1143 : i32 to index
            %swap3A_1145 = tpu.vector_load %arg30[%swap3A_1144] {strides = array<i32>} : memref<960xi32, #tpu.memory_space<vmem>>, vector<16xi32>,
            %swap3A_1146 = vector.shape_cast %swap3A_1145 : vector<16xi32> to vector<16xi32>
            %swap3A_1147 = vector.shape_cast %select_n3A_909 : vector<16xi32> to vector<16xi32>
            tpu.vector_store %arg30[%swap3A_1144], %swap3A_1147 {strides = array<i32>} : memref<960xi32, #tpu.memory_space<vmem>>, vector<16xi32>,
            %add3A_1148 = arith.constant 16 : i32
            %add3A_1149 = arith.addi %mul3A_896, %add3A_1148 : i32
            %swap3A_1150 = arith.index_cast %add3A_1149 : i32 to index
            %swap3A_1151 = tpu.vector_load %arg29[%swap3A_1150] {strides = array<i32>} : memref<960xf32, #tpu.memory_space<vmem>>, vector<16xf32>,
            %swap3A_1152 = vector.shape_cast %swap3A_1151 : vector<16xf32> to vector<16xf32>
            %swap3A_1153 = vector.shape_cast %add3A_914 : vector<16xf32> to vector<16xf32>
            tpu.vector_store %arg29[%swap3A_1150], %swap3A_1153 {strides = array<i32>} : memref<960xf32, #tpu.memory_space<vmem>>, vector<16xf32>,
            %add3A_1154 = arith.constant 16 : i32
            %add3A_1155 = arith.addi %mul3A_896, %add3A_1154 : i32
            %swap3A_1156 = arith.index_cast %add3A_1155 : i32 to index
            %swap3A_1157 = tpu.vector_load %arg30[%swap3A_1156] {strides = array<i32>} : memref<960xi32, #tpu.memory_space<vmem>>, vector<16xi32>,
            %swap3A_1158 = vector.shape_cast %swap3A_1157 : vector<16xi32> to vector<16xi32>
            %swap3A_1159 = vector.shape_cast %select_n3A_923 : vector<16xi32> to vector<16xi32>
            tpu.vector_store %arg30[%swap3A_1156], %swap3A_1159 {strides = array<i32>} : memref<960xi32, #tpu.memory_space<vmem>>, vector<16xi32>,
            %add3A_1160 = arith.constant 32 : i32
            %add3A_1161 = arith.addi %mul3A_896, %add3A_1160 : i32
            %swap3A_1162 = arith.index_cast %add3A_1161 : i32 to index
            %swap3A_1163 = tpu.vector_load %arg29[%swap3A_1162] {strides = array<i32>} : memref<960xf32, #tpu.memory_space<vmem>>, vector<16xf32>,
            %swap3A_1164 = vector.shape_cast %swap3A_1163 : vector<16xf32> to vector<16xf32>
            %swap3A_1165 = vector.shape_cast %add3A_928 : vector<16xf32> to vector<16xf32>
            tpu.vector_store %arg29[%swap3A_1162], %swap3A_1165 {strides = array<i32>} : memref<960xf32, #tpu.memory_space<vmem>>, vector<16xf32>,
            %add3A_1166 = arith.constant 32 : i32
            %add3A_1167 = arith.addi %mul3A_896, %add3A_1166 : i32
            %swap3A_1168 = arith.index_cast %add3A_1167 : i32 to index
            %swap3A_1169 = tpu.vector_load %arg30[%swap3A_1168] {strides = array<i32>} : memref<960xi32, #tpu.memory_space<vmem>>, vector<16xi32>,
            %swap3A_1170 = vector.shape_cast %swap3A_1169 : vector<16xi32> to vector<16xi32>
            %swap3A_1171 = vector.shape_cast %select_n3A_937 : vector<16xi32> to vector<16xi32>
            tpu.vector_store %arg30[%swap3A_1168], %swap3A_1171 {strides = array<i32>} : memref<960xi32, #tpu.memory_space<vmem>>, vector<16xi32>,
            %add3A_1172 = arith.constant 48 : i32
            %add3A_1173 = arith.addi %mul3A_896, %add3A_1172 : i32
            %swap3A_1174 = arith.index_cast %add3A_1173 : i32 to index
            %swap3A_1175 = tpu.vector_load %arg29[%swap3A_1174] {strides = array<i32>} : memref<960xf32, #tpu.memory_space<vmem>>, vector<16xf32>,
            %swap3A_1176 = vector.shape_cast %swap3A_1175 : vector<16xf32> to vector<16xf32>
            %swap3A_1177 = vector.shape_cast %add3A_942 : vector<16xf32> to vector<16xf32>
            tpu.vector_store %arg29[%swap3A_1174], %swap3A_1177 {strides = array<i32>} : memref<960xf32, #tpu.memory_space<vmem>>, vector<16xf32>,
            %add3A_1178 = arith.constant 48 : i32
            %add3A_1179 = arith.addi %mul3A_896, %add3A_1178 : i32
            %swap3A_1180 = arith.index_cast %add3A_1179 : i32 to index
            %swap3A_1181 = tpu.vector_load %arg30[%swap3A_1180] {strides = array<i32>} : memref<960xi32, #tpu.memory_space<vmem>>, vector<16xi32>,
            %swap3A_1182 = vector.shape_cast %swap3A_1181 : vector<16xi32> to vector<16xi32>
            %swap3A_1183 = vector.shape_cast %select_n3A_951 : vector<16xi32> to vector<16xi32>
            tpu.vector_store %arg30[%swap3A_1180], %swap3A_1183 {strides = array<i32>} : memref<960xi32, #tpu.memory_space<vmem>>, vector<16xi32>,
            %add3A_1184 = arith.constant 64 : i32
            %add3A_1185 = arith.addi %mul3A_896, %add3A_1184 : i32
            %swap3A_1186 = arith.index_cast %add3A_1185 : i32 to index
            %swap3A_1187 = tpu.vector_load %arg29[%swap3A_1186] {strides = array<i32>} : memref<960xf32, #tpu.memory_space<vmem>>, vector<16xf32>,
            %swap3A_1188 = vector.shape_cast %swap3A_1187 : vector<16xf32> to vector<16xf32>
            %swap3A_1189 = vector.shape_cast %add3A_956 : vector<16xf32> to vector<16xf32>
            tpu.vector_store %arg29[%swap3A_1186], %swap3A_1189 {strides = array<i32>} : memref<960xf32, #tpu.memory_space<vmem>>, vector<16xf32>,
            %add3A_1190 = arith.constant 64 : i32
            %add3A_1191 = arith.addi %mul3A_896, %add3A_1190 : i32
            %swap3A_1192 = arith.index_cast %add3A_1191 : i32 to index
            %swap3A_1193 = tpu.vector_load %arg30[%swap3A_1192] {strides = array<i32>} : memref<960xi32, #tpu.memory_space<vmem>>, vector<16xi32>,
            %swap3A_1194 = vector.shape_cast %swap3A_1193 : vector<16xi32> to vector<16xi32>
            %swap3A_1195 = vector.shape_cast %select_n3A_965 : vector<16xi32> to vector<16xi32>
            tpu.vector_store %arg30[%swap3A_1192], %swap3A_1195 {strides = array<i32>} : memref<960xi32, #tpu.memory_space<vmem>>, vector<16xi32>,
            %add3A_1196 = arith.constant 80 : i32
            %add3A_1197 = arith.addi %mul3A_896, %add3A_1196 : i32
            %swap3A_1198 = arith.index_cast %add3A_1197 : i32 to index
            %swap3A_1199 = tpu.vector_load %arg29[%swap3A_1198] {strides = array<i32>} : memref<960xf32, #tpu.memory_space<vmem>>, vector<16xf32>,
            %swap3A_1200 = vector.shape_cast %swap3A_1199 : vector<16xf32> to vector<16xf32>
            %swap3A_1201 = vector.shape_cast %add3A_970 : vector<16xf32> to vector<16xf32>
            tpu.vector_store %arg29[%swap3A_1198], %swap3A_1201 {strides = array<i32>} : memref<960xf32, #tpu.memory_space<vmem>>, vector<16xf32>,
            %add3A_1202 = arith.constant 80 : i32
            %add3A_1203 = arith.addi %mul3A_896, %add3A_1202 : i32
            %swap3A_1204 = arith.index_cast %add3A_1203 : i32 to index
            %swap3A_1205 = tpu.vector_load %arg30[%swap3A_1204] {strides = array<i32>} : memref<960xi32, #tpu.memory_space<vmem>>, vector<16xi32>,
            %swap3A_1206 = vector.shape_cast %swap3A_1205 : vector<16xi32> to vector<16xi32>
            %swap3A_1207 = vector.shape_cast %select_n3A_979 : vector<16xi32> to vector<16xi32>
            tpu.vector_store %arg30[%swap3A_1204], %swap3A_1207 {strides = array<i32>} : memref<960xi32, #tpu.memory_space<vmem>>, vector<16xi32>,
            %add3A_1208 = arith.constant 96 : i32
            %add3A_1209 = arith.addi %mul3A_896, %add3A_1208 : i32
            %swap3A_1210 = arith.index_cast %add3A_1209 : i32 to index
            %swap3A_1211 = tpu.vector_load %arg29[%swap3A_1210] {strides = array<i32>} : memref<960xf32, #tpu.memory_space<vmem>>, vector<16xf32>,
            %swap3A_1212 = vector.shape_cast %swap3A_1211 : vector<16xf32> to vector<16xf32>
            %swap3A_1213 = vector.shape_cast %add3A_984 : vector<16xf32> to vector<16xf32>
            tpu.vector_store %arg29[%swap3A_1210], %swap3A_1213 {strides = array<i32>} : memref<960xf32, #tpu.memory_space<vmem>>, vector<16xf32>,
            %add3A_1214 = arith.constant 96 : i32
            %add3A_1215 = arith.addi %mul3A_896, %add3A_1214 : i32
            %swap3A_1216 = arith.index_cast %add3A_1215 : i32 to index
            %swap3A_1217 = tpu.vector_load %arg30[%swap3A_1216] {strides = array<i32>} : memref<960xi32, #tpu.memory_space<vmem>>, vector<16xi32>,
            %swap3A_1218 = vector.shape_cast %swap3A_1217 : vector<16xi32> to vector<16xi32>
            %swap3A_1219 = vector.shape_cast %select_n3A_993 : vector<16xi32> to vector<16xi32>
            tpu.vector_store %arg30[%swap3A_1216], %swap3A_1219 {strides = array<i32>} : memref<960xi32, #tpu.memory_space<vmem>>, vector<16xi32>,
            %add3A_1220 = arith.constant 112 : i32
            %add3A_1221 = arith.addi %mul3A_896, %add3A_1220 : i32
            %swap3A_1222 = arith.index_cast %add3A_1221 : i32 to index
            %swap3A_1223 = tpu.vector_load %arg29[%swap3A_1222] {strides = array<i32>} : memref<960xf32, #tpu.memory_space<vmem>>, vector<16xf32>,
            %swap3A_1224 = vector.shape_cast %swap3A_1223 : vector<16xf32> to vector<16xf32>
            %swap3A_1225 = vector.shape_cast %add3A_998 : vector<16xf32> to vector<16xf32>
            tpu.vector_store %arg29[%swap3A_1222], %swap3A_1225 {strides = array<i32>} : memref<960xf32, #tpu.memory_space<vmem>>, vector<16xf32>,
            %add3A_1226 = arith.constant 112 : i32
            %add3A_1227 = arith.addi %mul3A_896, %add3A_1226 : i32
            %swap3A_1228 = arith.index_cast %add3A_1227 : i32 to index
            %swap3A_1229 = tpu.vector_load %arg30[%swap3A_1228] {strides = array<i32>} : memref<960xi32, #tpu.memory_space<vmem>>, vector<16xi32>,
            %swap3A_1230 = vector.shape_cast %swap3A_1229 : vector<16xi32> to vector<16xi32>
            %swap3A_1231 = vector.shape_cast %select_n3A_1007 : vector<16xi32> to vector<16xi32>
            tpu.vector_store %arg30[%swap3A_1228], %swap3A_1231 {strides = array<i32>} : memref<960xi32, #tpu.memory_space<vmem>>, vector<16xi32>,
            %add3A_1232 = arith.constant 128 : i32
            %add3A_1233 = arith.addi %mul3A_896, %add3A_1232 : i32
            %swap3A_1234 = arith.index_cast %add3A_1233 : i32 to index
            %swap3A_1235 = tpu.vector_load %arg29[%swap3A_1234] {strides = array<i32>} : memref<960xf32, #tpu.memory_space<vmem>>, vector<16xf32>,
            %swap3A_1236 = vector.shape_cast %swap3A_1235 : vector<16xf32> to vector<16xf32>
            %swap3A_1237 = vector.shape_cast %add3A_1012 : vector<16xf32> to vector<16xf32>
            tpu.vector_store %arg29[%swap3A_1234], %swap3A_1237 {strides = array<i32>} : memref<960xf32, #tpu.memory_space<vmem>>, vector<16xf32>,
            %add3A_1238 = arith.constant 128 : i32
            %add3A_1239 = arith.addi %mul3A_896, %add3A_1238 : i32
            %swap3A_1240 = arith.index_cast %add3A_1239 : i32 to index
            %swap3A_1241 = tpu.vector_load %arg30[%swap3A_1240] {strides = array<i32>} : memref<960xi32, #tpu.memory_space<vmem>>, vector<16xi32>,
            %swap3A_1242 = vector.shape_cast %swap3A_1241 : vector<16xi32> to vector<16xi32>
            %swap3A_1243 = vector.shape_cast %select_n3A_1021 : vector<16xi32> to vector<16xi32>
            tpu.vector_store %arg30[%swap3A_1240], %swap3A_1243 {strides = array<i32>} : memref<960xi32, #tpu.memory_space<vmem>>, vector<16xi32>,
            %add3A_1244 = arith.constant 144 : i32
            %add3A_1245 = arith.addi %mul3A_896, %add3A_1244 : i32
            %swap3A_1246 = arith.index_cast %add3A_1245 : i32 to index
            %swap3A_1247 = tpu.vector_load %arg29[%swap3A_1246] {strides = array<i32>} : memref<960xf32, #tpu.memory_space<vmem>>, vector<16xf32>,
            %swap3A_1248 = vector.shape_cast %swap3A_1247 : vector<16xf32> to vector<16xf32>
            %swap3A_1249 = vector.shape_cast %add3A_1026 : vector<16xf32> to vector<16xf32>
            tpu.vector_store %arg29[%swap3A_1246], %swap3A_1249 {strides = array<i32>} : memref<960xf32, #tpu.memory_space<vmem>>, vector<16xf32>,
            %add3A_1250 = arith.constant 144 : i32
            %add3A_1251 = arith.addi %mul3A_896, %add3A_1250 : i32
            %swap3A_1252 = arith.index_cast %add3A_1251 : i32 to index
            %swap3A_1253 = tpu.vector_load %arg30[%swap3A_1252] {strides = array<i32>} : memref<960xi32, #tpu.memory_space<vmem>>, vector<16xi32>,
            %swap3A_1254 = vector.shape_cast %swap3A_1253 : vector<16xi32> to vector<16xi32>
            %swap3A_1255 = vector.shape_cast %select_n3A_1035 : vector<16xi32> to vector<16xi32>
            tpu.vector_store %arg30[%swap3A_1252], %swap3A_1255 {strides = array<i32>} : memref<960xi32, #tpu.memory_space<vmem>>, vector<16xi32>,
            %add3A_1256 = arith.constant 160 : i32
            %add3A_1257 = arith.addi %mul3A_896, %add3A_1256 : i32
            %swap3A_1258 = arith.index_cast %add3A_1257 : i32 to index
            %swap3A_1259 = tpu.vector_load %arg29[%swap3A_1258] {strides = array<i32>} : memref<960xf32, #tpu.memory_space<vmem>>, vector<16xf32>,
            %swap3A_1260 = vector.shape_cast %swap3A_1259 : vector<16xf32> to vector<16xf32>
            %swap3A_1261 = vector.shape_cast %add3A_1040 : vector<16xf32> to vector<16xf32>
            tpu.vector_store %arg29[%swap3A_1258], %swap3A_1261 {strides = array<i32>} : memref<960xf32, #tpu.memory_space<vmem>>, vector<16xf32>,
            %add3A_1262 = arith.constant 160 : i32
            %add3A_1263 = arith.addi %mul3A_896, %add3A_1262 : i32
            %swap3A_1264 = arith.index_cast %add3A_1263 : i32 to index
            %swap3A_1265 = tpu.vector_load %arg30[%swap3A_1264] {strides = array<i32>} : memref<960xi32, #tpu.memory_space<vmem>>, vector<16xi32>,
            %swap3A_1266 = vector.shape_cast %swap3A_1265 : vector<16xi32> to vector<16xi32>
            %swap3A_1267 = vector.shape_cast %select_n3A_1049 : vector<16xi32> to vector<16xi32>
            tpu.vector_store %arg30[%swap3A_1264], %swap3A_1267 {strides = array<i32>} : memref<960xi32, #tpu.memory_space<vmem>>, vector<16xi32>,
            %add3A_1268 = arith.constant 176 : i32
            %add3A_1269 = arith.addi %mul3A_896, %add3A_1268 : i32
            %swap3A_1270 = arith.index_cast %add3A_1269 : i32 to index
            %swap3A_1271 = tpu.vector_load %arg29[%swap3A_1270] {strides = array<i32>} : memref<960xf32, #tpu.memory_space<vmem>>, vector<16xf32>,
            %swap3A_1272 = vector.shape_cast %swap3A_1271 : vector<16xf32> to vector<16xf32>
            %swap3A_1273 = vector.shape_cast %add3A_1054 : vector<16xf32> to vector<16xf32>
            tpu.vector_store %arg29[%swap3A_1270], %swap3A_1273 {strides = array<i32>} : memref<960xf32, #tpu.memory_space<vmem>>, vector<16xf32>,
            %add3A_1274 = arith.constant 176 : i32
            %add3A_1275 = arith.addi %mul3A_896, %add3A_1274 : i32
            %swap3A_1276 = arith.index_cast %add3A_1275 : i32 to index
            %swap3A_1277 = tpu.vector_load %arg30[%swap3A_1276] {strides = array<i32>} : memref<960xi32, #tpu.memory_space<vmem>>, vector<16xi32>,
            %swap3A_1278 = vector.shape_cast %swap3A_1277 : vector<16xi32> to vector<16xi32>
            %swap3A_1279 = vector.shape_cast %select_n3A_1063 : vector<16xi32> to vector<16xi32>
            tpu.vector_store %arg30[%swap3A_1276], %swap3A_1279 {strides = array<i32>} : memref<960xi32, #tpu.memory_space<vmem>>, vector<16xi32>,
            %add3A_1280 = arith.constant 192 : i32
            %add3A_1281 = arith.addi %mul3A_896, %add3A_1280 : i32
            %swap3A_1282 = arith.index_cast %add3A_1281 : i32 to index
            %swap3A_1283 = tpu.vector_load %arg29[%swap3A_1282] {strides = array<i32>} : memref<960xf32, #tpu.memory_space<vmem>>, vector<16xf32>,
            %swap3A_1284 = vector.shape_cast %swap3A_1283 : vector<16xf32> to vector<16xf32>
            %swap3A_1285 = vector.shape_cast %add3A_1068 : vector<16xf32> to vector<16xf32>
            tpu.vector_store %arg29[%swap3A_1282], %swap3A_1285 {strides = array<i32>} : memref<960xf32, #tpu.memory_space<vmem>>, vector<16xf32>,
            %add3A_1286 = arith.constant 192 : i32
            %add3A_1287 = arith.addi %mul3A_896, %add3A_1286 : i32
            %swap3A_1288 = arith.index_cast %add3A_1287 : i32 to index
            %swap3A_1289 = tpu.vector_load %arg30[%swap3A_1288] {strides = array<i32>} : memref<960xi32, #tpu.memory_space<vmem>>, vector<16xi32>,
            %swap3A_1290 = vector.shape_cast %swap3A_1289 : vector<16xi32> to vector<16xi32>
            %swap3A_1291 = vector.shape_cast %select_n3A_1077 : vector<16xi32> to vector<16xi32>
            tpu.vector_store %arg30[%swap3A_1288], %swap3A_1291 {strides = array<i32>} : memref<960xi32, #tpu.memory_space<vmem>>, vector<16xi32>,
            %add3A_1292 = arith.constant 208 : i32
            %add3A_1293 = arith.addi %mul3A_896, %add3A_1292 : i32
            %swap3A_1294 = arith.index_cast %add3A_1293 : i32 to index
            %swap3A_1295 = tpu.vector_load %arg29[%swap3A_1294] {strides = array<i32>} : memref<960xf32, #tpu.memory_space<vmem>>, vector<16xf32>,
            %swap3A_1296 = vector.shape_cast %swap3A_1295 : vector<16xf32> to vector<16xf32>
            %swap3A_1297 = vector.shape_cast %add3A_1082 : vector<16xf32> to vector<16xf32>
            tpu.vector_store %arg29[%swap3A_1294], %swap3A_1297 {strides = array<i32>} : memref<960xf32, #tpu.memory_space<vmem>>, vector<16xf32>,
            %add3A_1298 = arith.constant 208 : i32
            %add3A_1299 = arith.addi %mul3A_896, %add3A_1298 : i32
            %swap3A_1300 = arith.index_cast %add3A_1299 : i32 to index
            %swap3A_1301 = tpu.vector_load %arg30[%swap3A_1300] {strides = array<i32>} : memref<960xi32, #tpu.memory_space<vmem>>, vector<16xi32>,
            %swap3A_1302 = vector.shape_cast %swap3A_1301 : vector<16xi32> to vector<16xi32>
            %swap3A_1303 = vector.shape_cast %select_n3A_1091 : vector<16xi32> to vector<16xi32>
            tpu.vector_store %arg30[%swap3A_1300], %swap3A_1303 {strides = array<i32>} : memref<960xi32, #tpu.memory_space<vmem>>, vector<16xi32>,
            %add3A_1304 = arith.constant 224 : i32
            %add3A_1305 = arith.addi %mul3A_896, %add3A_1304 : i32
            %swap3A_1306 = arith.index_cast %add3A_1305 : i32 to index
            %swap3A_1307 = tpu.vector_load %arg29[%swap3A_1306] {strides = array<i32>} : memref<960xf32, #tpu.memory_space<vmem>>, vector<16xf32>,
            %swap3A_1308 = vector.shape_cast %swap3A_1307 : vector<16xf32> to vector<16xf32>
            %swap3A_1309 = vector.shape_cast %add3A_1096 : vector<16xf32> to vector<16xf32>
            tpu.vector_store %arg29[%swap3A_1306], %swap3A_1309 {strides = array<i32>} : memref<960xf32, #tpu.memory_space<vmem>>, vector<16xf32>,
            %add3A_1310 = arith.constant 224 : i32
            %add3A_1311 = arith.addi %mul3A_896, %add3A_1310 : i32
            %swap3A_1312 = arith.index_cast %add3A_1311 : i32 to index
            %swap3A_1313 = tpu.vector_load %arg30[%swap3A_1312] {strides = array<i32>} : memref<960xi32, #tpu.memory_space<vmem>>, vector<16xi32>,
            %swap3A_1314 = vector.shape_cast %swap3A_1313 : vector<16xi32> to vector<16xi32>
            %swap3A_1315 = vector.shape_cast %select_n3A_1105 : vector<16xi32> to vector<16xi32>
            tpu.vector_store %arg30[%swap3A_1312], %swap3A_1315 {strides = array<i32>} : memref<960xi32, #tpu.memory_space<vmem>>, vector<16xi32>,
          } else {
          }
          %add3A_1116 = arith.constant 15 : i32
          %add3A_1117 = arith.addi %while3A_166, %add3A_1116 : i32
          %eq3A_1118 = arith.constant 60 : i32
          %eq3A_1119 = arith.cmpi eq, %add3A_1117, %eq3A_1118 : i32
          %eq3A_1120 = arith.constant 0 : i32
          %eq3A_1121 = arith.cmpi eq, %and3A_894, %eq3A_1120 : i32
          %and3A_1122 = arith.andi %eq3A_1119, %eq3A_1121 : i1
          %convert_element_type3A_1123 = arith.extui %and3A_1122 : i1 to i32
          %cond3A_1124 = arith.constant 0 : i32
          %cond3A_1125 = arith.cmpi ne, %convert_element_type3A_1123, %cond3A_1124 : i32
          scf.if %cond3A_1125 {
            %dma_start3A = arith.constant 0 : i32
            %dma_start3A_1137 = arith.constant 0 : i32
            %dma_start3A_1138 = tpu.memref_slice %arg14[%dma_start3A_1137] : memref<1056000xf32, #tpu.memory_space<vmem_shared>> -> memref<1056000xf32, #tpu.memory_space<vmem_shared>>
            %dma_start3A_1139 = tpu.memref_slice %arg31[%dma_start3A] : memref<2x!tpu.dma_semaphore, #tpu.memory_space<semaphore_mem>> -> memref<1x!tpu.dma_semaphore, #tpu.memory_space<semaphore_mem>>
            %dma_start3A_1140 = tpu.memref_squeeze %dma_start3A_1139 : memref<1x!tpu.dma_semaphore, #tpu.memory_space<semaphore_mem>> -> memref<!tpu.dma_semaphore, #tpu.memory_space<semaphore_mem>>
            tpu.enqueue_indirect_dma source(%arg27 : memref<960xf32, #tpu.memory_space<vmem>>) target(%dma_start3A_1138 : memref<1056000xf32, #tpu.memory_space<vmem_shared>>) offsets(%arg28 : memref<960xi32, #tpu.memory_space<vmem>>) semaphore(%dma_start3A_1140 : memref<!tpu.dma_semaphore, #tpu.memory_space<semaphore_mem>>) {add = true}
            %ge3A_1141 = arith.constant 1 : i32
            %ge3A_1142 = arith.cmpi sge, %while3A_167, %ge3A_1141 : i32
            %convert_element_type3A_1143 = arith.extui %ge3A_1142 : i1 to i32
            %cond3A_1144 = arith.constant 0 : i32
            %cond3A_1145 = arith.cmpi ne, %convert_element_type3A_1143, %cond3A_1144 : i32
            scf.if %cond3A_1145 {
              %dma_wait3A = arith.constant 1 : i32
              %dma_wait3A_1146 = arith.constant 0 : i32
              %dma_wait3A_1147 = tpu.memref_slice %arg14[%dma_wait3A_1146] : memref<1056000xf32, #tpu.memory_space<vmem_shared>> -> memref<1056000xf32, #tpu.memory_space<vmem_shared>>
              %dma_wait3A_1148 = tpu.memref_slice %arg31[%dma_wait3A] : memref<2x!tpu.dma_semaphore, #tpu.memory_space<semaphore_mem>> -> memref<1x!tpu.dma_semaphore, #tpu.memory_space<semaphore_mem>>
              %dma_wait3A_1149 = tpu.memref_squeeze %dma_wait3A_1148 : memref<1x!tpu.dma_semaphore, #tpu.memory_space<semaphore_mem>> -> memref<!tpu.dma_semaphore, #tpu.memory_space<semaphore_mem>>
              tpu.wait_indirect_dma semaphore(%dma_wait3A_1149 : memref<!tpu.dma_semaphore, #tpu.memory_space<semaphore_mem>>) src(%arg29 : memref<960xf32, #tpu.memory_space<vmem>>) dst(%dma_wait3A_1147 : memref<1056000xf32, #tpu.memory_space<vmem_shared>>)
            } else {
            }
          } else {
          }
          %eq3A_1126 = arith.constant 1 : i32
          %eq3A_1127 = arith.cmpi eq, %and3A_894, %eq3A_1126 : i32
          %and3A_1128 = arith.andi %eq3A_1119, %eq3A_1127 : i1
          %convert_element_type3A_1129 = arith.extui %and3A_1128 : i1 to i32
          %cond3A_1130 = arith.constant 0 : i32
          %cond3A_1131 = arith.cmpi ne, %convert_element_type3A_1129, %cond3A_1130 : i32
          scf.if %cond3A_1131 {
            %dma_start3A = arith.constant 1 : i32
            %dma_start3A_1137 = arith.constant 0 : i32
            %dma_start3A_1138 = tpu.memref_slice %arg14[%dma_start3A_1137] : memref<1056000xf32, #tpu.memory_space<vmem_shared>> -> memref<1056000xf32, #tpu.memory_space<vmem_shared>>
            %dma_start3A_1139 = tpu.memref_slice %arg31[%dma_start3A] : memref<2x!tpu.dma_semaphore, #tpu.memory_space<semaphore_mem>> -> memref<1x!tpu.dma_semaphore, #tpu.memory_space<semaphore_mem>>
            %dma_start3A_1140 = tpu.memref_squeeze %dma_start3A_1139 : memref<1x!tpu.dma_semaphore, #tpu.memory_space<semaphore_mem>> -> memref<!tpu.dma_semaphore, #tpu.memory_space<semaphore_mem>>
            tpu.enqueue_indirect_dma source(%arg29 : memref<960xf32, #tpu.memory_space<vmem>>) target(%dma_start3A_1138 : memref<1056000xf32, #tpu.memory_space<vmem_shared>>) offsets(%arg30 : memref<960xi32, #tpu.memory_space<vmem>>) semaphore(%dma_start3A_1140 : memref<!tpu.dma_semaphore, #tpu.memory_space<semaphore_mem>>) {add = true}
            %dma_wait3A = arith.constant 0 : i32
            %dma_wait3A_1141 = arith.constant 0 : i32
            %dma_wait3A_1142 = tpu.memref_slice %arg14[%dma_wait3A_1141] : memref<1056000xf32, #tpu.memory_space<vmem_shared>> -> memref<1056000xf32, #tpu.memory_space<vmem_shared>>
            %dma_wait3A_1143 = tpu.memref_slice %arg31[%dma_wait3A] : memref<2x!tpu.dma_semaphore, #tpu.memory_space<semaphore_mem>> -> memref<1x!tpu.dma_semaphore, #tpu.memory_space<semaphore_mem>>
            %dma_wait3A_1144 = tpu.memref_squeeze %dma_wait3A_1143 : memref<1x!tpu.dma_semaphore, #tpu.memory_space<semaphore_mem>> -> memref<!tpu.dma_semaphore, #tpu.memory_space<semaphore_mem>>
            tpu.wait_indirect_dma semaphore(%dma_wait3A_1144 : memref<!tpu.dma_semaphore, #tpu.memory_space<semaphore_mem>>) src(%arg27 : memref<960xf32, #tpu.memory_space<vmem>>) dst(%dma_wait3A_1142 : memref<1056000xf32, #tpu.memory_space<vmem_shared>>)
          } else {
          }
          %jit3A_1132 = arith.constant 0 : i32
          %select_n3A_1133 = arith.select %eq3A_1119, %jit3A_1132, %add3A_1117 : i32
          %add3A_1134 = arith.constant 1 : i32
          %add3A_1135 = arith.addi %while3A_167, %add3A_1134 : i32
          %select_n3A_1136 = arith.select %eq3A_1119, %add3A_1135, %while3A_167 : i32
          scf.yield %select_n3A_1133, %select_n3A_1136 : i32, i32
        }
        scf.yield %while3A_164#0, %while3A_164#1 : i32, i32
      }
      %scan3A_35 = arith.constant 512 : i32
      %and3A = arith.constant 1 : i32
      %and3A_36 = arith.andi %scan3A_34#1, %and3A : i32
      %eq3A = arith.constant 0 : i32
      %eq3A_37 = arith.cmpi eq, %and3A_36, %eq3A : i32
      %convert_element_type3A = arith.extui %eq3A_37 : i1 to i32
      %cond3A = arith.constant 0 : i32
      %cond3A_38 = arith.cmpi ne, %convert_element_type3A, %cond3A : i32
      scf.if %cond3A_38 {
        %while3A = arith.constant 60 : i32
        %while3A_134 = arith.constant 0 : i32
        %while3A_135 = arith.subi %while3A, %scan3A_34#0 : i32
        %while3A_136 = arith.addi %scan3A_34#0, %while3A_135 : i32
        %while3A_137 = arith.constant 1 : i32
        %while3A_138 = arith.divsi %while3A_135, %while3A_137 : i32
        %while3A_139 = arith.muli %while3A_138, %while3A_137 : i32
        %while3A_140 = arith.addi %scan3A_34#0, %while3A_139 : i32
        %while3A_141 = arith.constant 1 : i32
        %while3A_142 = scf.for %while3A_149 = %scan3A_34#0 to %while3A_140 step %while3A_141 iter_args(%while3A_150 = %while3A_134) -> (i32)  : i32 {
          %mul3A_151 = arith.constant 16 : i32
          %mul3A_152 = arith.muli %while3A_149, %mul3A_151 : i32
          %swap3A = arith.index_cast %mul3A_152 : i32 to index
          %swap3A_153 = tpu.vector_load %arg27[%swap3A] {strides = array<i32>} : memref<960xf32, #tpu.memory_space<vmem>>, vector<16xf32>,
          %swap3A_154 = vector.shape_cast %swap3A_153 : vector<16xf32> to vector<16xf32>
          %swap3A_155 = vector.shape_cast %broadcast_in_dim3A_1 : vector<16xf32> to vector<16xf32>
          tpu.vector_store %arg27[%swap3A], %swap3A_155 {strides = array<i32>} : memref<960xf32, #tpu.memory_space<vmem>>, vector<16xf32>,
          %swap3A_156 = arith.index_cast %mul3A_152 : i32 to index
          %swap3A_157 = tpu.vector_load %arg28[%swap3A_156] {strides = array<i32>} : memref<960xi32, #tpu.memory_space<vmem>>, vector<16xi32>,
          %swap3A_158 = vector.shape_cast %swap3A_157 : vector<16xi32> to vector<16xi32>
          %swap3A_159 = vector.shape_cast %add3A_9 : vector<16xi32> to vector<16xi32>
          tpu.vector_store %arg28[%swap3A_156], %swap3A_159 {strides = array<i32>} : memref<960xi32, #tpu.memory_space<vmem>>, vector<16xi32>,
          %while3A_160 = arith.constant 0 : i32
          scf.yield %while3A_160 : i32
        }
        %while3A_143 = arith.constant 1 : i32
        %while3A_144 = scf.for %while3A_149 = %while3A_140 to %while3A_136 step %while3A_143 iter_args(%while3A_150 = %while3A_142) -> (i32)  : i32 {
          %mul3A_151 = arith.constant 16 : i32
          %mul3A_152 = arith.muli %while3A_149, %mul3A_151 : i32
          %swap3A = arith.index_cast %mul3A_152 : i32 to index
          %swap3A_153 = tpu.vector_load %arg27[%swap3A] {strides = array<i32>} : memref<960xf32, #tpu.memory_space<vmem>>, vector<16xf32>,
          %swap3A_154 = vector.shape_cast %swap3A_153 : vector<16xf32> to vector<16xf32>
          %swap3A_155 = vector.shape_cast %broadcast_in_dim3A_1 : vector<16xf32> to vector<16xf32>
          tpu.vector_store %arg27[%swap3A], %swap3A_155 {strides = array<i32>} : memref<960xf32, #tpu.memory_space<vmem>>, vector<16xf32>,
          %swap3A_156 = arith.index_cast %mul3A_152 : i32 to index
          %swap3A_157 = tpu.vector_load %arg28[%swap3A_156] {strides = array<i32>} : memref<960xi32, #tpu.memory_space<vmem>>, vector<16xi32>,
          %swap3A_158 = vector.shape_cast %swap3A_157 : vector<16xi32> to vector<16xi32>
          %swap3A_159 = vector.shape_cast %add3A_9 : vector<16xi32> to vector<16xi32>
          tpu.vector_store %arg28[%swap3A_156], %swap3A_159 {strides = array<i32>} : memref<960xi32, #tpu.memory_space<vmem>>, vector<16xi32>,
          %while3A_160 = arith.constant 0 : i32
          scf.yield %while3A_160 : i32
        }
        "tpu.region"() ({
          %run_scoped3A = tpu.sem_alloc : memref<!tpu.dma_semaphore, #tpu.memory_space<semaphore_mem>>
          %dma_start3A = arith.constant 0 : i32
          %dma_start3A_149 = tpu.memref_slice %arg14[%dma_start3A] : memref<1056000xf32, #tpu.memory_space<vmem_shared>> -> memref<1056000xf32, #tpu.memory_space<vmem_shared>>
          tpu.enqueue_indirect_dma source(%arg27 : memref<960xf32, #tpu.memory_space<vmem>>) target(%dma_start3A_149 : memref<1056000xf32, #tpu.memory_space<vmem_shared>>) offsets(%arg28 : memref<960xi32, #tpu.memory_space<vmem>>) semaphore(%run_scoped3A : memref<!tpu.dma_semaphore, #tpu.memory_space<semaphore_mem>>) {add = true}
          %dma_wait3A = arith.constant 0 : i32
          %dma_wait3A_150 = tpu.memref_slice %arg14[%dma_wait3A] : memref<1056000xf32, #tpu.memory_space<vmem_shared>> -> memref<1056000xf32, #tpu.memory_space<vmem_shared>>
          tpu.wait_indirect_dma semaphore(%run_scoped3A : memref<!tpu.dma_semaphore, #tpu.memory_space<semaphore_mem>>) src(%arg27 : memref<960xf32, #tpu.memory_space<vmem>>) dst(%dma_wait3A_150 : memref<1056000xf32, #tpu.memory_space<vmem_shared>>)
          tpu.yield
        }) : () -> ()
        %ge3A = arith.constant 1 : i32
        %ge3A_145 = arith.cmpi sge, %scan3A_34#1, %ge3A : i32
        %convert_element_type3A_146 = arith.extui %ge3A_145 : i1 to i32
        %cond3A_147 = arith.constant 0 : i32
        %cond3A_148 = arith.cmpi ne, %convert_element_type3A_146, %cond3A_147 : i32
        scf.if %cond3A_148 {
          %dma_wait3A = arith.constant 1 : i32
          %dma_wait3A_149 = arith.constant 0 : i32
          %dma_wait3A_150 = tpu.memref_slice %arg14[%dma_wait3A_149] : memref<1056000xf32, #tpu.memory_space<vmem_shared>> -> memref<1056000xf32, #tpu.memory_space<vmem_shared>>
          %dma_wait3A_151 = tpu.memref_slice %arg31[%dma_wait3A] : memref<2x!tpu.dma_semaphore, #tpu.memory_space<semaphore_mem>> -> memref<1x!tpu.dma_semaphore, #tpu.memory_space<semaphore_mem>>
          %dma_wait3A_152 = tpu.memref_squeeze %dma_wait3A_151 : memref<1x!tpu.dma_semaphore, #tpu.memory_space<semaphore_mem>> -> memref<!tpu.dma_semaphore, #tpu.memory_space<semaphore_mem>>
          tpu.wait_indirect_dma semaphore(%dma_wait3A_152 : memref<!tpu.dma_semaphore, #tpu.memory_space<semaphore_mem>>) src(%arg29 : memref<960xf32, #tpu.memory_space<vmem>>) dst(%dma_wait3A_150 : memref<1056000xf32, #tpu.memory_space<vmem_shared>>)
        } else {
        }
      } else {
      }
      %eq3A_39 = arith.constant 1 : i32
      %eq3A_40 = arith.cmpi eq, %and3A_36, %eq3A_39 : i32
      %convert_element_type3A_41 = arith.extui %eq3A_40 : i1 to i32
      %cond3A_42 = arith.constant 0 : i32
      %cond3A_43 = arith.cmpi ne, %convert_element_type3A_41, %cond3A_42 : i32
      scf.if %cond3A_43 {
        %while3A = arith.constant 60 : i32
        %while3A_134 = arith.constant 0 : i32
        %while3A_135 = arith.subi %while3A, %scan3A_34#0 : i32
        %while3A_136 = arith.addi %scan3A_34#0, %while3A_135 : i32
        %while3A_137 = arith.constant 1 : i32
        %while3A_138 = arith.divsi %while3A_135, %while3A_137 : i32
        %while3A_139 = arith.muli %while3A_138, %while3A_137 : i32
        %while3A_140 = arith.addi %scan3A_34#0, %while3A_139 : i32
        %while3A_141 = arith.constant 1 : i32
        %while3A_142 = scf.for %while3A_149 = %scan3A_34#0 to %while3A_140 step %while3A_141 iter_args(%while3A_150 = %while3A_134) -> (i32)  : i32 {
          %mul3A_151 = arith.constant 16 : i32
          %mul3A_152 = arith.muli %while3A_149, %mul3A_151 : i32
          %swap3A = arith.index_cast %mul3A_152 : i32 to index
          %swap3A_153 = tpu.vector_load %arg29[%swap3A] {strides = array<i32>} : memref<960xf32, #tpu.memory_space<vmem>>, vector<16xf32>,
          %swap3A_154 = vector.shape_cast %swap3A_153 : vector<16xf32> to vector<16xf32>
          %swap3A_155 = vector.shape_cast %broadcast_in_dim3A_1 : vector<16xf32> to vector<16xf32>
          tpu.vector_store %arg29[%swap3A], %swap3A_155 {strides = array<i32>} : memref<960xf32, #tpu.memory_space<vmem>>, vector<16xf32>,
          %swap3A_156 = arith.index_cast %mul3A_152 : i32 to index
          %swap3A_157 = tpu.vector_load %arg30[%swap3A_156] {strides = array<i32>} : memref<960xi32, #tpu.memory_space<vmem>>, vector<16xi32>,
          %swap3A_158 = vector.shape_cast %swap3A_157 : vector<16xi32> to vector<16xi32>
          %swap3A_159 = vector.shape_cast %add3A_9 : vector<16xi32> to vector<16xi32>
          tpu.vector_store %arg30[%swap3A_156], %swap3A_159 {strides = array<i32>} : memref<960xi32, #tpu.memory_space<vmem>>, vector<16xi32>,
          %while3A_160 = arith.constant 0 : i32
          scf.yield %while3A_160 : i32
        }
        %while3A_143 = arith.constant 1 : i32
        %while3A_144 = scf.for %while3A_149 = %while3A_140 to %while3A_136 step %while3A_143 iter_args(%while3A_150 = %while3A_142) -> (i32)  : i32 {
          %mul3A_151 = arith.constant 16 : i32
          %mul3A_152 = arith.muli %while3A_149, %mul3A_151 : i32
          %swap3A = arith.index_cast %mul3A_152 : i32 to index
          %swap3A_153 = tpu.vector_load %arg29[%swap3A] {strides = array<i32>} : memref<960xf32, #tpu.memory_space<vmem>>, vector<16xf32>,
          %swap3A_154 = vector.shape_cast %swap3A_153 : vector<16xf32> to vector<16xf32>
          %swap3A_155 = vector.shape_cast %broadcast_in_dim3A_1 : vector<16xf32> to vector<16xf32>
          tpu.vector_store %arg29[%swap3A], %swap3A_155 {strides = array<i32>} : memref<960xf32, #tpu.memory_space<vmem>>, vector<16xf32>,
          %swap3A_156 = arith.index_cast %mul3A_152 : i32 to index
          %swap3A_157 = tpu.vector_load %arg30[%swap3A_156] {strides = array<i32>} : memref<960xi32, #tpu.memory_space<vmem>>, vector<16xi32>,
          %swap3A_158 = vector.shape_cast %swap3A_157 : vector<16xi32> to vector<16xi32>
          %swap3A_159 = vector.shape_cast %add3A_9 : vector<16xi32> to vector<16xi32>
          tpu.vector_store %arg30[%swap3A_156], %swap3A_159 {strides = array<i32>} : memref<960xi32, #tpu.memory_space<vmem>>, vector<16xi32>,
          %while3A_160 = arith.constant 0 : i32
          scf.yield %while3A_160 : i32
        }
        "tpu.region"() ({
          %run_scoped3A = tpu.sem_alloc : memref<!tpu.dma_semaphore, #tpu.memory_space<semaphore_mem>>
          %dma_start3A = arith.constant 0 : i32
          %dma_start3A_149 = tpu.memref_slice %arg14[%dma_start3A] : memref<1056000xf32, #tpu.memory_space<vmem_shared>> -> memref<1056000xf32, #tpu.memory_space<vmem_shared>>
          tpu.enqueue_indirect_dma source(%arg29 : memref<960xf32, #tpu.memory_space<vmem>>) target(%dma_start3A_149 : memref<1056000xf32, #tpu.memory_space<vmem_shared>>) offsets(%arg30 : memref<960xi32, #tpu.memory_space<vmem>>) semaphore(%run_scoped3A : memref<!tpu.dma_semaphore, #tpu.memory_space<semaphore_mem>>) {add = true}
          %dma_wait3A_150 = arith.constant 0 : i32
          %dma_wait3A_151 = tpu.memref_slice %arg14[%dma_wait3A_150] : memref<1056000xf32, #tpu.memory_space<vmem_shared>> -> memref<1056000xf32, #tpu.memory_space<vmem_shared>>
          tpu.wait_indirect_dma semaphore(%run_scoped3A : memref<!tpu.dma_semaphore, #tpu.memory_space<semaphore_mem>>) src(%arg29 : memref<960xf32, #tpu.memory_space<vmem>>) dst(%dma_wait3A_151 : memref<1056000xf32, #tpu.memory_space<vmem_shared>>)
          tpu.yield
        }) : () -> ()
        %dma_wait3A = arith.constant 0 : i32
        %dma_wait3A_145 = arith.constant 0 : i32
        %dma_wait3A_146 = tpu.memref_slice %arg14[%dma_wait3A_145] : memref<1056000xf32, #tpu.memory_space<vmem_shared>> -> memref<1056000xf32, #tpu.memory_space<vmem_shared>>
        %dma_wait3A_147 = tpu.memref_slice %arg31[%dma_wait3A] : memref<2x!tpu.dma_semaphore, #tpu.memory_space<semaphore_mem>> -> memref<1x!tpu.dma_semaphore, #tpu.memory_space<semaphore_mem>>
        %dma_wait3A_148 = tpu.memref_squeeze %dma_wait3A_147 : memref<1x!tpu.dma_semaphore, #tpu.memory_space<semaphore_mem>> -> memref<!tpu.dma_semaphore, #tpu.memory_space<semaphore_mem>>
        tpu.wait_indirect_dma semaphore(%dma_wait3A_148 : memref<!tpu.dma_semaphore, #tpu.memory_space<semaphore_mem>>) src(%arg27 : memref<960xf32, #tpu.memory_space<vmem>>) dst(%dma_wait3A_146 : memref<1056000xf32, #tpu.memory_space<vmem_shared>>)
      } else {
      }
      %barrier3A_44 = arith.constant 0 : index
      tpu.barrier barrier_id(%barrier3A_44)
      %jit3A = arith.constant 8 : i32
      %div3A = arith.divsi %arg1, %jit3A : i32
      %sign3A = arith.constant 0 : i32
      %sign3A_45 = arith.cmpi sgt, %arg1, %sign3A : i32
      %sign3A_46 = arith.extui %sign3A_45 : i1 to i32
      %sign3A_47 = arith.constant 0 : i32
      %sign3A_48 = arith.cmpi slt, %arg1, %sign3A_47 : i32
      %sign3A_49 = arith.extui %sign3A_48 : i1 to i32
      %sign3A_50 = arith.subi %sign3A_46, %sign3A_49 : i32
      %sign3A_51 = arith.constant 0 : i32
      %sign3A_52 = arith.cmpi sgt, %jit3A, %sign3A_51 : i32
      %sign3A_53 = arith.extui %sign3A_52 : i1 to i32
      %sign3A_54 = arith.constant 0 : i32
      %sign3A_55 = arith.cmpi slt, %jit3A, %sign3A_54 : i32
      %sign3A_56 = arith.extui %sign3A_55 : i1 to i32
      %sign3A_57 = arith.subi %sign3A_53, %sign3A_56 : i32
      %ne3A = arith.cmpi ne, %sign3A_50, %sign3A_57 : i32
      %rem3A = arith.remsi %arg1, %jit3A : i32
      %ne3A_58 = arith.constant 0 : i32
      %ne3A_59 = arith.cmpi ne, %rem3A, %ne3A_58 : i32
      %and3A_60 = arith.andi %ne3A, %ne3A_59 : i1
      %sub3A = arith.constant 1 : i32
      %sub3A_61 = arith.subi %div3A, %sub3A : i32
      %select_n3A = arith.select %and3A_60, %sub3A_61, %div3A : i32
      %jit3A_62 = arith.constant 4 : i32
      %div3A_63 = arith.divsi %arg1, %jit3A_62 : i32
      %sign3A_64 = arith.constant 0 : i32
      %sign3A_65 = arith.cmpi sgt, %arg1, %sign3A_64 : i32
      %sign3A_66 = arith.extui %sign3A_65 : i1 to i32
      %sign3A_67 = arith.constant 0 : i32
      %sign3A_68 = arith.cmpi slt, %arg1, %sign3A_67 : i32
      %sign3A_69 = arith.extui %sign3A_68 : i1 to i32
      %sign3A_70 = arith.subi %sign3A_66, %sign3A_69 : i32
      %sign3A_71 = arith.constant 0 : i32
      %sign3A_72 = arith.cmpi sgt, %jit3A_62, %sign3A_71 : i32
      %sign3A_73 = arith.extui %sign3A_72 : i1 to i32
      %sign3A_74 = arith.constant 0 : i32
      %sign3A_75 = arith.cmpi slt, %jit3A_62, %sign3A_74 : i32
      %sign3A_76 = arith.extui %sign3A_75 : i1 to i32
      %sign3A_77 = arith.subi %sign3A_73, %sign3A_76 : i32
      %ne3A_78 = arith.cmpi ne, %sign3A_70, %sign3A_77 : i32
      %rem3A_79 = arith.remsi %arg1, %jit3A_62 : i32
      %ne3A_80 = arith.constant 0 : i32
      %ne3A_81 = arith.cmpi ne, %rem3A_79, %ne3A_80 : i32
      %and3A_82 = arith.andi %ne3A_78, %ne3A_81 : i1
      %sub3A_83 = arith.constant 1 : i32
      %sub3A_84 = arith.subi %div3A_63, %sub3A_83 : i32
      %select_n3A_85 = arith.select %and3A_82, %sub3A_84, %div3A_63 : i32
      %jit3A_86 = arith.constant 2 : i32
      %eq3A_87 = arith.constant 0 : i32
      %eq3A_88 = arith.cmpi eq, %jit3A_86, %eq3A_87 : i32
      %jit3A_89 = arith.constant 1 : i32
      %select_n3A_90 = arith.select %eq3A_88, %jit3A_89, %jit3A_86 : i32
      %rem3A_91 = arith.remsi %select_n3A_85, %select_n3A_90 : i32
      %ne3A_92 = arith.constant 0 : i32
      %ne3A_93 = arith.cmpi ne, %rem3A_91, %ne3A_92 : i32
      %lt3A = arith.constant 0 : i32
      %lt3A_94 = arith.cmpi slt, %rem3A_91, %lt3A : i32
      %lt3A_95 = arith.constant 0 : i32
      %lt3A_96 = arith.cmpi slt, %select_n3A_90, %lt3A_95 : i32
      %ne3A_97 = arith.xori %lt3A_94, %lt3A_96 : i1
      %and3A_98 = arith.andi %ne3A_97, %ne3A_93 : i1
      %add3A_99 = arith.addi %rem3A_91, %select_n3A_90 : i32
      %select_n3A_100 = arith.select %and3A_98, %add3A_99, %rem3A_91 : i32
      %jit3A_101 = arith.constant 4 : i32
      %eq3A_102 = arith.constant 0 : i32
      %eq3A_103 = arith.cmpi eq, %jit3A_101, %eq3A_102 : i32
      %jit3A_104 = arith.constant 1 : i32
      %select_n3A_105 = arith.select %eq3A_103, %jit3A_104, %jit3A_101 : i32
      %rem3A_106 = arith.remsi %arg1, %select_n3A_105 : i32
      %ne3A_107 = arith.constant 0 : i32
      %ne3A_108 = arith.cmpi ne, %rem3A_106, %ne3A_107 : i32
      %lt3A_109 = arith.constant 0 : i32
      %lt3A_110 = arith.cmpi slt, %rem3A_106, %lt3A_109 : i32
      %lt3A_111 = arith.constant 0 : i32
      %lt3A_112 = arith.cmpi slt, %select_n3A_105, %lt3A_111 : i32
      %ne3A_113 = arith.xori %lt3A_110, %lt3A_112 : i1
      %and3A_114 = arith.andi %ne3A_113, %ne3A_108 : i1
      %add3A_115 = arith.addi %rem3A_106, %select_n3A_105 : i32
      %select_n3A_116 = arith.select %and3A_114, %add3A_115, %rem3A_106 : i32
      %mul3A_117 = arith.constant 2 : i32
      %mul3A_118 = arith.muli %mul3A_117, %arg0 : i32
      %add3A_119 = arith.addi %mul3A_118, %select_n3A : i32
      %mul3A_120 = arith.constant 8388608 : i32
      %mul3A_121 = arith.muli %add3A_119, %mul3A_120 : i32
      %add3A_122 = arith.addi %mul3A_20, %select_n3A_100 : i32
      %mul3A_123 = arith.constant 262144 : i32
      %mul3A_124 = arith.muli %add3A_122, %mul3A_123 : i32
      %add3A_125 = arith.addi %mul3A_121, %mul3A_124 : i32
      %mul3A_126 = arith.constant 128 : i32
      %mul3A_127 = arith.muli %select_n3A_116, %mul3A_126 : i32
      %mul3A_128 = arith.constant 512 : i32
      %mul3A_129 = arith.muli %mul3A_127, %mul3A_128 : i32
      %add3A_130 = arith.addi %add3A_125, %mul3A_129 : i32
      %mul3A_131 = arith.constant 65536 : i32
      %mul3A_132 = arith.muli %arg1, %mul3A_131 : i32
      "tpu.region"() ({
        %run_scoped3A = tpu.sem_alloc : memref<!tpu.dma_semaphore, #tpu.memory_space<semaphore_mem>>
        %dma_start3A = tpu.memref_slice %arg13[%add3A_130] : memref<33554432xf32, #tpu.memory_space<hbm>> -> memref<65536xf32, #tpu.memory_space<hbm>>
        %dma_start3A_134 = tpu.memref_slice %arg14[%mul3A_132] : memref<1056000xf32, #tpu.memory_space<vmem_shared>> -> memref<65536xf32, #tpu.memory_space<vmem_shared>>
        tpu.enqueue_dma source(%dma_start3A_134 : memref<65536xf32, #tpu.memory_space<vmem_shared>>) target(%dma_start3A : memref<65536xf32, #tpu.memory_space<hbm>>) target_semaphore(%run_scoped3A : memref<!tpu.dma_semaphore, #tpu.memory_space<semaphore_mem>>)
        %dma_wait3A = tpu.memref_slice %arg13[%add3A_130] : memref<33554432xf32, #tpu.memory_space<hbm>> -> memref<65536xf32, #tpu.memory_space<hbm>>
        %dma_wait3A_135 = tpu.memref_slice %arg14[%mul3A_132] : memref<1056000xf32, #tpu.memory_space<vmem_shared>> -> memref<65536xf32, #tpu.memory_space<vmem_shared>>
        tpu.wait_dma2 semaphore(%run_scoped3A : memref<!tpu.dma_semaphore, #tpu.memory_space<semaphore_mem>>) src(%dma_wait3A_135 : memref<65536xf32, #tpu.memory_space<vmem_shared>>) dst(%dma_wait3A : memref<65536xf32, #tpu.memory_space<hbm>>)
        tpu.yield
      }) : () -> ()
      %scan3A_133 = arith.constant 0 : i32
      scf.yield %scan3A_133 : i32
    }
    %scan3A_16 = arith.constant 16 : i32
    return
  }
}

</mosaic_0001>

<sc_bundles>
// kernel: _sc_place.3.cloned.1.call-start
scs
__scs_entry_jumppad:
0x0: {  	(pc) =	sbr.rel $0x88, $3  }
0x1: {  	(tag) =	ssettag $0x0;
	lr =	simm.s32 $0x1  }
0x2: {  	[smem:$0x3F96] =	sst lr;
	_ =	strace $0xD0000000  }
0x3: {  	_ = 	snop  }
0x4: {  	_ = 	snop  }
0x5: {  	_ = 	snop  }
0x6: {  	_ = 	snop  }
0x7: {  	_ = 	snop  }
__scs_overlays_trampoline_lowered:
0x8: {  	[smem:$0x3FA5] =	sst s0  }
0x9: {  	[smem:$0x3FA6] =	sst s1  }
0xa: {  	[smem:$0x3FA7] =	sst s2  }
0xb: {  	[smem:$0x3FA8] =	sst s3  }
0xc: {  	[smem:$0x3FA9] =	sst s4  }
0xd: {  	[smem:$0x3FAA] =	sst s5  }
0xe: {  	[smem:$0x3FAB] =	sst s6  }
0xf: {  	[smem:$0x3FAC] =	sst s7  }
0x10: {  	[smem:$0x3FAD] =	sst s8  }
0x11: {  	[smem:$0x3FAE] =	sst s9;
	s0 =	simm.s32 @!p0 $0x0  }
0x12: {  	s1 =	sld [smem:$0x3F94];
	s0 =	simm.s32 @p0 $0x1  }
0x13: {  	[smem:$0x3FAF] =	sst s0;
	s0 =	simm.s32 @!p1 $0x0  }
0x14: {  	s2 =	sld [smem:$0x3F93];
	s0 =	simm.s32 @p1 $0x1  }
0x15: {  	[smem:$0x3FB0] =	sst s0;
	s0 =	simm.s32 @!p2 $0x0  }
0x16: {  	s3 =	sld [smem:$0x3FDB];
	s0 =	simm.s32 @p2 $0x1  }
0x17: {  	s4 =	simm.s32 $0x1BF5;
	[smem:$0x3FB2] =	sst s0  }
0x18: {  	s0 =	sld [smem:$0x3F95];
	_ =	swait.ge [sflag:s4], $0x0  }
0x19: {  	s7 =	sld [smem:$0x3F96]  }
0x1a: {  	s8 =	sadd.s32 $0xFFFFE003, lr  }
0x1b: {  	s9 =	sadd.s32 $0xFFFFFEF7, lr;
	s5 =	simm.s32 $0xFFFFFFFF;
	p2 =	slt.u32 s8, $0xFFFFF086  }
0x1c: {  	p1 =	slt.u32 s9, $0xF7A;
	s5 =	simm.s32 @!p2 $0x0  }
0x1d: {  	s5 =	simm.s32 @p1 $0x1;
	p0 =	seq.s32 s7, s2  }
0x1e: {  	s7 =	smul.u32 @!p0 $0xF7A, s2;
	p2 =	seq.s32 @!p0 s5, $0x0  }
0x1f: {  	s9 =	smul.u32 $0xF7A, s1;
	s8 =	simm.s32 @!p0 $0x1BF5;
	p2 =	por !p2, p0  }
0x20: {  	[sflag:s8] =	ssyncset.s32 @!p0 $0xFFFFF086;
	s6 =	sadd.s32 @!p0 s3, s7;
	s7 =	simm.s32 @!p0 $0x108  }
0x21: {  	s3 =	sadd.s32 s3, s9;
	s6 =	sadd.s32 @!p0 $0x88, s6;
	s7 =	simm.s32 @p2 $0x1082  }
0x22: {  	[simem:s7], [sflag:s8] =	dma.local @!p0 [hbm:s6], $0xF7A  }
0x23: {  	s9 =	sor.u32 $0xD0000000, s2;
	s6 =	simm.s32 $0x108;
	_ =	swait.ge @!p0 [sflag:s8], $0x0  }
0x24: {  	s3 =	sadd.s32 $0x88, s3;
	s6 =	simm.s32 @!p1 $0x1082;
	[sflag:s4] =	ssyncset.s32 $0xFFFFF086  }
0x25: {  	[simem:s6], [sflag:s4] =	dma.local [hbm:s3], $0xF7A  }
0x26: {  	[smem:$0x3F96] =	sst s1;
	(tag) =	ssettag s2;
	_ =	strace s9  }
0x27: {  	s1 =	sld [smem:$0x3FA6]  }
0x28: {  	s2 =	sld [smem:$0x3FA7]  }
0x29: {  	s4 =	sld [smem:$0x3FA9]  }
0x2a: {  	p0 =	seq.s32 s5, $0x0;
	s5 =	sld [smem:$0x3FAA]  }
0x2b: {  	s6 =	sld [smem:$0x3FAB]  }
0x2c: {  	s7 =	sld [smem:$0x3FAC]  }
0x2d: {  	s3 =	simm.s32 $0x108;
	s8 =	sld [smem:$0x3FAD]  }
0x2e: {  	s3 =	simm.s32 @!p0 $0x1082;
	s9 =	sld [smem:$0x3FAE]  }
0x2f: {  	lr =	sadd.s32 s0, s3;
	s0 =	sld [smem:$0x3FA5]  }
0x30: {  	s3 =	sld [smem:$0x3FA8]  }
0x31: {  	[smem:$0x3FB1] =	sst s10  }
0x32: {  	s10 =	sld [smem:$0x3FAF];
	_ =	sdelay $0x3  }
0x33: {  	p0 =	seq.s32 s10, $0x1;
	s10 =	sld [smem:$0x3FB1];
	_ =	sdelay $0x3  }
0x34: {  	[smem:$0x3FB1] =	sst s10  }
0x35: {  	s10 =	sld [smem:$0x3FB0];
	_ =	sdelay $0x3  }
0x36: {  	p1 =	seq.s32 s10, $0x1;
	s10 =	sld [smem:$0x3FB1];
	_ =	sdelay $0x3  }
0x37: {  	[smem:$0x3FB1] =	sst s10  }
0x38: {  	s10 =	sld [smem:$0x3FB2]  }
0x39: {  	_ = 	snop;
	(pc) =	sbr.ind lr, $3  }
0x3a: {  	_ = 	snop  }
0x3b: {  	_ = 	snop  }
0x3c: {  	p2 =	seq.s32 s10, $0x1;
	s10 =	sld [smem:$0x3FB1]  }
0x3d: {  	_ =	shalt  }
0x3e: {  	_ =	shalt  }
0x3f: {  	_ =	shalt  }
0x40: {  	_ =	shalt  }
0x41: {  	_ =	shalt  }
0x42: {  	_ =	shalt  }
0x43: {  	_ =	shalt  }
0x44: {  	_ =	shalt  }
0x45: {  	_ =	shalt  }
0x46: {  	_ =	shalt  }
0x47: {  	_ =	shalt  }
0x48: {  	_ =	shalt  }
0x49: {  	_ =	shalt  }
0x4a: {  	_ =	shalt  }
0x4b: {  	_ =	shalt  }
0x4c: {  	_ =	shalt  }
0x4d: {  	_ =	shalt  }
0x4e: {  	_ =	shalt  }
0x4f: {  	_ =	shalt  }
0x50: {  	_ =	shalt  }
0x51: {  	_ =	shalt  }
0x52: {  	_ =	shalt  }
0x53: {  	_ =	shalt  }
0x54: {  	_ =	shalt  }
0x55: {  	_ =	shalt  }
0x56: {  	_ =	shalt  }
0x57: {  	_ =	shalt  }
0x58: {  	_ =	shalt  }
0x59: {  	_ =	shalt  }
0x5a: {  	_ =	shalt  }
0x5b: {  	_ =	shalt  }
0x5c: {  	_ =	shalt  }
0x5d: {  	_ =	shalt  }
0x5e: {  	_ =	shalt  }
0x5f: {  	_ =	shalt  }
0x60: {  	_ =	shalt  }
0x61: {  	_ =	shalt  }
0x62: {  	_ =	shalt  }
0x63: {  	_ =	shalt  }
0x64: {  	_ =	shalt  }
0x65: {  	_ =	shalt  }
0x66: {  	_ =	shalt  }
0x67: {  	_ =	shalt  }
0x68: {  	_ =	shalt  }
0x69: {  	_ =	shalt  }
0x6a: {  	_ =	shalt  }
0x6b: {  	_ =	shalt  }
0x6c: {  	_ =	shalt  }
0x6d: {  	_ =	shalt  }
0x6e: {  	_ =	shalt  }
0x6f: {  	_ =	shalt  }
0x70: {  	_ =	shalt  }
0x71: {  	_ =	shalt  }
0x72: {  	_ =	shalt  }
0x73: {  	_ =	shalt  }
0x74: {  	_ =	shalt  }
0x75: {  	_ =	shalt  }
0x76: {  	_ =	shalt  }
0x77: {  	_ =	shalt  }
0x78: {  	_ =	shalt  }
0x79: {  	_ =	shalt  }
0x7a: {  	_ =	shalt  }
0x7b: {  	_ =	shalt  }
0x7c: {  	_ =	shalt  }
0x7d: {  	_ =	shalt  }
0x7e: {  	_ =	shalt  }
0x7f: {  	_ =	shalt  }
0x80: {  	_ =	shalt  }
0x81: {  	_ =	shalt  }
0x82: {  	_ =	shalt  }
0x83: {  	_ =	shalt  }
0x84: {  	_ =	shalt  }
0x85: {  	_ =	shalt  }
0x86: {  	_ =	shalt  }
0x87: {  	_ =	shalt  }
.Lfunc_end0:
.L_simem_size_0:
called_computation_lowered:
.L_overlay_start_0:
0x88: {  	s2 =	sld [smem:$0x3FD9]  }
0x89: {  	s3 =	sld [smem:$0x3FFE];
	_ =	sdelay $0x1  }
0x8a: {  	s1 =	srdreg.scid  }
0x8b: {  	s0 =	sand.u32 $0x1, s1  }
0x8c: {  	s18 =	sshll.u32 s0, $0xA;
	s2 =	sadd.s32 s3, s2  }
0x8d: {  	s2 =	sadd.s32 s2, s18  }
0x8e: {  	[smem:$0x3FBD] =	sst s2  }
0x8f: {  	_ = 	snop  }
0x90: {  	s2 =	sld [smem:$0x3FC9]  }
0x91: {  	s19 =	sld [smem:$0x3FC8]  }
0x92: {  	s4 =	sld [smem:$0x3FC7]  }
0x93: {  	s5 =	sld [smem:$0x3FC6]  }
0x94: {  	s6 =	sld [smem:$0x3FC5]  }
0x95: {  	s7 =	sld [smem:$0x3FC4]  }
0x96: {  	s8 =	sld [smem:$0x3FC3]  }
0x97: {  	s9 =	sld [smem:$0x3FC2]  }
0x98: {  	s10 =	sld [smem:$0x3FC1]  }
0x99: {  	s11 =	sld [smem:$0x3FC0]  }
0x9a: {  	s12 =	sld [smem:$0x3FBF]  }
0x9b: {  	s13 =	sld [smem:$0x3FD0];
	(tm) =	ssettm $0x1  }
0x9c: {  	s14 =	sld [smem:$0x3FFB];
	_ =	sdelay $0x3  }
0x9d: {  	_ =	strace s14  }
0x9e: {  	s14 =	sld [smem:$0x3FFC];
	_ =	sdelay $0x3  }
0x9f: {  	_ =	strace s14  }
0xa0: {  	s14 =	sld [smem:$0x3FFD];
	_ =	sdelay $0x3  }
0xa1: {  	_ =	strace s14  }
0xa2: {  	_ =	strace $0x8FFFFFFF  }
0xa3: {  	s20 =	sld [smem:$0x3FDB];
	_ =	sdelay $0x1  }
0xa4: {  	s15 =	simm.s32 $_scs_section_size  }
0xa5: {  	s16 =	simm.s32 $_size__tile_overlayer_lowered;
	s17 =	simm.s32 $_tile_overlayer_lowered  }
0xa6: {  	s23 =	simm.s32 $0x1BFF;
	s22 =	sshll.u32 s17, $0x1;
	s14 =	sadd.s32 s15, s20  }
0xa7: {  	s21 =	sshll.u32 s16, $0x1;
	s18 =	simm.s32 $0x0;
	s16 =	sadd.s32 s22, s14  }
0xa8: {  	[timem:s18], [sflag:s23] =	dma.local [hbm:s16], s21  }
0xa9: {  	_ =	swait.ge [sflag:s23], s21  }
0xaa: {  	s15 =	ssub.s32 $0x0, s21;
	[sflag:s23] =	ssyncset.done $0x0  }
0xab: {  	[sflag:s23] =	ssyncadd.s32 s15;
	_ =	sdelay $0x1  }
0xac: {  	s24 =	simm.s32 $0x1B8B  }
0xad: {  	_ =	swait.ge [sflag:s24], $0x1  }
0xae: {  	[sflag:s24] =	ssyncset.done $0x0  }
0xaf: {  	s25 =	simm.s32 $0x1B8E;
	[sflag:s24] =	ssyncadd.s32 $0xFFFFFFFF  }
0xb0: {  	s26 =	simm.s32 $execute0_lowered;
	[smem:$0x3FD2] =	sst s25  }
0xb1: {  	s15 =	sshll.u32 s26, $0x1;
	_ =	strace $0x80000046;
	[dreg:$0x1] =	wrdreg $0xFFFFFFFF  }
0xb2: {  	s28 =	simm.s32 $_size_execute0_lowered;
	s14 =	sadd.s32 s14, s15;
	[dreg:$0x0] =	wrdreg $0x0  }
0xb3: {  	s15 =	sshll.u32 s28, $0x1;
	[dreg:$0x2] =	wrdreg s14  }
0xb4: {  	[dreg:$0x3] =	wrdreg s15  }
0xb5: {  	[dreg:$0x4] =	wrdreg $0xC0  }
0xb6: {  	_ =	task [dreg:s18], $0x5FFFF  }
0xb7: {  	[dreg:$0x1] =	wrdreg $0xFFFFFFFF  }
0xb8: {  	[dreg:$0x0] =	wrdreg $0x60  }
0xb9: {  	[dreg:$0x2] =	wrdreg s2  }
0xba: {  	[dreg:$0x3] =	wrdreg s19  }
0xbb: {  	[dreg:$0x4] =	wrdreg s4  }
0xbc: {  	[dreg:$0x5] =	wrdreg s5  }
0xbd: {  	[dreg:$0x6] =	wrdreg s6  }
0xbe: {  	[dreg:$0x7] =	wrdreg s7  }
0xbf: {  	[dreg:$0x8] =	wrdreg s8  }
0xc0: {  	[dreg:$0x9] =	wrdreg s9  }
0xc1: {  	[dreg:$0xa] =	wrdreg s10  }
0xc2: {  	[dreg:$0xb] =	wrdreg s11  }
0xc3: {  	[dreg:$0xc] =	wrdreg s12  }
0xc4: {  	[dreg:$0xd] =	wrdreg s13  }
0xc5: {  	[dreg:$0xe] =	wrdreg $0x0  }
0xc6: {  	[dreg:$0xf] =	wrdreg $0x9  }
0xc7: {  	_ =	task.clear_ibuf [dreg:s18], $0x10FFFF;
	_ =	strace $0x90000046  }
0xc8: {  	s29 =	simm.s32 $0x9;
	_ =	strace $0x80000048  }
0xc9: {  	_ =	swait.ge [sflag:s29], $0x1  }
0xca: {  	[sflag:s29] =	ssyncadd.s32 $0xFFFFFFFF  }
0xcb: {  	_ =	strace $0x90000048  }
0xcc: {  	_ =	sfence  }
0xcd: {  	s30 =	sld [smem:$0x0];
	_ =	sdelay $0x2  }
0xce: {  	s31 =	sshll.u32 s1, $0xD;
	s1 =	sshrl.u32 s1, $0x2  }
0xcf: {  	s3 =	sand.u32 $0x4000, s31;
	s1 =	sadd.s32 s1, s30  }
0xd0: {  	s0 =	sor.u32 s3, s0;
	s1 =	sshll.u32 s1, $0x11  }
0xd1: {  	s0 =	sor.u32 s1, s0  }
0xd2: {  	s0 =	sadd.s32 $0x8F2B, s0  }
0xd3: {  	[sflag:s0] =	ssyncadd.remote.s32 $0x1  }
0xd4: {  	_ =	sfence.sel $0xFFFF  }
0xd5: {  	[dreg:$0x0] =	wrdreg $0xFFFFFFFF;
	(pc) =	sbr.abs _section_cstart, $3  }
0xd6: {  	[dreg:$0x1] =	wrdreg $0xFFFFFFFF  }
0xd7: {  	_ =	task.clear_ibuf [dreg:s18], $0x2FFFF;
	_ =	strace $0x9FFFFFFF  }
0xd8: {  	(tm) =	ssettm $0x7FFFFFFF  }
0xd9: {  	_ =	shalt  }
tec
execute0_lowered:
.L_overlay_start_1:
0x0: {  	(tag) =	ssettag $0x1  }
0x1: {  	s0 =	rddreg [dreg:$0x0]  }
0x2: {  	s1 =	rddreg [dreg:$0x1]  }
0x3: {  	s2 =	rddreg [dreg:$0x2]  }
0x4: {  	s4 =	rddreg [dreg:$0x3]  }
0x5: {  	s6 =	rddreg [dreg:$0x4]  }
0x6: {  	s7 =	rddreg [dreg:$0x5]  }
0x7: {  	s8 =	rddreg [dreg:$0x6]  }
0x8: {  	s9 =	rddreg [dreg:$0x7]  }
0x9: {  	s10 =	rddreg [dreg:$0x8]  }
0xa: {  	s14 =	rddreg [dreg:$0x9]  }
0xb: {  	s11 =	rddreg [dreg:$0xb]  }
0xc: {  	s3 =	rddreg [dreg:$0xc];
	s13 =	simm.s32 $0x0;
	s15 =	stileid.u32  }
0xd: {  	[smem:$0x7FF] =	sst s13;
	s16 =	sshll.u32 s15, $0x6  }
0xe: {  	s23 =	simm.s32 $0x80;
	_ =	strace $0x80000047;
	[dreg:$0x1e] =	wrdreg s16  }
0xf: {  	s25 =	simm.s32 $0x100;
	[dreg:$0xf] =	wrdreg s23  }
0x10: {  	s26 =	simm.s32 $0x180;
	[dreg:$0x10] =	wrdreg s25  }
0x11: {  	s29 =	simm.s32 $0x200;
	[dreg:$0x11] =	wrdreg s26  }
0x12: {  	s30 =	simm.s32 $0x280;
	[dreg:$0x12] =	wrdreg s29  }
0x13: {  	s0 =	sadd.s32 s0, s16;
	[dreg:$0x13] =	wrdreg s30  }
0x14: {  	s1 =	sadd.s32 s1, s16;
	[dreg:$0x1f] =	wrdreg s0  }
0x15: {  	s2 =	sadd.s32 s2, s16;
	[smem:$0x7E7] =	sst s1  }
0x16: {  	s4 =	sadd.s32 s4, s16;
	[smem:$0x7E8] =	sst s2  }
0x17: {  	s13 =	sadd.s32 s6, s16;
	[smem:$0x7E9] =	sst s4  }
0x18: {  	s17 =	sadd.s32 s7, s16;
	[smem:$0x7EA] =	sst s13  }
0x19: {  	s18 =	sadd.s32 s8, s16;
	[smem:$0x7EB] =	sst s17  }
0x1a: {  	s19 =	sadd.s32 s9, s16;
	[smem:$0x7EC] =	sst s18  }
0x1b: {  	s20 =	sadd.s32 s10, s16;
	[smem:$0x7ED] =	sst s19  }
0x1c: {  	s6 =	simm.s32 $0x300;
	[smem:$0x7EE] =	sst s20  }
0x1d: {  	s7 =	simm.s32 $0x380;
	[dreg:$0x14] =	wrdreg s6  }
0x1e: {  	s8 =	simm.s32 $0x400;
	[dreg:$0x15] =	wrdreg s7  }
0x1f: {  	s9 =	simm.s32 $0x480;
	[dreg:$0x16] =	wrdreg s8  }
0x20: {  	s21 =	sshll.u32 s15, $0x10;
	s16 =	sadd.s32 $0x180, s14;
	[dreg:$0x17] =	wrdreg s9  }
0x21: {  	s10 =	sadd.s32 s21, s3;
	s21 =	simm.s32 $0x700;
	[smem:$0x7F2] =	sst s16  }
0x22: {  	s23 =	simm.s32 $0x780;
	[dreg:$0x1c] =	wrdreg s21  }
0x23: {  	s25 =	sadd.s32 $0x900, s14;
	[dreg:$0x1d] =	wrdreg s23  }
0x24: {  	s5 =	srdreg.scid;
	s26 =	sadd.s32 $0xA80, s14;
	[smem:$0x7F7] =	sst s25  }
0x25: {  	s5 =	sand.u32 $0x1, s5;
	s28 =	sshrl.u32 s15, $0x2;
	[smem:$0x7F8] =	sst s26  }
0x26: {  	s22 =	sshll.u32 s5, $0x15;
	s4 =	sand.u32 $0x1, s28;
	[smem:$0x7FD] =	sst s10  }
0x27: {  	s0 =	sadd.s32 s11, s22;
	s11 =	simm.s32 $0x500;
	[smem:$0x7EF] =	sst s4  }
0x28: {  	s18 =	sadd.s32 $0x300, s14;
	[dreg:$0x18] =	wrdreg s11  }
0x29: {  	s17 =	simm.s32 $0x600;
	[smem:$0x7F3] =	sst s18  }
0x2a: {  	s20 =	sadd.s32 $0x480, s14;
	[dreg:$0x1a] =	wrdreg s17  }
0x2b: {  	s24 =	sshll.u32 s15, $0x11;
	s19 =	simm.s32 $0x680;
	[smem:$0x7F4] =	sst s20  }
0x2c: {  	s12 =	ssub.s32 $0x2, s5;
	s22 =	sadd.s32 $0x600, s14;
	[dreg:$0x1b] =	wrdreg s19  }
0x2d: {  	s2 =	sand.u32 $0x100000, s24;
	s24 =	sadd.s32 $0x780, s14;
	[smem:$0x7F5] =	sst s22  }
0x2e: {  	s31 =	sshrl.u32 s12, $0x1;
	s28 =	sadd.s32 $0xC00, s14;
	[smem:$0x7F6] =	sst s24  }
0x2f: {  	s29 =	sadd.s32 $0x4000, s10;
	s30 =	sadd.s32 $0x8000, s10;
	[smem:$0x7F9] =	sst s28  }
0x30: {  	s12 =	ssub.s32 s12, s31;
	s31 =	sshll.u32 s15, $0xD;
	[smem:$0x7FA] =	sst s29  }
.Ltmp0:
0x31: {  	s15 =	simm.s32 $0x580;
	[smem:$0x7FB] =	sst s30;
	(pc) =	sbr.rel .LBB2_1-.Ltmp0, $4  }
0x32: {  	s0 =	sadd.s32 s2, s0;
	s13 =	smax.u32 s12, $0x1;
	[dreg:$0x19] =	wrdreg s15  }
0x33: {  	s4 =	sand.u32 $0x6000, s31;
	s31 =	sadd.s32 $0xC000, s10;
	[smem:$0x7F1] =	sst s13  }
0x34: {  	v0 =	vlaneseq.u32;
	s0 =	sadd.s32 s4, s0;
	[smem:$0x7FC] =	sst s31  }
0x35: {  	v1 =	vimm.f32 $0.0e+00;
	vm0 =	vmmov $0x7fff;
	v2 =	vor.u32 $0x100000, v0;
	s1 =	simm.s32 $0x0;
	s4 =	simm.s32 $0x3;
	[smem:$0x7F0] =	sst s0  }
.LBB2_19:
0x36: {  	s1 =	sld [smem:$0x7E6]  }
0x37: {  	s0 =	sld [smem:$0x7F1];
	_ =	sdelay $0x1  }
0x38: {  	s1 =	sadd.s32 $0x1, s1  }
0x39: {  	p0 =	sne.s32 s1, s0  }
.Ltmp1:
0x3a: {  	_ = 	snop;
	(pc) =	sbr.rel @!p0 .LBB2_20-.Ltmp1, $1  }
0x3b: {  	_ =	sdelay $0x3  }
.LBB2_1:
0x3c: {  	[smem:$0x7E6] =	sst s1  }
0x3d: {  	s0 =	rddreg [dreg:$0x9]  }
0x3e: {  	s1 =	simm.s32 $0x0;
	s2 =	simm.s32 $0x101D0;
	s19 =	sld [smem:$0x7F2]  }
0x3f: {  	[tilespmem:s2], [sflag:$0x3] =	stream.linear.gather [hbm4b:s0+s1], $0x880, $0x38;
	[tilespmem:$0x1D4D0] =	vst v63  }
0x40: {  	s20 =	simm.s32 $0x10DD0;
	s21 =	sld [smem:$0x7F3]  }
0x41: {  	[tilespmem:s20], [sflag:$0x3] =	stream.linear.gather [hbm4b:s19+s1], $0x880, $0x38;
	[tilespmem:$0x1D4D0] =	vst v63  }
0x42: {  	s22 =	simm.s32 $0x119D0;
	s23 =	sld [smem:$0x7F4]  }
0x43: {  	[tilespmem:s22], [sflag:$0x3] =	stream.linear.gather [hbm4b:s21+s1], $0x880, $0x38;
	[tilespmem:$0x1D4D0] =	vst v63  }
0x44: {  	s24 =	simm.s32 $0x125D0;
	s25 =	sld [smem:$0x7F5]  }
0x45: {  	[tilespmem:s24], [sflag:$0x3] =	stream.linear.gather [hbm4b:s23+s1], $0x880, $0x38;
	[tilespmem:$0x1D4D0] =	vst v63  }
0x46: {  	s26 =	simm.s32 $0x131D0;
	s28 =	sld [smem:$0x7F6]  }
0x47: {  	[tilespmem:s26], [sflag:$0x3] =	stream.linear.gather [hbm4b:s25+s1], $0x880, $0x38;
	[tilespmem:$0x1D4D0] =	vst v63  }
0x48: {  	s29 =	simm.s32 $0x13DD0;
	s30 =	sld [smem:$0x7F7]  }
0x49: {  	[tilespmem:s29], [sflag:$0x3] =	stream.linear.gather [hbm4b:s28+s1], $0x880, $0x38;
	[tilespmem:$0x1D4D0] =	vst v63  }
0x4a: {  	s31 =	simm.s32 $0x149D0;
	s6 =	sld [smem:$0x7F8]  }
0x4b: {  	[tilespmem:s31], [sflag:$0x3] =	stream.linear.gather [hbm4b:s30+s1], $0x880, $0x38;
	[tilespmem:$0x1D4D0] =	vst v63  }
0x4c: {  	s7 =	simm.s32 $0x155D0;
	s8 =	sld [smem:$0x7F9]  }
0x4d: {  	[tilespmem:s7], [sflag:$0x3] =	stream.linear.gather [hbm4b:s6+s1], $0x880, $0x38;
	[tilespmem:$0x1D4D0] =	vst v63  }
0x4e: {  	s9 =	simm.s32 $0x161D0  }
0x4f: {  	[tilespmem:s9], [sflag:$0x3] =	stream.linear.gather [hbm4b:s8+s1], $0x880, $0x38;
	[tilespmem:$0x1D4D0] =	vst v63  }
0x50: {  	_ =	swait.ge [sflag:s4], $0x4C80  }
0x51: {  	[sflag:s4] =	ssyncset.done $0x0  }
0x52: {  	[sflag:s4] =	ssyncadd.s32 $0xFFFFB380  }
0x53: {  	s12 =	simm.s32 $0x18450;
	s11 =	rddreg [dreg:$0xa]  }
0x54: {  	[tilespmem:s12], [sflag:$0x3] =	stream.linear.gather [hbm4b:s11+s1], $0x80, $0x38;
	[tilespmem:$0x1D4D0] =	vst v63  }
0x55: {  	_ =	swait.ge [sflag:s4], $0x80  }
0x56: {  	[sflag:s4] =	ssyncset.done $0x0  }
0x57: {  	s14 =	simm.s32 $0x16DD0;
	s13 =	rddreg [dreg:$0x1f];
	[sflag:s4] =	ssyncadd.s32 $0xFFFFFF80  }
0x58: {  	[tilespmem:s14], [sflag:$0x3] =	stream.linear.gather [hbm4b:s13+s1], $0x200, $0x38;
	[tilespmem:$0x1D4D0] =	vst v63  }
0x59: {  	_ =	swait.ge [sflag:s4], $0x200  }
0x5a: {  	s15 =	sld [smem:$0x7E7]  }
0x5b: {  	[sflag:s4] =	ssyncset.done $0x0  }
0x5c: {  	s16 =	simm.s32 $0x17050;
	[sflag:s4] =	ssyncadd.s32 $0xFFFFFE00  }
0x5d: {  	[tilespmem:s16], [sflag:$0x3] =	stream.linear.gather [hbm4b:s15+s1], $0x200, $0x38;
	[tilespmem:$0x1D4D0] =	vst v63  }
0x5e: {  	_ =	swait.ge [sflag:s4], $0x200  }
0x5f: {  	s17 =	sld [smem:$0x7E8]  }
0x60: {  	[sflag:s4] =	ssyncset.done $0x0  }
0x61: {  	s18 =	simm.s32 $0x172D0;
	[sflag:s4] =	ssyncadd.s32 $0xFFFFFE00  }
0x62: {  	[tilespmem:s18], [sflag:$0x3] =	stream.linear.gather [hbm4b:s17+s1], $0x200, $0x38;
	[tilespmem:$0x1D4D0] =	vst v63  }
0x63: {  	_ =	swait.ge [sflag:s4], $0x200  }
0x64: {  	s19 =	sld [smem:$0x7E9]  }
0x65: {  	[sflag:s4] =	ssyncset.done $0x0  }
0x66: {  	s20 =	simm.s32 $0x17550;
	[sflag:s4] =	ssyncadd.s32 $0xFFFFFE00  }
0x67: {  	[tilespmem:s20], [sflag:$0x3] =	stream.linear.gather [hbm4b:s19+s1], $0x200, $0x38;
	[tilespmem:$0x1D4D0] =	vst v63  }
0x68: {  	_ =	swait.ge [sflag:s4], $0x200  }
0x69: {  	s21 =	sld [smem:$0x7EA]  }
0x6a: {  	[sflag:s4] =	ssyncset.done $0x0  }
0x6b: {  	s22 =	simm.s32 $0x177D0;
	[sflag:s4] =	ssyncadd.s32 $0xFFFFFE00  }
0x6c: {  	[tilespmem:s22], [sflag:$0x3] =	stream.linear.gather [hbm4b:s21+s1], $0x200, $0x38;
	[tilespmem:$0x1D4D0] =	vst v63  }
0x6d: {  	_ =	swait.ge [sflag:s4], $0x200  }
0x6e: {  	s23 =	sld [smem:$0x7EB]  }
0x6f: {  	[sflag:s4] =	ssyncset.done $0x0  }
0x70: {  	s24 =	simm.s32 $0x17A50;
	[sflag:s4] =	ssyncadd.s32 $0xFFFFFE00  }
0x71: {  	[tilespmem:s24], [sflag:$0x3] =	stream.linear.gather [hbm4b:s23+s1], $0x200, $0x38;
	[tilespmem:$0x1D4D0] =	vst v63  }
0x72: {  	_ =	swait.ge [sflag:s4], $0x200  }
0x73: {  	s25 =	sld [smem:$0x7EC]  }
0x74: {  	[sflag:s4] =	ssyncset.done $0x0  }
0x75: {  	s26 =	simm.s32 $0x17CD0;
	[sflag:s4] =	ssyncadd.s32 $0xFFFFFE00  }
0x76: {  	[tilespmem:s26], [sflag:$0x3] =	stream.linear.gather [hbm4b:s25+s1], $0x200, $0x38;
	[tilespmem:$0x1D4D0] =	vst v63  }
0x77: {  	_ =	swait.ge [sflag:s4], $0x200  }
0x78: {  	s28 =	sld [smem:$0x7ED]  }
0x79: {  	[sflag:s4] =	ssyncset.done $0x0  }
0x7a: {  	s29 =	simm.s32 $0x17F50;
	[sflag:s4] =	ssyncadd.s32 $0xFFFFFE00  }
0x7b: {  	[tilespmem:s29], [sflag:$0x3] =	stream.linear.gather [hbm4b:s28+s1], $0x200, $0x38;
	[tilespmem:$0x1D4D0] =	vst v63  }
0x7c: {  	_ =	swait.ge [sflag:s4], $0x200  }
0x7d: {  	s30 =	sld [smem:$0x7EE]  }
0x7e: {  	[sflag:s4] =	ssyncset.done $0x0  }
0x7f: {  	s31 =	simm.s32 $0x181D0;
	[sflag:s4] =	ssyncadd.s32 $0xFFFFFE00  }
0x80: {  	[tilespmem:s31], [sflag:$0x3] =	stream.linear.gather [hbm4b:s30+s1], $0x200, $0x38;
	[tilespmem:$0x1D4D0] =	vst v63  }
0x81: {  	_ =	swait.ge [sflag:s4], $0x200  }
0x82: {  	[sflag:s4] =	ssyncset.done $0x0  }
0x83: {  	s6 =	simm.s32 $0x40;
	s7 =	simm.s32 $0x0;
	[sflag:s4] =	ssyncadd.s32 $0xFFFFFE00  }
.LBB2_2:
0x84: {  	p0 =	sne.s32 s6, $0xFFC0;
	[tilespmem:s7+$0x184D0] =	vst v1;
	s7 =	smov.u32 s6;
	s6 =	sadd.s32 $0x40, s6  }
.Ltmp2:
0x85: {  	(pc) =	sbr.rel @p0 .LBB2_2-.Ltmp2, $2  }
0x86: {  	_ =	sdelay $0x2  }
0x87: {  	s7 =	sshra.s32 s7, $0x2  }
.Ltmp3:
0x88: {  	(pc) =	sbr.rel .LBB2_4-.Ltmp3, $2  }
0x89: {  	_ =	sdelay $0x2  }
0x8a: {  	[tilespmem:s7+$0x184D0] =	vst v1;
	s14 =	simm.s32 $0x0;
	s15 =	simm.s32 $0x0;
	s16 =	simm.s32 $0x0  }
.LBB2_17:
0x8b: {  	s0 =	simm.s32 $0x3C0;
	s1 =	simm.s32 $0x1D0D0;
	s2 =	simm.s32 $0x1CCD0  }
0x8c: {  	[spmem:s3] =	stream.indirect.scatter.add.f32 [tilespmem:s2], [sflag:$0x3], $0x1, s1, s0, $0xb8;
	[tilespmem:$0x1D4D0] =	vst v63  }
0x8d: {  	_ =	swait.ge [sflag:s4], $0x3C0  }
0x8e: {  	[sflag:s4] =	ssyncset.done $0x0  }
0x8f: {  	s31 =	simm.s32 $0x1;
	[sflag:s4] =	ssyncadd.s32 $0xFFFFFC40  }
0x90: {  	_ =	swait.ge [sflag:s31], $0x3C0  }
0x91: {  	[sflag:s31] =	ssyncset.done $0x0  }
0x92: {  	[sflag:s31] =	ssyncadd.s32 $0xFFFFFC40  }
.LBB2_18:
0x93: {  	s0 =	sld [smem:$0x7EF]  }
0x94: {  	[bflag:$0x0] =	sbarrier.arrive $0xFFFF  }
0x95: {  	s1 =	sld [smem:$0x7F0]  }
0x96: {  	s2 =	sshrl.u32 s10, $0x3;
	s16 =	sadd.s32 $0x1, s16;
	s0 =	sor.u32 s0, s20  }
0x97: {  	s31 =	rddreg [dreg:$0x1e];
	p0 =	sne.s32 s16, $0x10;
	s0 =	sshll.u32 s0, $0xF  }
.Ltmp4:
0x98: {  	s0 =	sadd.s32 s0, s1;
	s1 =	sor.u32 $0x1C03, s31;
	(pc) =	sbr.rel @!p0 .LBB2_19-.Ltmp4, $4  }
0x99: {  	[hbm:s0], [sflag:s1] =	dma.local [spmem:s2], $0x2000  }
0x9a: {  	_ =	swait.ge [sflag:s4], $0x2000  }
0x9b: {  	[sflag:s4] =	ssyncset.done $0x0  }
0x9c: {  	s15 =	sadd.s32 $0xFFFFFFFE, s15;
	s14 =	sadd.s32 $0x2, s14;
	[sflag:s4] =	ssyncadd.s32 $0xFFFFE000  }
.LBB2_4:
0x9d: {  	s1 =	simm.s32 $0x184D0  }
0x9e: {  	[spmem:s10] =	stream.linear.scatter [tilespmem:s1], [sflag:$0x3], $0x4000, $0x38;
	[tilespmem:$0x1D4D0] =	vst v63  }
0x9f: {  	_ =	swait.ge [sflag:s4], $0x4000  }
0xa0: {  	s0 =	sld [smem:$0x7FA]  }
0xa1: {  	[sflag:s4] =	ssyncset.done $0x0  }
0xa2: {  	[sflag:s4] =	ssyncadd.s32 $0xFFFFC000  }
0xa3: {  	[spmem:s0] =	stream.linear.scatter [tilespmem:s1], [sflag:$0x3], $0x4000, $0x38;
	[tilespmem:$0x1D4D0] =	vst v63  }
0xa4: {  	_ =	swait.ge [sflag:s4], $0x4000  }
0xa5: {  	s30 =	sld [smem:$0x7FB]  }
0xa6: {  	[sflag:s4] =	ssyncset.done $0x0  }
0xa7: {  	[sflag:s4] =	ssyncadd.s32 $0xFFFFC000  }
0xa8: {  	[spmem:s30] =	stream.linear.scatter [tilespmem:s1], [sflag:$0x3], $0x4000, $0x38;
	[tilespmem:$0x1D4D0] =	vst v63  }
0xa9: {  	_ =	swait.ge [sflag:s4], $0x4000  }
0xaa: {  	s31 =	sld [smem:$0x7FC]  }
0xab: {  	[sflag:s4] =	ssyncset.done $0x0  }
0xac: {  	[sflag:s4] =	ssyncadd.s32 $0xFFFFC000  }
0xad: {  	[spmem:s31] =	stream.linear.scatter [tilespmem:s1], [sflag:$0x3], $0x4000, $0x38;
	[tilespmem:$0x1D4D0] =	vst v63  }
.Ltmp5:
0xae: {  	_ =	swait.ge [sflag:s4], $0x4000;
	(pc) =	sbr.rel .LBB2_5-.Ltmp5, $4  }
0xaf: {  	[sflag:s4] =	ssyncset.done $0x0  }
0xb0: {  	[sflag:s4] =	ssyncadd.s32 $0xFFFFC000  }
0xb1: {  	s20 =	sshll.u32 s16, $0x1;
	s23 =	sshllo.u32 s16, $0x1;
	[bflag:$0x0] =	sbarrier.arrive $0xFFFF  }
0xb2: {  	s22 =	simm.s32 $0x0;
	s21 =	simm.s32 $0x0;
	s24 =	simm.s32 $0x0  }
.LBB2_8:
0xb3: {  	s24 =	sadd.s32 $0x1, s24  }
0xb4: {  	p0 =	sne.s32 s24, $0x200  }
.Ltmp6:
0xb5: {  	_ = 	snop;
	(pc) =	sbr.rel @!p0 .LBB2_9-.Ltmp6, $1  }
0xb6: {  	_ =	sdelay $0x3  }
.LBB2_5:
0xb7: {  	v3 =	vld [tilespmem:s24+$0x172D0];
	_ =	sdelay $0x3  }
0xb8: {  	v4 =	vld [tilespmem:s24+$0x16DD0]  }
0xb9: {  	(v2sf) =	vpush v3, $0x0;
	_ =	sdelay $0x3  }
0xba: {  	(v2sf) =	vpush v4, $0x0;
	_ =	sdelay $0xa  }
0xbb: {  	s6 =	spop (v2sf)  }
0xbc: {  	s7 =	sadd.s32 $0xFFFFFFFD, s6  }
0xbd: {  	s8 =	sadd.s32 $0x3, s6;
	p0 =	sgt.s32 s20, s7;
	s25 =	smov.u32 s7  }
0xbe: {  	s25 =	smov.u32 @p0 s20;
	p0 =	slt.s32 s23, s8  }
0xbf: {  	s9 =	spop (v2sf);
	s8 =	smov.u32 @p0 s23  }
0xc0: {  	p0 =	seq.s32 s9, s5;
	s26 =	smov.u32 s25;
	s8 =	sadd.s32 $0x1, s8  }
0xc1: {  	s26 =	smov.u32 @p0 s8  }
0xc2: {  	p0 =	sge.s32 s25, s26  }
.Ltmp7:
0xc3: {  	_ = 	snop;
	(pc) =	sbr.rel @p0 .LBB2_8-.Ltmp7, $1  }
0xc4: {  	_ =	sdelay $0x3  }
0xc5: {  	p0 =	sgt.s32 s14, s7  }
0xc6: {  	s7 =	smov.u32 @p0 s14  }
0xc7: {  	s7 =	sadd.s32 s7, s15  }
0xc8: {  	s6 =	ssub.s32 $0x4, s6;
	s7 =	sshll.u32 s7, $0x12  }
0xc9: {  	[dreg:$0xe] =	wrdreg s6;
	s28 =	sadd.s32 $0xFFFFF200, s7  }
.LBB2_7:
0xca: {  	v3 =	vld [tilespmem:s24+$0x17050]  }
0xcb: {  	v4 =	vld [tilespmem:s24+$0x17550]  }
0xcc: {  	v5 =	vld [tilespmem:s24+$0x177D0]  }
0xcd: {  	v6 =	vld [tilespmem:s24+$0x17F50];
	_ =	sdelay $0x1  }
0xce: {  	(v2sf) =	vpush v3, $0x0  }
0xcf: {  	(v2sf) =	vpush v4, $0x0  }
0xd0: {  	v3 =	vld [tilespmem:s24+$0x17CD0];
	(v2sf) =	vpush v5, $0x0  }
0xd1: {  	v27 =	vld [tilespmem:s24+$0x17A50];
	(v2sf) =	vpush v6, $0x0;
	_ =	sdelay $0x3  }
0xd2: {  	(v2sf) =	vpush v3, $0x0  }
0xd3: {  	(v2sf) =	vpush v27, $0x0;
	_ =	sdelay $0x6  }
0xd4: {  	s13 =	spop (v2sf)  }
0xd5: {  	s29 =	spop (v2sf)  }
0xd6: {  	v3 =	vld [tilespmem:s24+$0x181D0];
	s30 =	spop (v2sf)  }
0xd7: {  	s6 =	spop (v2sf)  }
0xd8: {  	s8 =	sadd.f32 $-5.000000000e-01, s6;
	_ =	sdelay $0x1  }
0xd9: {  	s9 =	rddreg [dreg:$0xe];
	v28 =	vld [tilespmem:$0x18450];
	p2 =	slt.f32 s8, $0.0e+00  }
0xda: {  	s10 =	simm.s32 $0x1;
	s9 =	sadd.s32 s25, s9;
	(v2sf) =	vpush v3, $0x0;
	s11 =	spop (v2sf)  }
0xdb: {  	s7 =	spop (v2sf);
	s11 =	sadd.f32 $-5.000000000e-01, s11;
	s10 =	simm.s32 @!p2 $0x0  }
0xdc: {  	s7 =	sadd.f32 $-5.000000000e-01, s7;
	s12 =	ssub.s32 s9, s10  }
0xdd: {  	s6 =	smul.u32 $0x3000, s12  }
0xde: {  	(v2sf) =	vpush v28, $0x0;
	p0 =	slt.f32 s11, $0.0e+00;
	p1 =	slt.f32 s7, $0.0e+00  }
0xdf: {  	s18 =	simm.s32 $0x0;
	s12 =	simm.s32 $0x1;
	s17 =	sshra.s32 s6, $0x2  }
0xe0: {  	s18 =	simm.s32 @!p0 $0x80;
	p3 =	por !p1, !p1;
	s10 =	sadd.s32 $0x101D0, s17  }
0xe1: {  	s12 =	simm.s32 @!p3 $0x0;
	s6 =	simm.s32 $0x1;
	s19 =	sadd.s32 s18, s10  }
0xe2: {  	s6 =	simm.s32 @!p1 $0x2;
	s9 =	sadd.s32 $0x10DD0, s17;
	s0 =	sor.u32 s12, s19  }
0xe3: {  	s31 =	rddreg [dreg:$0xf];
	(v2sf) =	vpush v28, $0x1;
	s18 =	sadd.s32 s18, s9;
	s1 =	sor.u32 s6, s19;
	v3 =	vld [tilespmem:s0+$0x0]  }
0xe4: {  	s31 =	simm.s32 @!p0 $0x100;
	s2 =	sor.u32 s12, s18;
	v29 =	vld [tilespmem:s1+$0x0]  }
0xe5: {  	s17 =	sadd.s32 s31, s10;
	s4 =	sor.u32 s6, s18;
	v30 =	vld [tilespmem:s2+$0x0]  }
0xe6: {  	v31 =	vld [tilespmem:s4+$0x0];
	s1 =	sor.u32 s12, s17  }
0xe7: {  	s19 =	rddreg [dreg:$0x10];
	s2 =	sor.u32 s6, s17;
	s4 =	sadd.s32 s31, s9;
	v7 =	vld [tilespmem:s1+$0x0]  }
0xe8: {  	s19 =	simm.s32 @!p0 $0x180;
	s31 =	rddreg [dreg:$0x11];
	v8 =	vld [tilespmem:s2+$0x0];
	s17 =	sor.u32 s12, s4  }
0xe9: {  	s18 =	sor.u32 s6, s4;
	s2 =	sadd.s32 s19, s10;
	s1 =	spop (v2sf);
	v9 =	vld [tilespmem:s17+$0x0]  }
0xea: {  	s31 =	simm.s32 @!p0 $0x200;
	v10 =	vld [tilespmem:s18+$0x0];
	s4 =	sor.u32 s12, s2;
	s17 =	simm.f32 $-1.000000000e+00  }
0xeb: {  	s2 =	sor.u32 s6, s2;
	s18 =	sadd.s32 s31, s10;
	v11 =	vld [tilespmem:s4+$0x0];
	s4 =	sadd.s32 s19, s9  }
0xec: {  	s17 =	simm.s32 @!p2 $0x0;
	v12 =	vld [tilespmem:s2+$0x0];
	s19 =	sor.u32 s12, s4;
	s2 =	sor.u32 s6, s4  }
0xed: {  	s4 =	spop (v2sf);
	s17 =	ssub.f32 s8, s17;
	s8 =	simm.f32 $-1.000000000e+00;
	v13 =	vld [tilespmem:s19+$0x0]  }
0xee: {  	s19 =	rddreg [dreg:$0x12];
	v14 =	vld [tilespmem:s2+$0x0];
	s2 =	sor.u32 s12, s18;
	s18 =	sor.u32 s6, s18  }
0xef: {  	s8 =	simm.s32 @!p1 $0x0;
	p1 =	seq.s32 s13, $0x0;
	v15 =	vld [tilespmem:s2+$0x0];
	s2 =	sadd.s32 s31, s9  }
0xf0: {  	v16 =	vld [tilespmem:s18+$0x0];
	s19 =	simm.s32 @!p0 $0x280;
	s8 =	ssub.f32 s7, s8;
	s31 =	sor.u32 s12, s2  }
0xf1: {  	s2 =	sor.u32 s6, s2;
	s18 =	sadd.s32 s19, s10;
	s19 =	sadd.s32 s19, s9;
	v17 =	vld [tilespmem:s31+$0x0]  }
0xf2: {  	s31 =	rddreg [dreg:$0x13];
	v18 =	vld [tilespmem:s2+$0x0];
	s7 =	sor.u32 s12, s18;
	s2 =	spop (v2sf)  }
0xf3: {  	v19 =	vld [tilespmem:s7+$0x0];
	s2 =	smov.u32 @p1 s4;
	s4 =	sor.u32 s12, s19;
	s31 =	simm.s32 @!p0 $0x300  }
0xf4: {  	v4 =	vmul.f32 s8, v29;
	v6 =	vmul.f32 s8, v31;
	s7 =	sor.u32 s6, s19;
	v21 =	vld [tilespmem:s4+$0x0];
	s4 =	sadd.s32 s31, s10  }
0xf5: {  	v33 =	vmul.f32 s8, v8;
	v10 =	vmul.f32 s8, v10;
	v22 =	vld [tilespmem:s7+$0x0];
	s7 =	sor.u32 s12, s4  }
0xf6: {  	s1 =	smul.f32 $1.000000000e+04, s1;
	s18 =	sor.u32 s6, s18;
	v12 =	vmul.f32 s8, v12;
	v41 =	vmul.f32 s8, v14;
	v23 =	vld [tilespmem:s7+$0x0];
	s7 =	ssub.f32 $1.000000000e+00, s8  }
0xf7: {  	v20 =	vld [tilespmem:s18+$0x0];
	s19 =	rddreg [dreg:$0x14];
	s31 =	sadd.s32 s31, s9;
	s4 =	sor.u32 s6, s4;
	v44 =	vmul.f32 s8, v16;
	v47 =	vmul.f32 s8, v18  }
0xf8: {  	s1 =	smul.f32 s1, s2;
	s19 =	simm.s32 @!p0 $0x380;
	s2 =	sor.u32 s12, s31;
	v24 =	vld [tilespmem:s4+$0x0];
	v3 =	vmul.f32 s7, v3;
	v5 =	vmul.f32 s7, v30  }
0xf9: {  	s31 =	sor.u32 s6, s31;
	v25 =	vld [tilespmem:s2+$0x0];
	s2 =	sadd.s32 s19, s10;
	v32 =	vmul.f32 s7, v7;
	v38 =	vmul.f32 s7, v9  }
0xfa: {  	s18 =	ssub.f32 $1.000000000e+00, s17;
	v26 =	vld [tilespmem:s31+$0x0];
	s31 =	sor.u32 s12, s2;
	v11 =	vmul.f32 s7, v11;
	v40 =	vmul.f32 s7, v13  }
0xfb: {  	s4 =	rddreg [dreg:$0x15];
	s2 =	sor.u32 s6, s2;
	v34 =	vld [tilespmem:s31+$0x0];
	s31 =	sadd.s32 s19, s9;
	v43 =	vmul.f32 s7, v15;
	v46 =	vmul.f32 s7, v17  }
0xfc: {  	s4 =	simm.s32 @!p0 $0x400;
	s19 =	smul.f32 s1, s17;
	v35 =	vld [tilespmem:s2+$0x0];
	v49 =	vmul.f32 s7, v19;
	v50 =	vmul.f32 s8, v20;
	s17 =	sor.u32 s12, s31;
	v3 =	vadd.f32 v3, v4  }
0xfd: {  	s18 =	smul.f32 s1, s18;
	s1 =	sadd.s32 s4, s10;
	s31 =	sor.u32 s6, s31;
	v21 =	vmul.f32 s7, v21;
	v5 =	vadd.f32 v5, v6;
	v36 =	vld [tilespmem:s17+$0x0];
	v11 =	vadd.f32 v12, v11  }
0xfe: {  	v22 =	vmul.f32 s8, v22;
	v39 =	vld [tilespmem:s31+$0x0];
	s17 =	sor.u32 s12, s1;
	v12 =	vadd.f32 v44, v43;
	v13 =	vadd.f32 v47, v46  }
0xff: {  	s2 =	rddreg [dreg:$0x16];
	s4 =	sadd.s32 s4, s9;
	s1 =	sor.u32 s6, s1;
	v29 =	vld [tilespmem:s17+$0x0];
	v23 =	vmul.f32 s7, v23;
	v27 =	vmul.f32 s18, v3;
	v3 =	vadd.f32 v33, v32  }
0x100: {  	s2 =	simm.s32 @!p0 $0x480;
	s31 =	sadd.s32 $0xFFFFFFF9, s30;
	s30 =	sor.u32 s6, s4;
	v15 =	vadd.f32 v50, v49;
	v30 =	vld [tilespmem:s1+$0x0];
	v24 =	vmul.f32 s8, v24;
	v56 =	vmul.f32 s7, v25  }
0x101: {  	s17 =	sor.u32 s12, s4;
	v45 =	vld [tilespmem:s30+$0x0];
	v57 =	vmul.f32 s8, v26;
	v28 =	vmul.f32 s18, v3;
	v3 =	vadd.s32 s31, v0;
	s31 =	sadd.s32 s2, s10  }
0x102: {  	v21 =	vadd.f32 v22, v21;
	v37 =	vmul.f32 s19, v5;
	v42 =	vld [tilespmem:s17+$0x0];
	v11 =	vmul.f32 s18, v11;
	s17 =	sor.u32 s12, s31  }
0x103: {  	s4 =	rddreg [dreg:$0x17];
	v5 =	vadd.f32 v10, v38;
	v12 =	vmul.f32 s18, v12;
	v13 =	vmul.f32 s19, v13;
	s30 =	sor.u32 s6, s31;
	s31 =	sadd.s32 s2, s9;
	v48 =	vld [tilespmem:s17+$0x0]  }
0x104: {  	v10 =	vadd.f32 v41, v40;
	s4 =	simm.s32 @!p0 $0x500;
	v15 =	vmul.f32 s18, v15;
	v8 =	vmul.f32 s7, v34;
	v51 =	vld [tilespmem:s30+$0x0];
	s2 =	sor.u32 s12, s31  }
0x105: {  	v6 =	vmul.f32 s8, v35;
	v21 =	vmul.f32 s19, v21;
	s17 =	sor.u32 s6, s31;
	s30 =	sadd.s32 s4, s10;
	v52 =	vld [tilespmem:s2+$0x0]  }
0x106: {  	v23 =	vadd.f32 v24, v23;
	v5 =	vmul.f32 s19, v5;
	v10 =	vmul.f32 s19, v10;
	v53 =	vld [tilespmem:s17+$0x0];
	s31 =	sor.u32 s12, s30  }
0x107: {  	v22 =	vadd.f32 v57, v56;
	v7 =	vmul.f32 s7, v36;
	v9 =	vmul.f32 s8, v39;
	s4 =	sadd.s32 s4, s9;
	s2 =	rddreg [dreg:$0x18];
	s1 =	sor.u32 s6, s30;
	v31 =	vld [tilespmem:s31+$0x0]  }
0x108: {  	v61 =	vmul.f32 s7, v29;
	v62 =	vmul.f32 s8, v30;
	s17 =	sor.u32 s12, s4;
	v54 =	vld [tilespmem:s1+$0x0];
	s2 =	simm.s32 @!p0 $0x580  }
0x109: {  	v6 =	vadd.f32 v6, v8;
	v23 =	vmul.f32 s18, v23;
	v22 =	vmul.f32 s19, v22;
	s30 =	sor.u32 s6, s4;
	v55 =	vld [tilespmem:s17+$0x0];
	s31 =	sadd.s32 s2, s10  }
0x10a: {  	v39 =	vmul.f32 s8, v45;
	v9 =	vadd.f32 v9, v7;
	v58 =	vld [tilespmem:s30+$0x0];
	v35 =	vadd.f32 v62, v61;
	s17 =	sor.u32 s12, s31  }
0x10b: {  	v4 =	vadd.f32 v37, v27;
	s4 =	rddreg [dreg:$0x19];
	v33 =	vmul.f32 s18, v6;
	v37 =	vmul.f32 s7, v42;
	s30 =	sor.u32 s6, s31;
	s31 =	sadd.s32 s2, s9;
	v59 =	vld [tilespmem:s17+$0x0]  }
0x10c: {  	v8 =	vadd.f32 v13, v12;
	s4 =	simm.s32 @!p0 $0x600;
	v9 =	vmul.f32 s19, v9;
	v40 =	vmul.f32 s18, v35;
	v60 =	vld [tilespmem:s30+$0x0];
	s2 =	sor.u32 s12, s31  }
0x10d: {  	s0 =	simm.f32 $-1.000000000e+00;
	v7 =	vadd.f32 v10, v11;
	s17 =	sor.u32 s6, s31;
	s30 =	sadd.s32 s4, s10;
	v42 =	vmul.f32 s7, v48;
	v43 =	vmul.f32 s8, v51;
	v63 =	vld [tilespmem:s2+$0x0]  }
0x10e: {  	s0 =	simm.s32 @!p0 $0x0;
	v6 =	vadd.f32 v21, v15;
	v32 =	vld [tilespmem:s17+$0x0];
	s31 =	sor.u32 s12, s30;
	v45 =	vmul.f32 s7, v52;
	v46 =	vmul.f32 s8, v53  }
0x10f: {  	v10 =	vadd.f32 v39, v37;
	s4 =	sadd.s32 s4, s9;
	s2 =	rddreg [dreg:$0x1a];
	s1 =	sor.u32 s6, s30;
	v36 =	vld [tilespmem:s31+$0x0];
	v48 =	vmul.f32 s7, v31;
	v49 =	vmul.f32 s8, v54  }
0x110: {  	s11 =	ssub.f32 s11, s0;
	s17 =	sor.u32 s12, s4;
	v38 =	vld [tilespmem:s1+$0x0];
	s2 =	simm.s32 @!p0 $0x680;
	v13 =	vadd.f32 v43, v42;
	v51 =	vmul.f32 s7, v55;
	v26 =	vmul.f32 s8, v58  }
0x111: {  	v10 =	vmul.f32 s19, v10;
	s30 =	sor.u32 s6, s4;
	v41 =	vld [tilespmem:s17+$0x0];
	s31 =	sadd.s32 s2, s10;
	v12 =	vadd.f32 v46, v45;
	v15 =	vadd.f32 v49, v48  }
0x112: {  	v44 =	vld [tilespmem:s30+$0x0];
	s17 =	sor.u32 s12, s31;
	v56 =	vmul.f32 s18, v13;
	v17 =	vadd.f32 v26, v51;
	v26 =	vmul.f32 s11, v7  }
0x113: {  	s4 =	rddreg [dreg:$0x1b];
	s30 =	sor.u32 s6, s31;
	s31 =	sadd.s32 s2, s9;
	v47 =	vld [tilespmem:s17+$0x0];
	v53 =	vmul.f32 s7, v59;
	v54 =	vmul.f32 s8, v60  }
0x114: {  	s4 =	simm.s32 @!p0 $0x700;
	v50 =	vld [tilespmem:s30+$0x0];
	s2 =	sor.u32 s12, s31;
	v58 =	vmul.f32 s19, v12;
	v15 =	vmul.f32 s18, v15  }
0x115: {  	s17 =	sor.u32 s6, s31;
	s30 =	sadd.s32 s4, s10;
	v12 =	vadd.f32 v9, v33;
	v52 =	vld [tilespmem:s2+$0x0];
	v17 =	vmul.f32 s19, v17;
	v60 =	vmul.f32 s7, v63  }
0x116: {  	v9 =	vadd.f32 v10, v40;
	v55 =	vld [tilespmem:s17+$0x0];
	s31 =	sor.u32 s12, s30;
	v62 =	vmul.f32 s8, v32;
	v32 =	vmul.f32 s11, v8  }
0x117: {  	s4 =	sadd.s32 s4, s9;
	s1 =	sor.u32 s6, s30;
	v57 =	vld [tilespmem:s31+$0x0];
	v20 =	vadd.f32 v54, v53;
	v35 =	vmul.f32 s7, v36;
	v11 =	vmul.f32 s8, v38  }
0x118: {  	s17 =	sor.u32 s12, s4;
	v59 =	vld [tilespmem:s1+$0x0];
	v16 =	vmul.f32 s7, v41;
	v18 =	vmul.f32 s8, v44;
	v37 =	vadd.f32 v62, v60  }
0x119: {  	s2 =	rddreg [dreg:$0x1c];
	s30 =	sor.u32 s6, s4;
	v61 =	vld [tilespmem:s17+$0x0];
	v20 =	vmul.f32 s18, v20;
	v10 =	vadd.f32 v11, v35;
	v35 =	vmul.f32 s11, v6  }
0x11a: {  	vm1 =	vlt.u32 v3, $0x200;
	s2 =	simm.s32 @!p0 $0x780;
	v63 =	vld [tilespmem:s30+$0x0];
	v39 =	vmul.f32 s7, v47;
	v40 =	vmul.f32 s8, v50  }
0x11b: {  	s31 =	sadd.s32 s2, s10;
	v16 =	vadd.f32 v18, v16;
	v14 =	vmul.f32 s19, v37;
	v42 =	vmul.f32 s7, v52  }
0x11c: {  	v5 =	vadd.f32 v5, v28;
	s17 =	sor.u32 s12, s31;
	s30 =	sor.u32 s6, s31;
	s31 =	sadd.s32 s2, s9;
	v25 =	vmul.f32 s8, v55;
	v10 =	vmul.f32 s18, v10  }
0x11d: {  	vm1 =	vmand vm1, vm0;
	v36 =	vld [tilespmem:s17+$0x0];
	s17 =	sor.u32 s6, s31;
	v16 =	vmul.f32 s19, v16;
	v44 =	vmul.f32 s7, v57  }
0x11e: {  	v13 =	vadd.f32 v22, v23;
	v43 =	vld [tilespmem:s17+$0x0];
	s17 =	ssub.f32 $1.000000000e+00, s11;
	v24 =	vmul.f32 s8, v59;
	v23 =	vmul.f32 s7, v61  }
0x11f: {  	s4 =	rddreg [dreg:$0x1d];
	v11 =	vadd.f32 v40, v39;
	v49 =	vmul.f32 s8, v63;
	v40 =	vmul.f32 s11, v12  }
0x120: {  	s4 =	simm.s32 @!p0 $0x800;
	v28 =	vadd.f32 v58, v56;
	v38 =	vld [tilespmem:s30+$0x0];
	v4 =	vmul.f32 s17, v4;
	v30 =	vmul.f32 s17, v7  }
0x121: {  	v31 =	vadd.f32 v17, v15;
	s2 =	sor.u32 s12, s31;
	s30 =	sadd.s32 s4, s10;
	v34 =	vmul.f32 s17, v8;
	v6 =	vmul.f32 s17, v6  }
0x122: {  	v41 =	vld [tilespmem:s2+$0x0];
	s31 =	sor.u32 s12, s30;
	v18 =	vadd.f32 v25, v42;
	v12 =	vmul.f32 s17, v12;
	v11 =	vmul.f32 s18, v11  }
0x123: {  	s4 =	sadd.s32 s4, s9;
	s2 =	sor.u32 s6, s30;
	v45 =	vld [tilespmem:s31+$0x0];
	v19 =	vadd.f32 v24, v44;
	v24 =	vmul.f32 s11, v5;
	v5 =	vmul.f32 s17, v5  }
0x124: {  	s9 =	sor.u32 s12, s4;
	s12 =	sshll.u32 s13, $0x13;
	s13 =	sshll.u32 s29, $0x9;
	v46 =	vld [tilespmem:s2+$0x0];
	v15 =	vadd.f32 v49, v23;
	v49 =	vmul.f32 s11, v31;
	v18 =	vmul.f32 s19, v18  }
0x125: {  	s10 =	sor.u32 s6, s4;
	v47 =	vld [tilespmem:s9+$0x0];
	v14 =	vadd.f32 v14, v20;
	s0 =	sadd.s32 s13, s12;
	v51 =	vmul.f32 s7, v36;
	v52 =	vmul.f32 s8, v38  }
0x126: {  	v48 =	vld [tilespmem:s10+$0x0];
	v58 =	vadd.f32 v16, v10;
	s0 =	sadd.s32 s0, s28;
	v38 =	vmul.f32 s11, v13;
	v13 =	vmul.f32 s17, v13  }
0x127: {  	v3 =	vadd.s32 s0, v3;
	v50 =	vmul.f32 s18, v19;
	v21 =	vmul.f32 s7, v41  }
0x128: {  	v8 =	vadd.f32 v32, v30;
	v53 =	vmul.f32 s8, v43;
	v59 =	vmul.f32 s19, v15  }
0x129: {  	v5 =	vadd.f32 v26, v5;
	v43 =	vmul.f32 s11, v9;
	v9 =	vmul.f32 s17, v9  }
0x12a: {  	s6 =	sand.u32 $0x1, s22;
	v19 =	vadd.f32 v52, v51;
	v54 =	vmul.f32 s7, v45;
	v55 =	vmul.f32 s8, v46  }
0x12b: {  	p0 =	seq.s32 s6, $0x1;
	v56 =	vmul.f32 s7, v47;
	v57 =	vmul.f32 s8, v48;
	v61 =	vadd.f32 v18, v11;
	s7 =	sshll.u32 s21, $0x4  }
0x12c: {  	v11 =	vsel vm1, v3, v2;
	v3 =	vadd.f32 v24, v4;
	v18 =	vadd.f32 v35, v34;
	[tilespmem:s7+$0x1C4E0] =	vst @!p0 v5  }
0x12d: {  	s30 =	ssub.s32 $0x206, s29;
	v6 =	vadd.f32 v38, v6;
	v45 =	vmul.f32 s11, v28;
	v48 =	vmul.f32 s17, v28;
	[tilespmem:s7+$0x1C4F0] =	vst @!p0 v8  }
0x12e: {  	p1 =	sgt.s32 s30, $0xFFFFFFFF;
	v13 =	vadd.f32 v40, v13;
	v51 =	vmul.f32 s17, v31;
	v52 =	vmul.f32 s11, v14;
	[tilespmem:s7+$0x1C4D0] =	vst @!p0 v3  }
0x12f: {  	s31 =	ssub.s32 $0x7, s29;
	v21 =	vadd.f32 v53, v21;
	v27 =	vpsel p1, v11, v2;
	v29 =	vadd.s32 $0x200, v11;
	[tilespmem:s7+$0x1C500] =	vst @!p0 v18  }
0x130: {  	p2 =	slt.s32 s31, $0x1;
	v33 =	vadd.s32 $0x400, v11;
	v37 =	vadd.s32 $0x600, v11;
	v39 =	vadd.s32 $0x800, v11;
	[tilespmem:s7+$0x1C510] =	vst @!p0 v6  }
0x131: {  	p3 =	sgt.s32 s30, $0x0;
	v42 =	vadd.s32 $0xA00, v11;
	v12 =	vadd.f32 v43, v12;
	v4 =	vpsel p2, v27, v2;
	[tilespmem:s7+$0x1C520] =	vst @!p0 v13  }
0x132: {  	p5 =	sgt.s32 s30, $0x1;
	p4 =	slt.s32 s31, $0x2;
	v44 =	vadd.s32 $0xC00, v11;
	v60 =	vmul.f32 s18, v19;
	v17 =	vpsel p3, v29, v2;
	[tilespmem:s7+$0x1C8D0] =	vst @!p0 v4  }
0x133: {  	p6 =	slt.s32 s31, $0x3;
	v20 =	vadd.f32 v55, v54;
	v36 =	vpsel p5, v33, v2;
	v7 =	vpsel p4, v17, v2;
	[tilespmem:s7+$0x1C530] =	vst @!p0 v12  }
0x134: {  	v22 =	vadd.f32 v57, v56;
	p3 =	sgt.s32 s30, $0x2;
	v9 =	vadd.f32 v45, v9;
	v17 =	vpsel p6, v36, v2;
	[tilespmem:s7+$0x1C8E0] =	vst @!p0 v7  }
0x135: {  	p5 =	sgt.s32 s30, $0x3;
	v21 =	vmul.f32 s19, v21;
	p4 =	slt.s32 s31, $0x4;
	v62 =	vmul.f32 s18, v20;
	v20 =	vpsel p3, v37, v2;
	[tilespmem:s7+$0x1C8F0] =	vst @!p0 v17  }
0x136: {  	p6 =	slt.s32 s31, $0x5;
	v41 =	vpsel p5, v39, v2;
	v63 =	vmul.f32 s19, v22;
	p3 =	sgt.s32 s30, $0x4;
	[tilespmem:s7+$0x1C540] =	vst @!p0 v9;
	v20 =	vpsel p4, v20, v2  }
0x137: {  	p5 =	sgt.s32 s30, $0x5;
	v10 =	vadd.f32 v21, v60;
	v21 =	vpsel p6, v41, v2;
	v22 =	vpsel p3, v42, v2;
	p4 =	slt.s32 s31, $0x6;
	[tilespmem:s7+$0x1C900] =	vst @!p0 v20  }
0x138: {  	v47 =	vadd.s32 $0xE00, v11;
	v46 =	vpsel p5, v44, v2;
	p6 =	slt.s32 s31, $0x7;
	p3 =	sgt.s32 s30, $0x6;
	[tilespmem:s7+$0x1C910] =	vst @!p0 v21;
	v22 =	vpsel p4, v22, v2  }
0x139: {  	v15 =	vadd.f32 v59, v50;
	v23 =	vpsel p6, v46, v2;
	v24 =	vpsel p3, v47, v2;
	p4 =	slt.s32 s31, $0x8;
	[tilespmem:s7+$0x1C920] =	vst @!p0 v22  }
0x13a: {  	v50 =	vadd.s32 $0x1000, v11;
	v26 =	vadd.f32 v49, v48;
	p5 =	sgt.s32 s30, $0x7;
	[tilespmem:s7+$0x1C930] =	vst @!p0 v23;
	v24 =	vpsel p4, v24, v2  }
0x13b: {  	v14 =	vmul.f32 s17, v14;
	s0 =	sand.u32 @!p0 $0xFFFFFFF0, s7;
	v28 =	vadd.f32 v52, v51;
	v53 =	vpsel p5, v50, v2;
	p6 =	slt.s32 s31, $0x9;
	[tilespmem:s7+$0x1C940] =	vst @!p0 v24  }
0x13c: {  	v54 =	vadd.s32 $0x1200, v11;
	v55 =	vmul.f32 s11, v58;
	p3 =	sgt.s32 s30, $0x8;
	v27 =	vpsel p6, v53, v2;
	[tilespmem:s0+$0x1C550] =	vst @!p0 v26  }
0x13d: {  	v25 =	vmul.f32 s17, v58;
	v56 =	vadd.s32 $0x1400, v11;
	v29 =	vpsel p3, v54, v2;
	p4 =	slt.s32 s31, $0xA;
	[tilespmem:s0+$0x1C950] =	vst @!p0 v27  }
0x13e: {  	v57 =	vmul.f32 s11, v61;
	v14 =	vadd.f32 v55, v14;
	p5 =	sgt.s32 s30, $0x9;
	v29 =	vpsel p4, v29, v2;
	[tilespmem:s7+$0x1C560] =	vst @!p0 v28  }
0x13f: {  	v59 =	vadd.s32 $0x1600, v11;
	v19 =	vmul.f32 s17, v61;
	v58 =	vpsel p5, v56, v2;
	p6 =	slt.s32 s31, $0xB;
	[tilespmem:s7+$0x1C960] =	vst @!p0 v29  }
0x140: {  	v25 =	vadd.f32 v57, v25;
	v60 =	vmul.f32 s11, v15;
	p3 =	sgt.s32 s30, $0xA;
	v30 =	vpsel p6, v58, v2;
	[tilespmem:s7+$0x1C570] =	vst @!p0 v14  }
0x141: {  	v31 =	vpsel p3, v59, v2;
	p4 =	slt.s32 s31, $0xC;
	[tilespmem:s7+$0x1C970] =	vst @!p0 v30  }
0x142: {  	v61 =	vadd.s32 $0x1800, v11;
	p5 =	sgt.s32 s30, $0xB;
	v19 =	vadd.f32 v60, v19;
	v31 =	vpsel p4, v31, v2;
	[tilespmem:s7+$0x1C580] =	vst @!p0 v25  }
0x143: {  	v16 =	vadd.f32 v63, v62;
	v62 =	vpsel p5, v61, v2;
	p6 =	slt.s32 s31, $0xD;
	[tilespmem:s7+$0x1C980] =	vst @!p0 v31  }
0x144: {  	v32 =	vpsel p6, v62, v2;
	[tilespmem:s7+$0x1C590] =	vst @!p0 v19  }
0x145: {  	p1 =	seq.s32 s6, $0x0;
	[tilespmem:s7+$0x1C990] =	vst @!p0 v32  }
0x146: {  	[tilespmem:s7+$0x1CCD0] =	vst @!p1 v3  }
0x147: {  	[tilespmem:s7+$0x1D0D0] =	vst @!p1 v4  }
0x148: {  	[tilespmem:s7+$0x1CCE0] =	vst @!p1 v5  }
0x149: {  	[tilespmem:s7+$0x1D0E0] =	vst @!p1 v7  }
0x14a: {  	[tilespmem:s7+$0x1CCF0] =	vst @!p1 v8  }
0x14b: {  	[tilespmem:s7+$0x1D0F0] =	vst @!p1 v17  }
0x14c: {  	[tilespmem:s7+$0x1CD00] =	vst @!p1 v18  }
0x14d: {  	[tilespmem:s7+$0x1D100] =	vst @!p1 v20  }
0x14e: {  	[tilespmem:s7+$0x1CD10] =	vst @!p1 v6  }
0x14f: {  	[tilespmem:s7+$0x1D110] =	vst @!p1 v21  }
0x150: {  	[tilespmem:s7+$0x1CD20] =	vst @!p1 v13  }
0x151: {  	[tilespmem:s7+$0x1D120] =	vst @!p1 v22  }
0x152: {  	v15 =	vmul.f32 s17, v15;
	v34 =	vmul.f32 s11, v10;
	[tilespmem:s7+$0x1CD30] =	vst @!p1 v12  }
0x153: {  	[tilespmem:s7+$0x1D130] =	vst @!p1 v23  }
0x154: {  	v63 =	vadd.s32 $0x1A00, v11;
	v11 =	vadd.s32 $0x1C00, v11;
	p3 =	sgt.s32 s30, $0xC;
	v15 =	vadd.f32 v34, v15;
	[tilespmem:s7+$0x1CD40] =	vst @!p1 v9  }
0x155: {  	v10 =	vmul.f32 s17, v10;
	p5 =	sgt.s32 s30, $0xD;
	v16 =	vmul.f32 s11, v16;
	p4 =	slt.s32 s31, $0xE;
	v33 =	vpsel p3, v63, v2;
	[tilespmem:s7+$0x1D140] =	vst @!p1 v24  }
0x156: {  	v11 =	vpsel p5, v11, v2;
	p6 =	slt.s32 s31, $0xF;
	v33 =	vpsel p4, v33, v2;
	[tilespmem:s7+$0x1C5A0] =	vst @!p0 v15  }
0x157: {  	v10 =	vadd.f32 v16, v10;
	v11 =	vpsel p6, v11, v2;
	[tilespmem:s7+$0x1C9A0] =	vst @!p0 v33  }
0x158: {  	[tilespmem:s7+$0x1C9B0] =	vst @!p0 v11  }
0x159: {  	s0 =	sand.u32 @!p1 $0xFFFFFFF0, s7;
	[tilespmem:s7+$0x1C5B0] =	vst @!p0 v10  }
0x15a: {  	[tilespmem:s0+$0x1CD50] =	vst @!p1 v26  }
0x15b: {  	[tilespmem:s0+$0x1D150] =	vst @!p1 v27  }
0x15c: {  	[tilespmem:s7+$0x1CD60] =	vst @!p1 v28  }
0x15d: {  	[tilespmem:s7+$0x1D160] =	vst @!p1 v29  }
0x15e: {  	[tilespmem:s7+$0x1CD70] =	vst @!p1 v14  }
0x15f: {  	[tilespmem:s7+$0x1D170] =	vst @!p1 v30  }
0x160: {  	[tilespmem:s7+$0x1CD80] =	vst @!p1 v25  }
0x161: {  	[tilespmem:s7+$0x1D180] =	vst @!p1 v31  }
0x162: {  	s21 =	sadd.s32 $0xF, s21;
	[tilespmem:s7+$0x1CD90] =	vst @!p1 v19  }
0x163: {  	p2 =	sne.s32 s21, $0x3C;
	[tilespmem:s7+$0x1D190] =	vst @!p1 v32  }
0x164: {  	p3 =	sne.s32 @!p2 s6, $0x0;
	[tilespmem:s7+$0x1CDA0] =	vst @!p1 v15  }
0x165: {  	p4 =	por p3, p2;
	[tilespmem:s7+$0x1D1A0] =	vst @!p1 v33  }
0x166: {  	s1 =	simm.s32 @!p4 $0x1C8D0;
	[tilespmem:s7+$0x1CDB0] =	vst @!p1 v10  }
0x167: {  	s2 =	simm.s32 @!p4 $0x1C4D0;
	s0 =	simm.s32 @!p4 $0x3C0;
	[tilespmem:s7+$0x1D1B0] =	vst @!p1 v11;
	p1 =	slt.s32 @!p4 s22, $0x1  }
0x168: {  	[spmem:s3] =	stream.indirect.scatter.add.f32 @!p4 [tilespmem:s2], [sflag:$0x1], $0x1, s1, s0, $0xb8;
	[tilespmem:$0x1D4D0] =	vst v63  }
0x169: {  	p1 =	por @!p2 p1, p3  }
0x16a: {  	p1 =	por p1, p2  }
0x16b: {  	p0 =	por !p0, !p0;
	s0 =	simm.s32 @!p1 $0x2  }
0x16c: {  	p0 =	por p2, p0;
	_ =	swait.ge @!p1 [sflag:s0], $0x3C0  }
0x16d: {  	s1 =	simm.s32 @!p0 $0x1D0D0;
	[sflag:s0] =	ssyncset.done @!p1 $0x0  }
0x16e: {  	s2 =	simm.s32 @!p0 $0x1CCD0;
	[sflag:s0] =	ssyncadd.s32 @!p1 $0xFFFFFC40;
	s0 =	simm.s32 @!p0 $0x3C0  }
0x16f: {  	[spmem:s3] =	stream.indirect.scatter.add.f32 @!p0 [tilespmem:s2], [sflag:$0x2], $0x1, s1, s0, $0xb8;
	[tilespmem:$0x1D4D0] =	vst v63  }
0x170: {  	s0 =	simm.s32 @!p0 $0x1  }
0x171: {  	_ =	swait.ge @!p0 [sflag:s0], $0x3C0  }
0x172: {  	s25 =	sadd.s32 $0x1, s25;
	[sflag:s0] =	ssyncset.done @!p0 $0x0  }
0x173: {  	[sflag:s0] =	ssyncadd.s32 @!p0 $0xFFFFFC40;
	p0 =	slt.s32 s25, s26  }
.Ltmp8:
0x174: {  	_ = 	snop;
	(pc) =	sbr.rel @p0 .LBB2_7-.Ltmp8, $4  }
0x175: {  	_ = 	snop  }
0x176: {  	p1 =	seq.s32 s21, $0x3C;
	s1 =	simm.s32 $0x1  }
0x177: {  	s1 =	simm.s32 @!p1 $0x0  }
0x178: {  	s28 =	sadd.s32 $0x40000, s28;
	s21 =	simm.s32 @p1 $0x0;
	s22 =	sadd.s32 s1, s22  }
.Ltmp9:
0x179: {  	_ = 	snop;
	(pc) =	sbr.rel .LBB2_8-.Ltmp9, $1  }
0x17a: {  	_ =	sdelay $0x3  }
.LBB2_9:
0x17b: {  	s6 =	sand.u32 $0x1, s22  }
0x17c: {  	p0 =	seq.s32 s6, $0x1  }
.Ltmp10:
0x17d: {  	_ = 	snop;
	(pc) =	sbr.rel @p0 .LBB2_14-.Ltmp10, $2  }
0x17e: {  	_ =	sdelay $0x2  }
0x17f: {  	s10 =	sld [smem:$0x7FD];
	s4 =	simm.s32 $0x3  }
0x180: {  	p0 =	sgt.s32 s21, $0x3B  }
.Ltmp11:
0x181: {  	_ = 	snop;
	(pc) =	sbr.rel @p0 .LBB2_13-.Ltmp11, $1  }
0x182: {  	_ =	sdelay $0x3  }
0x183: {  	s1 =	ssub.s32 $0x3C, s21  }
0x184: {  	p0 =	sne.s32 s1, $0x1  }
.Ltmp12:
0x185: {  	s0 =	sshll.u32 s21, $0x6;
	(pc) =	sbr.rel @!p0 .LBB2_13-.Ltmp12, $4  }
0x186: {  	s0 =	sshra.s32 s0, $0x2  }
0x187: {  	s2 =	sadd.s32 $0x1C4D0, s0  }
0x188: {  	s7 =	sadd.s32 $0x1C8D0, s0;
	[tilespmem:s2+$0x0] =	vst v1  }
0x189: {  	s8 =	sadd.s32 $0xFFFFFFFF, s1;
	s9 =	sadd.s32 $0x10, s2;
	[tilespmem:s7+$0x0] =	vst v2  }
.LBB2_12:
0x18a: {  	[tilespmem:s9+$0x0] =	vst v1;
	s7 =	sadd.s32 $0x10, s7;
	p0 =	sne.s32 s8, $0x1  }
.Ltmp13:
0x18b: {  	s8 =	sadd.s32 $0xFFFFFFFF, s8;
	[tilespmem:s7+$0x0] =	vst v2;
	(pc) =	sbr.rel @p0 .LBB2_12-.Ltmp13, $2  }
0x18c: {  	_ =	sdelay $0x2  }
0x18d: {  	s9 =	sadd.s32 $0x10, s9  }
.LBB2_13:
0x18e: {  	s0 =	simm.s32 $0x3C0;
	s1 =	simm.s32 $0x1C8D0;
	s2 =	simm.s32 $0x1C4D0  }
0x18f: {  	[spmem:s3] =	stream.indirect.scatter.add.f32 [tilespmem:s2], [sflag:$0x3], $0x1, s1, s0, $0xb8;
	[tilespmem:$0x1D4D0] =	vst v63  }
0x190: {  	p1 =	seq.s32 s6, $0x0;
	_ =	swait.ge [sflag:s4], $0x3C0  }
.Ltmp14:
0x191: {  	p0 =	slt.s32 s22, $0x1;
	[sflag:s4] =	ssyncset.done $0x0;
	(pc) =	sbr.rel @p1 .LBB2_18-.Ltmp14, $4  }
0x192: {  	s0 =	simm.s32 @!p0 $0x2;
	[sflag:s4] =	ssyncadd.s32 $0xFFFFFC40  }
0x193: {  	_ =	swait.ge @!p0 [sflag:s0], $0x3C0  }
0x194: {  	[sflag:s0] =	ssyncset.done @!p0 $0x0  }
0x195: {  	[sflag:s0] =	ssyncadd.s32 @!p0 $0xFFFFFC40  }
.LBB2_14:
0x196: {  	p0 =	sgt.s32 s21, $0x3B  }
.Ltmp15:
0x197: {  	_ = 	snop;
	(pc) =	sbr.rel @p0 .LBB2_17-.Ltmp15, $1  }
0x198: {  	_ =	sdelay $0x3  }
0x199: {  	s1 =	ssub.s32 $0x3C, s21  }
0x19a: {  	p0 =	sne.s32 s1, $0x1  }
.Ltmp16:
0x19b: {  	s0 =	sshll.u32 s21, $0x6;
	(pc) =	sbr.rel @!p0 .LBB2_17-.Ltmp16, $4  }
0x19c: {  	s0 =	sshra.s32 s0, $0x2  }
0x19d: {  	s2 =	sadd.s32 $0x1CCD0, s0  }
0x19e: {  	s6 =	sadd.s32 $0x1D0D0, s0;
	[tilespmem:s2+$0x0] =	vst v1  }
0x19f: {  	s7 =	sadd.s32 $0xFFFFFFFF, s1;
	s8 =	sadd.s32 $0x10, s2;
	[tilespmem:s6+$0x0] =	vst v2  }
.LBB2_16:
0x1a0: {  	[tilespmem:s8+$0x0] =	vst v1;
	s6 =	sadd.s32 $0x10, s6;
	p0 =	sne.s32 s7, $0x1  }
.Ltmp17:
0x1a1: {  	s7 =	sadd.s32 $0xFFFFFFFF, s7;
	[tilespmem:s6+$0x0] =	vst v2;
	(pc) =	sbr.rel @p0 .LBB2_16-.Ltmp17, $2  }
0x1a2: {  	_ =	sdelay $0x2  }
0x1a3: {  	s8 =	sadd.s32 $0x10, s8  }
.Ltmp18:
0x1a4: {  	_ = 	snop;
	(pc) =	sbr.rel .LBB2_17-.Ltmp18, $1  }
0x1a5: {  	_ =	sdelay $0x3  }
.LBB2_20:
0x1a6: {  	_ =	sfence.sel $0x180000  }
0x1a7: {  	[bflag:$0x0] =	sbarrier.arrive $0xFFFF  }
0x1a8: {  	_ =	strace $0x90000047  }
0x1a9: {  	s0 =	stileid.u32;
	[bflag:$0x2] =	sbarrier.arrive $0xFFFF  }
0x1aa: {  	p0 =	sne.s32 s0, $0x0;
	s0 =	rddreg [dreg:$0xd]  }
0x1ab: {  	s0 =	sadd.s32 @!p0 $0x100000, s0  }
0x1ac: {  	[sflag:s0] =	ssyncadd.tile.s32 @!p0 $0x1;
	_ =	shalt  }
.Lfunc_end2:
_tile_overlayer_lowered:
.L_overlay_start_2:
0x1ad: {  	(tag) =	ssettag $0x2  }
0x1ae: {  	s0 =	rddreg [dreg:$0x0];
	s2 =	stileid.u32  }
0x1af: {  	s1 =	rddreg [dreg:$0x1];
	p0 =	sne.s32 s2, $0x0  }
0x1b0: {  	s3 =	rddreg [dreg:$0x2];
	[bflag:$0x3] =	sbarrier.arrive $0xFFFF;
	s2 =	simm.s32 @!p0 $0x1C03  }
0x1b1: {  	[timem:s3], [sflag:s2] =	dma.local @!p0 [hbm:s0], s1  }
0x1b2: {  	s0 =	simm.s32 @!p0 $0x3  }
0x1b3: {  	_ =	swait.ge @!p0 [sflag:s0], s1  }
0x1b4: {  	s1 =	ssub.s32 @!p0 $0x0, s1;
	[sflag:s0] =	ssyncset.done @!p0 $0x0  }
0x1b5: {  	[sflag:s0] =	ssyncadd.s32 @!p0 s1  }
0x1b6: {  	[bflag:$0x3] =	sbarrier.arrive $0xFFFF  }
0x1b7: {  	_ =	shalt  }

</sc_bundles>
